<compile_context>
chip_gen: v7x
topology: tpu7x:2x2x1
jax: 0.10.2.dev20260603
libtpu: 0.0.44.dev20260713+nightly
codegen_flags: <defaults>
</compile_context>

<pallas_src>
import functools

import jax
import jax.numpy as jnp
from jax import lax
from jax.experimental import pallas as pl
from jax.experimental.pallas import tpu as pltpu
from jax.experimental.pallas import tpu_sc as plsc

_V = 1000
_H = 128
_VP = 1024
_NC = 2
_NS = 16
_NV = 64
_HB = 512
_VG = 8
_L = 16


def _tableT_body(w_ref, e_ref, b_ref, t_ref):
    t_ref[...] = (
        jnp.dot(w_ref[...], e_ref[...].T, preferred_element_type=jnp.float32)
        + b_ref[...]
    )


def _make_tableT(W, Ep, b2d):
    return pl.pallas_call(
        _tableT_body,
        out_shape=jax.ShapeDtypeStruct((_V, _VP), jnp.float32),
    )(W, Ep, b2d)


def _make_gather(bsz, seq):
    mesh = plsc.VectorSubcoreMesh(core_axis_name="c", subcore_axis_name="s")

    @functools.partial(
        pl.kernel,
        mesh=mesh,
        compiler_params=pltpu.CompilerParams(needs_layout_passes=False),
        out_type=jax.ShapeDtypeStruct((seq, _V, bsz), jnp.float32),
        scratch_types=[
            pltpu.VMEM((_NV, _VP), jnp.float32),
            pltpu.VMEM((seq, _HB), jnp.int32),
            pltpu.VMEM((1, _VG, _HB), jnp.float32),
            pltpu.VMEM((1, _VG, _HB), jnp.float32),
            pltpu.SemaphoreType.DMA,
            pltpu.SemaphoreType.DMA,
        ],
    )
    def gather(tableT_hbm, idsT_hbm, out_hbm, tsl, idsv, st0, st1, ws0, ws1):
        sid = lax.axis_index("s")
        wid = sid * _NC + lax.axis_index("c")
        r = lax.div(wid, 2)
        half = lax.rem(wid, 2)
        vbase = lax.min(r * _NV, _V - _NV)
        bbase = half * _HB

        pltpu.sync_copy(tableT_hbm.at[pl.ds(vbase, _NV)], tsl)
        pltpu.sync_copy(idsT_hbm.at[:, pl.ds(bbase, _HB)], idsv)

        stages = ((st0, ws0), (st1, ws1))
        n_g = _HB // _L

        def s_body(s, carry):
            for vg in range(_NV // _VG):
                st, ws = stages[vg % 2]

                def _drain(st=st, ws=ws):
                    pltpu.make_async_copy(
                        st,
                        out_hbm.at[pl.ds(s, 1), pl.ds(vbase, _VG), pl.ds(bbase, _HB)],
                        ws,
                    ).wait()

                if vg >= 2:
                    _drain()
                else:
                    pl.when(s > 0)(_drain)

                @plsc.parallel_loop(0, n_g, unroll=8)
                def _(g, _vg=vg, _st=st):
                    cols = idsv[s, pl.ds(g * _L, _L)]
                    for v8 in range(_VG):
                        rows = jnp.full((_L,), _vg * _VG + v8, jnp.int32)
                        vals = plsc.load_gather(tsl, [rows, cols])
                        _st[0, v8, pl.ds(g * _L, _L)] = vals
                pltpu.async_copy(
                    st,
                    out_hbm.at[
                        pl.ds(s, 1), pl.ds(vbase + vg * _VG, _VG), pl.ds(bbase, _HB)
                    ],
                    ws,
                )
            return carry

        lax.fori_loop(0, seq, s_body, 0)
        for st, ws in stages:
            pltpu.make_async_copy(
                st, out_hbm.at[pl.ds(0, 1), pl.ds(vbase, _VG), pl.ds(bbase, _HB)], ws
            ).wait()

    return gather


def kernel(input_ids, embed, W, b):
    bsz, seq = input_ids.shape
    Ep = jnp.pad(embed, ((0, _VP - _V), (0, 0)))
    tableT = _make_tableT(W, Ep, b.reshape(_V, 1))
    idsT = input_ids.astype(jnp.int32).T
    out_phys = _make_gather(bsz, seq)(tableT, idsT)
    return jnp.transpose(out_phys, (2, 0, 1))

# --- scband reference (transcript-rebuilt; emitter-appended) ---
"""Pipeline reference for scband-tiny-branch-model-77154792505455 (READ-ONLY COPY).

The authoritative reference and input builder live on the scoring server;
editing this copy changes nothing except your own understanding.
"""

import jax, jax.numpy as jnp
import numpy as np

VOCAB = 1000
HIDDEN = 128
BATCH = 1024
SEQ = 50

def setup_inputs(seed: int = 0) -> dict:
    key = jax.random.key(seed)
    k1, k2, k3 = jax.random.split(key, 3)
    input_ids = jax.random.randint(k1, (BATCH, SEQ), 0, VOCAB)
    embed = jax.random.normal(k2, (VOCAB, HIDDEN), dtype=jnp.float32)
    # nn.Linear(hidden, vocab): weight [vocab, hidden], bias [vocab]
    W = jax.random.normal(k3, (VOCAB, HIDDEN), dtype=jnp.float32) * (1.0 / np.sqrt(HIDDEN))
    b = jnp.zeros((VOCAB,), dtype=jnp.float32)
    return {"input_ids": input_ids, "embed": embed, "W": W, "b": b}

def reference(input_ids, embed, W, b):
    # embedding lookup (SparseCore-style gather)
    hidden = jnp.take(embed, input_ids, axis=0)  # [B, S, H]
    # logits_to_keep defaults to 0 -> no slicing
    logits = hidden @ W.T + b  # [B, S, VOCAB]
    return logits

if __name__ == "__main__":
    import jax
    _d = setup_inputs()
    print(jax.jit(kernel)(*tuple(_d.values())))

</pallas_src>

<mosaic_0001>
#map = affine_map<(d0, d1) -> (0, 0)>
#map1 = affine_map<(d0, d1) -> (0, 0, 0)>
module attributes {stable_mosaic.version = 14 : i64} {
  func.func @gather(%arg0: i32, %arg1: i32, %arg2: memref<1000x1024xf32, #tpu.memory_space<hbm>>, %arg3: memref<50x1024xi32, #tpu.memory_space<hbm>>, %arg4: memref<50x1000x1024xf32, #tpu.memory_space<hbm>>, %arg5: memref<64x1024xf32, #tpu.memory_space<vmem>>, %arg6: memref<50x512xi32, #tpu.memory_space<vmem>>, %arg7: memref<1x8x512xf32, #tpu.memory_space<vmem>>, %arg8: memref<1x8x512xf32, #tpu.memory_space<vmem>>, %arg9: memref<!tpu.dma_semaphore, #tpu.memory_space<semaphore_mem>>, %arg10: memref<!tpu.dma_semaphore, #tpu.memory_space<semaphore_mem>>) attributes {dimension_semantics = [#tpu.dimension_semantics<core_parallel>, #tpu.dimension_semantics<subcore_parallel>], iteration_bounds = array<i64: 2, 16>, scalar_prefetch = 0 : i64, scratch_operands = 6 : i64, tpu.core_type = #tpu.core_type<sc_vector_subcore>, window_params = [{transform_indices = #map}, {transform_indices = #map}, {transform_indices = #map1}]} {
    %mul3A = arith.constant 2 : i32
    %mul3A_0 = arith.muli %arg1, %mul3A : i32
    %add3A = arith.addi %mul3A_0, %arg0 : i32
    %div3A = arith.constant 2 : i32
    %div3A_1 = arith.divsi %add3A, %div3A : i32
    %rem3A = arith.constant 2 : i32
    %rem3A_2 = arith.remsi %add3A, %rem3A : i32
    %mul3A_3 = arith.constant 64 : i32
    %mul3A_4 = arith.muli %div3A_1, %mul3A_3 : i32
    %min3A = arith.constant 936 : i32
    %min3A_5 = arith.minsi %mul3A_4, %min3A : i32
    %mul3A_6 = arith.constant 512 : i32
    %mul3A_7 = arith.muli %rem3A_2, %mul3A_6 : i32
    "tpu.region"() ({
      %run_scoped3A = tpu.sem_alloc : memref<!tpu.dma_semaphore, #tpu.memory_space<semaphore_mem>>
      %dma_start3A = arith.constant 0 : i32
      %dma_start3A_20 = tpu.memref_slice %arg2[%min3A_5, %dma_start3A] : memref<1000x1024xf32, #tpu.memory_space<hbm>> -> memref<64x1024xf32, #tpu.memory_space<hbm>>
      %dma_start3A_21 = arith.constant 0 : i32
      %dma_start3A_22 = tpu.memref_slice %arg2[%min3A_5, %dma_start3A_21] : memref<1000x1024xf32, #tpu.memory_space<hbm>> -> memref<64x1024xf32, #tpu.memory_space<hbm>>
      tpu.enqueue_dma source(%dma_start3A_22 : memref<64x1024xf32, #tpu.memory_space<hbm>>) target(%arg5 : memref<64x1024xf32, #tpu.memory_space<vmem>>) target_semaphore(%run_scoped3A : memref<!tpu.dma_semaphore, #tpu.memory_space<semaphore_mem>>)
      %dma_wait3A_23 = arith.constant 0 : i32
      %dma_wait3A_24 = tpu.memref_slice %arg2[%min3A_5, %dma_wait3A_23] : memref<1000x1024xf32, #tpu.memory_space<hbm>> -> memref<64x1024xf32, #tpu.memory_space<hbm>>
      %dma_wait3A_25 = arith.constant 0 : i32
      %dma_wait3A_26 = tpu.memref_slice %arg2[%min3A_5, %dma_wait3A_25] : memref<1000x1024xf32, #tpu.memory_space<hbm>> -> memref<64x1024xf32, #tpu.memory_space<hbm>>
      tpu.wait_dma2 semaphore(%run_scoped3A : memref<!tpu.dma_semaphore, #tpu.memory_space<semaphore_mem>>) src(%dma_wait3A_26 : memref<64x1024xf32, #tpu.memory_space<hbm>>) dst(%arg5 : memref<64x1024xf32, #tpu.memory_space<vmem>>)
      tpu.yield
    }) : () -> ()
    "tpu.region"() ({
      %run_scoped3A = tpu.sem_alloc : memref<!tpu.dma_semaphore, #tpu.memory_space<semaphore_mem>>
      %dma_start3A = arith.constant 0 : i32
      %dma_start3A_20 = tpu.memref_slice %arg3[%dma_start3A, %mul3A_7] : memref<50x1024xi32, #tpu.memory_space<hbm>> -> memref<50x512xi32, #tpu.memory_space<hbm>>
      %dma_start3A_21 = arith.constant 0 : i32
      %dma_start3A_22 = tpu.memref_slice %arg3[%dma_start3A_21, %mul3A_7] : memref<50x1024xi32, #tpu.memory_space<hbm>> -> memref<50x512xi32, #tpu.memory_space<hbm>>
      tpu.enqueue_dma source(%dma_start3A_22 : memref<50x512xi32, #tpu.memory_space<hbm>>) target(%arg6 : memref<50x512xi32, #tpu.memory_space<vmem>>) target_semaphore(%run_scoped3A : memref<!tpu.dma_semaphore, #tpu.memory_space<semaphore_mem>>)
      %dma_wait3A_23 = arith.constant 0 : i32
      %dma_wait3A_24 = tpu.memref_slice %arg3[%dma_wait3A_23, %mul3A_7] : memref<50x1024xi32, #tpu.memory_space<hbm>> -> memref<50x512xi32, #tpu.memory_space<hbm>>
      %dma_wait3A_25 = arith.constant 0 : i32
      %dma_wait3A_26 = tpu.memref_slice %arg3[%dma_wait3A_25, %mul3A_7] : memref<50x1024xi32, #tpu.memory_space<hbm>> -> memref<50x512xi32, #tpu.memory_space<hbm>>
      tpu.wait_dma2 semaphore(%run_scoped3A : memref<!tpu.dma_semaphore, #tpu.memory_space<semaphore_mem>>) src(%dma_wait3A_26 : memref<50x512xi32, #tpu.memory_space<hbm>>) dst(%arg6 : memref<50x512xi32, #tpu.memory_space<vmem>>)
      tpu.yield
    }) : () -> ()
    %scan3A = arith.constant 0 : i32
    %scan3A_8 = arith.constant 0 : i32
    %scan3A_9 = arith.constant 50 : i32
    %scan3A_10 = arith.addi %scan3A_8, %scan3A_9 : i32
    %scan3A_11 = arith.constant 1 : i32
    scf.for %scan3A_20 = %scan3A_8 to %scan3A_10 step %scan3A_11  : i32 {
      %gt3A = arith.constant 0 : i32
      %gt3A_21 = arith.cmpi sgt, %scan3A_20, %gt3A : i32
      %convert_element_type3A = arith.extui %gt3A_21 : i1 to i32
      %cond3A = arith.constant 0 : i32
      %cond3A_22 = arith.cmpi ne, %convert_element_type3A, %cond3A : i32
      scf.if %cond3A_22 {
        %dma_wait3A_94 = tpu.memref_slice %arg4[%scan3A_20, %min3A_5, %mul3A_7] : memref<50x1000x1024xf32, #tpu.memory_space<hbm>> -> memref<1x8x512xf32, #tpu.memory_space<hbm>>
        %dma_wait3A_95 = tpu.memref_slice %arg4[%scan3A_20, %min3A_5, %mul3A_7] : memref<50x1000x1024xf32, #tpu.memory_space<hbm>> -> memref<1x8x512xf32, #tpu.memory_space<hbm>>
        tpu.wait_dma2 semaphore(%arg9 : memref<!tpu.dma_semaphore, #tpu.memory_space<semaphore_mem>>) src(%arg7 : memref<1x8x512xf32, #tpu.memory_space<vmem>>) dst(%dma_wait3A_95 : memref<1x8x512xf32, #tpu.memory_space<hbm>>)
      } else {
      }
      %parallel_loop3A = arith.constant 0 : i32
      %parallel_loop3A_23 = arith.constant 32 : i32
      %parallel_loop3A_24 = arith.constant 1 : i32
      scf.for %parallel_loop3A_94 = %parallel_loop3A to %parallel_loop3A_23 step %parallel_loop3A_24  : i32 {
        %parallel_loop3A_95 = arith.constant 16 : i32
        %parallel_loop3A_96 = arith.muli %parallel_loop3A_94, %parallel_loop3A_95 : i32
        %parallel_loop3A_97 = arith.index_cast %scan3A_20 : i32 to index
        %parallel_loop3A_98 = arith.index_cast %parallel_loop3A_96 : i32 to index
        %parallel_loop3A_99 = tpu.vector_load %arg6[%parallel_loop3A_97, %parallel_loop3A_98] {strides = array<i32>} : memref<50x512xi32, #tpu.memory_space<vmem>>, vector<16xi32>,
        %parallel_loop3A_100 = arith.constant 0 : i32
        %parallel_loop3A_101 = vector.broadcast %parallel_loop3A_100 : i32 to vector<16xi32>
        %parallel_loop3A_102 = tpu.vector_load_idx %arg5[%parallel_loop3A_101, %parallel_loop3A_99] : memref<64x1024xf32, #tpu.memory_space<vmem>>[vector<16xi32>, vector<16xi32>], vector<16xf32>,
        %parallel_loop3A_103 = arith.constant 16 : i32
        %parallel_loop3A_104 = arith.muli %parallel_loop3A_94, %parallel_loop3A_103 : i32
        %parallel_loop3A_105 = arith.constant 0 : i32
        %parallel_loop3A_106 = arith.constant 0 : i32
        %parallel_loop3A_107 = arith.index_cast %parallel_loop3A_105 : i32 to index
        %parallel_loop3A_108 = arith.index_cast %parallel_loop3A_106 : i32 to index
        %parallel_loop3A_109 = arith.index_cast %parallel_loop3A_104 : i32 to index
        %parallel_loop3A_110 = tpu.vector_load %arg7[%parallel_loop3A_107, %parallel_loop3A_108, %parallel_loop3A_109] {strides = array<i32>} : memref<1x8x512xf32, #tpu.memory_space<vmem>>, vector<16xf32>,
        tpu.vector_store %arg7[%parallel_loop3A_107, %parallel_loop3A_108, %parallel_loop3A_109], %parallel_loop3A_102 {strides = array<i32>} : memref<1x8x512xf32, #tpu.memory_space<vmem>>, vector<16xf32>,
        %parallel_loop3A_111 = arith.constant 1 : i32
        %parallel_loop3A_112 = vector.broadcast %parallel_loop3A_111 : i32 to vector<16xi32>
        %parallel_loop3A_113 = tpu.vector_load_idx %arg5[%parallel_loop3A_112, %parallel_loop3A_99] : memref<64x1024xf32, #tpu.memory_space<vmem>>[vector<16xi32>, vector<16xi32>], vector<16xf32>,
        %parallel_loop3A_114 = arith.constant 16 : i32
        %parallel_loop3A_115 = arith.muli %parallel_loop3A_94, %parallel_loop3A_114 : i32
        %parallel_loop3A_116 = arith.constant 0 : i32
        %parallel_loop3A_117 = arith.constant 1 : i32
        %parallel_loop3A_118 = arith.index_cast %parallel_loop3A_116 : i32 to index
        %parallel_loop3A_119 = arith.index_cast %parallel_loop3A_117 : i32 to index
        %parallel_loop3A_120 = arith.index_cast %parallel_loop3A_115 : i32 to index
        %parallel_loop3A_121 = tpu.vector_load %arg7[%parallel_loop3A_118, %parallel_loop3A_119, %parallel_loop3A_120] {strides = array<i32>} : memref<1x8x512xf32, #tpu.memory_space<vmem>>, vector<16xf32>,
        tpu.vector_store %arg7[%parallel_loop3A_118, %parallel_loop3A_119, %parallel_loop3A_120], %parallel_loop3A_113 {strides = array<i32>} : memref<1x8x512xf32, #tpu.memory_space<vmem>>, vector<16xf32>,
        %parallel_loop3A_122 = arith.constant 2 : i32
        %parallel_loop3A_123 = vector.broadcast %parallel_loop3A_122 : i32 to vector<16xi32>
        %parallel_loop3A_124 = tpu.vector_load_idx %arg5[%parallel_loop3A_123, %parallel_loop3A_99] : memref<64x1024xf32, #tpu.memory_space<vmem>>[vector<16xi32>, vector<16xi32>], vector<16xf32>,
        %parallel_loop3A_125 = arith.constant 16 : i32
        %parallel_loop3A_126 = arith.muli %parallel_loop3A_94, %parallel_loop3A_125 : i32
        %parallel_loop3A_127 = arith.constant 0 : i32
        %parallel_loop3A_128 = arith.constant 2 : i32
        %parallel_loop3A_129 = arith.index_cast %parallel_loop3A_127 : i32 to index
        %parallel_loop3A_130 = arith.index_cast %parallel_loop3A_128 : i32 to index
        %parallel_loop3A_131 = arith.index_cast %parallel_loop3A_126 : i32 to index
        %parallel_loop3A_132 = tpu.vector_load %arg7[%parallel_loop3A_129, %parallel_loop3A_130, %parallel_loop3A_131] {strides = array<i32>} : memref<1x8x512xf32, #tpu.memory_space<vmem>>, vector<16xf32>,
        tpu.vector_store %arg7[%parallel_loop3A_129, %parallel_loop3A_130, %parallel_loop3A_131], %parallel_loop3A_124 {strides = array<i32>} : memref<1x8x512xf32, #tpu.memory_space<vmem>>, vector<16xf32>,
        %parallel_loop3A_133 = arith.constant 3 : i32
        %parallel_loop3A_134 = vector.broadcast %parallel_loop3A_133 : i32 to vector<16xi32>
        %parallel_loop3A_135 = tpu.vector_load_idx %arg5[%parallel_loop3A_134, %parallel_loop3A_99] : memref<64x1024xf32, #tpu.memory_space<vmem>>[vector<16xi32>, vector<16xi32>], vector<16xf32>,
        %parallel_loop3A_136 = arith.constant 16 : i32
        %parallel_loop3A_137 = arith.muli %parallel_loop3A_94, %parallel_loop3A_136 : i32
        %parallel_loop3A_138 = arith.constant 0 : i32
        %parallel_loop3A_139 = arith.constant 3 : i32
        %parallel_loop3A_140 = arith.index_cast %parallel_loop3A_138 : i32 to index
        %parallel_loop3A_141 = arith.index_cast %parallel_loop3A_139 : i32 to index
        %parallel_loop3A_142 = arith.index_cast %parallel_loop3A_137 : i32 to index
        %parallel_loop3A_143 = tpu.vector_load %arg7[%parallel_loop3A_140, %parallel_loop3A_141, %parallel_loop3A_142] {strides = array<i32>} : memref<1x8x512xf32, #tpu.memory_space<vmem>>, vector<16xf32>,
        tpu.vector_store %arg7[%parallel_loop3A_140, %parallel_loop3A_141, %parallel_loop3A_142], %parallel_loop3A_135 {strides = array<i32>} : memref<1x8x512xf32, #tpu.memory_space<vmem>>, vector<16xf32>,
        %parallel_loop3A_144 = arith.constant 4 : i32
        %parallel_loop3A_145 = vector.broadcast %parallel_loop3A_144 : i32 to vector<16xi32>
        %parallel_loop3A_146 = tpu.vector_load_idx %arg5[%parallel_loop3A_145, %parallel_loop3A_99] : memref<64x1024xf32, #tpu.memory_space<vmem>>[vector<16xi32>, vector<16xi32>], vector<16xf32>,
        %parallel_loop3A_147 = arith.constant 16 : i32
        %parallel_loop3A_148 = arith.muli %parallel_loop3A_94, %parallel_loop3A_147 : i32
        %parallel_loop3A_149 = arith.constant 0 : i32
        %parallel_loop3A_150 = arith.constant 4 : i32
        %parallel_loop3A_151 = arith.index_cast %parallel_loop3A_149 : i32 to index
        %parallel_loop3A_152 = arith.index_cast %parallel_loop3A_150 : i32 to index
        %parallel_loop3A_153 = arith.index_cast %parallel_loop3A_148 : i32 to index
        %parallel_loop3A_154 = tpu.vector_load %arg7[%parallel_loop3A_151, %parallel_loop3A_152, %parallel_loop3A_153] {strides = array<i32>} : memref<1x8x512xf32, #tpu.memory_space<vmem>>, vector<16xf32>,
        tpu.vector_store %arg7[%parallel_loop3A_151, %parallel_loop3A_152, %parallel_loop3A_153], %parallel_loop3A_146 {strides = array<i32>} : memref<1x8x512xf32, #tpu.memory_space<vmem>>, vector<16xf32>,
        %parallel_loop3A_155 = arith.constant 5 : i32
        %parallel_loop3A_156 = vector.broadcast %parallel_loop3A_155 : i32 to vector<16xi32>
        %parallel_loop3A_157 = tpu.vector_load_idx %arg5[%parallel_loop3A_156, %parallel_loop3A_99] : memref<64x1024xf32, #tpu.memory_space<vmem>>[vector<16xi32>, vector<16xi32>], vector<16xf32>,
        %parallel_loop3A_158 = arith.constant 16 : i32
        %parallel_loop3A_159 = arith.muli %parallel_loop3A_94, %parallel_loop3A_158 : i32
        %parallel_loop3A_160 = arith.constant 0 : i32
        %parallel_loop3A_161 = arith.constant 5 : i32
        %parallel_loop3A_162 = arith.index_cast %parallel_loop3A_160 : i32 to index
        %parallel_loop3A_163 = arith.index_cast %parallel_loop3A_161 : i32 to index
        %parallel_loop3A_164 = arith.index_cast %parallel_loop3A_159 : i32 to index
        %parallel_loop3A_165 = tpu.vector_load %arg7[%parallel_loop3A_162, %parallel_loop3A_163, %parallel_loop3A_164] {strides = array<i32>} : memref<1x8x512xf32, #tpu.memory_space<vmem>>, vector<16xf32>,
        tpu.vector_store %arg7[%parallel_loop3A_162, %parallel_loop3A_163, %parallel_loop3A_164], %parallel_loop3A_157 {strides = array<i32>} : memref<1x8x512xf32, #tpu.memory_space<vmem>>, vector<16xf32>,
        %parallel_loop3A_166 = arith.constant 6 : i32
        %parallel_loop3A_167 = vector.broadcast %parallel_loop3A_166 : i32 to vector<16xi32>
        %parallel_loop3A_168 = tpu.vector_load_idx %arg5[%parallel_loop3A_167, %parallel_loop3A_99] : memref<64x1024xf32, #tpu.memory_space<vmem>>[vector<16xi32>, vector<16xi32>], vector<16xf32>,
        %parallel_loop3A_169 = arith.constant 16 : i32
        %parallel_loop3A_170 = arith.muli %parallel_loop3A_94, %parallel_loop3A_169 : i32
        %parallel_loop3A_171 = arith.constant 0 : i32
        %parallel_loop3A_172 = arith.constant 6 : i32
        %parallel_loop3A_173 = arith.index_cast %parallel_loop3A_171 : i32 to index
        %parallel_loop3A_174 = arith.index_cast %parallel_loop3A_172 : i32 to index
        %parallel_loop3A_175 = arith.index_cast %parallel_loop3A_170 : i32 to index
        %parallel_loop3A_176 = tpu.vector_load %arg7[%parallel_loop3A_173, %parallel_loop3A_174, %parallel_loop3A_175] {strides = array<i32>} : memref<1x8x512xf32, #tpu.memory_space<vmem>>, vector<16xf32>,
        tpu.vector_store %arg7[%parallel_loop3A_173, %parallel_loop3A_174, %parallel_loop3A_175], %parallel_loop3A_168 {strides = array<i32>} : memref<1x8x512xf32, #tpu.memory_space<vmem>>, vector<16xf32>,
        %parallel_loop3A_177 = arith.constant 7 : i32
        %parallel_loop3A_178 = vector.broadcast %parallel_loop3A_177 : i32 to vector<16xi32>
        %parallel_loop3A_179 = tpu.vector_load_idx %arg5[%parallel_loop3A_178, %parallel_loop3A_99] : memref<64x1024xf32, #tpu.memory_space<vmem>>[vector<16xi32>, vector<16xi32>], vector<16xf32>,
        %parallel_loop3A_180 = arith.constant 16 : i32
        %parallel_loop3A_181 = arith.muli %parallel_loop3A_94, %parallel_loop3A_180 : i32
        %parallel_loop3A_182 = arith.constant 0 : i32
        %parallel_loop3A_183 = arith.constant 7 : i32
        %parallel_loop3A_184 = arith.index_cast %parallel_loop3A_182 : i32 to index
        %parallel_loop3A_185 = arith.index_cast %parallel_loop3A_183 : i32 to index
        %parallel_loop3A_186 = arith.index_cast %parallel_loop3A_181 : i32 to index
        %parallel_loop3A_187 = tpu.vector_load %arg7[%parallel_loop3A_184, %parallel_loop3A_185, %parallel_loop3A_186] {strides = array<i32>} : memref<1x8x512xf32, #tpu.memory_space<vmem>>, vector<16xf32>,
        tpu.vector_store %arg7[%parallel_loop3A_184, %parallel_loop3A_185, %parallel_loop3A_186], %parallel_loop3A_179 {strides = array<i32>} : memref<1x8x512xf32, #tpu.memory_space<vmem>>, vector<16xf32>,
      } {sc.loop_unroll_factor = 8 : i64, sc.parallel_access}
      %add3A_25 = arith.constant 0 : i32
      %add3A_26 = arith.addi %min3A_5, %add3A_25 : i32
      %dma_start3A = tpu.memref_slice %arg4[%scan3A_20, %add3A_26, %mul3A_7] : memref<50x1000x1024xf32, #tpu.memory_space<hbm>> -> memref<1x8x512xf32, #tpu.memory_space<hbm>>
      %dma_start3A_27 = tpu.memref_slice %arg4[%scan3A_20, %add3A_26, %mul3A_7] : memref<50x1000x1024xf32, #tpu.memory_space<hbm>> -> memref<1x8x512xf32, #tpu.memory_space<hbm>>
      tpu.enqueue_dma source(%arg7 : memref<1x8x512xf32, #tpu.memory_space<vmem>>) target(%dma_start3A_27 : memref<1x8x512xf32, #tpu.memory_space<hbm>>) target_semaphore(%arg9 : memref<!tpu.dma_semaphore, #tpu.memory_space<semaphore_mem>>)
      %gt3A_28 = arith.constant 0 : i32
      %gt3A_29 = arith.cmpi sgt, %scan3A_20, %gt3A_28 : i32
      %convert_element_type3A_30 = arith.extui %gt3A_29 : i1 to i32
      %cond3A_31 = arith.constant 0 : i32
      %cond3A_32 = arith.cmpi ne, %convert_element_type3A_30, %cond3A_31 : i32
      scf.if %cond3A_32 {
        %dma_wait3A_94 = tpu.memref_slice %arg4[%scan3A_20, %min3A_5, %mul3A_7] : memref<50x1000x1024xf32, #tpu.memory_space<hbm>> -> memref<1x8x512xf32, #tpu.memory_space<hbm>>
        %dma_wait3A_95 = tpu.memref_slice %arg4[%scan3A_20, %min3A_5, %mul3A_7] : memref<50x1000x1024xf32, #tpu.memory_space<hbm>> -> memref<1x8x512xf32, #tpu.memory_space<hbm>>
        tpu.wait_dma2 semaphore(%arg10 : memref<!tpu.dma_semaphore, #tpu.memory_space<semaphore_mem>>) src(%arg8 : memref<1x8x512xf32, #tpu.memory_space<vmem>>) dst(%dma_wait3A_95 : memref<1x8x512xf32, #tpu.memory_space<hbm>>)
      } else {
      }
      %parallel_loop3A_33 = arith.constant 0 : i32
      %parallel_loop3A_34 = arith.constant 32 : i32
      %parallel_loop3A_35 = arith.constant 1 : i32
      scf.for %parallel_loop3A_94 = %parallel_loop3A_33 to %parallel_loop3A_34 step %parallel_loop3A_35  : i32 {
        %parallel_loop3A_95 = arith.constant 16 : i32
        %parallel_loop3A_96 = arith.muli %parallel_loop3A_94, %parallel_loop3A_95 : i32
        %parallel_loop3A_97 = arith.index_cast %scan3A_20 : i32 to index
        %parallel_loop3A_98 = arith.index_cast %parallel_loop3A_96 : i32 to index
        %parallel_loop3A_99 = tpu.vector_load %arg6[%parallel_loop3A_97, %parallel_loop3A_98] {strides = array<i32>} : memref<50x512xi32, #tpu.memory_space<vmem>>, vector<16xi32>,
        %parallel_loop3A_100 = arith.constant 8 : i32
        %parallel_loop3A_101 = vector.broadcast %parallel_loop3A_100 : i32 to vector<16xi32>
        %parallel_loop3A_102 = tpu.vector_load_idx %arg5[%parallel_loop3A_101, %parallel_loop3A_99] : memref<64x1024xf32, #tpu.memory_space<vmem>>[vector<16xi32>, vector<16xi32>], vector<16xf32>,
        %parallel_loop3A_103 = arith.constant 16 : i32
        %parallel_loop3A_104 = arith.muli %parallel_loop3A_94, %parallel_loop3A_103 : i32
        %parallel_loop3A_105 = arith.constant 0 : i32
        %parallel_loop3A_106 = arith.constant 0 : i32
        %parallel_loop3A_107 = arith.index_cast %parallel_loop3A_105 : i32 to index
        %parallel_loop3A_108 = arith.index_cast %parallel_loop3A_106 : i32 to index
        %parallel_loop3A_109 = arith.index_cast %parallel_loop3A_104 : i32 to index
        %parallel_loop3A_110 = tpu.vector_load %arg8[%parallel_loop3A_107, %parallel_loop3A_108, %parallel_loop3A_109] {strides = array<i32>} : memref<1x8x512xf32, #tpu.memory_space<vmem>>, vector<16xf32>,
        tpu.vector_store %arg8[%parallel_loop3A_107, %parallel_loop3A_108, %parallel_loop3A_109], %parallel_loop3A_102 {strides = array<i32>} : memref<1x8x512xf32, #tpu.memory_space<vmem>>, vector<16xf32>,
        %parallel_loop3A_111 = arith.constant 9 : i32
        %parallel_loop3A_112 = vector.broadcast %parallel_loop3A_111 : i32 to vector<16xi32>
        %parallel_loop3A_113 = tpu.vector_load_idx %arg5[%parallel_loop3A_112, %parallel_loop3A_99] : memref<64x1024xf32, #tpu.memory_space<vmem>>[vector<16xi32>, vector<16xi32>], vector<16xf32>,
        %parallel_loop3A_114 = arith.constant 16 : i32
        %parallel_loop3A_115 = arith.muli %parallel_loop3A_94, %parallel_loop3A_114 : i32
        %parallel_loop3A_116 = arith.constant 0 : i32
        %parallel_loop3A_117 = arith.constant 1 : i32
        %parallel_loop3A_118 = arith.index_cast %parallel_loop3A_116 : i32 to index
        %parallel_loop3A_119 = arith.index_cast %parallel_loop3A_117 : i32 to index
        %parallel_loop3A_120 = arith.index_cast %parallel_loop3A_115 : i32 to index
        %parallel_loop3A_121 = tpu.vector_load %arg8[%parallel_loop3A_118, %parallel_loop3A_119, %parallel_loop3A_120] {strides = array<i32>} : memref<1x8x512xf32, #tpu.memory_space<vmem>>, vector<16xf32>,
        tpu.vector_store %arg8[%parallel_loop3A_118, %parallel_loop3A_119, %parallel_loop3A_120], %parallel_loop3A_113 {strides = array<i32>} : memref<1x8x512xf32, #tpu.memory_space<vmem>>, vector<16xf32>,
        %parallel_loop3A_122 = arith.constant 10 : i32
        %parallel_loop3A_123 = vector.broadcast %parallel_loop3A_122 : i32 to vector<16xi32>
        %parallel_loop3A_124 = tpu.vector_load_idx %arg5[%parallel_loop3A_123, %parallel_loop3A_99] : memref<64x1024xf32, #tpu.memory_space<vmem>>[vector<16xi32>, vector<16xi32>], vector<16xf32>,
        %parallel_loop3A_125 = arith.constant 16 : i32
        %parallel_loop3A_126 = arith.muli %parallel_loop3A_94, %parallel_loop3A_125 : i32
        %parallel_loop3A_127 = arith.constant 0 : i32
        %parallel_loop3A_128 = arith.constant 2 : i32
        %parallel_loop3A_129 = arith.index_cast %parallel_loop3A_127 : i32 to index
        %parallel_loop3A_130 = arith.index_cast %parallel_loop3A_128 : i32 to index
        %parallel_loop3A_131 = arith.index_cast %parallel_loop3A_126 : i32 to index
        %parallel_loop3A_132 = tpu.vector_load %arg8[%parallel_loop3A_129, %parallel_loop3A_130, %parallel_loop3A_131] {strides = array<i32>} : memref<1x8x512xf32, #tpu.memory_space<vmem>>, vector<16xf32>,
        tpu.vector_store %arg8[%parallel_loop3A_129, %parallel_loop3A_130, %parallel_loop3A_131], %parallel_loop3A_124 {strides = array<i32>} : memref<1x8x512xf32, #tpu.memory_space<vmem>>, vector<16xf32>,
        %parallel_loop3A_133 = arith.constant 11 : i32
        %parallel_loop3A_134 = vector.broadcast %parallel_loop3A_133 : i32 to vector<16xi32>
        %parallel_loop3A_135 = tpu.vector_load_idx %arg5[%parallel_loop3A_134, %parallel_loop3A_99] : memref<64x1024xf32, #tpu.memory_space<vmem>>[vector<16xi32>, vector<16xi32>], vector<16xf32>,
        %parallel_loop3A_136 = arith.constant 16 : i32
        %parallel_loop3A_137 = arith.muli %parallel_loop3A_94, %parallel_loop3A_136 : i32
        %parallel_loop3A_138 = arith.constant 0 : i32
        %parallel_loop3A_139 = arith.constant 3 : i32
        %parallel_loop3A_140 = arith.index_cast %parallel_loop3A_138 : i32 to index
        %parallel_loop3A_141 = arith.index_cast %parallel_loop3A_139 : i32 to index
        %parallel_loop3A_142 = arith.index_cast %parallel_loop3A_137 : i32 to index
        %parallel_loop3A_143 = tpu.vector_load %arg8[%parallel_loop3A_140, %parallel_loop3A_141, %parallel_loop3A_142] {strides = array<i32>} : memref<1x8x512xf32, #tpu.memory_space<vmem>>, vector<16xf32>,
        tpu.vector_store %arg8[%parallel_loop3A_140, %parallel_loop3A_141, %parallel_loop3A_142], %parallel_loop3A_135 {strides = array<i32>} : memref<1x8x512xf32, #tpu.memory_space<vmem>>, vector<16xf32>,
        %parallel_loop3A_144 = arith.constant 12 : i32
        %parallel_loop3A_145 = vector.broadcast %parallel_loop3A_144 : i32 to vector<16xi32>
        %parallel_loop3A_146 = tpu.vector_load_idx %arg5[%parallel_loop3A_145, %parallel_loop3A_99] : memref<64x1024xf32, #tpu.memory_space<vmem>>[vector<16xi32>, vector<16xi32>], vector<16xf32>,
        %parallel_loop3A_147 = arith.constant 16 : i32
        %parallel_loop3A_148 = arith.muli %parallel_loop3A_94, %parallel_loop3A_147 : i32
        %parallel_loop3A_149 = arith.constant 0 : i32
        %parallel_loop3A_150 = arith.constant 4 : i32
        %parallel_loop3A_151 = arith.index_cast %parallel_loop3A_149 : i32 to index
        %parallel_loop3A_152 = arith.index_cast %parallel_loop3A_150 : i32 to index
        %parallel_loop3A_153 = arith.index_cast %parallel_loop3A_148 : i32 to index
        %parallel_loop3A_154 = tpu.vector_load %arg8[%parallel_loop3A_151, %parallel_loop3A_152, %parallel_loop3A_153] {strides = array<i32>} : memref<1x8x512xf32, #tpu.memory_space<vmem>>, vector<16xf32>,
        tpu.vector_store %arg8[%parallel_loop3A_151, %parallel_loop3A_152, %parallel_loop3A_153], %parallel_loop3A_146 {strides = array<i32>} : memref<1x8x512xf32, #tpu.memory_space<vmem>>, vector<16xf32>,
        %parallel_loop3A_155 = arith.constant 13 : i32
        %parallel_loop3A_156 = vector.broadcast %parallel_loop3A_155 : i32 to vector<16xi32>
        %parallel_loop3A_157 = tpu.vector_load_idx %arg5[%parallel_loop3A_156, %parallel_loop3A_99] : memref<64x1024xf32, #tpu.memory_space<vmem>>[vector<16xi32>, vector<16xi32>], vector<16xf32>,
        %parallel_loop3A_158 = arith.constant 16 : i32
        %parallel_loop3A_159 = arith.muli %parallel_loop3A_94, %parallel_loop3A_158 : i32
        %parallel_loop3A_160 = arith.constant 0 : i32
        %parallel_loop3A_161 = arith.constant 5 : i32
        %parallel_loop3A_162 = arith.index_cast %parallel_loop3A_160 : i32 to index
        %parallel_loop3A_163 = arith.index_cast %parallel_loop3A_161 : i32 to index
        %parallel_loop3A_164 = arith.index_cast %parallel_loop3A_159 : i32 to index
        %parallel_loop3A_165 = tpu.vector_load %arg8[%parallel_loop3A_162, %parallel_loop3A_163, %parallel_loop3A_164] {strides = array<i32>} : memref<1x8x512xf32, #tpu.memory_space<vmem>>, vector<16xf32>,
        tpu.vector_store %arg8[%parallel_loop3A_162, %parallel_loop3A_163, %parallel_loop3A_164], %parallel_loop3A_157 {strides = array<i32>} : memref<1x8x512xf32, #tpu.memory_space<vmem>>, vector<16xf32>,
        %parallel_loop3A_166 = arith.constant 14 : i32
        %parallel_loop3A_167 = vector.broadcast %parallel_loop3A_166 : i32 to vector<16xi32>
        %parallel_loop3A_168 = tpu.vector_load_idx %arg5[%parallel_loop3A_167, %parallel_loop3A_99] : memref<64x1024xf32, #tpu.memory_space<vmem>>[vector<16xi32>, vector<16xi32>], vector<16xf32>,
        %parallel_loop3A_169 = arith.constant 16 : i32
        %parallel_loop3A_170 = arith.muli %parallel_loop3A_94, %parallel_loop3A_169 : i32
        %parallel_loop3A_171 = arith.constant 0 : i32
        %parallel_loop3A_172 = arith.constant 6 : i32
        %parallel_loop3A_173 = arith.index_cast %parallel_loop3A_171 : i32 to index
        %parallel_loop3A_174 = arith.index_cast %parallel_loop3A_172 : i32 to index
        %parallel_loop3A_175 = arith.index_cast %parallel_loop3A_170 : i32 to index
        %parallel_loop3A_176 = tpu.vector_load %arg8[%parallel_loop3A_173, %parallel_loop3A_174, %parallel_loop3A_175] {strides = array<i32>} : memref<1x8x512xf32, #tpu.memory_space<vmem>>, vector<16xf32>,
        tpu.vector_store %arg8[%parallel_loop3A_173, %parallel_loop3A_174, %parallel_loop3A_175], %parallel_loop3A_168 {strides = array<i32>} : memref<1x8x512xf32, #tpu.memory_space<vmem>>, vector<16xf32>,
        %parallel_loop3A_177 = arith.constant 15 : i32
        %parallel_loop3A_178 = vector.broadcast %parallel_loop3A_177 : i32 to vector<16xi32>
        %parallel_loop3A_179 = tpu.vector_load_idx %arg5[%parallel_loop3A_178, %parallel_loop3A_99] : memref<64x1024xf32, #tpu.memory_space<vmem>>[vector<16xi32>, vector<16xi32>], vector<16xf32>,
        %parallel_loop3A_180 = arith.constant 16 : i32
        %parallel_loop3A_181 = arith.muli %parallel_loop3A_94, %parallel_loop3A_180 : i32
        %parallel_loop3A_182 = arith.constant 0 : i32
        %parallel_loop3A_183 = arith.constant 7 : i32
        %parallel_loop3A_184 = arith.index_cast %parallel_loop3A_182 : i32 to index
        %parallel_loop3A_185 = arith.index_cast %parallel_loop3A_183 : i32 to index
        %parallel_loop3A_186 = arith.index_cast %parallel_loop3A_181 : i32 to index
        %parallel_loop3A_187 = tpu.vector_load %arg8[%parallel_loop3A_184, %parallel_loop3A_185, %parallel_loop3A_186] {strides = array<i32>} : memref<1x8x512xf32, #tpu.memory_space<vmem>>, vector<16xf32>,
        tpu.vector_store %arg8[%parallel_loop3A_184, %parallel_loop3A_185, %parallel_loop3A_186], %parallel_loop3A_179 {strides = array<i32>} : memref<1x8x512xf32, #tpu.memory_space<vmem>>, vector<16xf32>,
      } {sc.loop_unroll_factor = 8 : i64, sc.parallel_access}
      %add3A_36 = arith.constant 8 : i32
      %add3A_37 = arith.addi %min3A_5, %add3A_36 : i32
      %dma_start3A_38 = tpu.memref_slice %arg4[%scan3A_20, %add3A_37, %mul3A_7] : memref<50x1000x1024xf32, #tpu.memory_space<hbm>> -> memref<1x8x512xf32, #tpu.memory_space<hbm>>
      %dma_start3A_39 = tpu.memref_slice %arg4[%scan3A_20, %add3A_37, %mul3A_7] : memref<50x1000x1024xf32, #tpu.memory_space<hbm>> -> memref<1x8x512xf32, #tpu.memory_space<hbm>>
      tpu.enqueue_dma source(%arg8 : memref<1x8x512xf32, #tpu.memory_space<vmem>>) target(%dma_start3A_39 : memref<1x8x512xf32, #tpu.memory_space<hbm>>) target_semaphore(%arg10 : memref<!tpu.dma_semaphore, #tpu.memory_space<semaphore_mem>>)
      %dma_wait3A_40 = tpu.memref_slice %arg4[%scan3A_20, %min3A_5, %mul3A_7] : memref<50x1000x1024xf32, #tpu.memory_space<hbm>> -> memref<1x8x512xf32, #tpu.memory_space<hbm>>
      %dma_wait3A_41 = tpu.memref_slice %arg4[%scan3A_20, %min3A_5, %mul3A_7] : memref<50x1000x1024xf32, #tpu.memory_space<hbm>> -> memref<1x8x512xf32, #tpu.memory_space<hbm>>
      tpu.wait_dma2 semaphore(%arg9 : memref<!tpu.dma_semaphore, #tpu.memory_space<semaphore_mem>>) src(%arg7 : memref<1x8x512xf32, #tpu.memory_space<vmem>>) dst(%dma_wait3A_41 : memref<1x8x512xf32, #tpu.memory_space<hbm>>)
      %parallel_loop3A_42 = arith.constant 0 : i32
      %parallel_loop3A_43 = arith.constant 32 : i32
      %parallel_loop3A_44 = arith.constant 1 : i32
      scf.for %parallel_loop3A_94 = %parallel_loop3A_42 to %parallel_loop3A_43 step %parallel_loop3A_44  : i32 {
        %parallel_loop3A_95 = arith.constant 16 : i32
        %parallel_loop3A_96 = arith.muli %parallel_loop3A_94, %parallel_loop3A_95 : i32
        %parallel_loop3A_97 = arith.index_cast %scan3A_20 : i32 to index
        %parallel_loop3A_98 = arith.index_cast %parallel_loop3A_96 : i32 to index
        %parallel_loop3A_99 = tpu.vector_load %arg6[%parallel_loop3A_97, %parallel_loop3A_98] {strides = array<i32>} : memref<50x512xi32, #tpu.memory_space<vmem>>, vector<16xi32>,
        %parallel_loop3A_100 = arith.constant 16 : i32
        %parallel_loop3A_101 = vector.broadcast %parallel_loop3A_100 : i32 to vector<16xi32>
        %parallel_loop3A_102 = tpu.vector_load_idx %arg5[%parallel_loop3A_101, %parallel_loop3A_99] : memref<64x1024xf32, #tpu.memory_space<vmem>>[vector<16xi32>, vector<16xi32>], vector<16xf32>,
        %parallel_loop3A_103 = arith.constant 16 : i32
        %parallel_loop3A_104 = arith.muli %parallel_loop3A_94, %parallel_loop3A_103 : i32
        %parallel_loop3A_105 = arith.constant 0 : i32
        %parallel_loop3A_106 = arith.constant 0 : i32
        %parallel_loop3A_107 = arith.index_cast %parallel_loop3A_105 : i32 to index
        %parallel_loop3A_108 = arith.index_cast %parallel_loop3A_106 : i32 to index
        %parallel_loop3A_109 = arith.index_cast %parallel_loop3A_104 : i32 to index
        %parallel_loop3A_110 = tpu.vector_load %arg7[%parallel_loop3A_107, %parallel_loop3A_108, %parallel_loop3A_109] {strides = array<i32>} : memref<1x8x512xf32, #tpu.memory_space<vmem>>, vector<16xf32>,
        tpu.vector_store %arg7[%parallel_loop3A_107, %parallel_loop3A_108, %parallel_loop3A_109], %parallel_loop3A_102 {strides = array<i32>} : memref<1x8x512xf32, #tpu.memory_space<vmem>>, vector<16xf32>,
        %parallel_loop3A_111 = arith.constant 17 : i32
        %parallel_loop3A_112 = vector.broadcast %parallel_loop3A_111 : i32 to vector<16xi32>
        %parallel_loop3A_113 = tpu.vector_load_idx %arg5[%parallel_loop3A_112, %parallel_loop3A_99] : memref<64x1024xf32, #tpu.memory_space<vmem>>[vector<16xi32>, vector<16xi32>], vector<16xf32>,
        %parallel_loop3A_114 = arith.constant 16 : i32
        %parallel_loop3A_115 = arith.muli %parallel_loop3A_94, %parallel_loop3A_114 : i32
        %parallel_loop3A_116 = arith.constant 0 : i32
        %parallel_loop3A_117 = arith.constant 1 : i32
        %parallel_loop3A_118 = arith.index_cast %parallel_loop3A_116 : i32 to index
        %parallel_loop3A_119 = arith.index_cast %parallel_loop3A_117 : i32 to index
        %parallel_loop3A_120 = arith.index_cast %parallel_loop3A_115 : i32 to index
        %parallel_loop3A_121 = tpu.vector_load %arg7[%parallel_loop3A_118, %parallel_loop3A_119, %parallel_loop3A_120] {strides = array<i32>} : memref<1x8x512xf32, #tpu.memory_space<vmem>>, vector<16xf32>,
        tpu.vector_store %arg7[%parallel_loop3A_118, %parallel_loop3A_119, %parallel_loop3A_120], %parallel_loop3A_113 {strides = array<i32>} : memref<1x8x512xf32, #tpu.memory_space<vmem>>, vector<16xf32>,
        %parallel_loop3A_122 = arith.constant 18 : i32
        %parallel_loop3A_123 = vector.broadcast %parallel_loop3A_122 : i32 to vector<16xi32>
        %parallel_loop3A_124 = tpu.vector_load_idx %arg5[%parallel_loop3A_123, %parallel_loop3A_99] : memref<64x1024xf32, #tpu.memory_space<vmem>>[vector<16xi32>, vector<16xi32>], vector<16xf32>,
        %parallel_loop3A_125 = arith.constant 16 : i32
        %parallel_loop3A_126 = arith.muli %parallel_loop3A_94, %parallel_loop3A_125 : i32
        %parallel_loop3A_127 = arith.constant 0 : i32
        %parallel_loop3A_128 = arith.constant 2 : i32
        %parallel_loop3A_129 = arith.index_cast %parallel_loop3A_127 : i32 to index
        %parallel_loop3A_130 = arith.index_cast %parallel_loop3A_128 : i32 to index
        %parallel_loop3A_131 = arith.index_cast %parallel_loop3A_126 : i32 to index
        %parallel_loop3A_132 = tpu.vector_load %arg7[%parallel_loop3A_129, %parallel_loop3A_130, %parallel_loop3A_131] {strides = array<i32>} : memref<1x8x512xf32, #tpu.memory_space<vmem>>, vector<16xf32>,
        tpu.vector_store %arg7[%parallel_loop3A_129, %parallel_loop3A_130, %parallel_loop3A_131], %parallel_loop3A_124 {strides = array<i32>} : memref<1x8x512xf32, #tpu.memory_space<vmem>>, vector<16xf32>,
        %parallel_loop3A_133 = arith.constant 19 : i32
        %parallel_loop3A_134 = vector.broadcast %parallel_loop3A_133 : i32 to vector<16xi32>
        %parallel_loop3A_135 = tpu.vector_load_idx %arg5[%parallel_loop3A_134, %parallel_loop3A_99] : memref<64x1024xf32, #tpu.memory_space<vmem>>[vector<16xi32>, vector<16xi32>], vector<16xf32>,
        %parallel_loop3A_136 = arith.constant 16 : i32
        %parallel_loop3A_137 = arith.muli %parallel_loop3A_94, %parallel_loop3A_136 : i32
        %parallel_loop3A_138 = arith.constant 0 : i32
        %parallel_loop3A_139 = arith.constant 3 : i32
        %parallel_loop3A_140 = arith.index_cast %parallel_loop3A_138 : i32 to index
        %parallel_loop3A_141 = arith.index_cast %parallel_loop3A_139 : i32 to index
        %parallel_loop3A_142 = arith.index_cast %parallel_loop3A_137 : i32 to index
        %parallel_loop3A_143 = tpu.vector_load %arg7[%parallel_loop3A_140, %parallel_loop3A_141, %parallel_loop3A_142] {strides = array<i32>} : memref<1x8x512xf32, #tpu.memory_space<vmem>>, vector<16xf32>,
        tpu.vector_store %arg7[%parallel_loop3A_140, %parallel_loop3A_141, %parallel_loop3A_142], %parallel_loop3A_135 {strides = array<i32>} : memref<1x8x512xf32, #tpu.memory_space<vmem>>, vector<16xf32>,
        %parallel_loop3A_144 = arith.constant 20 : i32
        %parallel_loop3A_145 = vector.broadcast %parallel_loop3A_144 : i32 to vector<16xi32>
        %parallel_loop3A_146 = tpu.vector_load_idx %arg5[%parallel_loop3A_145, %parallel_loop3A_99] : memref<64x1024xf32, #tpu.memory_space<vmem>>[vector<16xi32>, vector<16xi32>], vector<16xf32>,
        %parallel_loop3A_147 = arith.constant 16 : i32
        %parallel_loop3A_148 = arith.muli %parallel_loop3A_94, %parallel_loop3A_147 : i32
        %parallel_loop3A_149 = arith.constant 0 : i32
        %parallel_loop3A_150 = arith.constant 4 : i32
        %parallel_loop3A_151 = arith.index_cast %parallel_loop3A_149 : i32 to index
        %parallel_loop3A_152 = arith.index_cast %parallel_loop3A_150 : i32 to index
        %parallel_loop3A_153 = arith.index_cast %parallel_loop3A_148 : i32 to index
        %parallel_loop3A_154 = tpu.vector_load %arg7[%parallel_loop3A_151, %parallel_loop3A_152, %parallel_loop3A_153] {strides = array<i32>} : memref<1x8x512xf32, #tpu.memory_space<vmem>>, vector<16xf32>,
        tpu.vector_store %arg7[%parallel_loop3A_151, %parallel_loop3A_152, %parallel_loop3A_153], %parallel_loop3A_146 {strides = array<i32>} : memref<1x8x512xf32, #tpu.memory_space<vmem>>, vector<16xf32>,
        %parallel_loop3A_155 = arith.constant 21 : i32
        %parallel_loop3A_156 = vector.broadcast %parallel_loop3A_155 : i32 to vector<16xi32>
        %parallel_loop3A_157 = tpu.vector_load_idx %arg5[%parallel_loop3A_156, %parallel_loop3A_99] : memref<64x1024xf32, #tpu.memory_space<vmem>>[vector<16xi32>, vector<16xi32>], vector<16xf32>,
        %parallel_loop3A_158 = arith.constant 16 : i32
        %parallel_loop3A_159 = arith.muli %parallel_loop3A_94, %parallel_loop3A_158 : i32
        %parallel_loop3A_160 = arith.constant 0 : i32
        %parallel_loop3A_161 = arith.constant 5 : i32
        %parallel_loop3A_162 = arith.index_cast %parallel_loop3A_160 : i32 to index
        %parallel_loop3A_163 = arith.index_cast %parallel_loop3A_161 : i32 to index
        %parallel_loop3A_164 = arith.index_cast %parallel_loop3A_159 : i32 to index
        %parallel_loop3A_165 = tpu.vector_load %arg7[%parallel_loop3A_162, %parallel_loop3A_163, %parallel_loop3A_164] {strides = array<i32>} : memref<1x8x512xf32, #tpu.memory_space<vmem>>, vector<16xf32>,
        tpu.vector_store %arg7[%parallel_loop3A_162, %parallel_loop3A_163, %parallel_loop3A_164], %parallel_loop3A_157 {strides = array<i32>} : memref<1x8x512xf32, #tpu.memory_space<vmem>>, vector<16xf32>,
        %parallel_loop3A_166 = arith.constant 22 : i32
        %parallel_loop3A_167 = vector.broadcast %parallel_loop3A_166 : i32 to vector<16xi32>
        %parallel_loop3A_168 = tpu.vector_load_idx %arg5[%parallel_loop3A_167, %parallel_loop3A_99] : memref<64x1024xf32, #tpu.memory_space<vmem>>[vector<16xi32>, vector<16xi32>], vector<16xf32>,
        %parallel_loop3A_169 = arith.constant 16 : i32
        %parallel_loop3A_170 = arith.muli %parallel_loop3A_94, %parallel_loop3A_169 : i32
        %parallel_loop3A_171 = arith.constant 0 : i32
        %parallel_loop3A_172 = arith.constant 6 : i32
        %parallel_loop3A_173 = arith.index_cast %parallel_loop3A_171 : i32 to index
        %parallel_loop3A_174 = arith.index_cast %parallel_loop3A_172 : i32 to index
        %parallel_loop3A_175 = arith.index_cast %parallel_loop3A_170 : i32 to index
        %parallel_loop3A_176 = tpu.vector_load %arg7[%parallel_loop3A_173, %parallel_loop3A_174, %parallel_loop3A_175] {strides = array<i32>} : memref<1x8x512xf32, #tpu.memory_space<vmem>>, vector<16xf32>,
        tpu.vector_store %arg7[%parallel_loop3A_173, %parallel_loop3A_174, %parallel_loop3A_175], %parallel_loop3A_168 {strides = array<i32>} : memref<1x8x512xf32, #tpu.memory_space<vmem>>, vector<16xf32>,
        %parallel_loop3A_177 = arith.constant 23 : i32
        %parallel_loop3A_178 = vector.broadcast %parallel_loop3A_177 : i32 to vector<16xi32>
        %parallel_loop3A_179 = tpu.vector_load_idx %arg5[%parallel_loop3A_178, %parallel_loop3A_99] : memref<64x1024xf32, #tpu.memory_space<vmem>>[vector<16xi32>, vector<16xi32>], vector<16xf32>,
        %parallel_loop3A_180 = arith.constant 16 : i32
        %parallel_loop3A_181 = arith.muli %parallel_loop3A_94, %parallel_loop3A_180 : i32
        %parallel_loop3A_182 = arith.constant 0 : i32
        %parallel_loop3A_183 = arith.constant 7 : i32
        %parallel_loop3A_184 = arith.index_cast %parallel_loop3A_182 : i32 to index
        %parallel_loop3A_185 = arith.index_cast %parallel_loop3A_183 : i32 to index
        %parallel_loop3A_186 = arith.index_cast %parallel_loop3A_181 : i32 to index
        %parallel_loop3A_187 = tpu.vector_load %arg7[%parallel_loop3A_184, %parallel_loop3A_185, %parallel_loop3A_186] {strides = array<i32>} : memref<1x8x512xf32, #tpu.memory_space<vmem>>, vector<16xf32>,
        tpu.vector_store %arg7[%parallel_loop3A_184, %parallel_loop3A_185, %parallel_loop3A_186], %parallel_loop3A_179 {strides = array<i32>} : memref<1x8x512xf32, #tpu.memory_space<vmem>>, vector<16xf32>,
      } {sc.loop_unroll_factor = 8 : i64, sc.parallel_access}
      %add3A_45 = arith.constant 16 : i32
      %add3A_46 = arith.addi %min3A_5, %add3A_45 : i32
      %dma_start3A_47 = tpu.memref_slice %arg4[%scan3A_20, %add3A_46, %mul3A_7] : memref<50x1000x1024xf32, #tpu.memory_space<hbm>> -> memref<1x8x512xf32, #tpu.memory_space<hbm>>
      %dma_start3A_48 = tpu.memref_slice %arg4[%scan3A_20, %add3A_46, %mul3A_7] : memref<50x1000x1024xf32, #tpu.memory_space<hbm>> -> memref<1x8x512xf32, #tpu.memory_space<hbm>>
      tpu.enqueue_dma source(%arg7 : memref<1x8x512xf32, #tpu.memory_space<vmem>>) target(%dma_start3A_48 : memref<1x8x512xf32, #tpu.memory_space<hbm>>) target_semaphore(%arg9 : memref<!tpu.dma_semaphore, #tpu.memory_space<semaphore_mem>>)
      %dma_wait3A_49 = tpu.memref_slice %arg4[%scan3A_20, %min3A_5, %mul3A_7] : memref<50x1000x1024xf32, #tpu.memory_space<hbm>> -> memref<1x8x512xf32, #tpu.memory_space<hbm>>
      %dma_wait3A_50 = tpu.memref_slice %arg4[%scan3A_20, %min3A_5, %mul3A_7] : memref<50x1000x1024xf32, #tpu.memory_space<hbm>> -> memref<1x8x512xf32, #tpu.memory_space<hbm>>
      tpu.wait_dma2 semaphore(%arg10 : memref<!tpu.dma_semaphore, #tpu.memory_space<semaphore_mem>>) src(%arg8 : memref<1x8x512xf32, #tpu.memory_space<vmem>>) dst(%dma_wait3A_50 : memref<1x8x512xf32, #tpu.memory_space<hbm>>)
      %parallel_loop3A_51 = arith.constant 0 : i32
      %parallel_loop3A_52 = arith.constant 32 : i32
      %parallel_loop3A_53 = arith.constant 1 : i32
      scf.for %parallel_loop3A_94 = %parallel_loop3A_51 to %parallel_loop3A_52 step %parallel_loop3A_53  : i32 {
        %parallel_loop3A_95 = arith.constant 16 : i32
        %parallel_loop3A_96 = arith.muli %parallel_loop3A_94, %parallel_loop3A_95 : i32
        %parallel_loop3A_97 = arith.index_cast %scan3A_20 : i32 to index
        %parallel_loop3A_98 = arith.index_cast %parallel_loop3A_96 : i32 to index
        %parallel_loop3A_99 = tpu.vector_load %arg6[%parallel_loop3A_97, %parallel_loop3A_98] {strides = array<i32>} : memref<50x512xi32, #tpu.memory_space<vmem>>, vector<16xi32>,
        %parallel_loop3A_100 = arith.constant 24 : i32
        %parallel_loop3A_101 = vector.broadcast %parallel_loop3A_100 : i32 to vector<16xi32>
        %parallel_loop3A_102 = tpu.vector_load_idx %arg5[%parallel_loop3A_101, %parallel_loop3A_99] : memref<64x1024xf32, #tpu.memory_space<vmem>>[vector<16xi32>, vector<16xi32>], vector<16xf32>,
        %parallel_loop3A_103 = arith.constant 16 : i32
        %parallel_loop3A_104 = arith.muli %parallel_loop3A_94, %parallel_loop3A_103 : i32
        %parallel_loop3A_105 = arith.constant 0 : i32
        %parallel_loop3A_106 = arith.constant 0 : i32
        %parallel_loop3A_107 = arith.index_cast %parallel_loop3A_105 : i32 to index
        %parallel_loop3A_108 = arith.index_cast %parallel_loop3A_106 : i32 to index
        %parallel_loop3A_109 = arith.index_cast %parallel_loop3A_104 : i32 to index
        %parallel_loop3A_110 = tpu.vector_load %arg8[%parallel_loop3A_107, %parallel_loop3A_108, %parallel_loop3A_109] {strides = array<i32>} : memref<1x8x512xf32, #tpu.memory_space<vmem>>, vector<16xf32>,
        tpu.vector_store %arg8[%parallel_loop3A_107, %parallel_loop3A_108, %parallel_loop3A_109], %parallel_loop3A_102 {strides = array<i32>} : memref<1x8x512xf32, #tpu.memory_space<vmem>>, vector<16xf32>,
        %parallel_loop3A_111 = arith.constant 25 : i32
        %parallel_loop3A_112 = vector.broadcast %parallel_loop3A_111 : i32 to vector<16xi32>
        %parallel_loop3A_113 = tpu.vector_load_idx %arg5[%parallel_loop3A_112, %parallel_loop3A_99] : memref<64x1024xf32, #tpu.memory_space<vmem>>[vector<16xi32>, vector<16xi32>], vector<16xf32>,
        %parallel_loop3A_114 = arith.constant 16 : i32
        %parallel_loop3A_115 = arith.muli %parallel_loop3A_94, %parallel_loop3A_114 : i32
        %parallel_loop3A_116 = arith.constant 0 : i32
        %parallel_loop3A_117 = arith.constant 1 : i32
        %parallel_loop3A_118 = arith.index_cast %parallel_loop3A_116 : i32 to index
        %parallel_loop3A_119 = arith.index_cast %parallel_loop3A_117 : i32 to index
        %parallel_loop3A_120 = arith.index_cast %parallel_loop3A_115 : i32 to index
        %parallel_loop3A_121 = tpu.vector_load %arg8[%parallel_loop3A_118, %parallel_loop3A_119, %parallel_loop3A_120] {strides = array<i32>} : memref<1x8x512xf32, #tpu.memory_space<vmem>>, vector<16xf32>,
        tpu.vector_store %arg8[%parallel_loop3A_118, %parallel_loop3A_119, %parallel_loop3A_120], %parallel_loop3A_113 {strides = array<i32>} : memref<1x8x512xf32, #tpu.memory_space<vmem>>, vector<16xf32>,
        %parallel_loop3A_122 = arith.constant 26 : i32
        %parallel_loop3A_123 = vector.broadcast %parallel_loop3A_122 : i32 to vector<16xi32>
        %parallel_loop3A_124 = tpu.vector_load_idx %arg5[%parallel_loop3A_123, %parallel_loop3A_99] : memref<64x1024xf32, #tpu.memory_space<vmem>>[vector<16xi32>, vector<16xi32>], vector<16xf32>,
        %parallel_loop3A_125 = arith.constant 16 : i32
        %parallel_loop3A_126 = arith.muli %parallel_loop3A_94, %parallel_loop3A_125 : i32
        %parallel_loop3A_127 = arith.constant 0 : i32
        %parallel_loop3A_128 = arith.constant 2 : i32
        %parallel_loop3A_129 = arith.index_cast %parallel_loop3A_127 : i32 to index
        %parallel_loop3A_130 = arith.index_cast %parallel_loop3A_128 : i32 to index
        %parallel_loop3A_131 = arith.index_cast %parallel_loop3A_126 : i32 to index
        %parallel_loop3A_132 = tpu.vector_load %arg8[%parallel_loop3A_129, %parallel_loop3A_130, %parallel_loop3A_131] {strides = array<i32>} : memref<1x8x512xf32, #tpu.memory_space<vmem>>, vector<16xf32>,
        tpu.vector_store %arg8[%parallel_loop3A_129, %parallel_loop3A_130, %parallel_loop3A_131], %parallel_loop3A_124 {strides = array<i32>} : memref<1x8x512xf32, #tpu.memory_space<vmem>>, vector<16xf32>,
        %parallel_loop3A_133 = arith.constant 27 : i32
        %parallel_loop3A_134 = vector.broadcast %parallel_loop3A_133 : i32 to vector<16xi32>
        %parallel_loop3A_135 = tpu.vector_load_idx %arg5[%parallel_loop3A_134, %parallel_loop3A_99] : memref<64x1024xf32, #tpu.memory_space<vmem>>[vector<16xi32>, vector<16xi32>], vector<16xf32>,
        %parallel_loop3A_136 = arith.constant 16 : i32
        %parallel_loop3A_137 = arith.muli %parallel_loop3A_94, %parallel_loop3A_136 : i32
        %parallel_loop3A_138 = arith.constant 0 : i32
        %parallel_loop3A_139 = arith.constant 3 : i32
        %parallel_loop3A_140 = arith.index_cast %parallel_loop3A_138 : i32 to index
        %parallel_loop3A_141 = arith.index_cast %parallel_loop3A_139 : i32 to index
        %parallel_loop3A_142 = arith.index_cast %parallel_loop3A_137 : i32 to index
        %parallel_loop3A_143 = tpu.vector_load %arg8[%parallel_loop3A_140, %parallel_loop3A_141, %parallel_loop3A_142] {strides = array<i32>} : memref<1x8x512xf32, #tpu.memory_space<vmem>>, vector<16xf32>,
        tpu.vector_store %arg8[%parallel_loop3A_140, %parallel_loop3A_141, %parallel_loop3A_142], %parallel_loop3A_135 {strides = array<i32>} : memref<1x8x512xf32, #tpu.memory_space<vmem>>, vector<16xf32>,
        %parallel_loop3A_144 = arith.constant 28 : i32
        %parallel_loop3A_145 = vector.broadcast %parallel_loop3A_144 : i32 to vector<16xi32>
        %parallel_loop3A_146 = tpu.vector_load_idx %arg5[%parallel_loop3A_145, %parallel_loop3A_99] : memref<64x1024xf32, #tpu.memory_space<vmem>>[vector<16xi32>, vector<16xi32>], vector<16xf32>,
        %parallel_loop3A_147 = arith.constant 16 : i32
        %parallel_loop3A_148 = arith.muli %parallel_loop3A_94, %parallel_loop3A_147 : i32
        %parallel_loop3A_149 = arith.constant 0 : i32
        %parallel_loop3A_150 = arith.constant 4 : i32
        %parallel_loop3A_151 = arith.index_cast %parallel_loop3A_149 : i32 to index
        %parallel_loop3A_152 = arith.index_cast %parallel_loop3A_150 : i32 to index
        %parallel_loop3A_153 = arith.index_cast %parallel_loop3A_148 : i32 to index
        %parallel_loop3A_154 = tpu.vector_load %arg8[%parallel_loop3A_151, %parallel_loop3A_152, %parallel_loop3A_153] {strides = array<i32>} : memref<1x8x512xf32, #tpu.memory_space<vmem>>, vector<16xf32>,
        tpu.vector_store %arg8[%parallel_loop3A_151, %parallel_loop3A_152, %parallel_loop3A_153], %parallel_loop3A_146 {strides = array<i32>} : memref<1x8x512xf32, #tpu.memory_space<vmem>>, vector<16xf32>,
        %parallel_loop3A_155 = arith.constant 29 : i32
        %parallel_loop3A_156 = vector.broadcast %parallel_loop3A_155 : i32 to vector<16xi32>
        %parallel_loop3A_157 = tpu.vector_load_idx %arg5[%parallel_loop3A_156, %parallel_loop3A_99] : memref<64x1024xf32, #tpu.memory_space<vmem>>[vector<16xi32>, vector<16xi32>], vector<16xf32>,
        %parallel_loop3A_158 = arith.constant 16 : i32
        %parallel_loop3A_159 = arith.muli %parallel_loop3A_94, %parallel_loop3A_158 : i32
        %parallel_loop3A_160 = arith.constant 0 : i32
        %parallel_loop3A_161 = arith.constant 5 : i32
        %parallel_loop3A_162 = arith.index_cast %parallel_loop3A_160 : i32 to index
        %parallel_loop3A_163 = arith.index_cast %parallel_loop3A_161 : i32 to index
        %parallel_loop3A_164 = arith.index_cast %parallel_loop3A_159 : i32 to index
        %parallel_loop3A_165 = tpu.vector_load %arg8[%parallel_loop3A_162, %parallel_loop3A_163, %parallel_loop3A_164] {strides = array<i32>} : memref<1x8x512xf32, #tpu.memory_space<vmem>>, vector<16xf32>,
        tpu.vector_store %arg8[%parallel_loop3A_162, %parallel_loop3A_163, %parallel_loop3A_164], %parallel_loop3A_157 {strides = array<i32>} : memref<1x8x512xf32, #tpu.memory_space<vmem>>, vector<16xf32>,
        %parallel_loop3A_166 = arith.constant 30 : i32
        %parallel_loop3A_167 = vector.broadcast %parallel_loop3A_166 : i32 to vector<16xi32>
        %parallel_loop3A_168 = tpu.vector_load_idx %arg5[%parallel_loop3A_167, %parallel_loop3A_99] : memref<64x1024xf32, #tpu.memory_space<vmem>>[vector<16xi32>, vector<16xi32>], vector<16xf32>,
        %parallel_loop3A_169 = arith.constant 16 : i32
        %parallel_loop3A_170 = arith.muli %parallel_loop3A_94, %parallel_loop3A_169 : i32
        %parallel_loop3A_171 = arith.constant 0 : i32
        %parallel_loop3A_172 = arith.constant 6 : i32
        %parallel_loop3A_173 = arith.index_cast %parallel_loop3A_171 : i32 to index
        %parallel_loop3A_174 = arith.index_cast %parallel_loop3A_172 : i32 to index
        %parallel_loop3A_175 = arith.index_cast %parallel_loop3A_170 : i32 to index
        %parallel_loop3A_176 = tpu.vector_load %arg8[%parallel_loop3A_173, %parallel_loop3A_174, %parallel_loop3A_175] {strides = array<i32>} : memref<1x8x512xf32, #tpu.memory_space<vmem>>, vector<16xf32>,
        tpu.vector_store %arg8[%parallel_loop3A_173, %parallel_loop3A_174, %parallel_loop3A_175], %parallel_loop3A_168 {strides = array<i32>} : memref<1x8x512xf32, #tpu.memory_space<vmem>>, vector<16xf32>,
        %parallel_loop3A_177 = arith.constant 31 : i32
        %parallel_loop3A_178 = vector.broadcast %parallel_loop3A_177 : i32 to vector<16xi32>
        %parallel_loop3A_179 = tpu.vector_load_idx %arg5[%parallel_loop3A_178, %parallel_loop3A_99] : memref<64x1024xf32, #tpu.memory_space<vmem>>[vector<16xi32>, vector<16xi32>], vector<16xf32>,
        %parallel_loop3A_180 = arith.constant 16 : i32
        %parallel_loop3A_181 = arith.muli %parallel_loop3A_94, %parallel_loop3A_180 : i32
        %parallel_loop3A_182 = arith.constant 0 : i32
        %parallel_loop3A_183 = arith.constant 7 : i32
        %parallel_loop3A_184 = arith.index_cast %parallel_loop3A_182 : i32 to index
        %parallel_loop3A_185 = arith.index_cast %parallel_loop3A_183 : i32 to index
        %parallel_loop3A_186 = arith.index_cast %parallel_loop3A_181 : i32 to index
        %parallel_loop3A_187 = tpu.vector_load %arg8[%parallel_loop3A_184, %parallel_loop3A_185, %parallel_loop3A_186] {strides = array<i32>} : memref<1x8x512xf32, #tpu.memory_space<vmem>>, vector<16xf32>,
        tpu.vector_store %arg8[%parallel_loop3A_184, %parallel_loop3A_185, %parallel_loop3A_186], %parallel_loop3A_179 {strides = array<i32>} : memref<1x8x512xf32, #tpu.memory_space<vmem>>, vector<16xf32>,
      } {sc.loop_unroll_factor = 8 : i64, sc.parallel_access}
      %add3A_54 = arith.constant 24 : i32
      %add3A_55 = arith.addi %min3A_5, %add3A_54 : i32
      %dma_start3A_56 = tpu.memref_slice %arg4[%scan3A_20, %add3A_55, %mul3A_7] : memref<50x1000x1024xf32, #tpu.memory_space<hbm>> -> memref<1x8x512xf32, #tpu.memory_space<hbm>>
      %dma_start3A_57 = tpu.memref_slice %arg4[%scan3A_20, %add3A_55, %mul3A_7] : memref<50x1000x1024xf32, #tpu.memory_space<hbm>> -> memref<1x8x512xf32, #tpu.memory_space<hbm>>
      tpu.enqueue_dma source(%arg8 : memref<1x8x512xf32, #tpu.memory_space<vmem>>) target(%dma_start3A_57 : memref<1x8x512xf32, #tpu.memory_space<hbm>>) target_semaphore(%arg10 : memref<!tpu.dma_semaphore, #tpu.memory_space<semaphore_mem>>)
      %dma_wait3A_58 = tpu.memref_slice %arg4[%scan3A_20, %min3A_5, %mul3A_7] : memref<50x1000x1024xf32, #tpu.memory_space<hbm>> -> memref<1x8x512xf32, #tpu.memory_space<hbm>>
      %dma_wait3A_59 = tpu.memref_slice %arg4[%scan3A_20, %min3A_5, %mul3A_7] : memref<50x1000x1024xf32, #tpu.memory_space<hbm>> -> memref<1x8x512xf32, #tpu.memory_space<hbm>>
      tpu.wait_dma2 semaphore(%arg9 : memref<!tpu.dma_semaphore, #tpu.memory_space<semaphore_mem>>) src(%arg7 : memref<1x8x512xf32, #tpu.memory_space<vmem>>) dst(%dma_wait3A_59 : memref<1x8x512xf32, #tpu.memory_space<hbm>>)
      %parallel_loop3A_60 = arith.constant 0 : i32
      %parallel_loop3A_61 = arith.constant 32 : i32
      %parallel_loop3A_62 = arith.constant 1 : i32
      scf.for %parallel_loop3A_94 = %parallel_loop3A_60 to %parallel_loop3A_61 step %parallel_loop3A_62  : i32 {
        %parallel_loop3A_95 = arith.constant 16 : i32
        %parallel_loop3A_96 = arith.muli %parallel_loop3A_94, %parallel_loop3A_95 : i32
        %parallel_loop3A_97 = arith.index_cast %scan3A_20 : i32 to index
        %parallel_loop3A_98 = arith.index_cast %parallel_loop3A_96 : i32 to index
        %parallel_loop3A_99 = tpu.vector_load %arg6[%parallel_loop3A_97, %parallel_loop3A_98] {strides = array<i32>} : memref<50x512xi32, #tpu.memory_space<vmem>>, vector<16xi32>,
        %parallel_loop3A_100 = arith.constant 32 : i32
        %parallel_loop3A_101 = vector.broadcast %parallel_loop3A_100 : i32 to vector<16xi32>
        %parallel_loop3A_102 = tpu.vector_load_idx %arg5[%parallel_loop3A_101, %parallel_loop3A_99] : memref<64x1024xf32, #tpu.memory_space<vmem>>[vector<16xi32>, vector<16xi32>], vector<16xf32>,
        %parallel_loop3A_103 = arith.constant 16 : i32
        %parallel_loop3A_104 = arith.muli %parallel_loop3A_94, %parallel_loop3A_103 : i32
        %parallel_loop3A_105 = arith.constant 0 : i32
        %parallel_loop3A_106 = arith.constant 0 : i32
        %parallel_loop3A_107 = arith.index_cast %parallel_loop3A_105 : i32 to index
        %parallel_loop3A_108 = arith.index_cast %parallel_loop3A_106 : i32 to index
        %parallel_loop3A_109 = arith.index_cast %parallel_loop3A_104 : i32 to index
        %parallel_loop3A_110 = tpu.vector_load %arg7[%parallel_loop3A_107, %parallel_loop3A_108, %parallel_loop3A_109] {strides = array<i32>} : memref<1x8x512xf32, #tpu.memory_space<vmem>>, vector<16xf32>,
        tpu.vector_store %arg7[%parallel_loop3A_107, %parallel_loop3A_108, %parallel_loop3A_109], %parallel_loop3A_102 {strides = array<i32>} : memref<1x8x512xf32, #tpu.memory_space<vmem>>, vector<16xf32>,
        %parallel_loop3A_111 = arith.constant 33 : i32
        %parallel_loop3A_112 = vector.broadcast %parallel_loop3A_111 : i32 to vector<16xi32>
        %parallel_loop3A_113 = tpu.vector_load_idx %arg5[%parallel_loop3A_112, %parallel_loop3A_99] : memref<64x1024xf32, #tpu.memory_space<vmem>>[vector<16xi32>, vector<16xi32>], vector<16xf32>,
        %parallel_loop3A_114 = arith.constant 16 : i32
        %parallel_loop3A_115 = arith.muli %parallel_loop3A_94, %parallel_loop3A_114 : i32
        %parallel_loop3A_116 = arith.constant 0 : i32
        %parallel_loop3A_117 = arith.constant 1 : i32
        %parallel_loop3A_118 = arith.index_cast %parallel_loop3A_116 : i32 to index
        %parallel_loop3A_119 = arith.index_cast %parallel_loop3A_117 : i32 to index
        %parallel_loop3A_120 = arith.index_cast %parallel_loop3A_115 : i32 to index
        %parallel_loop3A_121 = tpu.vector_load %arg7[%parallel_loop3A_118, %parallel_loop3A_119, %parallel_loop3A_120] {strides = array<i32>} : memref<1x8x512xf32, #tpu.memory_space<vmem>>, vector<16xf32>,
        tpu.vector_store %arg7[%parallel_loop3A_118, %parallel_loop3A_119, %parallel_loop3A_120], %parallel_loop3A_113 {strides = array<i32>} : memref<1x8x512xf32, #tpu.memory_space<vmem>>, vector<16xf32>,
        %parallel_loop3A_122 = arith.constant 34 : i32
        %parallel_loop3A_123 = vector.broadcast %parallel_loop3A_122 : i32 to vector<16xi32>
        %parallel_loop3A_124 = tpu.vector_load_idx %arg5[%parallel_loop3A_123, %parallel_loop3A_99] : memref<64x1024xf32, #tpu.memory_space<vmem>>[vector<16xi32>, vector<16xi32>], vector<16xf32>,
        %parallel_loop3A_125 = arith.constant 16 : i32
        %parallel_loop3A_126 = arith.muli %parallel_loop3A_94, %parallel_loop3A_125 : i32
        %parallel_loop3A_127 = arith.constant 0 : i32
        %parallel_loop3A_128 = arith.constant 2 : i32
        %parallel_loop3A_129 = arith.index_cast %parallel_loop3A_127 : i32 to index
        %parallel_loop3A_130 = arith.index_cast %parallel_loop3A_128 : i32 to index
        %parallel_loop3A_131 = arith.index_cast %parallel_loop3A_126 : i32 to index
        %parallel_loop3A_132 = tpu.vector_load %arg7[%parallel_loop3A_129, %parallel_loop3A_130, %parallel_loop3A_131] {strides = array<i32>} : memref<1x8x512xf32, #tpu.memory_space<vmem>>, vector<16xf32>,
        tpu.vector_store %arg7[%parallel_loop3A_129, %parallel_loop3A_130, %parallel_loop3A_131], %parallel_loop3A_124 {strides = array<i32>} : memref<1x8x512xf32, #tpu.memory_space<vmem>>, vector<16xf32>,
        %parallel_loop3A_133 = arith.constant 35 : i32
        %parallel_loop3A_134 = vector.broadcast %parallel_loop3A_133 : i32 to vector<16xi32>
        %parallel_loop3A_135 = tpu.vector_load_idx %arg5[%parallel_loop3A_134, %parallel_loop3A_99] : memref<64x1024xf32, #tpu.memory_space<vmem>>[vector<16xi32>, vector<16xi32>], vector<16xf32>,
        %parallel_loop3A_136 = arith.constant 16 : i32
        %parallel_loop3A_137 = arith.muli %parallel_loop3A_94, %parallel_loop3A_136 : i32
        %parallel_loop3A_138 = arith.constant 0 : i32
        %parallel_loop3A_139 = arith.constant 3 : i32
        %parallel_loop3A_140 = arith.index_cast %parallel_loop3A_138 : i32 to index
        %parallel_loop3A_141 = arith.index_cast %parallel_loop3A_139 : i32 to index
        %parallel_loop3A_142 = arith.index_cast %parallel_loop3A_137 : i32 to index
        %parallel_loop3A_143 = tpu.vector_load %arg7[%parallel_loop3A_140, %parallel_loop3A_141, %parallel_loop3A_142] {strides = array<i32>} : memref<1x8x512xf32, #tpu.memory_space<vmem>>, vector<16xf32>,
        tpu.vector_store %arg7[%parallel_loop3A_140, %parallel_loop3A_141, %parallel_loop3A_142], %parallel_loop3A_135 {strides = array<i32>} : memref<1x8x512xf32, #tpu.memory_space<vmem>>, vector<16xf32>,
        %parallel_loop3A_144 = arith.constant 36 : i32
        %parallel_loop3A_145 = vector.broadcast %parallel_loop3A_144 : i32 to vector<16xi32>
        %parallel_loop3A_146 = tpu.vector_load_idx %arg5[%parallel_loop3A_145, %parallel_loop3A_99] : memref<64x1024xf32, #tpu.memory_space<vmem>>[vector<16xi32>, vector<16xi32>], vector<16xf32>,
        %parallel_loop3A_147 = arith.constant 16 : i32
        %parallel_loop3A_148 = arith.muli %parallel_loop3A_94, %parallel_loop3A_147 : i32
        %parallel_loop3A_149 = arith.constant 0 : i32
        %parallel_loop3A_150 = arith.constant 4 : i32
        %parallel_loop3A_151 = arith.index_cast %parallel_loop3A_149 : i32 to index
        %parallel_loop3A_152 = arith.index_cast %parallel_loop3A_150 : i32 to index
        %parallel_loop3A_153 = arith.index_cast %parallel_loop3A_148 : i32 to index
        %parallel_loop3A_154 = tpu.vector_load %arg7[%parallel_loop3A_151, %parallel_loop3A_152, %parallel_loop3A_153] {strides = array<i32>} : memref<1x8x512xf32, #tpu.memory_space<vmem>>, vector<16xf32>,
        tpu.vector_store %arg7[%parallel_loop3A_151, %parallel_loop3A_152, %parallel_loop3A_153], %parallel_loop3A_146 {strides = array<i32>} : memref<1x8x512xf32, #tpu.memory_space<vmem>>, vector<16xf32>,
        %parallel_loop3A_155 = arith.constant 37 : i32
        %parallel_loop3A_156 = vector.broadcast %parallel_loop3A_155 : i32 to vector<16xi32>
        %parallel_loop3A_157 = tpu.vector_load_idx %arg5[%parallel_loop3A_156, %parallel_loop3A_99] : memref<64x1024xf32, #tpu.memory_space<vmem>>[vector<16xi32>, vector<16xi32>], vector<16xf32>,
        %parallel_loop3A_158 = arith.constant 16 : i32
        %parallel_loop3A_159 = arith.muli %parallel_loop3A_94, %parallel_loop3A_158 : i32
        %parallel_loop3A_160 = arith.constant 0 : i32
        %parallel_loop3A_161 = arith.constant 5 : i32
        %parallel_loop3A_162 = arith.index_cast %parallel_loop3A_160 : i32 to index
        %parallel_loop3A_163 = arith.index_cast %parallel_loop3A_161 : i32 to index
        %parallel_loop3A_164 = arith.index_cast %parallel_loop3A_159 : i32 to index
        %parallel_loop3A_165 = tpu.vector_load %arg7[%parallel_loop3A_162, %parallel_loop3A_163, %parallel_loop3A_164] {strides = array<i32>} : memref<1x8x512xf32, #tpu.memory_space<vmem>>, vector<16xf32>,
        tpu.vector_store %arg7[%parallel_loop3A_162, %parallel_loop3A_163, %parallel_loop3A_164], %parallel_loop3A_157 {strides = array<i32>} : memref<1x8x512xf32, #tpu.memory_space<vmem>>, vector<16xf32>,
        %parallel_loop3A_166 = arith.constant 38 : i32
        %parallel_loop3A_167 = vector.broadcast %parallel_loop3A_166 : i32 to vector<16xi32>
        %parallel_loop3A_168 = tpu.vector_load_idx %arg5[%parallel_loop3A_167, %parallel_loop3A_99] : memref<64x1024xf32, #tpu.memory_space<vmem>>[vector<16xi32>, vector<16xi32>], vector<16xf32>,
        %parallel_loop3A_169 = arith.constant 16 : i32
        %parallel_loop3A_170 = arith.muli %parallel_loop3A_94, %parallel_loop3A_169 : i32
        %parallel_loop3A_171 = arith.constant 0 : i32
        %parallel_loop3A_172 = arith.constant 6 : i32
        %parallel_loop3A_173 = arith.index_cast %parallel_loop3A_171 : i32 to index
        %parallel_loop3A_174 = arith.index_cast %parallel_loop3A_172 : i32 to index
        %parallel_loop3A_175 = arith.index_cast %parallel_loop3A_170 : i32 to index
        %parallel_loop3A_176 = tpu.vector_load %arg7[%parallel_loop3A_173, %parallel_loop3A_174, %parallel_loop3A_175] {strides = array<i32>} : memref<1x8x512xf32, #tpu.memory_space<vmem>>, vector<16xf32>,
        tpu.vector_store %arg7[%parallel_loop3A_173, %parallel_loop3A_174, %parallel_loop3A_175], %parallel_loop3A_168 {strides = array<i32>} : memref<1x8x512xf32, #tpu.memory_space<vmem>>, vector<16xf32>,
        %parallel_loop3A_177 = arith.constant 39 : i32
        %parallel_loop3A_178 = vector.broadcast %parallel_loop3A_177 : i32 to vector<16xi32>
        %parallel_loop3A_179 = tpu.vector_load_idx %arg5[%parallel_loop3A_178, %parallel_loop3A_99] : memref<64x1024xf32, #tpu.memory_space<vmem>>[vector<16xi32>, vector<16xi32>], vector<16xf32>,
        %parallel_loop3A_180 = arith.constant 16 : i32
        %parallel_loop3A_181 = arith.muli %parallel_loop3A_94, %parallel_loop3A_180 : i32
        %parallel_loop3A_182 = arith.constant 0 : i32
        %parallel_loop3A_183 = arith.constant 7 : i32
        %parallel_loop3A_184 = arith.index_cast %parallel_loop3A_182 : i32 to index
        %parallel_loop3A_185 = arith.index_cast %parallel_loop3A_183 : i32 to index
        %parallel_loop3A_186 = arith.index_cast %parallel_loop3A_181 : i32 to index
        %parallel_loop3A_187 = tpu.vector_load %arg7[%parallel_loop3A_184, %parallel_loop3A_185, %parallel_loop3A_186] {strides = array<i32>} : memref<1x8x512xf32, #tpu.memory_space<vmem>>, vector<16xf32>,
        tpu.vector_store %arg7[%parallel_loop3A_184, %parallel_loop3A_185, %parallel_loop3A_186], %parallel_loop3A_179 {strides = array<i32>} : memref<1x8x512xf32, #tpu.memory_space<vmem>>, vector<16xf32>,
      } {sc.loop_unroll_factor = 8 : i64, sc.parallel_access}
      %add3A_63 = arith.constant 32 : i32
      %add3A_64 = arith.addi %min3A_5, %add3A_63 : i32
      %dma_start3A_65 = tpu.memref_slice %arg4[%scan3A_20, %add3A_64, %mul3A_7] : memref<50x1000x1024xf32, #tpu.memory_space<hbm>> -> memref<1x8x512xf32, #tpu.memory_space<hbm>>
      %dma_start3A_66 = tpu.memref_slice %arg4[%scan3A_20, %add3A_64, %mul3A_7] : memref<50x1000x1024xf32, #tpu.memory_space<hbm>> -> memref<1x8x512xf32, #tpu.memory_space<hbm>>
      tpu.enqueue_dma source(%arg7 : memref<1x8x512xf32, #tpu.memory_space<vmem>>) target(%dma_start3A_66 : memref<1x8x512xf32, #tpu.memory_space<hbm>>) target_semaphore(%arg9 : memref<!tpu.dma_semaphore, #tpu.memory_space<semaphore_mem>>)
      %dma_wait3A_67 = tpu.memref_slice %arg4[%scan3A_20, %min3A_5, %mul3A_7] : memref<50x1000x1024xf32, #tpu.memory_space<hbm>> -> memref<1x8x512xf32, #tpu.memory_space<hbm>>
      %dma_wait3A_68 = tpu.memref_slice %arg4[%scan3A_20, %min3A_5, %mul3A_7] : memref<50x1000x1024xf32, #tpu.memory_space<hbm>> -> memref<1x8x512xf32, #tpu.memory_space<hbm>>
      tpu.wait_dma2 semaphore(%arg10 : memref<!tpu.dma_semaphore, #tpu.memory_space<semaphore_mem>>) src(%arg8 : memref<1x8x512xf32, #tpu.memory_space<vmem>>) dst(%dma_wait3A_68 : memref<1x8x512xf32, #tpu.memory_space<hbm>>)
      %parallel_loop3A_69 = arith.constant 0 : i32
      %parallel_loop3A_70 = arith.constant 32 : i32
      %parallel_loop3A_71 = arith.constant 1 : i32
      scf.for %parallel_loop3A_94 = %parallel_loop3A_69 to %parallel_loop3A_70 step %parallel_loop3A_71  : i32 {
        %parallel_loop3A_95 = arith.constant 16 : i32
        %parallel_loop3A_96 = arith.muli %parallel_loop3A_94, %parallel_loop3A_95 : i32
        %parallel_loop3A_97 = arith.index_cast %scan3A_20 : i32 to index
        %parallel_loop3A_98 = arith.index_cast %parallel_loop3A_96 : i32 to index
        %parallel_loop3A_99 = tpu.vector_load %arg6[%parallel_loop3A_97, %parallel_loop3A_98] {strides = array<i32>} : memref<50x512xi32, #tpu.memory_space<vmem>>, vector<16xi32>,
        %parallel_loop3A_100 = arith.constant 40 : i32
        %parallel_loop3A_101 = vector.broadcast %parallel_loop3A_100 : i32 to vector<16xi32>
        %parallel_loop3A_102 = tpu.vector_load_idx %arg5[%parallel_loop3A_101, %parallel_loop3A_99] : memref<64x1024xf32, #tpu.memory_space<vmem>>[vector<16xi32>, vector<16xi32>], vector<16xf32>,
        %parallel_loop3A_103 = arith.constant 16 : i32
        %parallel_loop3A_104 = arith.muli %parallel_loop3A_94, %parallel_loop3A_103 : i32
        %parallel_loop3A_105 = arith.constant 0 : i32
        %parallel_loop3A_106 = arith.constant 0 : i32
        %parallel_loop3A_107 = arith.index_cast %parallel_loop3A_105 : i32 to index
        %parallel_loop3A_108 = arith.index_cast %parallel_loop3A_106 : i32 to index
        %parallel_loop3A_109 = arith.index_cast %parallel_loop3A_104 : i32 to index
        %parallel_loop3A_110 = tpu.vector_load %arg8[%parallel_loop3A_107, %parallel_loop3A_108, %parallel_loop3A_109] {strides = array<i32>} : memref<1x8x512xf32, #tpu.memory_space<vmem>>, vector<16xf32>,
        tpu.vector_store %arg8[%parallel_loop3A_107, %parallel_loop3A_108, %parallel_loop3A_109], %parallel_loop3A_102 {strides = array<i32>} : memref<1x8x512xf32, #tpu.memory_space<vmem>>, vector<16xf32>,
        %parallel_loop3A_111 = arith.constant 41 : i32
        %parallel_loop3A_112 = vector.broadcast %parallel_loop3A_111 : i32 to vector<16xi32>
        %parallel_loop3A_113 = tpu.vector_load_idx %arg5[%parallel_loop3A_112, %parallel_loop3A_99] : memref<64x1024xf32, #tpu.memory_space<vmem>>[vector<16xi32>, vector<16xi32>], vector<16xf32>,
        %parallel_loop3A_114 = arith.constant 16 : i32
        %parallel_loop3A_115 = arith.muli %parallel_loop3A_94, %parallel_loop3A_114 : i32
        %parallel_loop3A_116 = arith.constant 0 : i32
        %parallel_loop3A_117 = arith.constant 1 : i32
        %parallel_loop3A_118 = arith.index_cast %parallel_loop3A_116 : i32 to index
        %parallel_loop3A_119 = arith.index_cast %parallel_loop3A_117 : i32 to index
        %parallel_loop3A_120 = arith.index_cast %parallel_loop3A_115 : i32 to index
        %parallel_loop3A_121 = tpu.vector_load %arg8[%parallel_loop3A_118, %parallel_loop3A_119, %parallel_loop3A_120] {strides = array<i32>} : memref<1x8x512xf32, #tpu.memory_space<vmem>>, vector<16xf32>,
        tpu.vector_store %arg8[%parallel_loop3A_118, %parallel_loop3A_119, %parallel_loop3A_120], %parallel_loop3A_113 {strides = array<i32>} : memref<1x8x512xf32, #tpu.memory_space<vmem>>, vector<16xf32>,
        %parallel_loop3A_122 = arith.constant 42 : i32
        %parallel_loop3A_123 = vector.broadcast %parallel_loop3A_122 : i32 to vector<16xi32>
        %parallel_loop3A_124 = tpu.vector_load_idx %arg5[%parallel_loop3A_123, %parallel_loop3A_99] : memref<64x1024xf32, #tpu.memory_space<vmem>>[vector<16xi32>, vector<16xi32>], vector<16xf32>,
        %parallel_loop3A_125 = arith.constant 16 : i32
        %parallel_loop3A_126 = arith.muli %parallel_loop3A_94, %parallel_loop3A_125 : i32
        %parallel_loop3A_127 = arith.constant 0 : i32
        %parallel_loop3A_128 = arith.constant 2 : i32
        %parallel_loop3A_129 = arith.index_cast %parallel_loop3A_127 : i32 to index
        %parallel_loop3A_130 = arith.index_cast %parallel_loop3A_128 : i32 to index
        %parallel_loop3A_131 = arith.index_cast %parallel_loop3A_126 : i32 to index
        %parallel_loop3A_132 = tpu.vector_load %arg8[%parallel_loop3A_129, %parallel_loop3A_130, %parallel_loop3A_131] {strides = array<i32>} : memref<1x8x512xf32, #tpu.memory_space<vmem>>, vector<16xf32>,
        tpu.vector_store %arg8[%parallel_loop3A_129, %parallel_loop3A_130, %parallel_loop3A_131], %parallel_loop3A_124 {strides = array<i32>} : memref<1x8x512xf32, #tpu.memory_space<vmem>>, vector<16xf32>,
        %parallel_loop3A_133 = arith.constant 43 : i32
        %parallel_loop3A_134 = vector.broadcast %parallel_loop3A_133 : i32 to vector<16xi32>
        %parallel_loop3A_135 = tpu.vector_load_idx %arg5[%parallel_loop3A_134, %parallel_loop3A_99] : memref<64x1024xf32, #tpu.memory_space<vmem>>[vector<16xi32>, vector<16xi32>], vector<16xf32>,
        %parallel_loop3A_136 = arith.constant 16 : i32
        %parallel_loop3A_137 = arith.muli %parallel_loop3A_94, %parallel_loop3A_136 : i32
        %parallel_loop3A_138 = arith.constant 0 : i32
        %parallel_loop3A_139 = arith.constant 3 : i32
        %parallel_loop3A_140 = arith.index_cast %parallel_loop3A_138 : i32 to index
        %parallel_loop3A_141 = arith.index_cast %parallel_loop3A_139 : i32 to index
        %parallel_loop3A_142 = arith.index_cast %parallel_loop3A_137 : i32 to index
        %parallel_loop3A_143 = tpu.vector_load %arg8[%parallel_loop3A_140, %parallel_loop3A_141, %parallel_loop3A_142] {strides = array<i32>} : memref<1x8x512xf32, #tpu.memory_space<vmem>>, vector<16xf32>,
        tpu.vector_store %arg8[%parallel_loop3A_140, %parallel_loop3A_141, %parallel_loop3A_142], %parallel_loop3A_135 {strides = array<i32>} : memref<1x8x512xf32, #tpu.memory_space<vmem>>, vector<16xf32>,
        %parallel_loop3A_144 = arith.constant 44 : i32
        %parallel_loop3A_145 = vector.broadcast %parallel_loop3A_144 : i32 to vector<16xi32>
        %parallel_loop3A_146 = tpu.vector_load_idx %arg5[%parallel_loop3A_145, %parallel_loop3A_99] : memref<64x1024xf32, #tpu.memory_space<vmem>>[vector<16xi32>, vector<16xi32>], vector<16xf32>,
        %parallel_loop3A_147 = arith.constant 16 : i32
        %parallel_loop3A_148 = arith.muli %parallel_loop3A_94, %parallel_loop3A_147 : i32
        %parallel_loop3A_149 = arith.constant 0 : i32
        %parallel_loop3A_150 = arith.constant 4 : i32
        %parallel_loop3A_151 = arith.index_cast %parallel_loop3A_149 : i32 to index
        %parallel_loop3A_152 = arith.index_cast %parallel_loop3A_150 : i32 to index
        %parallel_loop3A_153 = arith.index_cast %parallel_loop3A_148 : i32 to index
        %parallel_loop3A_154 = tpu.vector_load %arg8[%parallel_loop3A_151, %parallel_loop3A_152, %parallel_loop3A_153] {strides = array<i32>} : memref<1x8x512xf32, #tpu.memory_space<vmem>>, vector<16xf32>,
        tpu.vector_store %arg8[%parallel_loop3A_151, %parallel_loop3A_152, %parallel_loop3A_153], %parallel_loop3A_146 {strides = array<i32>} : memref<1x8x512xf32, #tpu.memory_space<vmem>>, vector<16xf32>,
        %parallel_loop3A_155 = arith.constant 45 : i32
        %parallel_loop3A_156 = vector.broadcast %parallel_loop3A_155 : i32 to vector<16xi32>
        %parallel_loop3A_157 = tpu.vector_load_idx %arg5[%parallel_loop3A_156, %parallel_loop3A_99] : memref<64x1024xf32, #tpu.memory_space<vmem>>[vector<16xi32>, vector<16xi32>], vector<16xf32>,
        %parallel_loop3A_158 = arith.constant 16 : i32
        %parallel_loop3A_159 = arith.muli %parallel_loop3A_94, %parallel_loop3A_158 : i32
        %parallel_loop3A_160 = arith.constant 0 : i32
        %parallel_loop3A_161 = arith.constant 5 : i32
        %parallel_loop3A_162 = arith.index_cast %parallel_loop3A_160 : i32 to index
        %parallel_loop3A_163 = arith.index_cast %parallel_loop3A_161 : i32 to index
        %parallel_loop3A_164 = arith.index_cast %parallel_loop3A_159 : i32 to index
        %parallel_loop3A_165 = tpu.vector_load %arg8[%parallel_loop3A_162, %parallel_loop3A_163, %parallel_loop3A_164] {strides = array<i32>} : memref<1x8x512xf32, #tpu.memory_space<vmem>>, vector<16xf32>,
        tpu.vector_store %arg8[%parallel_loop3A_162, %parallel_loop3A_163, %parallel_loop3A_164], %parallel_loop3A_157 {strides = array<i32>} : memref<1x8x512xf32, #tpu.memory_space<vmem>>, vector<16xf32>,
        %parallel_loop3A_166 = arith.constant 46 : i32
        %parallel_loop3A_167 = vector.broadcast %parallel_loop3A_166 : i32 to vector<16xi32>
        %parallel_loop3A_168 = tpu.vector_load_idx %arg5[%parallel_loop3A_167, %parallel_loop3A_99] : memref<64x1024xf32, #tpu.memory_space<vmem>>[vector<16xi32>, vector<16xi32>], vector<16xf32>,
        %parallel_loop3A_169 = arith.constant 16 : i32
        %parallel_loop3A_170 = arith.muli %parallel_loop3A_94, %parallel_loop3A_169 : i32
        %parallel_loop3A_171 = arith.constant 0 : i32
        %parallel_loop3A_172 = arith.constant 6 : i32
        %parallel_loop3A_173 = arith.index_cast %parallel_loop3A_171 : i32 to index
        %parallel_loop3A_174 = arith.index_cast %parallel_loop3A_172 : i32 to index
        %parallel_loop3A_175 = arith.index_cast %parallel_loop3A_170 : i32 to index
        %parallel_loop3A_176 = tpu.vector_load %arg8[%parallel_loop3A_173, %parallel_loop3A_174, %parallel_loop3A_175] {strides = array<i32>} : memref<1x8x512xf32, #tpu.memory_space<vmem>>, vector<16xf32>,
        tpu.vector_store %arg8[%parallel_loop3A_173, %parallel_loop3A_174, %parallel_loop3A_175], %parallel_loop3A_168 {strides = array<i32>} : memref<1x8x512xf32, #tpu.memory_space<vmem>>, vector<16xf32>,
        %parallel_loop3A_177 = arith.constant 47 : i32
        %parallel_loop3A_178 = vector.broadcast %parallel_loop3A_177 : i32 to vector<16xi32>
        %parallel_loop3A_179 = tpu.vector_load_idx %arg5[%parallel_loop3A_178, %parallel_loop3A_99] : memref<64x1024xf32, #tpu.memory_space<vmem>>[vector<16xi32>, vector<16xi32>], vector<16xf32>,
        %parallel_loop3A_180 = arith.constant 16 : i32
        %parallel_loop3A_181 = arith.muli %parallel_loop3A_94, %parallel_loop3A_180 : i32
        %parallel_loop3A_182 = arith.constant 0 : i32
        %parallel_loop3A_183 = arith.constant 7 : i32
        %parallel_loop3A_184 = arith.index_cast %parallel_loop3A_182 : i32 to index
        %parallel_loop3A_185 = arith.index_cast %parallel_loop3A_183 : i32 to index
        %parallel_loop3A_186 = arith.index_cast %parallel_loop3A_181 : i32 to index
        %parallel_loop3A_187 = tpu.vector_load %arg8[%parallel_loop3A_184, %parallel_loop3A_185, %parallel_loop3A_186] {strides = array<i32>} : memref<1x8x512xf32, #tpu.memory_space<vmem>>, vector<16xf32>,
        tpu.vector_store %arg8[%parallel_loop3A_184, %parallel_loop3A_185, %parallel_loop3A_186], %parallel_loop3A_179 {strides = array<i32>} : memref<1x8x512xf32, #tpu.memory_space<vmem>>, vector<16xf32>,
      } {sc.loop_unroll_factor = 8 : i64, sc.parallel_access}
      %add3A_72 = arith.constant 40 : i32
      %add3A_73 = arith.addi %min3A_5, %add3A_72 : i32
      %dma_start3A_74 = tpu.memref_slice %arg4[%scan3A_20, %add3A_73, %mul3A_7] : memref<50x1000x1024xf32, #tpu.memory_space<hbm>> -> memref<1x8x512xf32, #tpu.memory_space<hbm>>
      %dma_start3A_75 = tpu.memref_slice %arg4[%scan3A_20, %add3A_73, %mul3A_7] : memref<50x1000x1024xf32, #tpu.memory_space<hbm>> -> memref<1x8x512xf32, #tpu.memory_space<hbm>>
      tpu.enqueue_dma source(%arg8 : memref<1x8x512xf32, #tpu.memory_space<vmem>>) target(%dma_start3A_75 : memref<1x8x512xf32, #tpu.memory_space<hbm>>) target_semaphore(%arg10 : memref<!tpu.dma_semaphore, #tpu.memory_space<semaphore_mem>>)
      %dma_wait3A_76 = tpu.memref_slice %arg4[%scan3A_20, %min3A_5, %mul3A_7] : memref<50x1000x1024xf32, #tpu.memory_space<hbm>> -> memref<1x8x512xf32, #tpu.memory_space<hbm>>
      %dma_wait3A_77 = tpu.memref_slice %arg4[%scan3A_20, %min3A_5, %mul3A_7] : memref<50x1000x1024xf32, #tpu.memory_space<hbm>> -> memref<1x8x512xf32, #tpu.memory_space<hbm>>
      tpu.wait_dma2 semaphore(%arg9 : memref<!tpu.dma_semaphore, #tpu.memory_space<semaphore_mem>>) src(%arg7 : memref<1x8x512xf32, #tpu.memory_space<vmem>>) dst(%dma_wait3A_77 : memref<1x8x512xf32, #tpu.memory_space<hbm>>)
      %parallel_loop3A_78 = arith.constant 0 : i32
      %parallel_loop3A_79 = arith.constant 32 : i32
      %parallel_loop3A_80 = arith.constant 1 : i32
      scf.for %parallel_loop3A_94 = %parallel_loop3A_78 to %parallel_loop3A_79 step %parallel_loop3A_80  : i32 {
        %parallel_loop3A_95 = arith.constant 16 : i32
        %parallel_loop3A_96 = arith.muli %parallel_loop3A_94, %parallel_loop3A_95 : i32
        %parallel_loop3A_97 = arith.index_cast %scan3A_20 : i32 to index
        %parallel_loop3A_98 = arith.index_cast %parallel_loop3A_96 : i32 to index
        %parallel_loop3A_99 = tpu.vector_load %arg6[%parallel_loop3A_97, %parallel_loop3A_98] {strides = array<i32>} : memref<50x512xi32, #tpu.memory_space<vmem>>, vector<16xi32>,
        %parallel_loop3A_100 = arith.constant 48 : i32
        %parallel_loop3A_101 = vector.broadcast %parallel_loop3A_100 : i32 to vector<16xi32>
        %parallel_loop3A_102 = tpu.vector_load_idx %arg5[%parallel_loop3A_101, %parallel_loop3A_99] : memref<64x1024xf32, #tpu.memory_space<vmem>>[vector<16xi32>, vector<16xi32>], vector<16xf32>,
        %parallel_loop3A_103 = arith.constant 16 : i32
        %parallel_loop3A_104 = arith.muli %parallel_loop3A_94, %parallel_loop3A_103 : i32
        %parallel_loop3A_105 = arith.constant 0 : i32
        %parallel_loop3A_106 = arith.constant 0 : i32
        %parallel_loop3A_107 = arith.index_cast %parallel_loop3A_105 : i32 to index
        %parallel_loop3A_108 = arith.index_cast %parallel_loop3A_106 : i32 to index
        %parallel_loop3A_109 = arith.index_cast %parallel_loop3A_104 : i32 to index
        %parallel_loop3A_110 = tpu.vector_load %arg7[%parallel_loop3A_107, %parallel_loop3A_108, %parallel_loop3A_109] {strides = array<i32>} : memref<1x8x512xf32, #tpu.memory_space<vmem>>, vector<16xf32>,
        tpu.vector_store %arg7[%parallel_loop3A_107, %parallel_loop3A_108, %parallel_loop3A_109], %parallel_loop3A_102 {strides = array<i32>} : memref<1x8x512xf32, #tpu.memory_space<vmem>>, vector<16xf32>,
        %parallel_loop3A_111 = arith.constant 49 : i32
        %parallel_loop3A_112 = vector.broadcast %parallel_loop3A_111 : i32 to vector<16xi32>
        %parallel_loop3A_113 = tpu.vector_load_idx %arg5[%parallel_loop3A_112, %parallel_loop3A_99] : memref<64x1024xf32, #tpu.memory_space<vmem>>[vector<16xi32>, vector<16xi32>], vector<16xf32>,
        %parallel_loop3A_114 = arith.constant 16 : i32
        %parallel_loop3A_115 = arith.muli %parallel_loop3A_94, %parallel_loop3A_114 : i32
        %parallel_loop3A_116 = arith.constant 0 : i32
        %parallel_loop3A_117 = arith.constant 1 : i32
        %parallel_loop3A_118 = arith.index_cast %parallel_loop3A_116 : i32 to index
        %parallel_loop3A_119 = arith.index_cast %parallel_loop3A_117 : i32 to index
        %parallel_loop3A_120 = arith.index_cast %parallel_loop3A_115 : i32 to index
        %parallel_loop3A_121 = tpu.vector_load %arg7[%parallel_loop3A_118, %parallel_loop3A_119, %parallel_loop3A_120] {strides = array<i32>} : memref<1x8x512xf32, #tpu.memory_space<vmem>>, vector<16xf32>,
        tpu.vector_store %arg7[%parallel_loop3A_118, %parallel_loop3A_119, %parallel_loop3A_120], %parallel_loop3A_113 {strides = array<i32>} : memref<1x8x512xf32, #tpu.memory_space<vmem>>, vector<16xf32>,
        %parallel_loop3A_122 = arith.constant 50 : i32
        %parallel_loop3A_123 = vector.broadcast %parallel_loop3A_122 : i32 to vector<16xi32>
        %parallel_loop3A_124 = tpu.vector_load_idx %arg5[%parallel_loop3A_123, %parallel_loop3A_99] : memref<64x1024xf32, #tpu.memory_space<vmem>>[vector<16xi32>, vector<16xi32>], vector<16xf32>,
        %parallel_loop3A_125 = arith.constant 16 : i32
        %parallel_loop3A_126 = arith.muli %parallel_loop3A_94, %parallel_loop3A_125 : i32
        %parallel_loop3A_127 = arith.constant 0 : i32
        %parallel_loop3A_128 = arith.constant 2 : i32
        %parallel_loop3A_129 = arith.index_cast %parallel_loop3A_127 : i32 to index
        %parallel_loop3A_130 = arith.index_cast %parallel_loop3A_128 : i32 to index
        %parallel_loop3A_131 = arith.index_cast %parallel_loop3A_126 : i32 to index
        %parallel_loop3A_132 = tpu.vector_load %arg7[%parallel_loop3A_129, %parallel_loop3A_130, %parallel_loop3A_131] {strides = array<i32>} : memref<1x8x512xf32, #tpu.memory_space<vmem>>, vector<16xf32>,
        tpu.vector_store %arg7[%parallel_loop3A_129, %parallel_loop3A_130, %parallel_loop3A_131], %parallel_loop3A_124 {strides = array<i32>} : memref<1x8x512xf32, #tpu.memory_space<vmem>>, vector<16xf32>,
        %parallel_loop3A_133 = arith.constant 51 : i32
        %parallel_loop3A_134 = vector.broadcast %parallel_loop3A_133 : i32 to vector<16xi32>
        %parallel_loop3A_135 = tpu.vector_load_idx %arg5[%parallel_loop3A_134, %parallel_loop3A_99] : memref<64x1024xf32, #tpu.memory_space<vmem>>[vector<16xi32>, vector<16xi32>], vector<16xf32>,
        %parallel_loop3A_136 = arith.constant 16 : i32
        %parallel_loop3A_137 = arith.muli %parallel_loop3A_94, %parallel_loop3A_136 : i32
        %parallel_loop3A_138 = arith.constant 0 : i32
        %parallel_loop3A_139 = arith.constant 3 : i32
        %parallel_loop3A_140 = arith.index_cast %parallel_loop3A_138 : i32 to index
        %parallel_loop3A_141 = arith.index_cast %parallel_loop3A_139 : i32 to index
        %parallel_loop3A_142 = arith.index_cast %parallel_loop3A_137 : i32 to index
        %parallel_loop3A_143 = tpu.vector_load %arg7[%parallel_loop3A_140, %parallel_loop3A_141, %parallel_loop3A_142] {strides = array<i32>} : memref<1x8x512xf32, #tpu.memory_space<vmem>>, vector<16xf32>,
        tpu.vector_store %arg7[%parallel_loop3A_140, %parallel_loop3A_141, %parallel_loop3A_142], %parallel_loop3A_135 {strides = array<i32>} : memref<1x8x512xf32, #tpu.memory_space<vmem>>, vector<16xf32>,
        %parallel_loop3A_144 = arith.constant 52 : i32
        %parallel_loop3A_145 = vector.broadcast %parallel_loop3A_144 : i32 to vector<16xi32>
        %parallel_loop3A_146 = tpu.vector_load_idx %arg5[%parallel_loop3A_145, %parallel_loop3A_99] : memref<64x1024xf32, #tpu.memory_space<vmem>>[vector<16xi32>, vector<16xi32>], vector<16xf32>,
        %parallel_loop3A_147 = arith.constant 16 : i32
        %parallel_loop3A_148 = arith.muli %parallel_loop3A_94, %parallel_loop3A_147 : i32
        %parallel_loop3A_149 = arith.constant 0 : i32
        %parallel_loop3A_150 = arith.constant 4 : i32
        %parallel_loop3A_151 = arith.index_cast %parallel_loop3A_149 : i32 to index
        %parallel_loop3A_152 = arith.index_cast %parallel_loop3A_150 : i32 to index
        %parallel_loop3A_153 = arith.index_cast %parallel_loop3A_148 : i32 to index
        %parallel_loop3A_154 = tpu.vector_load %arg7[%parallel_loop3A_151, %parallel_loop3A_152, %parallel_loop3A_153] {strides = array<i32>} : memref<1x8x512xf32, #tpu.memory_space<vmem>>, vector<16xf32>,
        tpu.vector_store %arg7[%parallel_loop3A_151, %parallel_loop3A_152, %parallel_loop3A_153], %parallel_loop3A_146 {strides = array<i32>} : memref<1x8x512xf32, #tpu.memory_space<vmem>>, vector<16xf32>,
        %parallel_loop3A_155 = arith.constant 53 : i32
        %parallel_loop3A_156 = vector.broadcast %parallel_loop3A_155 : i32 to vector<16xi32>
        %parallel_loop3A_157 = tpu.vector_load_idx %arg5[%parallel_loop3A_156, %parallel_loop3A_99] : memref<64x1024xf32, #tpu.memory_space<vmem>>[vector<16xi32>, vector<16xi32>], vector<16xf32>,
        %parallel_loop3A_158 = arith.constant 16 : i32
        %parallel_loop3A_159 = arith.muli %parallel_loop3A_94, %parallel_loop3A_158 : i32
        %parallel_loop3A_160 = arith.constant 0 : i32
        %parallel_loop3A_161 = arith.constant 5 : i32
        %parallel_loop3A_162 = arith.index_cast %parallel_loop3A_160 : i32 to index
        %parallel_loop3A_163 = arith.index_cast %parallel_loop3A_161 : i32 to index
        %parallel_loop3A_164 = arith.index_cast %parallel_loop3A_159 : i32 to index
        %parallel_loop3A_165 = tpu.vector_load %arg7[%parallel_loop3A_162, %parallel_loop3A_163, %parallel_loop3A_164] {strides = array<i32>} : memref<1x8x512xf32, #tpu.memory_space<vmem>>, vector<16xf32>,
        tpu.vector_store %arg7[%parallel_loop3A_162, %parallel_loop3A_163, %parallel_loop3A_164], %parallel_loop3A_157 {strides = array<i32>} : memref<1x8x512xf32, #tpu.memory_space<vmem>>, vector<16xf32>,
        %parallel_loop3A_166 = arith.constant 54 : i32
        %parallel_loop3A_167 = vector.broadcast %parallel_loop3A_166 : i32 to vector<16xi32>
        %parallel_loop3A_168 = tpu.vector_load_idx %arg5[%parallel_loop3A_167, %parallel_loop3A_99] : memref<64x1024xf32, #tpu.memory_space<vmem>>[vector<16xi32>, vector<16xi32>], vector<16xf32>,
        %parallel_loop3A_169 = arith.constant 16 : i32
        %parallel_loop3A_170 = arith.muli %parallel_loop3A_94, %parallel_loop3A_169 : i32
        %parallel_loop3A_171 = arith.constant 0 : i32
        %parallel_loop3A_172 = arith.constant 6 : i32
        %parallel_loop3A_173 = arith.index_cast %parallel_loop3A_171 : i32 to index
        %parallel_loop3A_174 = arith.index_cast %parallel_loop3A_172 : i32 to index
        %parallel_loop3A_175 = arith.index_cast %parallel_loop3A_170 : i32 to index
        %parallel_loop3A_176 = tpu.vector_load %arg7[%parallel_loop3A_173, %parallel_loop3A_174, %parallel_loop3A_175] {strides = array<i32>} : memref<1x8x512xf32, #tpu.memory_space<vmem>>, vector<16xf32>,
        tpu.vector_store %arg7[%parallel_loop3A_173, %parallel_loop3A_174, %parallel_loop3A_175], %parallel_loop3A_168 {strides = array<i32>} : memref<1x8x512xf32, #tpu.memory_space<vmem>>, vector<16xf32>,
        %parallel_loop3A_177 = arith.constant 55 : i32
        %parallel_loop3A_178 = vector.broadcast %parallel_loop3A_177 : i32 to vector<16xi32>
        %parallel_loop3A_179 = tpu.vector_load_idx %arg5[%parallel_loop3A_178, %parallel_loop3A_99] : memref<64x1024xf32, #tpu.memory_space<vmem>>[vector<16xi32>, vector<16xi32>], vector<16xf32>,
        %parallel_loop3A_180 = arith.constant 16 : i32
        %parallel_loop3A_181 = arith.muli %parallel_loop3A_94, %parallel_loop3A_180 : i32
        %parallel_loop3A_182 = arith.constant 0 : i32
        %parallel_loop3A_183 = arith.constant 7 : i32
        %parallel_loop3A_184 = arith.index_cast %parallel_loop3A_182 : i32 to index
        %parallel_loop3A_185 = arith.index_cast %parallel_loop3A_183 : i32 to index
        %parallel_loop3A_186 = arith.index_cast %parallel_loop3A_181 : i32 to index
        %parallel_loop3A_187 = tpu.vector_load %arg7[%parallel_loop3A_184, %parallel_loop3A_185, %parallel_loop3A_186] {strides = array<i32>} : memref<1x8x512xf32, #tpu.memory_space<vmem>>, vector<16xf32>,
        tpu.vector_store %arg7[%parallel_loop3A_184, %parallel_loop3A_185, %parallel_loop3A_186], %parallel_loop3A_179 {strides = array<i32>} : memref<1x8x512xf32, #tpu.memory_space<vmem>>, vector<16xf32>,
      } {sc.loop_unroll_factor = 8 : i64, sc.parallel_access}
      %add3A_81 = arith.constant 48 : i32
      %add3A_82 = arith.addi %min3A_5, %add3A_81 : i32
      %dma_start3A_83 = tpu.memref_slice %arg4[%scan3A_20, %add3A_82, %mul3A_7] : memref<50x1000x1024xf32, #tpu.memory_space<hbm>> -> memref<1x8x512xf32, #tpu.memory_space<hbm>>
      %dma_start3A_84 = tpu.memref_slice %arg4[%scan3A_20, %add3A_82, %mul3A_7] : memref<50x1000x1024xf32, #tpu.memory_space<hbm>> -> memref<1x8x512xf32, #tpu.memory_space<hbm>>
      tpu.enqueue_dma source(%arg7 : memref<1x8x512xf32, #tpu.memory_space<vmem>>) target(%dma_start3A_84 : memref<1x8x512xf32, #tpu.memory_space<hbm>>) target_semaphore(%arg9 : memref<!tpu.dma_semaphore, #tpu.memory_space<semaphore_mem>>)
      %dma_wait3A_85 = tpu.memref_slice %arg4[%scan3A_20, %min3A_5, %mul3A_7] : memref<50x1000x1024xf32, #tpu.memory_space<hbm>> -> memref<1x8x512xf32, #tpu.memory_space<hbm>>
      %dma_wait3A_86 = tpu.memref_slice %arg4[%scan3A_20, %min3A_5, %mul3A_7] : memref<50x1000x1024xf32, #tpu.memory_space<hbm>> -> memref<1x8x512xf32, #tpu.memory_space<hbm>>
      tpu.wait_dma2 semaphore(%arg10 : memref<!tpu.dma_semaphore, #tpu.memory_space<semaphore_mem>>) src(%arg8 : memref<1x8x512xf32, #tpu.memory_space<vmem>>) dst(%dma_wait3A_86 : memref<1x8x512xf32, #tpu.memory_space<hbm>>)
      %parallel_loop3A_87 = arith.constant 0 : i32
      %parallel_loop3A_88 = arith.constant 32 : i32
      %parallel_loop3A_89 = arith.constant 1 : i32
      scf.for %parallel_loop3A_94 = %parallel_loop3A_87 to %parallel_loop3A_88 step %parallel_loop3A_89  : i32 {
        %parallel_loop3A_95 = arith.constant 16 : i32
        %parallel_loop3A_96 = arith.muli %parallel_loop3A_94, %parallel_loop3A_95 : i32
        %parallel_loop3A_97 = arith.index_cast %scan3A_20 : i32 to index
        %parallel_loop3A_98 = arith.index_cast %parallel_loop3A_96 : i32 to index
        %parallel_loop3A_99 = tpu.vector_load %arg6[%parallel_loop3A_97, %parallel_loop3A_98] {strides = array<i32>} : memref<50x512xi32, #tpu.memory_space<vmem>>, vector<16xi32>,
        %parallel_loop3A_100 = arith.constant 56 : i32
        %parallel_loop3A_101 = vector.broadcast %parallel_loop3A_100 : i32 to vector<16xi32>
        %parallel_loop3A_102 = tpu.vector_load_idx %arg5[%parallel_loop3A_101, %parallel_loop3A_99] : memref<64x1024xf32, #tpu.memory_space<vmem>>[vector<16xi32>, vector<16xi32>], vector<16xf32>,
        %parallel_loop3A_103 = arith.constant 16 : i32
        %parallel_loop3A_104 = arith.muli %parallel_loop3A_94, %parallel_loop3A_103 : i32
        %parallel_loop3A_105 = arith.constant 0 : i32
        %parallel_loop3A_106 = arith.constant 0 : i32
        %parallel_loop3A_107 = arith.index_cast %parallel_loop3A_105 : i32 to index
        %parallel_loop3A_108 = arith.index_cast %parallel_loop3A_106 : i32 to index
        %parallel_loop3A_109 = arith.index_cast %parallel_loop3A_104 : i32 to index
        %parallel_loop3A_110 = tpu.vector_load %arg8[%parallel_loop3A_107, %parallel_loop3A_108, %parallel_loop3A_109] {strides = array<i32>} : memref<1x8x512xf32, #tpu.memory_space<vmem>>, vector<16xf32>,
        tpu.vector_store %arg8[%parallel_loop3A_107, %parallel_loop3A_108, %parallel_loop3A_109], %parallel_loop3A_102 {strides = array<i32>} : memref<1x8x512xf32, #tpu.memory_space<vmem>>, vector<16xf32>,
        %parallel_loop3A_111 = arith.constant 57 : i32
        %parallel_loop3A_112 = vector.broadcast %parallel_loop3A_111 : i32 to vector<16xi32>
        %parallel_loop3A_113 = tpu.vector_load_idx %arg5[%parallel_loop3A_112, %parallel_loop3A_99] : memref<64x1024xf32, #tpu.memory_space<vmem>>[vector<16xi32>, vector<16xi32>], vector<16xf32>,
        %parallel_loop3A_114 = arith.constant 16 : i32
        %parallel_loop3A_115 = arith.muli %parallel_loop3A_94, %parallel_loop3A_114 : i32
        %parallel_loop3A_116 = arith.constant 0 : i32
        %parallel_loop3A_117 = arith.constant 1 : i32
        %parallel_loop3A_118 = arith.index_cast %parallel_loop3A_116 : i32 to index
        %parallel_loop3A_119 = arith.index_cast %parallel_loop3A_117 : i32 to index
        %parallel_loop3A_120 = arith.index_cast %parallel_loop3A_115 : i32 to index
        %parallel_loop3A_121 = tpu.vector_load %arg8[%parallel_loop3A_118, %parallel_loop3A_119, %parallel_loop3A_120] {strides = array<i32>} : memref<1x8x512xf32, #tpu.memory_space<vmem>>, vector<16xf32>,
        tpu.vector_store %arg8[%parallel_loop3A_118, %parallel_loop3A_119, %parallel_loop3A_120], %parallel_loop3A_113 {strides = array<i32>} : memref<1x8x512xf32, #tpu.memory_space<vmem>>, vector<16xf32>,
        %parallel_loop3A_122 = arith.constant 58 : i32
        %parallel_loop3A_123 = vector.broadcast %parallel_loop3A_122 : i32 to vector<16xi32>
        %parallel_loop3A_124 = tpu.vector_load_idx %arg5[%parallel_loop3A_123, %parallel_loop3A_99] : memref<64x1024xf32, #tpu.memory_space<vmem>>[vector<16xi32>, vector<16xi32>], vector<16xf32>,
        %parallel_loop3A_125 = arith.constant 16 : i32
        %parallel_loop3A_126 = arith.muli %parallel_loop3A_94, %parallel_loop3A_125 : i32
        %parallel_loop3A_127 = arith.constant 0 : i32
        %parallel_loop3A_128 = arith.constant 2 : i32
        %parallel_loop3A_129 = arith.index_cast %parallel_loop3A_127 : i32 to index
        %parallel_loop3A_130 = arith.index_cast %parallel_loop3A_128 : i32 to index
        %parallel_loop3A_131 = arith.index_cast %parallel_loop3A_126 : i32 to index
        %parallel_loop3A_132 = tpu.vector_load %arg8[%parallel_loop3A_129, %parallel_loop3A_130, %parallel_loop3A_131] {strides = array<i32>} : memref<1x8x512xf32, #tpu.memory_space<vmem>>, vector<16xf32>,
        tpu.vector_store %arg8[%parallel_loop3A_129, %parallel_loop3A_130, %parallel_loop3A_131], %parallel_loop3A_124 {strides = array<i32>} : memref<1x8x512xf32, #tpu.memory_space<vmem>>, vector<16xf32>,
        %parallel_loop3A_133 = arith.constant 59 : i32
        %parallel_loop3A_134 = vector.broadcast %parallel_loop3A_133 : i32 to vector<16xi32>
        %parallel_loop3A_135 = tpu.vector_load_idx %arg5[%parallel_loop3A_134, %parallel_loop3A_99] : memref<64x1024xf32, #tpu.memory_space<vmem>>[vector<16xi32>, vector<16xi32>], vector<16xf32>,
        %parallel_loop3A_136 = arith.constant 16 : i32
        %parallel_loop3A_137 = arith.muli %parallel_loop3A_94, %parallel_loop3A_136 : i32
        %parallel_loop3A_138 = arith.constant 0 : i32
        %parallel_loop3A_139 = arith.constant 3 : i32
        %parallel_loop3A_140 = arith.index_cast %parallel_loop3A_138 : i32 to index
        %parallel_loop3A_141 = arith.index_cast %parallel_loop3A_139 : i32 to index
        %parallel_loop3A_142 = arith.index_cast %parallel_loop3A_137 : i32 to index
        %parallel_loop3A_143 = tpu.vector_load %arg8[%parallel_loop3A_140, %parallel_loop3A_141, %parallel_loop3A_142] {strides = array<i32>} : memref<1x8x512xf32, #tpu.memory_space<vmem>>, vector<16xf32>,
        tpu.vector_store %arg8[%parallel_loop3A_140, %parallel_loop3A_141, %parallel_loop3A_142], %parallel_loop3A_135 {strides = array<i32>} : memref<1x8x512xf32, #tpu.memory_space<vmem>>, vector<16xf32>,
        %parallel_loop3A_144 = arith.constant 60 : i32
        %parallel_loop3A_145 = vector.broadcast %parallel_loop3A_144 : i32 to vector<16xi32>
        %parallel_loop3A_146 = tpu.vector_load_idx %arg5[%parallel_loop3A_145, %parallel_loop3A_99] : memref<64x1024xf32, #tpu.memory_space<vmem>>[vector<16xi32>, vector<16xi32>], vector<16xf32>,
        %parallel_loop3A_147 = arith.constant 16 : i32
        %parallel_loop3A_148 = arith.muli %parallel_loop3A_94, %parallel_loop3A_147 : i32
        %parallel_loop3A_149 = arith.constant 0 : i32
        %parallel_loop3A_150 = arith.constant 4 : i32
        %parallel_loop3A_151 = arith.index_cast %parallel_loop3A_149 : i32 to index
        %parallel_loop3A_152 = arith.index_cast %parallel_loop3A_150 : i32 to index
        %parallel_loop3A_153 = arith.index_cast %parallel_loop3A_148 : i32 to index
        %parallel_loop3A_154 = tpu.vector_load %arg8[%parallel_loop3A_151, %parallel_loop3A_152, %parallel_loop3A_153] {strides = array<i32>} : memref<1x8x512xf32, #tpu.memory_space<vmem>>, vector<16xf32>,
        tpu.vector_store %arg8[%parallel_loop3A_151, %parallel_loop3A_152, %parallel_loop3A_153], %parallel_loop3A_146 {strides = array<i32>} : memref<1x8x512xf32, #tpu.memory_space<vmem>>, vector<16xf32>,
        %parallel_loop3A_155 = arith.constant 61 : i32
        %parallel_loop3A_156 = vector.broadcast %parallel_loop3A_155 : i32 to vector<16xi32>
        %parallel_loop3A_157 = tpu.vector_load_idx %arg5[%parallel_loop3A_156, %parallel_loop3A_99] : memref<64x1024xf32, #tpu.memory_space<vmem>>[vector<16xi32>, vector<16xi32>], vector<16xf32>,
        %parallel_loop3A_158 = arith.constant 16 : i32
        %parallel_loop3A_159 = arith.muli %parallel_loop3A_94, %parallel_loop3A_158 : i32
        %parallel_loop3A_160 = arith.constant 0 : i32
        %parallel_loop3A_161 = arith.constant 5 : i32
        %parallel_loop3A_162 = arith.index_cast %parallel_loop3A_160 : i32 to index
        %parallel_loop3A_163 = arith.index_cast %parallel_loop3A_161 : i32 to index
        %parallel_loop3A_164 = arith.index_cast %parallel_loop3A_159 : i32 to index
        %parallel_loop3A_165 = tpu.vector_load %arg8[%parallel_loop3A_162, %parallel_loop3A_163, %parallel_loop3A_164] {strides = array<i32>} : memref<1x8x512xf32, #tpu.memory_space<vmem>>, vector<16xf32>,
        tpu.vector_store %arg8[%parallel_loop3A_162, %parallel_loop3A_163, %parallel_loop3A_164], %parallel_loop3A_157 {strides = array<i32>} : memref<1x8x512xf32, #tpu.memory_space<vmem>>, vector<16xf32>,
        %parallel_loop3A_166 = arith.constant 62 : i32
        %parallel_loop3A_167 = vector.broadcast %parallel_loop3A_166 : i32 to vector<16xi32>
        %parallel_loop3A_168 = tpu.vector_load_idx %arg5[%parallel_loop3A_167, %parallel_loop3A_99] : memref<64x1024xf32, #tpu.memory_space<vmem>>[vector<16xi32>, vector<16xi32>], vector<16xf32>,
        %parallel_loop3A_169 = arith.constant 16 : i32
        %parallel_loop3A_170 = arith.muli %parallel_loop3A_94, %parallel_loop3A_169 : i32
        %parallel_loop3A_171 = arith.constant 0 : i32
        %parallel_loop3A_172 = arith.constant 6 : i32
        %parallel_loop3A_173 = arith.index_cast %parallel_loop3A_171 : i32 to index
        %parallel_loop3A_174 = arith.index_cast %parallel_loop3A_172 : i32 to index
        %parallel_loop3A_175 = arith.index_cast %parallel_loop3A_170 : i32 to index
        %parallel_loop3A_176 = tpu.vector_load %arg8[%parallel_loop3A_173, %parallel_loop3A_174, %parallel_loop3A_175] {strides = array<i32>} : memref<1x8x512xf32, #tpu.memory_space<vmem>>, vector<16xf32>,
        tpu.vector_store %arg8[%parallel_loop3A_173, %parallel_loop3A_174, %parallel_loop3A_175], %parallel_loop3A_168 {strides = array<i32>} : memref<1x8x512xf32, #tpu.memory_space<vmem>>, vector<16xf32>,
        %parallel_loop3A_177 = arith.constant 63 : i32
        %parallel_loop3A_178 = vector.broadcast %parallel_loop3A_177 : i32 to vector<16xi32>
        %parallel_loop3A_179 = tpu.vector_load_idx %arg5[%parallel_loop3A_178, %parallel_loop3A_99] : memref<64x1024xf32, #tpu.memory_space<vmem>>[vector<16xi32>, vector<16xi32>], vector<16xf32>,
        %parallel_loop3A_180 = arith.constant 16 : i32
        %parallel_loop3A_181 = arith.muli %parallel_loop3A_94, %parallel_loop3A_180 : i32
        %parallel_loop3A_182 = arith.constant 0 : i32
        %parallel_loop3A_183 = arith.constant 7 : i32
        %parallel_loop3A_184 = arith.index_cast %parallel_loop3A_182 : i32 to index
        %parallel_loop3A_185 = arith.index_cast %parallel_loop3A_183 : i32 to index
        %parallel_loop3A_186 = arith.index_cast %parallel_loop3A_181 : i32 to index
        %parallel_loop3A_187 = tpu.vector_load %arg8[%parallel_loop3A_184, %parallel_loop3A_185, %parallel_loop3A_186] {strides = array<i32>} : memref<1x8x512xf32, #tpu.memory_space<vmem>>, vector<16xf32>,
        tpu.vector_store %arg8[%parallel_loop3A_184, %parallel_loop3A_185, %parallel_loop3A_186], %parallel_loop3A_179 {strides = array<i32>} : memref<1x8x512xf32, #tpu.memory_space<vmem>>, vector<16xf32>,
      } {sc.loop_unroll_factor = 8 : i64, sc.parallel_access}
      %add3A_90 = arith.constant 56 : i32
      %add3A_91 = arith.addi %min3A_5, %add3A_90 : i32
      %dma_start3A_92 = tpu.memref_slice %arg4[%scan3A_20, %add3A_91, %mul3A_7] : memref<50x1000x1024xf32, #tpu.memory_space<hbm>> -> memref<1x8x512xf32, #tpu.memory_space<hbm>>
      %dma_start3A_93 = tpu.memref_slice %arg4[%scan3A_20, %add3A_91, %mul3A_7] : memref<50x1000x1024xf32, #tpu.memory_space<hbm>> -> memref<1x8x512xf32, #tpu.memory_space<hbm>>
      tpu.enqueue_dma source(%arg8 : memref<1x8x512xf32, #tpu.memory_space<vmem>>) target(%dma_start3A_93 : memref<1x8x512xf32, #tpu.memory_space<hbm>>) target_semaphore(%arg10 : memref<!tpu.dma_semaphore, #tpu.memory_space<semaphore_mem>>)
    }
    %scan3A_12 = arith.constant 50 : i32
    %dma_wait3A = arith.constant 0 : i32
    %dma_wait3A_13 = tpu.memref_slice %arg4[%dma_wait3A, %min3A_5, %mul3A_7] : memref<50x1000x1024xf32, #tpu.memory_space<hbm>> -> memref<1x8x512xf32, #tpu.memory_space<hbm>>
    %dma_wait3A_14 = arith.constant 0 : i32
    %dma_wait3A_15 = tpu.memref_slice %arg4[%dma_wait3A_14, %min3A_5, %mul3A_7] : memref<50x1000x1024xf32, #tpu.memory_space<hbm>> -> memref<1x8x512xf32, #tpu.memory_space<hbm>>
    tpu.wait_dma2 semaphore(%arg9 : memref<!tpu.dma_semaphore, #tpu.memory_space<semaphore_mem>>) src(%arg7 : memref<1x8x512xf32, #tpu.memory_space<vmem>>) dst(%dma_wait3A_15 : memref<1x8x512xf32, #tpu.memory_space<hbm>>)
    %dma_wait3A_16 = arith.constant 0 : i32
    %dma_wait3A_17 = tpu.memref_slice %arg4[%dma_wait3A_16, %min3A_5, %mul3A_7] : memref<50x1000x1024xf32, #tpu.memory_space<hbm>> -> memref<1x8x512xf32, #tpu.memory_space<hbm>>
    %dma_wait3A_18 = arith.constant 0 : i32
    %dma_wait3A_19 = tpu.memref_slice %arg4[%dma_wait3A_18, %min3A_5, %mul3A_7] : memref<50x1000x1024xf32, #tpu.memory_space<hbm>> -> memref<1x8x512xf32, #tpu.memory_space<hbm>>
    tpu.wait_dma2 semaphore(%arg10 : memref<!tpu.dma_semaphore, #tpu.memory_space<semaphore_mem>>) src(%arg8 : memref<1x8x512xf32, #tpu.memory_space<vmem>>) dst(%dma_wait3A_19 : memref<1x8x512xf32, #tpu.memory_space<hbm>>)
    return
  }
}

module attributes {stable_mosaic.version = 14 : i64} {
  func.func @_tableT_body(%arg0: memref<1000x128xf32, #tpu.memory_space<vmem>>, %arg1: memref<1024x128xf32, #tpu.memory_space<vmem>>, %arg2: memref<1000x1xf32, #tpu.memory_space<vmem>>, %arg3: memref<1000x1024xf32, #tpu.memory_space<vmem>>) attributes {dimension_semantics = [], scalar_prefetch = 0 : i64, scratch_operands = 0 : i64, tpu.core_type = #tpu.core_type<tc>} {
    %get3A = arith.constant 0 : index
    %get3A_0 = arith.constant 0 : index
    %get3A_1 = vector.load %arg0[%get3A, %get3A_0] : memref<1000x128xf32, #tpu.memory_space<vmem>>, vector<1000x128xf32>
    %get3A_2 = arith.constant 0 : index
    %get3A_3 = arith.constant 0 : index
    %get3A_4 = vector.load %arg1[%get3A_2, %get3A_3] : memref<1024x128xf32, #tpu.memory_space<vmem>>, vector<1024x128xf32>
    %transpose3A = tpu.transpose %get3A_4, [1, 0] : vector<1024x128xf32> -> vector<128x1024xf32>
    %dot_general3A = arith.constant dense<0.000000e+00> : vector<1000x1024xf32>
    %dot_general3A_5 = tpu.matmul %get3A_1, %transpose3A, %dot_general3A {dimension_numbers = #tpu.dot_dimension_numbers<[1], [0], [0], [1], [0, 0, 1, 1], [], []>, transpose_lhs_hint = false} : vector<1000x128xf32>, vector<128x1024xf32>, vector<1000x1024xf32> -> vector<1000x1024xf32>
    %get3A_6 = arith.constant 0 : index
    %get3A_7 = arith.constant 0 : index
    %get3A_8 = vector.load %arg2[%get3A_6, %get3A_7] : memref<1000x1xf32, #tpu.memory_space<vmem>>, vector<1000x1xf32>
    %add3A = vector.broadcast %get3A_8 : vector<1000x1xf32> to vector<1000x1024xf32>
    %add3A_9 = arith.addf %dot_general3A_5, %add3A : vector<1000x1024xf32>
    %swap3A = arith.constant 0 : index
    %swap3A_10 = arith.constant 0 : index
    %swap3A_11 = vector.load %arg3[%swap3A, %swap3A_10] : memref<1000x1024xf32, #tpu.memory_space<vmem>>, vector<1000x1024xf32>
    tpu.vector_store %arg3[%swap3A, %swap3A_10], %add3A_9 {strides = array<i32>} : memref<1000x1024xf32, #tpu.memory_space<vmem>>, vector<1000x1024xf32>,
    return
  }
}

</mosaic_0001>

<sc_bundles>
// kernel: kernel.4.cloned.1.call-start
scs
__scs_entry_jumppad:
0x0: {  	(pc) =	sbr.rel $0x88, $3  }
0x1: {  	(tag) =	ssettag $0x0;
	lr =	simm.s32 $0x1  }
0x2: {  	[smem:$0x3F9D] =	sst lr;
	_ =	strace $0xD0000000  }
0x3: {  	_ = 	snop  }
0x4: {  	_ = 	snop  }
0x5: {  	_ = 	snop  }
0x6: {  	_ = 	snop  }
0x7: {  	_ = 	snop  }
__scs_overlays_trampoline_lowered:
0x8: {  	[smem:$0x3FAC] =	sst s0  }
0x9: {  	[smem:$0x3FAD] =	sst s1  }
0xa: {  	[smem:$0x3FAE] =	sst s2  }
0xb: {  	[smem:$0x3FAF] =	sst s3  }
0xc: {  	[smem:$0x3FB0] =	sst s4  }
0xd: {  	[smem:$0x3FB1] =	sst s5  }
0xe: {  	[smem:$0x3FB2] =	sst s6  }
0xf: {  	[smem:$0x3FB3] =	sst s7  }
0x10: {  	[smem:$0x3FB4] =	sst s8  }
0x11: {  	[smem:$0x3FB5] =	sst s9;
	s0 =	simm.s32 @!p0 $0x0  }
0x12: {  	s1 =	sld [smem:$0x3F9B];
	s0 =	simm.s32 @p0 $0x1  }
0x13: {  	[smem:$0x3FB6] =	sst s0;
	s0 =	simm.s32 @!p1 $0x0  }
0x14: {  	s2 =	sld [smem:$0x3F9A];
	s0 =	simm.s32 @p1 $0x1  }
0x15: {  	[smem:$0x3FB7] =	sst s0;
	s0 =	simm.s32 @!p2 $0x0  }
0x16: {  	s3 =	sld [smem:$0x3FDB];
	s0 =	simm.s32 @p2 $0x1  }
0x17: {  	s4 =	simm.s32 $0x1BF5;
	[smem:$0x3FB9] =	sst s0  }
0x18: {  	s0 =	sld [smem:$0x3F9C];
	_ =	swait.ge [sflag:s4], $0x0  }
0x19: {  	s7 =	sld [smem:$0x3F9D]  }
0x1a: {  	s8 =	sadd.s32 $0xFFFFE003, lr  }
0x1b: {  	s9 =	sadd.s32 $0xFFFFFEF7, lr;
	s5 =	simm.s32 $0xFFFFFFFF;
	p2 =	slt.u32 s8, $0xFFFFF086  }
0x1c: {  	p1 =	slt.u32 s9, $0xF7A;
	s5 =	simm.s32 @!p2 $0x0  }
0x1d: {  	s5 =	simm.s32 @p1 $0x1;
	p0 =	seq.s32 s7, s2  }
0x1e: {  	s7 =	smul.u32 @!p0 $0xF7A, s2;
	p2 =	seq.s32 @!p0 s5, $0x0  }
0x1f: {  	s9 =	smul.u32 $0xF7A, s1;
	s8 =	simm.s32 @!p0 $0x1BF5;
	p2 =	por !p2, p0  }
0x20: {  	[sflag:s8] =	ssyncset.s32 @!p0 $0xFFFFF086;
	s6 =	sadd.s32 @!p0 s3, s7;
	s7 =	simm.s32 @!p0 $0x108  }
0x21: {  	s3 =	sadd.s32 s3, s9;
	s6 =	sadd.s32 @!p0 $0x88, s6;
	s7 =	simm.s32 @p2 $0x1082  }
0x22: {  	[simem:s7], [sflag:s8] =	dma.local @!p0 [hbm:s6], $0xF7A  }
0x23: {  	s9 =	sor.u32 $0xD0000000, s2;
	s6 =	simm.s32 $0x108;
	_ =	swait.ge @!p0 [sflag:s8], $0x0  }
0x24: {  	s3 =	sadd.s32 $0x88, s3;
	s6 =	simm.s32 @!p1 $0x1082;
	[sflag:s4] =	ssyncset.s32 $0xFFFFF086  }
0x25: {  	[simem:s6], [sflag:s4] =	dma.local [hbm:s3], $0xF7A  }
0x26: {  	[smem:$0x3F9D] =	sst s1;
	(tag) =	ssettag s2;
	_ =	strace s9  }
0x27: {  	s1 =	sld [smem:$0x3FAD]  }
0x28: {  	s2 =	sld [smem:$0x3FAE]  }
0x29: {  	s4 =	sld [smem:$0x3FB0]  }
0x2a: {  	p0 =	seq.s32 s5, $0x0;
	s5 =	sld [smem:$0x3FB1]  }
0x2b: {  	s6 =	sld [smem:$0x3FB2]  }
0x2c: {  	s7 =	sld [smem:$0x3FB3]  }
0x2d: {  	s3 =	simm.s32 $0x108;
	s8 =	sld [smem:$0x3FB4]  }
0x2e: {  	s3 =	simm.s32 @!p0 $0x1082;
	s9 =	sld [smem:$0x3FB5]  }
0x2f: {  	lr =	sadd.s32 s0, s3;
	s0 =	sld [smem:$0x3FAC]  }
0x30: {  	s3 =	sld [smem:$0x3FAF]  }
0x31: {  	[smem:$0x3FB8] =	sst s10  }
0x32: {  	s10 =	sld [smem:$0x3FB6];
	_ =	sdelay $0x3  }
0x33: {  	p0 =	seq.s32 s10, $0x1;
	s10 =	sld [smem:$0x3FB8];
	_ =	sdelay $0x3  }
0x34: {  	[smem:$0x3FB8] =	sst s10  }
0x35: {  	s10 =	sld [smem:$0x3FB7];
	_ =	sdelay $0x3  }
0x36: {  	p1 =	seq.s32 s10, $0x1;
	s10 =	sld [smem:$0x3FB8];
	_ =	sdelay $0x3  }
0x37: {  	[smem:$0x3FB8] =	sst s10  }
0x38: {  	s10 =	sld [smem:$0x3FB9]  }
0x39: {  	_ = 	snop;
	(pc) =	sbr.ind lr, $3  }
0x3a: {  	_ = 	snop  }
0x3b: {  	_ = 	snop  }
0x3c: {  	p2 =	seq.s32 s10, $0x1;
	s10 =	sld [smem:$0x3FB8]  }
0x3d: {  	_ =	shalt  }
0x3e: {  	_ =	shalt  }
0x3f: {  	_ =	shalt  }
0x40: {  	_ =	shalt  }
0x41: {  	_ =	shalt  }
0x42: {  	_ =	shalt  }
0x43: {  	_ =	shalt  }
0x44: {  	_ =	shalt  }
0x45: {  	_ =	shalt  }
0x46: {  	_ =	shalt  }
0x47: {  	_ =	shalt  }
0x48: {  	_ =	shalt  }
0x49: {  	_ =	shalt  }
0x4a: {  	_ =	shalt  }
0x4b: {  	_ =	shalt  }
0x4c: {  	_ =	shalt  }
0x4d: {  	_ =	shalt  }
0x4e: {  	_ =	shalt  }
0x4f: {  	_ =	shalt  }
0x50: {  	_ =	shalt  }
0x51: {  	_ =	shalt  }
0x52: {  	_ =	shalt  }
0x53: {  	_ =	shalt  }
0x54: {  	_ =	shalt  }
0x55: {  	_ =	shalt  }
0x56: {  	_ =	shalt  }
0x57: {  	_ =	shalt  }
0x58: {  	_ =	shalt  }
0x59: {  	_ =	shalt  }
0x5a: {  	_ =	shalt  }
0x5b: {  	_ =	shalt  }
0x5c: {  	_ =	shalt  }
0x5d: {  	_ =	shalt  }
0x5e: {  	_ =	shalt  }
0x5f: {  	_ =	shalt  }
0x60: {  	_ =	shalt  }
0x61: {  	_ =	shalt  }
0x62: {  	_ =	shalt  }
0x63: {  	_ =	shalt  }
0x64: {  	_ =	shalt  }
0x65: {  	_ =	shalt  }
0x66: {  	_ =	shalt  }
0x67: {  	_ =	shalt  }
0x68: {  	_ =	shalt  }
0x69: {  	_ =	shalt  }
0x6a: {  	_ =	shalt  }
0x6b: {  	_ =	shalt  }
0x6c: {  	_ =	shalt  }
0x6d: {  	_ =	shalt  }
0x6e: {  	_ =	shalt  }
0x6f: {  	_ =	shalt  }
0x70: {  	_ =	shalt  }
0x71: {  	_ =	shalt  }
0x72: {  	_ =	shalt  }
0x73: {  	_ =	shalt  }
0x74: {  	_ =	shalt  }
0x75: {  	_ =	shalt  }
0x76: {  	_ =	shalt  }
0x77: {  	_ =	shalt  }
0x78: {  	_ =	shalt  }
0x79: {  	_ =	shalt  }
0x7a: {  	_ =	shalt  }
0x7b: {  	_ =	shalt  }
0x7c: {  	_ =	shalt  }
0x7d: {  	_ =	shalt  }
0x7e: {  	_ =	shalt  }
0x7f: {  	_ =	shalt  }
0x80: {  	_ =	shalt  }
0x81: {  	_ =	shalt  }
0x82: {  	_ =	shalt  }
0x83: {  	_ =	shalt  }
0x84: {  	_ =	shalt  }
0x85: {  	_ =	shalt  }
0x86: {  	_ =	shalt  }
0x87: {  	_ =	shalt  }
.Lfunc_end0:
.L_simem_size_0:
called_computation_lowered:
.L_overlay_start_0:
0x88: {  	s2 =	sld [smem:$0x3FD9]  }
0x89: {  	s3 =	sld [smem:$0x3FFE];
	_ =	sdelay $0x1  }
0x8a: {  	s1 =	srdreg.scid  }
0x8b: {  	s0 =	sand.u32 $0x1, s1  }
0x8c: {  	s17 =	sshll.u32 s0, $0xA;
	s2 =	sadd.s32 s3, s2  }
0x8d: {  	s2 =	sadd.s32 s2, s17  }
0x8e: {  	[smem:$0x3FC4] =	sst s2  }
0x8f: {  	_ = 	snop  }
0x90: {  	s2 =	sld [smem:$0x3FC9]  }
0x91: {  	s18 =	sld [smem:$0x3FD0];
	(tm) =	ssettm $0x1  }
0x92: {  	s4 =	sld [smem:$0x3FFB];
	_ =	sdelay $0x3  }
0x93: {  	_ =	strace s4  }
0x94: {  	s4 =	sld [smem:$0x3FFC];
	_ =	sdelay $0x3  }
0x95: {  	_ =	strace s4  }
0x96: {  	s4 =	sld [smem:$0x3FFD];
	_ =	sdelay $0x3  }
0x97: {  	_ =	strace s4  }
0x98: {  	_ =	strace $0x8FFFFFFF  }
0x99: {  	s19 =	sld [smem:$0x3FDB];
	_ =	sdelay $0x1  }
0x9a: {  	s5 =	simm.s32 $_scs_section_size  }
0x9b: {  	s6 =	simm.s32 $_size__tile_overlayer_lowered;
	s7 =	simm.s32 $_tile_overlayer_lowered  }
0x9c: {  	s22 =	simm.s32 $0x1BFF;
	s21 =	sshll.u32 s7, $0x1;
	s4 =	sadd.s32 s5, s19  }
0x9d: {  	s8 =	simm.s32 $0x0;
	s20 =	sshll.u32 s6, $0x1;
	s6 =	sadd.s32 s21, s4  }
0x9e: {  	[timem:s8], [sflag:s22] =	dma.local [hbm:s6], s20  }
0x9f: {  	_ =	swait.ge [sflag:s22], s20  }
0xa0: {  	s5 =	ssub.s32 $0x0, s20;
	[sflag:s22] =	ssyncset.done $0x0  }
0xa1: {  	[sflag:s22] =	ssyncadd.s32 s5;
	_ =	sdelay $0x1  }
0xa2: {  	s23 =	simm.s32 $0x1B8B  }
0xa3: {  	_ =	swait.ge [sflag:s23], $0x1  }
0xa4: {  	[sflag:s23] =	ssyncset.done $0x0  }
0xa5: {  	s25 =	simm.s32 $0x1B8E;
	s24 =	sld [smem:$0x3FFE];
	[sflag:s23] =	ssyncadd.s32 $0xFFFFFFFF  }
0xa6: {  	s26 =	simm.s32 $execute0_lowered;
	[smem:$0x3FD2] =	sst s25  }
0xa7: {  	s6 =	sshll.u32 s26, $0x1;
	_ =	strace $0x80000046;
	[dreg:$0x1] =	wrdreg $0xFFFFFFFF  }
0xa8: {  	s28 =	simm.s32 $_size_execute0_lowered;
	s4 =	sadd.s32 s4, s6;
	[dreg:$0x0] =	wrdreg $0x0  }
0xa9: {  	s6 =	sshll.u32 s28, $0x1;
	[dreg:$0x2] =	wrdreg s4  }
0xaa: {  	[dreg:$0x3] =	wrdreg s6  }
0xab: {  	[dreg:$0x4] =	wrdreg $0xC0  }
0xac: {  	_ =	task [dreg:s8], $0x5FFFF  }
0xad: {  	[dreg:$0x1] =	wrdreg $0xFFFFFFFF  }
0xae: {  	[dreg:$0x0] =	wrdreg $0x60  }
0xaf: {  	[dreg:$0x2] =	wrdreg s24  }
0xb0: {  	[dreg:$0x3] =	wrdreg s2  }
0xb1: {  	[dreg:$0x4] =	wrdreg s18  }
0xb2: {  	[dreg:$0x5] =	wrdreg $0x9  }
0xb3: {  	_ =	task.clear_ibuf [dreg:s8], $0x6FFFF;
	_ =	strace $0x90000046  }
0xb4: {  	s29 =	simm.s32 $0x9;
	_ =	strace $0x80000048  }
0xb5: {  	_ =	swait.ge [sflag:s29], $0x1  }
0xb6: {  	[sflag:s29] =	ssyncadd.s32 $0xFFFFFFFF  }
0xb7: {  	_ =	strace $0x90000048  }
0xb8: {  	_ =	sfence  }
0xb9: {  	s30 =	sld [smem:$0x0];
	_ =	sdelay $0x2  }
0xba: {  	s31 =	sshll.u32 s1, $0xD;
	s1 =	sshrl.u32 s1, $0x2  }
0xbb: {  	s3 =	sand.u32 $0x4000, s31;
	s1 =	sadd.s32 s1, s30  }
0xbc: {  	s0 =	sor.u32 s3, s0;
	s1 =	sshll.u32 s1, $0x11  }
0xbd: {  	s0 =	sor.u32 s1, s0  }
0xbe: {  	s0 =	sadd.s32 $0x8F2B, s0  }
0xbf: {  	[sflag:s0] =	ssyncadd.remote.s32 $0x1  }
0xc0: {  	_ =	sfence.sel $0xFFFF  }
0xc1: {  	[dreg:$0x0] =	wrdreg $0xFFFFFFFF;
	(pc) =	sbr.abs _section_cstart, $3  }
0xc2: {  	[dreg:$0x1] =	wrdreg $0xFFFFFFFF  }
0xc3: {  	_ =	task.clear_ibuf [dreg:s8], $0x2FFFF;
	_ =	strace $0x9FFFFFFF  }
0xc4: {  	(tm) =	ssettm $0x7FFFFFFF  }
0xc5: {  	_ =	shalt  }
tec
execute0_lowered:
.L_overlay_start_1:
0x0: {  	(tag) =	ssettag $0x1  }
0x1: {  	s0 =	rddreg [dreg:$0x0]  }
0x2: {  	s1 =	rddreg [dreg:$0x1]  }
0x3: {  	s2 =	rddreg [dreg:$0x2]  }
0x4: {  	s3 =	stileid.u32;
	s5 =	srdreg.scid;
	s15 =	simm.s32 $0x3  }
0x5: {  	s16 =	simm.s32 $0x1000;
	s17 =	simm.s32 $0x2000;
	s18 =	simm.s32 $0x10000  }
0x6: {  	s19 =	simm.s32 $0x17000;
	s20 =	simm.s32 $0x18000;
	s21 =	simm.s32 $0x1  }
0x7: {  	s22 =	simm.s32 $0x2;
	s23 =	simm.s32 $0x0;
	s4 =	sshll.u32 s3, $0x6  }
0x8: {  	s3 =	simm.s32 $0x0;
	s5 =	sand.u32 $0x1, s5;
	s4 =	smin.u32 s4, $0x3A8  }
0x9: {  	[smem:$0x7FF] =	sst s3;
	s7 =	ssub.s32 $0x2, s5;
	s30 =	sshll.u32 s5, $0xC  }
0xa: {  	s31 =	sshll.u32 s5, $0x9;
	s6 =	sshll.u32 s4, $0x7;
	_ =	strace $0x80000047  }
0xb: {  	s28 =	sshrl.u32 s7, $0x1;
	s29 =	sshll.u32 s4, $0xA;
	s0 =	sadd.s32 s6, s0  }
0xc: {  	s14 =	ssub.s32 s7, s28;
	s5 =	sor.u32 s30, s29;
	s6 =	sadd.s32 s1, s31  }
0xd: {  	s4 =	sadd.s32 $0x800, s0;
	s7 =	sadd.s32 $0x2000, s5;
	s8 =	sor.u32 $0x4000, s5  }
0xe: {  	s9 =	sadd.s32 $0x6000, s5;
	s10 =	sadd.s32 $0x8000, s5;
	s11 =	sadd.s32 $0xA000, s5  }
0xf: {  	s12 =	sadd.s32 $0xC000, s5;
	s13 =	sadd.s32 $0xE000, s5;
	s14 =	smax.u32 s14, $0x1  }
.LBB2_1:
0x10: {  	[tilespmem:s3], [sflag:$0x3] =	stream.linear.gather [hbm4b:s4+s3], $0x10000, $0x38;
	[tilespmem:$0x19000] =	vst v63  }
0x11: {  	_ =	swait.ge [sflag:s15], $0x10000  }
0x12: {  	[sflag:s15] =	ssyncset.done $0x0  }
0x13: {  	[sflag:s15] =	ssyncadd.s32 $0xFFFF0000  }
0x14: {  	[tilespmem:s18], [sflag:$0x3] =	stream.strided.gather [hbm4b:s6+s16], $0x7000, s17, s16, $0x38;
	[tilespmem:$0x19000] =	vst v63  }
0x15: {  	_ =	swait.ge [sflag:s15], $0x7000  }
0x16: {  	s24 =	simm.s32 $0x0;
	[sflag:s15] =	ssyncset.done $0x0  }
0x17: {  	s25 =	simm.s32 $0x0;
	s26 =	simm.s32 $0x0;
	[sflag:s15] =	ssyncadd.s32 $0xFFFF9000  }
.LBB2_2:
0x18: {  	s0 =	sshll.u32 s25, $0x2;
	s1 =	sand.u32 $0x7, s24;
	p0 =	seq.s32 s26, $0x0  }
0x19: {  	s0 =	sand.u32 $0xFFFFC000, s0;
	s1 =	sshll.u32 s1, $0x9;
	s29 =	simm.s32 @!p0 $0x1  }
0x1a: {  	s0 =	sor.u32 s1, s0;
	_ =	swait.ge @!p0 [sflag:s29], $0x1000  }
0x1b: {  	s0 =	sshrl.u32 s0, $0x2;
	[sflag:s29] =	ssyncset.done @!p0 $0x0  }
0x1c: {  	s28 =	sadd.s32 $0x10040, s0;
	[sflag:s29] =	ssyncadd.s32 @!p0 $0xFFFFF000  }
0x1d: {  	v0 =	vld [tilespmem:s28+$0x30];
	_ =	sdelay $0x3  }
0x1e: {  	v1 =	vld [tilespmem:s28+$0xFFFFFFD0]  }
0x1f: {  	v2 =	vshll.u32 v0, $0x3  }
0x20: {  	v3 =	vld [tilespmem:s28+$0xFFFFFFE0];
	v0 =	vand.u32 $0x7F, v0;
	v2 =	vand.u32 $0xFFFFFC00, v2  }
0x21: {  	v5 =	vld [tilespmem:s28+$0xFFFFFFC0];
	v4 =	vor.u32 v0, v2;
	_ =	sdelay $0x1  }
0x22: {  	v2 =	vld [tilespmem:s28+$0xFFFFFFF0];
	v0 =	vshll.u32 v1, $0x3  }
0x23: {  	v7 =	vld [tilespmem:s28+$0x10];
	v1 =	vand.u32 $0x7F, v1;
	v8 =	vand.u32 $0xFFFFFC00, v0  }
0x24: {  	v6 =	vld [tilespmem:s28+$0x0];
	v0 =	vshll.u32 v3, $0x3;
	v1 =	vor.u32 v1, v8  }
0x25: {  	v11 =	vor.u32 $0x80, v4;
	v9 =	vand.u32 $0xFFFFFC00, v0;
	v0 =	vshll.u32 v5, $0x3;
	v10 =	vld.idx.msk [tilespmem:v4+s3+$0x0], $0xffff  }
0x26: {  	v12 =	vld [tilespmem:s28+$0x20];
	v3 =	vand.u32 $0x7F, v3;
	v5 =	vand.u32 $0x7F, v5;
	v0 =	vand.u32 $0xFFFFFC00, v0  }
0x27: {  	v0 =	vor.u32 v5, v0;
	v13 =	vshll.u32 v2, $0x3;
	v8 =	vand.u32 $0x7F, v2  }
0x28: {  	v2 =	vor.u32 v3, v9;
	v9 =	vshll.u32 v7, $0x3;
	v5 =	vand.u32 $0xFFFFFC00, v13  }
0x29: {  	s29 =	simm.s32 $0x17200;
	v13 =	vshll.u32 v6, $0x3;
	v3 =	vor.u32 v8, v5;
	v5 =	vand.u32 $0xFFFFFC00, v9;
	v9 =	vld.idx.msk [tilespmem:v1+s3+$0x0], $0xffff  }
0x2a: {  	v15 =	vor.u32 $0x80, v1;
	v6 =	vand.u32 $0x7F, v6;
	v13 =	vand.u32 $0xFFFFFC00, v13;
	[tilespmem:s29+$0xFFFFFE70] =	vst v10  }
0x2b: {  	v7 =	vand.u32 $0x7F, v7;
	v8 =	vshll.u32 v12, $0x3;
	v10 =	vor.u32 v6, v13;
	v6 =	vld.idx.msk [tilespmem:v11+s3+$0x0], $0xffff  }
0x2c: {  	v11 =	vor.u32 v7, v5;
	v5 =	vld.idx.msk [tilespmem:v0+s3+$0x0], $0xffff;
	v7 =	vand.u32 $0xFFFFFC00, v8;
	v8 =	vand.u32 $0x7F, v12  }
0x2d: {  	v13 =	vor.u32 $0x100, v4;
	v12 =	vor.u32 v8, v7;
	v7 =	vld.idx.msk [tilespmem:v2+s3+$0x0], $0xffff  }
0x2e: {  	v8 =	vor.u32 $0x80, v0;
	v14 =	vld.idx.msk [tilespmem:v3+s3+$0x0], $0xffff;
	[tilespmem:s29+$0xFFFFFE10] =	vst v9  }
0x2f: {  	v15 =	vld.idx.msk [tilespmem:v15+s3+$0x0], $0xffff  }
0x30: {  	v17 =	vor.u32 $0x80, v2;
	v16 =	vld.idx.msk [tilespmem:v10+s3+$0x0], $0xffff  }
0x31: {  	v18 =	vld.idx.msk [tilespmem:v11+s3+$0x0], $0xffff;
	[tilespmem:s29+$0xFFFFFEF0] =	vst v6;
	v6 =	vor.u32 $0x80, v3  }
0x32: {  	[tilespmem:s29+$0xFFFFFE00] =	vst v5;
	v5 =	vld.idx.msk [tilespmem:v13+s3+$0x0], $0xffff;
	v13 =	vor.u32 $0x80, v10  }
0x33: {  	v19 =	vor.u32 $0x80, v11;
	v8 =	vld.idx.msk [tilespmem:v8+s3+$0x0], $0xffff;
	[tilespmem:s29+$0xFFFFFE20] =	vst v7  }
0x34: {  	v9 =	vld.idx.msk [tilespmem:v12+s3+$0x0], $0xffff;
	v7 =	vor.u32 $0x180, v4;
	[tilespmem:s29+$0xFFFFFE30] =	vst v14  }
0x35: {  	v14 =	vor.u32 $0x80, v12;
	v17 =	vld.idx.msk [tilespmem:v17+s3+$0x0], $0xffff;
	[tilespmem:s29+$0xFFFFFE40] =	vst v16  }
0x36: {  	v16 =	vor.u32 $0x100, v0;
	v6 =	vld.idx.msk [tilespmem:v6+s3+$0x0], $0xffff;
	[tilespmem:s29+$0xFFFFFE50] =	vst v18  }
0x37: {  	v18 =	vor.u32 $0x100, v1;
	v13 =	vld.idx.msk [tilespmem:v13+s3+$0x0], $0xffff;
	[tilespmem:s29+$0xFFFFFF70] =	vst v5  }
0x38: {  	v5 =	vor.u32 $0x100, v2;
	[tilespmem:s29+$0xFFFFFE80] =	vst v8;
	v8 =	vld.idx.msk [tilespmem:v19+s3+$0x0], $0xffff  }
0x39: {  	[tilespmem:s29+$0xFFFFFE60] =	vst v9;
	v9 =	vor.u32 $0x100, v3;
	v7 =	vld.idx.msk [tilespmem:v7+s3+$0x0], $0xffff  }
0x3a: {  	[tilespmem:s29+$0xFFFFFE90] =	vst v15;
	v19 =	vor.u32 $0x100, v10;
	v14 =	vld.idx.msk [tilespmem:v14+s3+$0x0], $0xffff  }
0x3b: {  	[tilespmem:s29+$0xFFFFFEA0] =	vst v17;
	v17 =	vor.u32 $0x100, v11;
	v16 =	vld.idx.msk [tilespmem:v16+s3+$0x0], $0xffff  }
0x3c: {  	v15 =	vor.u32 $0x200, v4;
	v18 =	vld.idx.msk [tilespmem:v18+s3+$0x0], $0xffff;
	[tilespmem:s29+$0xFFFFFEB0] =	vst v6  }
0x3d: {  	v6 =	vor.u32 $0x100, v12;
	v5 =	vld.idx.msk [tilespmem:v5+s3+$0x0], $0xffff;
	[tilespmem:s29+$0xFFFFFEC0] =	vst v13  }
0x3e: {  	v13 =	vor.u32 $0x180, v0;
	v9 =	vld.idx.msk [tilespmem:v9+s3+$0x0], $0xffff;
	[tilespmem:s29+$0xFFFFFED0] =	vst v8  }
0x3f: {  	[tilespmem:s29+$0xFFFFFFF0] =	vst v7;
	v7 =	vor.u32 $0x180, v1;
	v19 =	vld.idx.msk [tilespmem:v19+s3+$0x0], $0xffff  }
0x40: {  	[tilespmem:s29+$0xFFFFFEE0] =	vst v14;
	v14 =	vld.idx.msk [tilespmem:v17+s3+$0x0], $0xffff;
	v17 =	vor.u32 $0x180, v3  }
0x41: {  	v8 =	vld.idx.msk [tilespmem:v15+s3+$0x0], $0xffff;
	v15 =	vor.u32 $0x180, v2;
	[tilespmem:s29+$0xFFFFFF00] =	vst v16  }
0x42: {  	v16 =	vor.u32 $0x280, v4;
	[tilespmem:s29+$0xFFFFFF10] =	vst v18;
	v6 =	vld.idx.msk [tilespmem:v6+s3+$0x0], $0xffff  }
0x43: {  	v18 =	vor.u32 $0x180, v10;
	v13 =	vld.idx.msk [tilespmem:v13+s3+$0x0], $0xffff;
	[tilespmem:s29+$0xFFFFFF20] =	vst v5  }
0x44: {  	v5 =	vor.u32 $0x180, v11;
	[tilespmem:s29+$0xFFFFFF30] =	vst v9;
	v7 =	vld.idx.msk [tilespmem:v7+s3+$0x0], $0xffff  }
0x45: {  	v9 =	vor.u32 $0x180, v12;
	[tilespmem:s29+$0xFFFFFF40] =	vst v19;
	v17 =	vld.idx.msk [tilespmem:v17+s3+$0x0], $0xffff  }
0x46: {  	v15 =	vld.idx.msk [tilespmem:v15+s3+$0x0], $0xffff;
	[tilespmem:s29+$0x70] =	vst v8;
	v8 =	vor.u32 $0x200, v0  }
0x47: {  	v19 =	vor.u32 $0x200, v1;
	[tilespmem:s29+$0xFFFFFF50] =	vst v14;
	v16 =	vld.idx.msk [tilespmem:v16+s3+$0x0], $0xffff  }
0x48: {  	v14 =	vld.idx.msk [tilespmem:v18+s3+$0x0], $0xffff;
	[tilespmem:s29+$0xFFFFFF60] =	vst v6;
	v6 =	vor.u32 $0x300, v4  }
0x49: {  	v18 =	vor.u32 $0x200, v2;
	[tilespmem:s29+$0xFFFFFF80] =	vst v13;
	v5 =	vld.idx.msk [tilespmem:v5+s3+$0x0], $0xffff  }
0x4a: {  	v13 =	vor.u32 $0x200, v3;
	[tilespmem:s29+$0xFFFFFF90] =	vst v7;
	v7 =	vld.idx.msk [tilespmem:v9+s3+$0x0], $0xffff  }
0x4b: {  	v9 =	vor.u32 $0x200, v10;
	v8 =	vld.idx.msk [tilespmem:v8+s3+$0x0], $0xffff;
	[tilespmem:s29+$0xFFFFFFA0] =	vst v15  }
0x4c: {  	v15 =	vor.u32 $0x200, v11;
	v19 =	vld.idx.msk [tilespmem:v19+s3+$0x0], $0xffff;
	[tilespmem:s29+$0xF0] =	vst v16  }
0x4d: {  	[tilespmem:s29+$0xFFFFFFB0] =	vst v17;
	v16 =	vor.u32 $0x200, v12;
	v6 =	vld.idx.msk [tilespmem:v6+s3+$0x0], $0xffff  }
0x4e: {  	v17 =	vor.u32 $0x280, v0;
	v18 =	vld.idx.msk [tilespmem:v18+s3+$0x0], $0xffff;
	[tilespmem:s29+$0xFFFFFFC0] =	vst v14  }
0x4f: {  	v4 =	vor.u32 $0x380, v4;
	v13 =	vld.idx.msk [tilespmem:v13+s3+$0x0], $0xffff;
	[tilespmem:s29+$0xFFFFFFD0] =	vst v5  }
0x50: {  	v5 =	vor.u32 $0x280, v1;
	v9 =	vld.idx.msk [tilespmem:v9+s3+$0x0], $0xffff;
	[tilespmem:s29+$0xFFFFFFE0] =	vst v7  }
0x51: {  	v7 =	vor.u32 $0x280, v2;
	[tilespmem:s29+$0x0] =	vst v8;
	v8 =	vld.idx.msk [tilespmem:v15+s3+$0x0], $0xffff  }
0x52: {  	v14 =	vor.u32 $0x280, v3;
	[tilespmem:s29+$0x10] =	vst v19;
	v15 =	vld.idx.msk [tilespmem:v16+s3+$0x0], $0xffff  }
0x53: {  	v16 =	vor.u32 $0x280, v10;
	v17 =	vld.idx.msk [tilespmem:v17+s3+$0x0], $0xffff;
	[tilespmem:s29+$0x170] =	vst v6  }
0x54: {  	v6 =	vor.u32 $0x280, v11;
	[tilespmem:s29+$0x20] =	vst v18;
	v4 =	vld.idx.msk [tilespmem:v4+s3+$0x0], $0xffff  }
0x55: {  	v18 =	vor.u32 $0x280, v12;
	v5 =	vld.idx.msk [tilespmem:v5+s3+$0x0], $0xffff;
	[tilespmem:s29+$0x30] =	vst v13  }
0x56: {  	v13 =	vor.u32 $0x300, v0;
	v7 =	vld.idx.msk [tilespmem:v7+s3+$0x0], $0xffff;
	[tilespmem:s29+$0x40] =	vst v9  }
0x57: {  	v9 =	vor.u32 $0x300, v1;
	v19 =	vld.idx.msk [tilespmem:v14+s3+$0x0], $0xffff;
	[tilespmem:s29+$0x50] =	vst v8  }
0x58: {  	v20 =	vor.u32 $0x300, v2;
	v21 =	vld.idx.msk [tilespmem:v16+s3+$0x0], $0xffff;
	[tilespmem:s29+$0x60] =	vst v15  }
0x59: {  	v22 =	vor.u32 $0x300, v3;
	[tilespmem:s29+$0x80] =	vst v17;
	v17 =	vld.idx.msk [tilespmem:v6+s3+$0x0], $0xffff  }
0x5a: {  	v23 =	vor.u32 $0x300, v10;
	v15 =	vld.idx.msk [tilespmem:v18+s3+$0x0], $0xffff;
	[tilespmem:s29+$0x1F0] =	vst v4  }
0x5b: {  	v14 =	vld.idx.msk [tilespmem:v13+s3+$0x0], $0xffff;
	[tilespmem:s29+$0x90] =	vst v5  }
0x5c: {  	v13 =	vld.idx.msk [tilespmem:v9+s3+$0x0], $0xffff;
	[tilespmem:s29+$0xA0] =	vst v7  }
0x5d: {  	v8 =	vor.u32 $0x300, v11;
	v6 =	vor.u32 $0x380, v1;
	v1 =	vor.u32 $0x380, v11;
	[tilespmem:s29+$0xB0] =	vst v19;
	v16 =	vld.idx.msk [tilespmem:v20+s3+$0x0], $0xffff  }
0x5e: {  	v5 =	vor.u32 $0x380, v2;
	v4 =	vor.u32 $0x380, v3;
	v2 =	vor.u32 $0x380, v10;
	v3 =	vld.idx.msk [tilespmem:v22+s3+$0x0], $0xffff;
	[tilespmem:s29+$0xC0] =	vst v21  }
0x5f: {  	s30 =	simm.s32 $0x17200;
	s0 =	simm.s32 $0x0;
	s1 =	sadd.s32 $0x400, s28;
	v7 =	vor.u32 $0x380, v0;
	v9 =	vor.u32 $0x300, v12;
	v0 =	vor.u32 $0x380, v12;
	v10 =	vld.idx.msk [tilespmem:v23+s3+$0x0], $0xffff;
	[tilespmem:s29+$0xD0] =	vst v17  }
.LBB2_3:
0x60: {  	v11 =	vld [tilespmem:s1+$0x30];
	s0 =	sadd.s32 $0x8, s0;
	[tilespmem:s29+$0xE0] =	vst v15  }
0x61: {  	v12 =	vld [tilespmem:s1+$0xFFFFFFD0];
	p1 =	slt.u32 s0, $0x18;
	[tilespmem:s29+$0x100] =	vst v14  }
0x62: {  	v14 =	vld [tilespmem:s1+$0xFFFFFFE0];
	[tilespmem:s29+$0x110] =	vst v13  }
0x63: {  	v13 =	vld [tilespmem:s1+$0xFFFFFFF0];
	[tilespmem:s29+$0x120] =	vst v16  }
0x64: {  	v15 =	vld [tilespmem:s1+$0x0];
	[tilespmem:s29+$0x130] =	vst v3  }
0x65: {  	v16 =	vld [tilespmem:s1+$0x10];
	v3 =	vshll.u32 v11, $0x3;
	[tilespmem:s29+$0x140] =	vst v10  }
0x66: {  	v11 =	vand.u32 $0x7F, v11;
	v10 =	vshll.u32 v12, $0x3;
	v17 =	vld [tilespmem:s1+$0x20];
	v3 =	vand.u32 $0xFFFFFC00, v3  }
0x67: {  	v18 =	vld [tilespmem:s1+$0xFFFFFFC0];
	v10 =	vand.u32 $0xFFFFFC00, v10;
	v19 =	vshll.u32 v14, $0x3;
	v3 =	vor.u32 v11, v3  }
0x68: {  	v11 =	vand.u32 $0x7F, v12;
	v12 =	vand.u32 $0xFFFFFC00, v19;
	v19 =	vshll.u32 v13, $0x3;
	v8 =	vld.idx.msk [tilespmem:v8+s3+$0x0], $0xffff  }
0x69: {  	v14 =	vand.u32 $0x7F, v14;
	v19 =	vand.u32 $0xFFFFFC00, v19;
	v20 =	vshll.u32 v15, $0x3;
	v9 =	vld.idx.msk [tilespmem:v9+s3+$0x0], $0xffff  }
0x6a: {  	v13 =	vand.u32 $0x7F, v13;
	v20 =	vand.u32 $0xFFFFFC00, v20;
	v21 =	vshll.u32 v16, $0x3;
	v7 =	vld.idx.msk [tilespmem:v7+s3+$0x0], $0xffff  }
0x6b: {  	v15 =	vand.u32 $0x7F, v15;
	v21 =	vand.u32 $0xFFFFFC00, v21;
	v22 =	vshll.u32 v17, $0x3;
	v6 =	vld.idx.msk [tilespmem:v6+s3+$0x0], $0xffff  }
0x6c: {  	v23 =	vand.u32 $0x7F, v18;
	v18 =	vshll.u32 v18, $0x3;
	v22 =	vand.u32 $0xFFFFFC00, v22;
	v24 =	vld.idx.msk [tilespmem:v3+s3+$0x0], $0xffff  }
0x6d: {  	v16 =	vand.u32 $0x7F, v16;
	v17 =	vand.u32 $0x7F, v17;
	v18 =	vand.u32 $0xFFFFFC00, v18;
	v5 =	vld.idx.msk [tilespmem:v5+s3+$0x0], $0xffff  }
0x6e: {  	v25 =	vor.u32 v11, v10;
	v10 =	vor.u32 $0x80, v3;
	v23 =	vor.u32 v23, v18;
	v4 =	vld.idx.msk [tilespmem:v4+s3+$0x0], $0xffff;
	[tilespmem:s29+$0x150] =	vst v8  }
0x6f: {  	v26 =	vor.u32 v14, v12;
	v27 =	vor.u32 v13, v19;
	v28 =	vor.u32 v15, v20;
	[tilespmem:s29+$0x160] =	vst v9  }
0x70: {  	v21 =	vor.u32 v16, v21;
	v22 =	vor.u32 v17, v22;
	v8 =	vor.u32 $0x80, v23;
	[tilespmem:s29+$0x180] =	vst v7;
	v2 =	vld.idx.msk [tilespmem:v2+s3+$0x0], $0xffff  }
0x71: {  	v29 =	vor.u32 $0x80, v27;
	v9 =	vor.u32 $0x80, v26;
	v7 =	vor.u32 $0x80, v25;
	s29 =	sadd.s32 $0x400, s29;
	[tilespmem:s30+$0x190] =	vst v6;
	v1 =	vld.idx.msk [tilespmem:v1+s3+$0x0], $0xffff  }
0x72: {  	v30 =	vor.u32 $0x80, v28;
	v31 =	vor.u32 $0x80, v21;
	v32 =	vor.u32 $0x80, v22;
	[tilespmem:s29+$0xFFFFFE70] =	vst v24;
	v0 =	vld.idx.msk [tilespmem:v0+s3+$0x0], $0xffff  }
0x73: {  	v33 =	vor.u32 $0x100, v25;
	v34 =	vor.u32 $0x100, v26;
	v24 =	vor.u32 $0x100, v23;
	v6 =	vld.idx.msk [tilespmem:v10+s3+$0x0], $0xffff;
	[tilespmem:s30+$0x1A0] =	vst v5  }
0x74: {  	v35 =	vor.u32 $0x100, v27;
	v36 =	vor.u32 $0x100, v28;
	v37 =	vor.u32 $0x100, v21;
	v5 =	vld.idx.msk [tilespmem:v23+s3+$0x0], $0xffff;
	[tilespmem:s30+$0x1B0] =	vst v4  }
0x75: {  	v39 =	vor.u32 $0x100, v22;
	v38 =	vor.u32 $0x180, v23;
	v10 =	vor.u32 $0x100, v3;
	v4 =	vld.idx.msk [tilespmem:v25+s3+$0x0], $0xffff  }
0x76: {  	v40 =	vor.u32 $0x180, v25;
	v41 =	vor.u32 $0x180, v26;
	v42 =	vor.u32 $0x180, v27;
	v11 =	vld.idx.msk [tilespmem:v26+s3+$0x0], $0xffff;
	[tilespmem:s30+$0x1C0] =	vst v2  }
0x77: {  	v43 =	vor.u32 $0x180, v28;
	v44 =	vor.u32 $0x180, v21;
	v45 =	vor.u32 $0x180, v22;
	v2 =	vld.idx.msk [tilespmem:v27+s3+$0x0], $0xffff;
	[tilespmem:s30+$0x1D0] =	vst v1  }
0x78: {  	v47 =	vor.u32 $0x200, v25;
	v48 =	vor.u32 $0x200, v26;
	v46 =	vor.u32 $0x200, v23;
	v1 =	vld.idx.msk [tilespmem:v28+s3+$0x0], $0xffff;
	[tilespmem:s30+$0x1E0] =	vst v0;
	s30 =	smov.u32 s29  }
0x79: {  	v49 =	vor.u32 $0x200, v27;
	v50 =	vor.u32 $0x200, v28;
	v51 =	vor.u32 $0x200, v21;
	v0 =	vld.idx.msk [tilespmem:v21+s3+$0x0], $0xffff;
	[tilespmem:s29+$0xFFFFFEF0] =	vst v6  }
0x7a: {  	v18 =	vor.u32 $0x280, v25;
	v53 =	vor.u32 $0x200, v22;
	v52 =	vor.u32 $0x280, v23;
	[tilespmem:s29+$0xFFFFFE00] =	vst v5;
	v54 =	vld.idx.msk [tilespmem:v10+s3+$0x0], $0xffff  }
0x7b: {  	v20 =	vor.u32 $0x280, v26;
	v19 =	vor.u32 $0x280, v27;
	v15 =	vor.u32 $0x280, v28;
	[tilespmem:s29+$0xFFFFFE10] =	vst v4;
	v55 =	vld.idx.msk [tilespmem:v22+s3+$0x0], $0xffff  }
0x7c: {  	v57 =	vor.u32 $0x180, v3;
	v17 =	vor.u32 $0x280, v21;
	v16 =	vor.u32 $0x280, v22;
	v56 =	vld.idx.msk [tilespmem:v8+s3+$0x0], $0xffff;
	[tilespmem:s29+$0xFFFFFE20] =	vst v11  }
0x7d: {  	v13 =	vor.u32 $0x300, v25;
	v14 =	vor.u32 $0x300, v23;
	v10 =	vor.u32 $0x300, v26;
	v58 =	vld.idx.msk [tilespmem:v7+s3+$0x0], $0xffff;
	[tilespmem:s29+$0xFFFFFE30] =	vst v2  }
0x7e: {  	v12 =	vor.u32 $0x300, v27;
	v11 =	vor.u32 $0x300, v28;
	v8 =	vor.u32 $0x300, v21;
	v59 =	vld.idx.msk [tilespmem:v9+s3+$0x0], $0xffff;
	[tilespmem:s29+$0xFFFFFE40] =	vst v1  }
0x7f: {  	v6 =	vor.u32 $0x380, v25;
	v7 =	vor.u32 $0x380, v23;
	v9 =	vor.u32 $0x300, v22;
	v23 =	vld.idx.msk [tilespmem:v29+s3+$0x0], $0xffff;
	[tilespmem:s29+$0xFFFFFE50] =	vst v0  }
0x80: {  	v5 =	vor.u32 $0x380, v26;
	v4 =	vor.u32 $0x380, v27;
	v2 =	vor.u32 $0x380, v28;
	v25 =	vld.idx.msk [tilespmem:v30+s3+$0x0], $0xffff;
	[tilespmem:s29+$0xFFFFFF70] =	vst v54  }
0x81: {  	v1 =	vor.u32 $0x380, v21;
	v0 =	vor.u32 $0x380, v22;
	[tilespmem:s29+$0xFFFFFE60] =	vst v55;
	v21 =	vld.idx.msk [tilespmem:v57+s3+$0x0], $0xffff  }
0x82: {  	[tilespmem:s29+$0xFFFFFE80] =	vst v56;
	v22 =	vld.idx.msk [tilespmem:v31+s3+$0x0], $0xffff  }
0x83: {  	v27 =	vor.u32 $0x200, v3;
	[tilespmem:s29+$0xFFFFFE90] =	vst v58;
	v26 =	vld.idx.msk [tilespmem:v32+s3+$0x0], $0xffff  }
0x84: {  	v24 =	vld.idx.msk [tilespmem:v24+s3+$0x0], $0xffff;
	[tilespmem:s29+$0xFFFFFEA0] =	vst v59  }
0x85: {  	v28 =	vld.idx.msk [tilespmem:v33+s3+$0x0], $0xffff;
	[tilespmem:s29+$0xFFFFFEB0] =	vst v23  }
0x86: {  	v23 =	vld.idx.msk [tilespmem:v34+s3+$0x0], $0xffff;
	[tilespmem:s29+$0xFFFFFEC0] =	vst v25  }
0x87: {  	v25 =	vld.idx.msk [tilespmem:v35+s3+$0x0], $0xffff;
	[tilespmem:s29+$0xFFFFFFF0] =	vst v21  }
0x88: {  	[tilespmem:s29+$0xFFFFFED0] =	vst v22;
	v21 =	vld.idx.msk [tilespmem:v27+s3+$0x0], $0xffff  }
0x89: {  	v22 =	vld.idx.msk [tilespmem:v36+s3+$0x0], $0xffff;
	[tilespmem:s29+$0xFFFFFEE0] =	vst v26  }
0x8a: {  	v26 =	vor.u32 $0x280, v3;
	[tilespmem:s29+$0xFFFFFF00] =	vst v24;
	v24 =	vld.idx.msk [tilespmem:v37+s3+$0x0], $0xffff  }
0x8b: {  	[tilespmem:s29+$0xFFFFFF10] =	vst v28;
	v27 =	vld.idx.msk [tilespmem:v39+s3+$0x0], $0xffff  }
0x8c: {  	v28 =	vld.idx.msk [tilespmem:v38+s3+$0x0], $0xffff;
	[tilespmem:s29+$0xFFFFFF20] =	vst v23  }
0x8d: {  	v23 =	vld.idx.msk [tilespmem:v40+s3+$0x0], $0xffff;
	[tilespmem:s29+$0xFFFFFF30] =	vst v25  }
0x8e: {  	v25 =	vld.idx.msk [tilespmem:v41+s3+$0x0], $0xffff;
	[tilespmem:s29+$0x70] =	vst v21  }
0x8f: {  	[tilespmem:s29+$0xFFFFFF40] =	vst v22;
	v21 =	vld.idx.msk [tilespmem:v26+s3+$0x0], $0xffff  }
0x90: {  	v22 =	vld.idx.msk [tilespmem:v42+s3+$0x0], $0xffff;
	[tilespmem:s29+$0xFFFFFF50] =	vst v24  }
0x91: {  	v26 =	vor.u32 $0x300, v3;
	v24 =	vld.idx.msk [tilespmem:v43+s3+$0x0], $0xffff;
	[tilespmem:s29+$0xFFFFFF60] =	vst v27  }
0x92: {  	[tilespmem:s29+$0xFFFFFF80] =	vst v28;
	v27 =	vld.idx.msk [tilespmem:v44+s3+$0x0], $0xffff  }
0x93: {  	[tilespmem:s29+$0xFFFFFF90] =	vst v23;
	v23 =	vld.idx.msk [tilespmem:v45+s3+$0x0], $0xffff  }
0x94: {  	v28 =	vld.idx.msk [tilespmem:v46+s3+$0x0], $0xffff;
	[tilespmem:s29+$0xFFFFFFA0] =	vst v25  }
0x95: {  	v25 =	vld.idx.msk [tilespmem:v47+s3+$0x0], $0xffff;
	[tilespmem:s29+$0xF0] =	vst v21  }
0x96: {  	[tilespmem:s29+$0xFFFFFFB0] =	vst v22;
	v21 =	vld.idx.msk [tilespmem:v26+s3+$0x0], $0xffff  }
0x97: {  	v22 =	vld.idx.msk [tilespmem:v48+s3+$0x0], $0xffff;
	[tilespmem:s29+$0xFFFFFFC0] =	vst v24  }
0x98: {  	v3 =	vor.u32 $0x380, v3;
	v24 =	vld.idx.msk [tilespmem:v49+s3+$0x0], $0xffff;
	[tilespmem:s29+$0xFFFFFFD0] =	vst v27  }
0x99: {  	v26 =	vld.idx.msk [tilespmem:v50+s3+$0x0], $0xffff;
	[tilespmem:s29+$0xFFFFFFE0] =	vst v23  }
0x9a: {  	[tilespmem:s29+$0x0] =	vst v28;
	v23 =	vld.idx.msk [tilespmem:v51+s3+$0x0], $0xffff  }
0x9b: {  	[tilespmem:s29+$0x10] =	vst v25;
	v25 =	vld.idx.msk [tilespmem:v53+s3+$0x0], $0xffff  }
0x9c: {  	v27 =	vld.idx.msk [tilespmem:v52+s3+$0x0], $0xffff;
	[tilespmem:s29+$0x170] =	vst v21  }
0x9d: {  	[tilespmem:s29+$0x20] =	vst v22;
	v3 =	vld.idx.msk [tilespmem:v3+s3+$0x0], $0xffff  }
0x9e: {  	v18 =	vld.idx.msk [tilespmem:v18+s3+$0x0], $0xffff;
	[tilespmem:s29+$0x30] =	vst v24  }
0x9f: {  	v20 =	vld.idx.msk [tilespmem:v20+s3+$0x0], $0xffff;
	[tilespmem:s29+$0x40] =	vst v26  }
0xa0: {  	v19 =	vld.idx.msk [tilespmem:v19+s3+$0x0], $0xffff;
	[tilespmem:s29+$0x50] =	vst v23  }
0xa1: {  	v21 =	vld.idx.msk [tilespmem:v15+s3+$0x0], $0xffff;
	[tilespmem:s29+$0x60] =	vst v25  }
0xa2: {  	[tilespmem:s29+$0x80] =	vst v27;
	v17 =	vld.idx.msk [tilespmem:v17+s3+$0x0], $0xffff  }
0xa3: {  	v15 =	vld.idx.msk [tilespmem:v16+s3+$0x0], $0xffff;
	[tilespmem:s29+$0x1F0] =	vst v3  }
.Ltmp0:
0xa4: {  	v14 =	vld.idx.msk [tilespmem:v14+s3+$0x0], $0xffff;
	[tilespmem:s29+$0x90] =	vst v18;
	(pc) =	sbr.rel @p1 .LBB2_3-.Ltmp0, $4  }
0xa5: {  	v13 =	vld.idx.msk [tilespmem:v13+s3+$0x0], $0xffff;
	[tilespmem:s29+$0xA0] =	vst v20  }
0xa6: {  	v16 =	vld.idx.msk [tilespmem:v10+s3+$0x0], $0xffff;
	[tilespmem:s29+$0xB0] =	vst v19  }
0xa7: {  	v3 =	vld.idx.msk [tilespmem:v12+s3+$0x0], $0xffff;
	[tilespmem:s29+$0xC0] =	vst v21  }
0xa8: {  	s1 =	sadd.s32 $0x400, s1;
	v10 =	vld.idx.msk [tilespmem:v11+s3+$0x0], $0xffff;
	[tilespmem:s29+$0xD0] =	vst v17  }
0xa9: {  	_ =	sdelay $0x2  }
0xaa: {  	[tilespmem:s29+$0xE0] =	vst v15  }
0xab: {  	[tilespmem:s29+$0x100] =	vst v14;
	v8 =	vld.idx.msk [tilespmem:v8+s3+$0x0], $0xffff  }
0xac: {  	[tilespmem:s29+$0x110] =	vst v13;
	v9 =	vld.idx.msk [tilespmem:v9+s3+$0x0], $0xffff  }
0xad: {  	v7 =	vld.idx.msk [tilespmem:v7+s3+$0x0], $0xffff;
	[tilespmem:s29+$0x120] =	vst v16  }
0xae: {  	[tilespmem:s29+$0x130] =	vst v3;
	v3 =	vld.idx.msk [tilespmem:v6+s3+$0x0], $0xffff  }
0xaf: {  	v5 =	vld.idx.msk [tilespmem:v5+s3+$0x0], $0xffff;
	[tilespmem:s29+$0x140] =	vst v10  }
0xb0: {  	v4 =	vld.idx.msk [tilespmem:v4+s3+$0x0], $0xffff;
	[tilespmem:s29+$0x150] =	vst v8  }
0xb1: {  	v2 =	vld.idx.msk [tilespmem:v2+s3+$0x0], $0xffff;
	[tilespmem:s29+$0x160] =	vst v9  }
0xb2: {  	[tilespmem:s29+$0x180] =	vst v7;
	v1 =	vld.idx.msk [tilespmem:v1+s3+$0x0], $0xffff  }
0xb3: {  	v0 =	vld.idx.msk [tilespmem:v0+s3+$0x0], $0xffff;
	[tilespmem:s30+$0x190] =	vst v3  }
0xb4: {  	s29 =	smul.u32 $0xFA000, s26;
	[tilespmem:s30+$0x1A0] =	vst v5  }
0xb5: {  	[tilespmem:s30+$0x1B0] =	vst v4  }
0xb6: {  	s0 =	sadd.s32 s5, s29;
	[tilespmem:s30+$0x1C0] =	vst v2  }
0xb7: {  	s0 =	sshrl.u32 s0, $0x3;
	[tilespmem:s30+$0x1D0] =	vst v1  }
0xb8: {  	s0 =	sadd.s32 s2, s0;
	[tilespmem:s30+$0x1E0] =	vst v0  }
0xb9: {  	[hbm4b:s0+s3] =	stream.linear.scatter [tilespmem:s19], [sflag:$0x1], $0x1000, $0x38;
	[tilespmem:$0x19000] =	vst v63  }
0xba: {  	s0 =	simm.s32 @!p0 $0x2  }
0xbb: {  	_ =	swait.ge @!p0 [sflag:s0], $0x1000  }
0xbc: {  	[sflag:s0] =	ssyncset.done @!p0 $0x0  }
0xbd: {  	[sflag:s0] =	ssyncadd.s32 @!p0 $0xFFFFF000  }
0xbe: {  	v0 =	vld [tilespmem:s28+$0x30];
	_ =	sdelay $0x1  }
0xbf: {  	v2 =	vld [tilespmem:s28+$0xFFFFFFE0]  }
0xc0: {  	v3 =	vld [tilespmem:s28+$0xFFFFFFF0]  }
0xc1: {  	v6 =	vld [tilespmem:s28+$0x0]  }
0xc2: {  	v7 =	vld [tilespmem:s28+$0xFFFFFFC0];
	v4 =	vshll.u32 v0, $0x3  }
0xc3: {  	v8 =	vld [tilespmem:s28+$0x10];
	v0 =	vand.u32 $0x7F, v0;
	v4 =	vand.u32 $0xFFFFFC00, v4  }
0xc4: {  	v5 =	vor.u32 v0, v4  }
0xc5: {  	v1 =	vld [tilespmem:s28+$0xFFFFFFD0];
	v0 =	vadd.s32 $0x2000, v5  }
0xc6: {  	v9 =	vshll.u32 v2, $0x3;
	v10 =	vshll.u32 v3, $0x3;
	v12 =	vshll.u32 v6, $0x3  }
0xc7: {  	v2 =	vand.u32 $0x7F, v2;
	v13 =	vshll.u32 v7, $0x3;
	v7 =	vand.u32 $0x7F, v7  }
0xc8: {  	v15 =	vshll.u32 v8, $0x3;
	v3 =	vand.u32 $0x7F, v3;
	v8 =	vand.u32 $0x7F, v8  }
0xc9: {  	v11 =	vld [tilespmem:s28+$0x20];
	v9 =	vand.u32 $0xFFFFFC00, v9;
	v10 =	vand.u32 $0xFFFFFC00, v10;
	v12 =	vand.u32 $0xFFFFFC00, v12  }
0xca: {  	v13 =	vand.u32 $0xFFFFFC00, v13;
	v15 =	vand.u32 $0xFFFFFC00, v15;
	v4 =	vshll.u32 v1, $0x3;
	v14 =	vld.idx.msk [tilespmem:v0+s3+$0x0], $0xffff  }
0xcb: {  	v1 =	vand.u32 $0x7F, v1;
	v0 =	vor.u32 v7, v13;
	v7 =	vadd.s32 $0x2080, v5  }
0xcc: {  	v3 =	vor.u32 v3, v10;
	v4 =	vand.u32 $0xFFFFFC00, v4;
	v13 =	vadd.s32 $0x2000, v0  }
0xcd: {  	v2 =	vor.u32 v2, v9;
	v16 =	vadd.s32 $0x2000, v3;
	v1 =	vor.u32 v1, v4  }
0xce: {  	s30 =	simm.s32 $0x18200;
	v10 =	vshll.u32 v11, $0x3;
	v4 =	vand.u32 $0x7F, v6;
	v9 =	vadd.s32 $0x2000, v1  }
0xcf: {  	v11 =	vand.u32 $0x7F, v11;
	v6 =	vadd.s32 $0x2000, v2;
	v4 =	vor.u32 v4, v12;
	[tilespmem:s30+$0xFFFFFE70] =	vst v14  }
0xd0: {  	v10 =	vand.u32 $0xFFFFFC00, v10;
	v12 =	vor.u32 v8, v15;
	v14 =	vadd.s32 $0x2000, v4;
	v7 =	vld.idx.msk [tilespmem:v7+s3+$0x0], $0xffff  }
0xd1: {  	v8 =	vld.idx.msk [tilespmem:v13+s3+$0x0], $0xffff;
	v13 =	vor.u32 v11, v10;
	v10 =	vadd.s32 $0x2000, v12  }
0xd2: {  	v15 =	vadd.s32 $0x2100, v5;
	v16 =	vld.idx.msk [tilespmem:v16+s3+$0x0], $0xffff  }
0xd3: {  	v9 =	vld.idx.msk [tilespmem:v9+s3+$0x0], $0xffff;
	v11 =	vadd.s32 $0x2000, v13  }
0xd4: {  	v6 =	vld.idx.msk [tilespmem:v6+s3+$0x0], $0xffff;
	v17 =	vadd.s32 $0x2080, v0  }
0xd5: {  	v19 =	vadd.s32 $0x2080, v3;
	v14 =	vld.idx.msk [tilespmem:v14+s3+$0x0], $0xffff;
	[tilespmem:s30+$0xFFFFFEF0] =	vst v7  }
0xd6: {  	v18 =	vadd.s32 $0x2080, v1;
	[tilespmem:s30+$0xFFFFFE00] =	vst v8;
	v8 =	vld.idx.msk [tilespmem:v10+s3+$0x0], $0xffff  }
0xd7: {  	[tilespmem:s30+$0xFFFFFE30] =	vst v16;
	v7 =	vadd.s32 $0x2080, v2;
	v15 =	vld.idx.msk [tilespmem:v15+s3+$0x0], $0xffff  }
0xd8: {  	[tilespmem:s30+$0xFFFFFE10] =	vst v9;
	v9 =	vld.idx.msk [tilespmem:v11+s3+$0x0], $0xffff;
	v11 =	vadd.s32 $0x2080, v4  }
0xd9: {  	[tilespmem:s30+$0xFFFFFE20] =	vst v6;
	v6 =	vadd.s32 $0x2080, v12;
	v17 =	vld.idx.msk [tilespmem:v17+s3+$0x0], $0xffff  }
0xda: {  	v19 =	vld.idx.msk [tilespmem:v19+s3+$0x0], $0xffff;
	v10 =	vadd.s32 $0x2180, v5  }
0xdb: {  	v16 =	vadd.s32 $0x2080, v13;
	v18 =	vld.idx.msk [tilespmem:v18+s3+$0x0], $0xffff;
	[tilespmem:s30+$0xFFFFFE40] =	vst v14  }
0xdc: {  	v14 =	vadd.s32 $0x2100, v0;
	v7 =	vld.idx.msk [tilespmem:v7+s3+$0x0], $0xffff;
	[tilespmem:s30+$0xFFFFFE50] =	vst v8  }
0xdd: {  	[tilespmem:s30+$0xFFFFFF70] =	vst v15;
	v15 =	vadd.s32 $0x2100, v1;
	v11 =	vld.idx.msk [tilespmem:v11+s3+$0x0], $0xffff  }
0xde: {  	[tilespmem:s30+$0xFFFFFE80] =	vst v17;
	v6 =	vld.idx.msk [tilespmem:v6+s3+$0x0], $0xffff;
	v17 =	vadd.s32 $0x2100, v3  }
0xdf: {  	[tilespmem:s30+$0xFFFFFE60] =	vst v9;
	v8 =	vld.idx.msk [tilespmem:v10+s3+$0x0], $0xffff;
	v10 =	vadd.s32 $0x2100, v2  }
0xe0: {  	[tilespmem:s30+$0xFFFFFE90] =	vst v18;
	v18 =	vadd.s32 $0x2100, v4;
	v16 =	vld.idx.msk [tilespmem:v16+s3+$0x0], $0xffff  }
0xe1: {  	[tilespmem:s30+$0xFFFFFEB0] =	vst v19;
	v9 =	vadd.s32 $0x2200, v5;
	v14 =	vld.idx.msk [tilespmem:v14+s3+$0x0], $0xffff  }
0xe2: {  	[tilespmem:s30+$0xFFFFFEA0] =	vst v7;
	v7 =	vadd.s32 $0x2100, v12;
	v15 =	vld.idx.msk [tilespmem:v15+s3+$0x0], $0xffff  }
0xe3: {  	v19 =	vadd.s32 $0x2100, v13;
	[tilespmem:s30+$0xFFFFFEC0] =	vst v11;
	v17 =	vld.idx.msk [tilespmem:v17+s3+$0x0], $0xffff  }
0xe4: {  	v10 =	vld.idx.msk [tilespmem:v10+s3+$0x0], $0xffff;
	[tilespmem:s30+$0xFFFFFFF0] =	vst v8;
	v8 =	vadd.s32 $0x2180, v0  }
0xe5: {  	v11 =	vadd.s32 $0x2180, v1;
	[tilespmem:s30+$0xFFFFFED0] =	vst v6;
	v6 =	vld.idx.msk [tilespmem:v18+s3+$0x0], $0xffff  }
0xe6: {  	[tilespmem:s30+$0xFFFFFEE0] =	vst v16;
	v18 =	vadd.s32 $0x2180, v2;
	v9 =	vld.idx.msk [tilespmem:v9+s3+$0x0], $0xffff  }
0xe7: {  	v16 =	vadd.s32 $0x2280, v5;
	[tilespmem:s30+$0xFFFFFF00] =	vst v14;
	v7 =	vld.idx.msk [tilespmem:v7+s3+$0x0], $0xffff  }
0xe8: {  	v14 =	vadd.s32 $0x2180, v3;
	[tilespmem:s30+$0xFFFFFF10] =	vst v15;
	v15 =	vld.idx.msk [tilespmem:v19+s3+$0x0], $0xffff  }
0xe9: {  	v19 =	vadd.s32 $0x2180, v4;
	[tilespmem:s30+$0xFFFFFF30] =	vst v17;
	v8 =	vld.idx.msk [tilespmem:v8+s3+$0x0], $0xffff  }
0xea: {  	[tilespmem:s30+$0xFFFFFF20] =	vst v10;
	v10 =	vadd.s32 $0x2180, v12;
	v11 =	vld.idx.msk [tilespmem:v11+s3+$0x0], $0xffff  }
0xeb: {  	[tilespmem:s30+$0x70] =	vst v9;
	v9 =	vadd.s32 $0x2180, v13;
	v18 =	vld.idx.msk [tilespmem:v18+s3+$0x0], $0xffff  }
0xec: {  	v17 =	vadd.s32 $0x2200, v0;
	[tilespmem:s30+$0xFFFFFF40] =	vst v6;
	v16 =	vld.idx.msk [tilespmem:v16+s3+$0x0], $0xffff  }
0xed: {  	v6 =	vld.idx.msk [tilespmem:v14+s3+$0x0], $0xffff;
	v14 =	vadd.s32 $0x2200, v1;
	[tilespmem:s30+$0xFFFFFF50] =	vst v7  }
0xee: {  	v7 =	vadd.s32 $0x2300, v5;
	v19 =	vld.idx.msk [tilespmem:v19+s3+$0x0], $0xffff;
	[tilespmem:s30+$0xFFFFFF60] =	vst v15  }
0xef: {  	v15 =	vadd.s32 $0x2200, v2;
	[tilespmem:s30+$0xFFFFFF80] =	vst v8;
	v8 =	vld.idx.msk [tilespmem:v10+s3+$0x0], $0xffff  }
0xf0: {  	v10 =	vadd.s32 $0x2200, v3;
	[tilespmem:s30+$0xFFFFFF90] =	vst v11;
	v9 =	vld.idx.msk [tilespmem:v9+s3+$0x0], $0xffff  }
0xf1: {  	v11 =	vadd.s32 $0x2200, v4;
	v17 =	vld.idx.msk [tilespmem:v17+s3+$0x0], $0xffff;
	[tilespmem:s30+$0xFFFFFFA0] =	vst v18  }
0xf2: {  	[tilespmem:s30+$0xF0] =	vst v16;
	v16 =	vadd.s32 $0x2200, v12;
	v14 =	vld.idx.msk [tilespmem:v14+s3+$0x0], $0xffff  }
0xf3: {  	v18 =	vadd.s32 $0x2200, v13;
	[tilespmem:s30+$0xFFFFFFB0] =	vst v6;
	v7 =	vld.idx.msk [tilespmem:v7+s3+$0x0], $0xffff  }
0xf4: {  	v5 =	vadd.s32 $0x2380, v5;
	v6 =	vld.idx.msk [tilespmem:v15+s3+$0x0], $0xffff;
	[tilespmem:s30+$0xFFFFFFC0] =	vst v19  }
0xf5: {  	v15 =	vadd.s32 $0x2280, v0;
	v10 =	vld.idx.msk [tilespmem:v10+s3+$0x0], $0xffff;
	[tilespmem:s30+$0xFFFFFFD0] =	vst v8  }
0xf6: {  	v8 =	vadd.s32 $0x2280, v1;
	v11 =	vld.idx.msk [tilespmem:v11+s3+$0x0], $0xffff;
	[tilespmem:s30+$0xFFFFFFE0] =	vst v9  }
0xf7: {  	v9 =	vadd.s32 $0x2280, v2;
	[tilespmem:s30+$0x0] =	vst v17;
	v16 =	vld.idx.msk [tilespmem:v16+s3+$0x0], $0xffff  }
0xf8: {  	v17 =	vadd.s32 $0x2280, v3;
	v18 =	vld.idx.msk [tilespmem:v18+s3+$0x0], $0xffff;
	[tilespmem:s30+$0x170] =	vst v7  }
0xf9: {  	[tilespmem:s30+$0x10] =	vst v14;
	v7 =	vadd.s32 $0x2280, v4;
	v5 =	vld.idx.msk [tilespmem:v5+s3+$0x0], $0xffff  }
0xfa: {  	v14 =	vadd.s32 $0x2280, v12;
	v15 =	vld.idx.msk [tilespmem:v15+s3+$0x0], $0xffff;
	[tilespmem:s30+$0x20] =	vst v6  }
0xfb: {  	v6 =	vadd.s32 $0x2280, v13;
	v19 =	vld.idx.msk [tilespmem:v8+s3+$0x0], $0xffff;
	[tilespmem:s30+$0x30] =	vst v10  }
0xfc: {  	v20 =	vadd.s32 $0x2300, v0;
	[tilespmem:s30+$0x40] =	vst v11;
	v21 =	vld.idx.msk [tilespmem:v9+s3+$0x0], $0xffff  }
0xfd: {  	v22 =	vadd.s32 $0x2300, v1;
	v23 =	vld.idx.msk [tilespmem:v17+s3+$0x0], $0xffff;
	[tilespmem:s30+$0x50] =	vst v16  }
0xfe: {  	v24 =	vadd.s32 $0x2300, v2;
	[tilespmem:s30+$0x60] =	vst v18;
	v16 =	vld.idx.msk [tilespmem:v7+s3+$0x0], $0xffff  }
0xff: {  	v17 =	vld.idx.msk [tilespmem:v14+s3+$0x0], $0xffff;
	[tilespmem:s30+$0x1F0] =	vst v5  }
0x100: {  	v11 =	vadd.s32 $0x2300, v3;
	v10 =	vadd.s32 $0x2300, v4;
	[tilespmem:s30+$0x80] =	vst v15;
	v15 =	vld.idx.msk [tilespmem:v6+s3+$0x0], $0xffff  }
0x101: {  	v8 =	vadd.s32 $0x2300, v13;
	v3 =	vadd.s32 $0x2380, v3;
	v9 =	vadd.s32 $0x2300, v12;
	v18 =	vld.idx.msk [tilespmem:v20+s3+$0x0], $0xffff;
	[tilespmem:s30+$0x90] =	vst v19  }
0x102: {  	v7 =	vadd.s32 $0x2380, v0;
	v0 =	vadd.s32 $0x2380, v13;
	v6 =	vadd.s32 $0x2380, v1;
	v14 =	vld.idx.msk [tilespmem:v22+s3+$0x0], $0xffff;
	[tilespmem:s30+$0xA0] =	vst v21  }
0x103: {  	s1 =	sadd.s32 $0x400, s28;
	s31 =	simm.s32 $0x18200;
	s0 =	simm.s32 $0x0;
	v5 =	vadd.s32 $0x2380, v2;
	v2 =	vadd.s32 $0x2380, v4;
	v1 =	vadd.s32 $0x2380, v12;
	[tilespmem:s30+$0xB0] =	vst v23;
	v4 =	vld.idx.msk [tilespmem:v24+s3+$0x0], $0xffff  }
.LBB2_5:
0x104: {  	v12 =	vld [tilespmem:s1+$0x30];
	s0 =	sadd.s32 $0x8, s0;
	[tilespmem:s30+$0xC0] =	vst v16  }
0x105: {  	v13 =	vld [tilespmem:s1+$0xFFFFFFD0];
	p0 =	slt.u32 s0, $0x18;
	[tilespmem:s30+$0xD0] =	vst v17  }
0x106: {  	v16 =	vld [tilespmem:s1+$0xFFFFFFE0];
	[tilespmem:s30+$0xE0] =	vst v15  }
0x107: {  	v15 =	vld [tilespmem:s1+$0xFFFFFFF0];
	[tilespmem:s30+$0x100] =	vst v18  }
0x108: {  	v17 =	vld [tilespmem:s1+$0x0];
	[tilespmem:s30+$0x110] =	vst v14  }
0x109: {  	v14 =	vld [tilespmem:s1+$0x10];
	v18 =	vshll.u32 v12, $0x3;
	[tilespmem:s30+$0x120] =	vst v4  }
0x10a: {  	v12 =	vand.u32 $0x7F, v12;
	v4 =	vshll.u32 v13, $0x3;
	v19 =	vld [tilespmem:s1+$0x20];
	v18 =	vand.u32 $0xFFFFFC00, v18  }
0x10b: {  	v20 =	vld [tilespmem:s1+$0xFFFFFFC0];
	v21 =	vand.u32 $0xFFFFFC00, v4;
	v22 =	vshll.u32 v16, $0x3;
	v4 =	vor.u32 v12, v18  }
0x10c: {  	v12 =	vand.u32 $0xFFFFFC00, v22;
	v18 =	vshll.u32 v15, $0x3;
	v22 =	vadd.s32 $0x2000, v4;
	v11 =	vld.idx.msk [tilespmem:v11+s3+$0x0], $0xffff  }
0x10d: {  	v13 =	vand.u32 $0x7F, v13;
	v18 =	vand.u32 $0xFFFFFC00, v18;
	v23 =	vshll.u32 v17, $0x3;
	v10 =	vld.idx.msk [tilespmem:v10+s3+$0x0], $0xffff  }
0x10e: {  	v16 =	vand.u32 $0x7F, v16;
	v23 =	vand.u32 $0xFFFFFC00, v23;
	v24 =	vshll.u32 v14, $0x3;
	v9 =	vld.idx.msk [tilespmem:v9+s3+$0x0], $0xffff  }
0x10f: {  	v15 =	vand.u32 $0x7F, v15;
	v24 =	vand.u32 $0xFFFFFC00, v24;
	v25 =	vshll.u32 v19, $0x3;
	v8 =	vld.idx.msk [tilespmem:v8+s3+$0x0], $0xffff  }
0x110: {  	v26 =	vand.u32 $0x7F, v20;
	v20 =	vshll.u32 v20, $0x3;
	v25 =	vand.u32 $0xFFFFFC00, v25;
	v7 =	vld.idx.msk [tilespmem:v7+s3+$0x0], $0xffff  }
0x111: {  	v17 =	vand.u32 $0x7F, v17;
	v14 =	vand.u32 $0x7F, v14;
	v20 =	vand.u32 $0xFFFFFC00, v20;
	v22 =	vld.idx.msk [tilespmem:v22+s3+$0x0], $0xffff  }
0x112: {  	v21 =	vor.u32 v13, v21;
	v13 =	vand.u32 $0x7F, v19;
	v20 =	vor.u32 v26, v20;
	v6 =	vld.idx.msk [tilespmem:v6+s3+$0x0], $0xffff;
	[tilespmem:s30+$0x130] =	vst v11  }
0x113: {  	v18 =	vor.u32 v15, v18;
	v19 =	vor.u32 v16, v12;
	v11 =	vadd.s32 $0x2080, v4;
	v5 =	vld.idx.msk [tilespmem:v5+s3+$0x0], $0xffff;
	[tilespmem:s30+$0x140] =	vst v10  }
0x114: {  	v23 =	vor.u32 v17, v23;
	v24 =	vor.u32 v14, v24;
	v25 =	vor.u32 v13, v25;
	[tilespmem:s30+$0x150] =	vst v9  }
0x115: {  	v12 =	vadd.s32 $0x2000, v19;
	v10 =	vadd.s32 $0x2000, v21;
	v9 =	vadd.s32 $0x2000, v20;
	v3 =	vld.idx.msk [tilespmem:v3+s3+$0x0], $0xffff;
	[tilespmem:s30+$0x160] =	vst v8  }
0x116: {  	v13 =	vadd.s32 $0x2000, v23;
	v14 =	vadd.s32 $0x2000, v24;
	v8 =	vadd.s32 $0x2000, v18;
	s30 =	sadd.s32 $0x400, s30;
	[tilespmem:s31+$0x180] =	vst v7;
	v2 =	vld.idx.msk [tilespmem:v2+s3+$0x0], $0xffff  }
0x117: {  	v15 =	vadd.s32 $0x2080, v21;
	v16 =	vadd.s32 $0x2000, v25;
	v7 =	vadd.s32 $0x2080, v20;
	[tilespmem:s30+$0xFFFFFE70] =	vst v22;
	v1 =	vld.idx.msk [tilespmem:v1+s3+$0x0], $0xffff  }
0x118: {  	v27 =	vadd.s32 $0x2080, v23;
	v26 =	vadd.s32 $0x2080, v18;
	v22 =	vadd.s32 $0x2080, v19;
	v11 =	vld.idx.msk [tilespmem:v11+s3+$0x0], $0xffff;
	[tilespmem:s31+$0x190] =	vst v6  }
0x119: {  	v29 =	vadd.s32 $0x2080, v24;
	v30 =	vadd.s32 $0x2080, v25;
	v28 =	vadd.s32 $0x2100, v20;
	[tilespmem:s31+$0x1A0] =	vst v5;
	v0 =	vld.idx.msk [tilespmem:v0+s3+$0x0], $0xffff  }
0x11a: {  	v31 =	vadd.s32 $0x2100, v21;
	v32 =	vadd.s32 $0x2100, v19;
	v6 =	vadd.s32 $0x2100, v4;
	v5 =	vld.idx.msk [tilespmem:v9+s3+$0x0], $0xffff  }
0x11b: {  	v33 =	vadd.s32 $0x2100, v18;
	v34 =	vadd.s32 $0x2100, v23;
	v35 =	vadd.s32 $0x2100, v24;
	v9 =	vld.idx.msk [tilespmem:v10+s3+$0x0], $0xffff;
	[tilespmem:s31+$0x1B0] =	vst v3  }
0x11c: {  	v37 =	vadd.s32 $0x2180, v21;
	v38 =	vadd.s32 $0x2100, v25;
	v36 =	vadd.s32 $0x2180, v20;
	v3 =	vld.idx.msk [tilespmem:v12+s3+$0x0], $0xffff;
	[tilespmem:s31+$0x1C0] =	vst v2  }
0x11d: {  	v40 =	vadd.s32 $0x2180, v18;
	v39 =	vadd.s32 $0x2180, v19;
	v41 =	vadd.s32 $0x2180, v23;
	v2 =	vld.idx.msk [tilespmem:v8+s3+$0x0], $0xffff;
	[tilespmem:s31+$0x1D0] =	vst v1  }
0x11e: {  	v43 =	vadd.s32 $0x2180, v24;
	v44 =	vadd.s32 $0x2180, v25;
	v42 =	vadd.s32 $0x2200, v20;
	v1 =	vld.idx.msk [tilespmem:v13+s3+$0x0], $0xffff;
	[tilespmem:s30+$0xFFFFFEF0] =	vst v11  }
0x11f: {  	v45 =	vadd.s32 $0x2200, v21;
	v47 =	vadd.s32 $0x2200, v18;
	v46 =	vadd.s32 $0x2200, v19;
	v6 =	vld.idx.msk [tilespmem:v6+s3+$0x0], $0xffff;
	[tilespmem:s31+$0x1E0] =	vst v0;
	s31 =	smov.u32 s30  }
0x120: {  	v48 =	vadd.s32 $0x2200, v23;
	v49 =	vadd.s32 $0x2200, v24;
	v50 =	vadd.s32 $0x2200, v25;
	[tilespmem:s30+$0xFFFFFE00] =	vst v5;
	v0 =	vld.idx.msk [tilespmem:v14+s3+$0x0], $0xffff  }
0x121: {  	v53 =	vadd.s32 $0x2180, v4;
	v17 =	vadd.s32 $0x2280, v21;
	v51 =	vadd.s32 $0x2280, v20;
	[tilespmem:s30+$0xFFFFFE10] =	vst v9;
	v52 =	vld.idx.msk [tilespmem:v16+s3+$0x0], $0xffff  }
0x122: {  	v56 =	vadd.s32 $0x2280, v18;
	v55 =	vadd.s32 $0x2280, v19;
	v16 =	vadd.s32 $0x2280, v23;
	v54 =	vld.idx.msk [tilespmem:v7+s3+$0x0], $0xffff;
	[tilespmem:s30+$0xFFFFFE20] =	vst v3  }
0x123: {  	v58 =	vadd.s32 $0x2280, v24;
	v12 =	vadd.s32 $0x2300, v20;
	v57 =	vld.idx.msk [tilespmem:v15+s3+$0x0], $0xffff;
	[tilespmem:s30+$0xFFFFFE30] =	vst v2;
	v15 =	vadd.s32 $0x2280, v25  }
0x124: {  	v13 =	vadd.s32 $0x2300, v19;
	v11 =	vadd.s32 $0x2300, v18;
	v14 =	vadd.s32 $0x2300, v21;
	v22 =	vld.idx.msk [tilespmem:v22+s3+$0x0], $0xffff;
	[tilespmem:s30+$0xFFFFFE40] =	vst v1  }
0x125: {  	v10 =	vadd.s32 $0x2300, v23;
	v8 =	vadd.s32 $0x2300, v25;
	v9 =	vadd.s32 $0x2300, v24;
	v26 =	vld.idx.msk [tilespmem:v26+s3+$0x0], $0xffff;
	[tilespmem:s30+$0xFFFFFF70] =	vst v6  }
0x126: {  	v5 =	vadd.s32 $0x2380, v19;
	v7 =	vadd.s32 $0x2380, v20;
	v6 =	vadd.s32 $0x2380, v21;
	[tilespmem:s30+$0xFFFFFE50] =	vst v0;
	v19 =	vld.idx.msk [tilespmem:v53+s3+$0x0], $0xffff  }
0x127: {  	v3 =	vadd.s32 $0x2380, v18;
	v2 =	vadd.s32 $0x2380, v23;
	v1 =	vadd.s32 $0x2380, v24;
	v18 =	vld.idx.msk [tilespmem:v27+s3+$0x0], $0xffff;
	[tilespmem:s30+$0xFFFFFE60] =	vst v52  }
0x128: {  	v21 =	vadd.s32 $0x2200, v4;
	v0 =	vadd.s32 $0x2380, v25;
	[tilespmem:s30+$0xFFFFFE80] =	vst v54;
	v20 =	vld.idx.msk [tilespmem:v29+s3+$0x0], $0xffff  }
0x129: {  	[tilespmem:s30+$0xFFFFFE90] =	vst v57;
	v23 =	vld.idx.msk [tilespmem:v30+s3+$0x0], $0xffff  }
0x12a: {  	v24 =	vld.idx.msk [tilespmem:v28+s3+$0x0], $0xffff;
	[tilespmem:s30+$0xFFFFFEA0] =	vst v22  }
0x12b: {  	v22 =	vld.idx.msk [tilespmem:v31+s3+$0x0], $0xffff;
	[tilespmem:s30+$0xFFFFFEB0] =	vst v26  }
0x12c: {  	v25 =	vld.idx.msk [tilespmem:v32+s3+$0x0], $0xffff;
	[tilespmem:s30+$0xFFFFFFF0] =	vst v19  }
0x12d: {  	[tilespmem:s30+$0xFFFFFEC0] =	vst v18;
	v18 =	vld.idx.msk [tilespmem:v21+s3+$0x0], $0xffff  }
0x12e: {  	v19 =	vld.idx.msk [tilespmem:v33+s3+$0x0], $0xffff;
	[tilespmem:s30+$0xFFFFFED0] =	vst v20  }
0x12f: {  	v21 =	vadd.s32 $0x2280, v4;
	v20 =	vld.idx.msk [tilespmem:v34+s3+$0x0], $0xffff;
	[tilespmem:s30+$0xFFFFFEE0] =	vst v23  }
0x130: {  	[tilespmem:s30+$0xFFFFFF00] =	vst v24;
	v23 =	vld.idx.msk [tilespmem:v35+s3+$0x0], $0xffff  }
0x131: {  	[tilespmem:s30+$0xFFFFFF10] =	vst v22;
	v22 =	vld.idx.msk [tilespmem:v38+s3+$0x0], $0xffff  }
0x132: {  	v24 =	vld.idx.msk [tilespmem:v36+s3+$0x0], $0xffff;
	[tilespmem:s30+$0xFFFFFF20] =	vst v25  }
0x133: {  	v25 =	vld.idx.msk [tilespmem:v37+s3+$0x0], $0xffff;
	[tilespmem:s30+$0x70] =	vst v18  }
0x134: {  	[tilespmem:s30+$0xFFFFFF30] =	vst v19;
	v18 =	vld.idx.msk [tilespmem:v21+s3+$0x0], $0xffff  }
0x135: {  	v19 =	vld.idx.msk [tilespmem:v39+s3+$0x0], $0xffff;
	[tilespmem:s30+$0xFFFFFF40] =	vst v20  }
0x136: {  	v21 =	vadd.s32 $0x2300, v4;
	v20 =	vld.idx.msk [tilespmem:v40+s3+$0x0], $0xffff;
	[tilespmem:s30+$0xFFFFFF50] =	vst v23  }
0x137: {  	v23 =	vld.idx.msk [tilespmem:v41+s3+$0x0], $0xffff;
	[tilespmem:s30+$0xFFFFFF60] =	vst v22  }
0x138: {  	[tilespmem:s30+$0xFFFFFF80] =	vst v24;
	v22 =	vld.idx.msk [tilespmem:v43+s3+$0x0], $0xffff  }
0x139: {  	[tilespmem:s30+$0xFFFFFF90] =	vst v25;
	v24 =	vld.idx.msk [tilespmem:v44+s3+$0x0], $0xffff  }
0x13a: {  	v25 =	vld.idx.msk [tilespmem:v42+s3+$0x0], $0xffff;
	[tilespmem:s30+$0xF0] =	vst v18  }
0x13b: {  	[tilespmem:s30+$0xFFFFFFA0] =	vst v19;
	v18 =	vld.idx.msk [tilespmem:v21+s3+$0x0], $0xffff  }
0x13c: {  	v19 =	vld.idx.msk [tilespmem:v45+s3+$0x0], $0xffff;
	[tilespmem:s30+$0xFFFFFFB0] =	vst v20  }
0x13d: {  	v4 =	vadd.s32 $0x2380, v4;
	v20 =	vld.idx.msk [tilespmem:v46+s3+$0x0], $0xffff;
	[tilespmem:s30+$0xFFFFFFC0] =	vst v23  }
0x13e: {  	v21 =	vld.idx.msk [tilespmem:v47+s3+$0x0], $0xffff;
	[tilespmem:s30+$0xFFFFFFD0] =	vst v22  }
0x13f: {  	v22 =	vld.idx.msk [tilespmem:v48+s3+$0x0], $0xffff;
	[tilespmem:s30+$0xFFFFFFE0] =	vst v24  }
0x140: {  	[tilespmem:s30+$0x0] =	vst v25;
	v23 =	vld.idx.msk [tilespmem:v49+s3+$0x0], $0xffff  }
0x141: {  	v24 =	vld.idx.msk [tilespmem:v50+s3+$0x0], $0xffff;
	[tilespmem:s30+$0x170] =	vst v18  }
0x142: {  	[tilespmem:s30+$0x10] =	vst v19;
	v4 =	vld.idx.msk [tilespmem:v4+s3+$0x0], $0xffff  }
0x143: {  	v18 =	vld.idx.msk [tilespmem:v51+s3+$0x0], $0xffff;
	[tilespmem:s30+$0x20] =	vst v20  }
0x144: {  	v19 =	vld.idx.msk [tilespmem:v17+s3+$0x0], $0xffff;
	[tilespmem:s30+$0x30] =	vst v21  }
0x145: {  	v20 =	vld.idx.msk [tilespmem:v55+s3+$0x0], $0xffff;
	[tilespmem:s30+$0x40] =	vst v22  }
0x146: {  	v21 =	vld.idx.msk [tilespmem:v56+s3+$0x0], $0xffff;
	[tilespmem:s30+$0x50] =	vst v23  }
0x147: {  	v16 =	vld.idx.msk [tilespmem:v16+s3+$0x0], $0xffff;
	[tilespmem:s30+$0x60] =	vst v24  }
.Ltmp1:
0x148: {  	v17 =	vld.idx.msk [tilespmem:v58+s3+$0x0], $0xffff;
	[tilespmem:s30+$0x1F0] =	vst v4;
	(pc) =	sbr.rel @p0 .LBB2_5-.Ltmp1, $4  }
0x149: {  	[tilespmem:s30+$0x80] =	vst v18;
	v15 =	vld.idx.msk [tilespmem:v15+s3+$0x0], $0xffff  }
0x14a: {  	v18 =	vld.idx.msk [tilespmem:v12+s3+$0x0], $0xffff;
	[tilespmem:s30+$0x90] =	vst v19  }
0x14b: {  	v14 =	vld.idx.msk [tilespmem:v14+s3+$0x0], $0xffff;
	[tilespmem:s30+$0xA0] =	vst v20  }
0x14c: {  	s1 =	sadd.s32 $0x400, s1;
	v4 =	vld.idx.msk [tilespmem:v13+s3+$0x0], $0xffff;
	[tilespmem:s30+$0xB0] =	vst v21  }
0x14d: {  	_ =	sdelay $0x2  }
0x14e: {  	[tilespmem:s30+$0xC0] =	vst v16  }
0x14f: {  	[tilespmem:s30+$0xD0] =	vst v17;
	v11 =	vld.idx.msk [tilespmem:v11+s3+$0x0], $0xffff  }
0x150: {  	[tilespmem:s30+$0xE0] =	vst v15;
	v10 =	vld.idx.msk [tilespmem:v10+s3+$0x0], $0xffff  }
0x151: {  	v9 =	vld.idx.msk [tilespmem:v9+s3+$0x0], $0xffff;
	[tilespmem:s30+$0x100] =	vst v18  }
0x152: {  	v8 =	vld.idx.msk [tilespmem:v8+s3+$0x0], $0xffff;
	[tilespmem:s30+$0x110] =	vst v14  }
0x153: {  	[tilespmem:s30+$0x120] =	vst v4;
	v4 =	vld.idx.msk [tilespmem:v7+s3+$0x0], $0xffff  }
0x154: {  	v6 =	vld.idx.msk [tilespmem:v6+s3+$0x0], $0xffff;
	[tilespmem:s30+$0x130] =	vst v11  }
0x155: {  	v5 =	vld.idx.msk [tilespmem:v5+s3+$0x0], $0xffff;
	[tilespmem:s30+$0x140] =	vst v10  }
0x156: {  	[tilespmem:s30+$0x150] =	vst v9;
	v3 =	vld.idx.msk [tilespmem:v3+s3+$0x0], $0xffff  }
0x157: {  	[tilespmem:s30+$0x160] =	vst v8;
	v2 =	vld.idx.msk [tilespmem:v2+s3+$0x0], $0xffff  }
0x158: {  	v1 =	vld.idx.msk [tilespmem:v1+s3+$0x0], $0xffff;
	[tilespmem:s31+$0x180] =	vst v4  }
0x159: {  	v0 =	vld.idx.msk [tilespmem:v0+s3+$0x0], $0xffff;
	[tilespmem:s31+$0x190] =	vst v6  }
0x15a: {  	[tilespmem:s31+$0x1A0] =	vst v5  }
0x15b: {  	[tilespmem:s31+$0x1B0] =	vst v3  }
0x15c: {  	s0 =	sadd.s32 s29, s7;
	[tilespmem:s31+$0x1C0] =	vst v2  }
0x15d: {  	s0 =	sshrl.u32 s0, $0x3;
	[tilespmem:s31+$0x1D0] =	vst v1  }
0x15e: {  	s0 =	sadd.s32 s2, s0;
	[tilespmem:s31+$0x1E0] =	vst v0  }
0x15f: {  	[hbm4b:s0+s3] =	stream.linear.scatter [tilespmem:s20], [sflag:$0x2], $0x1000, $0x38;
	[tilespmem:$0x19000] =	vst v63  }
0x160: {  	_ =	swait.ge [sflag:s21], $0x1000  }
0x161: {  	[sflag:s21] =	ssyncset.done $0x0  }
0x162: {  	[sflag:s21] =	ssyncadd.s32 $0xFFFFF000  }
0x163: {  	v0 =	vld [tilespmem:s28+$0x30];
	_ =	sdelay $0x1  }
0x164: {  	v2 =	vld [tilespmem:s28+$0xFFFFFFE0]  }
0x165: {  	v3 =	vld [tilespmem:s28+$0xFFFFFFF0]  }
0x166: {  	v6 =	vld [tilespmem:s28+$0x0]  }
0x167: {  	v7 =	vld [tilespmem:s28+$0xFFFFFFC0];
	v4 =	vshll.u32 v0, $0x3  }
0x168: {  	v8 =	vld [tilespmem:s28+$0x10];
	v0 =	vand.u32 $0x7F, v0;
	v4 =	vand.u32 $0xFFFFFC00, v4  }
0x169: {  	v5 =	vor.u32 v0, v4  }
0x16a: {  	v1 =	vld [tilespmem:s28+$0xFFFFFFD0];
	v0 =	vadd.s32 $0x4000, v5  }
0x16b: {  	v9 =	vshll.u32 v2, $0x3;
	v10 =	vshll.u32 v3, $0x3;
	v12 =	vshll.u32 v6, $0x3  }
0x16c: {  	v2 =	vand.u32 $0x7F, v2;
	v13 =	vshll.u32 v7, $0x3;
	v7 =	vand.u32 $0x7F, v7  }
0x16d: {  	v15 =	vshll.u32 v8, $0x3;
	v3 =	vand.u32 $0x7F, v3;
	v8 =	vand.u32 $0x7F, v8  }
0x16e: {  	v11 =	vld [tilespmem:s28+$0x20];
	v9 =	vand.u32 $0xFFFFFC00, v9;
	v10 =	vand.u32 $0xFFFFFC00, v10;
	v12 =	vand.u32 $0xFFFFFC00, v12  }
0x16f: {  	v13 =	vand.u32 $0xFFFFFC00, v13;
	v15 =	vand.u32 $0xFFFFFC00, v15;
	v4 =	vshll.u32 v1, $0x3;
	v14 =	vld.idx.msk [tilespmem:v0+s3+$0x0], $0xffff  }
0x170: {  	v1 =	vand.u32 $0x7F, v1;
	v0 =	vor.u32 v7, v13;
	v7 =	vadd.s32 $0x4080, v5  }
0x171: {  	v3 =	vor.u32 v3, v10;
	v4 =	vand.u32 $0xFFFFFC00, v4;
	v13 =	vadd.s32 $0x4000, v0  }
0x172: {  	v2 =	vor.u32 v2, v9;
	v16 =	vadd.s32 $0x4000, v3;
	v1 =	vor.u32 v1, v4  }
0x173: {  	s30 =	simm.s32 $0x17200;
	v10 =	vshll.u32 v11, $0x3;
	v4 =	vand.u32 $0x7F, v6;
	v9 =	vadd.s32 $0x4000, v1  }
0x174: {  	v11 =	vand.u32 $0x7F, v11;
	v6 =	vadd.s32 $0x4000, v2;
	v4 =	vor.u32 v4, v12;
	[tilespmem:s30+$0xFFFFFE70] =	vst v14  }
0x175: {  	v10 =	vand.u32 $0xFFFFFC00, v10;
	v12 =	vor.u32 v8, v15;
	v14 =	vadd.s32 $0x4000, v4;
	v7 =	vld.idx.msk [tilespmem:v7+s3+$0x0], $0xffff  }
0x176: {  	v8 =	vld.idx.msk [tilespmem:v13+s3+$0x0], $0xffff;
	v13 =	vor.u32 v11, v10;
	v10 =	vadd.s32 $0x4000, v12  }
0x177: {  	v15 =	vadd.s32 $0x4100, v5;
	v16 =	vld.idx.msk [tilespmem:v16+s3+$0x0], $0xffff  }
0x178: {  	v9 =	vld.idx.msk [tilespmem:v9+s3+$0x0], $0xffff;
	v11 =	vadd.s32 $0x4000, v13  }
0x179: {  	v6 =	vld.idx.msk [tilespmem:v6+s3+$0x0], $0xffff;
	v17 =	vadd.s32 $0x4080, v0  }
0x17a: {  	v19 =	vadd.s32 $0x4080, v3;
	v14 =	vld.idx.msk [tilespmem:v14+s3+$0x0], $0xffff;
	[tilespmem:s30+$0xFFFFFEF0] =	vst v7  }
0x17b: {  	v18 =	vadd.s32 $0x4080, v1;
	[tilespmem:s30+$0xFFFFFE00] =	vst v8;
	v8 =	vld.idx.msk [tilespmem:v10+s3+$0x0], $0xffff  }
0x17c: {  	[tilespmem:s30+$0xFFFFFE30] =	vst v16;
	v7 =	vadd.s32 $0x4080, v2;
	v15 =	vld.idx.msk [tilespmem:v15+s3+$0x0], $0xffff  }
0x17d: {  	[tilespmem:s30+$0xFFFFFE10] =	vst v9;
	v9 =	vld.idx.msk [tilespmem:v11+s3+$0x0], $0xffff;
	v11 =	vadd.s32 $0x4080, v4  }
0x17e: {  	[tilespmem:s30+$0xFFFFFE20] =	vst v6;
	v6 =	vadd.s32 $0x4080, v12;
	v17 =	vld.idx.msk [tilespmem:v17+s3+$0x0], $0xffff  }
0x17f: {  	v19 =	vld.idx.msk [tilespmem:v19+s3+$0x0], $0xffff;
	v10 =	vadd.s32 $0x4180, v5  }
0x180: {  	v16 =	vadd.s32 $0x4080, v13;
	v18 =	vld.idx.msk [tilespmem:v18+s3+$0x0], $0xffff;
	[tilespmem:s30+$0xFFFFFE40] =	vst v14  }
0x181: {  	v14 =	vadd.s32 $0x4100, v0;
	v7 =	vld.idx.msk [tilespmem:v7+s3+$0x0], $0xffff;
	[tilespmem:s30+$0xFFFFFE50] =	vst v8  }
0x182: {  	[tilespmem:s30+$0xFFFFFF70] =	vst v15;
	v15 =	vadd.s32 $0x4100, v1;
	v11 =	vld.idx.msk [tilespmem:v11+s3+$0x0], $0xffff  }
0x183: {  	[tilespmem:s30+$0xFFFFFE80] =	vst v17;
	v6 =	vld.idx.msk [tilespmem:v6+s3+$0x0], $0xffff;
	v17 =	vadd.s32 $0x4100, v3  }
0x184: {  	[tilespmem:s30+$0xFFFFFE60] =	vst v9;
	v8 =	vld.idx.msk [tilespmem:v10+s3+$0x0], $0xffff;
	v10 =	vadd.s32 $0x4100, v2  }
0x185: {  	[tilespmem:s30+$0xFFFFFE90] =	vst v18;
	v18 =	vadd.s32 $0x4100, v4;
	v16 =	vld.idx.msk [tilespmem:v16+s3+$0x0], $0xffff  }
0x186: {  	[tilespmem:s30+$0xFFFFFEB0] =	vst v19;
	v9 =	vadd.s32 $0x4200, v5;
	v14 =	vld.idx.msk [tilespmem:v14+s3+$0x0], $0xffff  }
0x187: {  	[tilespmem:s30+$0xFFFFFEA0] =	vst v7;
	v7 =	vadd.s32 $0x4100, v12;
	v15 =	vld.idx.msk [tilespmem:v15+s3+$0x0], $0xffff  }
0x188: {  	v19 =	vadd.s32 $0x4100, v13;
	[tilespmem:s30+$0xFFFFFEC0] =	vst v11;
	v17 =	vld.idx.msk [tilespmem:v17+s3+$0x0], $0xffff  }
0x189: {  	v10 =	vld.idx.msk [tilespmem:v10+s3+$0x0], $0xffff;
	[tilespmem:s30+$0xFFFFFFF0] =	vst v8;
	v8 =	vadd.s32 $0x4180, v0  }
0x18a: {  	v11 =	vadd.s32 $0x4180, v1;
	[tilespmem:s30+$0xFFFFFED0] =	vst v6;
	v6 =	vld.idx.msk [tilespmem:v18+s3+$0x0], $0xffff  }
0x18b: {  	[tilespmem:s30+$0xFFFFFEE0] =	vst v16;
	v18 =	vadd.s32 $0x4180, v2;
	v9 =	vld.idx.msk [tilespmem:v9+s3+$0x0], $0xffff  }
0x18c: {  	v16 =	vadd.s32 $0x4280, v5;
	[tilespmem:s30+$0xFFFFFF00] =	vst v14;
	v7 =	vld.idx.msk [tilespmem:v7+s3+$0x0], $0xffff  }
0x18d: {  	v14 =	vadd.s32 $0x4180, v3;
	[tilespmem:s30+$0xFFFFFF10] =	vst v15;
	v15 =	vld.idx.msk [tilespmem:v19+s3+$0x0], $0xffff  }
0x18e: {  	v19 =	vadd.s32 $0x4180, v4;
	[tilespmem:s30+$0xFFFFFF30] =	vst v17;
	v8 =	vld.idx.msk [tilespmem:v8+s3+$0x0], $0xffff  }
0x18f: {  	[tilespmem:s30+$0xFFFFFF20] =	vst v10;
	v10 =	vadd.s32 $0x4180, v12;
	v11 =	vld.idx.msk [tilespmem:v11+s3+$0x0], $0xffff  }
0x190: {  	[tilespmem:s30+$0x70] =	vst v9;
	v9 =	vadd.s32 $0x4180, v13;
	v18 =	vld.idx.msk [tilespmem:v18+s3+$0x0], $0xffff  }
0x191: {  	v17 =	vadd.s32 $0x4200, v0;
	[tilespmem:s30+$0xFFFFFF40] =	vst v6;
	v16 =	vld.idx.msk [tilespmem:v16+s3+$0x0], $0xffff  }
0x192: {  	v6 =	vld.idx.msk [tilespmem:v14+s3+$0x0], $0xffff;
	v14 =	vadd.s32 $0x4200, v1;
	[tilespmem:s30+$0xFFFFFF50] =	vst v7  }
0x193: {  	v7 =	vadd.s32 $0x4300, v5;
	v19 =	vld.idx.msk [tilespmem:v19+s3+$0x0], $0xffff;
	[tilespmem:s30+$0xFFFFFF60] =	vst v15  }
0x194: {  	v15 =	vadd.s32 $0x4200, v2;
	[tilespmem:s30+$0xFFFFFF80] =	vst v8;
	v8 =	vld.idx.msk [tilespmem:v10+s3+$0x0], $0xffff  }
0x195: {  	v10 =	vadd.s32 $0x4200, v3;
	[tilespmem:s30+$0xFFFFFF90] =	vst v11;
	v9 =	vld.idx.msk [tilespmem:v9+s3+$0x0], $0xffff  }
0x196: {  	v11 =	vadd.s32 $0x4200, v4;
	v17 =	vld.idx.msk [tilespmem:v17+s3+$0x0], $0xffff;
	[tilespmem:s30+$0xFFFFFFA0] =	vst v18  }
0x197: {  	[tilespmem:s30+$0xF0] =	vst v16;
	v16 =	vadd.s32 $0x4200, v12;
	v14 =	vld.idx.msk [tilespmem:v14+s3+$0x0], $0xffff  }
0x198: {  	v18 =	vadd.s32 $0x4200, v13;
	[tilespmem:s30+$0xFFFFFFB0] =	vst v6;
	v7 =	vld.idx.msk [tilespmem:v7+s3+$0x0], $0xffff  }
0x199: {  	v5 =	vadd.s32 $0x4380, v5;
	v6 =	vld.idx.msk [tilespmem:v15+s3+$0x0], $0xffff;
	[tilespmem:s30+$0xFFFFFFC0] =	vst v19  }
0x19a: {  	v15 =	vadd.s32 $0x4280, v0;
	v10 =	vld.idx.msk [tilespmem:v10+s3+$0x0], $0xffff;
	[tilespmem:s30+$0xFFFFFFD0] =	vst v8  }
0x19b: {  	v8 =	vadd.s32 $0x4280, v1;
	v11 =	vld.idx.msk [tilespmem:v11+s3+$0x0], $0xffff;
	[tilespmem:s30+$0xFFFFFFE0] =	vst v9  }
0x19c: {  	v9 =	vadd.s32 $0x4280, v2;
	[tilespmem:s30+$0x0] =	vst v17;
	v16 =	vld.idx.msk [tilespmem:v16+s3+$0x0], $0xffff  }
0x19d: {  	v17 =	vadd.s32 $0x4280, v3;
	v18 =	vld.idx.msk [tilespmem:v18+s3+$0x0], $0xffff;
	[tilespmem:s30+$0x170] =	vst v7  }
0x19e: {  	[tilespmem:s30+$0x10] =	vst v14;
	v7 =	vadd.s32 $0x4280, v4;
	v5 =	vld.idx.msk [tilespmem:v5+s3+$0x0], $0xffff  }
0x19f: {  	v14 =	vadd.s32 $0x4280, v12;
	v15 =	vld.idx.msk [tilespmem:v15+s3+$0x0], $0xffff;
	[tilespmem:s30+$0x20] =	vst v6  }
0x1a0: {  	v6 =	vadd.s32 $0x4280, v13;
	v19 =	vld.idx.msk [tilespmem:v8+s3+$0x0], $0xffff;
	[tilespmem:s30+$0x30] =	vst v10  }
0x1a1: {  	v20 =	vadd.s32 $0x4300, v0;
	[tilespmem:s30+$0x40] =	vst v11;
	v21 =	vld.idx.msk [tilespmem:v9+s3+$0x0], $0xffff  }
0x1a2: {  	v22 =	vadd.s32 $0x4300, v1;
	v23 =	vld.idx.msk [tilespmem:v17+s3+$0x0], $0xffff;
	[tilespmem:s30+$0x50] =	vst v16  }
0x1a3: {  	v24 =	vadd.s32 $0x4300, v2;
	[tilespmem:s30+$0x60] =	vst v18;
	v16 =	vld.idx.msk [tilespmem:v7+s3+$0x0], $0xffff  }
0x1a4: {  	v17 =	vld.idx.msk [tilespmem:v14+s3+$0x0], $0xffff;
	[tilespmem:s30+$0x1F0] =	vst v5  }
0x1a5: {  	v11 =	vadd.s32 $0x4300, v3;
	v10 =	vadd.s32 $0x4300, v4;
	[tilespmem:s30+$0x80] =	vst v15;
	v15 =	vld.idx.msk [tilespmem:v6+s3+$0x0], $0xffff  }
0x1a6: {  	v8 =	vadd.s32 $0x4300, v13;
	v3 =	vadd.s32 $0x4380, v3;
	v9 =	vadd.s32 $0x4300, v12;
	v18 =	vld.idx.msk [tilespmem:v20+s3+$0x0], $0xffff;
	[tilespmem:s30+$0x90] =	vst v19  }
0x1a7: {  	v7 =	vadd.s32 $0x4380, v0;
	v0 =	vadd.s32 $0x4380, v13;
	v6 =	vadd.s32 $0x4380, v1;
	v14 =	vld.idx.msk [tilespmem:v22+s3+$0x0], $0xffff;
	[tilespmem:s30+$0xA0] =	vst v21  }
0x1a8: {  	s1 =	sadd.s32 $0x400, s28;
	s31 =	simm.s32 $0x17200;
	s0 =	simm.s32 $0x0;
	v5 =	vadd.s32 $0x4380, v2;
	v2 =	vadd.s32 $0x4380, v4;
	v1 =	vadd.s32 $0x4380, v12;
	[tilespmem:s30+$0xB0] =	vst v23;
	v4 =	vld.idx.msk [tilespmem:v24+s3+$0x0], $0xffff  }
.LBB2_7:
0x1a9: {  	v12 =	vld [tilespmem:s1+$0x30];
	s0 =	sadd.s32 $0x8, s0;
	[tilespmem:s30+$0xC0] =	vst v16  }
0x1aa: {  	v13 =	vld [tilespmem:s1+$0xFFFFFFD0];
	p0 =	slt.u32 s0, $0x18;
	[tilespmem:s30+$0xD0] =	vst v17  }
0x1ab: {  	v16 =	vld [tilespmem:s1+$0xFFFFFFE0];
	[tilespmem:s30+$0xE0] =	vst v15  }
0x1ac: {  	v15 =	vld [tilespmem:s1+$0xFFFFFFF0];
	[tilespmem:s30+$0x100] =	vst v18  }
0x1ad: {  	v17 =	vld [tilespmem:s1+$0x0];
	[tilespmem:s30+$0x110] =	vst v14  }
0x1ae: {  	v14 =	vld [tilespmem:s1+$0x10];
	v18 =	vshll.u32 v12, $0x3;
	[tilespmem:s30+$0x120] =	vst v4  }
0x1af: {  	v12 =	vand.u32 $0x7F, v12;
	v4 =	vshll.u32 v13, $0x3;
	v19 =	vld [tilespmem:s1+$0x20];
	v18 =	vand.u32 $0xFFFFFC00, v18  }
0x1b0: {  	v20 =	vld [tilespmem:s1+$0xFFFFFFC0];
	v21 =	vand.u32 $0xFFFFFC00, v4;
	v22 =	vshll.u32 v16, $0x3;
	v4 =	vor.u32 v12, v18  }
0x1b1: {  	v12 =	vand.u32 $0xFFFFFC00, v22;
	v18 =	vshll.u32 v15, $0x3;
	v22 =	vadd.s32 $0x4000, v4;
	v11 =	vld.idx.msk [tilespmem:v11+s3+$0x0], $0xffff  }
0x1b2: {  	v13 =	vand.u32 $0x7F, v13;
	v18 =	vand.u32 $0xFFFFFC00, v18;
	v23 =	vshll.u32 v17, $0x3;
	v10 =	vld.idx.msk [tilespmem:v10+s3+$0x0], $0xffff  }
0x1b3: {  	v16 =	vand.u32 $0x7F, v16;
	v23 =	vand.u32 $0xFFFFFC00, v23;
	v24 =	vshll.u32 v14, $0x3;
	v9 =	vld.idx.msk [tilespmem:v9+s3+$0x0], $0xffff  }
0x1b4: {  	v15 =	vand.u32 $0x7F, v15;
	v24 =	vand.u32 $0xFFFFFC00, v24;
	v25 =	vshll.u32 v19, $0x3;
	v8 =	vld.idx.msk [tilespmem:v8+s3+$0x0], $0xffff  }
0x1b5: {  	v26 =	vand.u32 $0x7F, v20;
	v20 =	vshll.u32 v20, $0x3;
	v25 =	vand.u32 $0xFFFFFC00, v25;
	v7 =	vld.idx.msk [tilespmem:v7+s3+$0x0], $0xffff  }
0x1b6: {  	v17 =	vand.u32 $0x7F, v17;
	v14 =	vand.u32 $0x7F, v14;
	v20 =	vand.u32 $0xFFFFFC00, v20;
	v22 =	vld.idx.msk [tilespmem:v22+s3+$0x0], $0xffff  }
0x1b7: {  	v21 =	vor.u32 v13, v21;
	v13 =	vand.u32 $0x7F, v19;
	v20 =	vor.u32 v26, v20;
	v6 =	vld.idx.msk [tilespmem:v6+s3+$0x0], $0xffff;
	[tilespmem:s30+$0x130] =	vst v11  }
0x1b8: {  	v18 =	vor.u32 v15, v18;
	v19 =	vor.u32 v16, v12;
	v11 =	vadd.s32 $0x4080, v4;
	v5 =	vld.idx.msk [tilespmem:v5+s3+$0x0], $0xffff;
	[tilespmem:s30+$0x140] =	vst v10  }
0x1b9: {  	v23 =	vor.u32 v17, v23;
	v24 =	vor.u32 v14, v24;
	v25 =	vor.u32 v13, v25;
	[tilespmem:s30+$0x150] =	vst v9  }
0x1ba: {  	v12 =	vadd.s32 $0x4000, v19;
	v10 =	vadd.s32 $0x4000, v21;
	v9 =	vadd.s32 $0x4000, v20;
	v3 =	vld.idx.msk [tilespmem:v3+s3+$0x0], $0xffff;
	[tilespmem:s30+$0x160] =	vst v8  }
0x1bb: {  	v13 =	vadd.s32 $0x4000, v23;
	v14 =	vadd.s32 $0x4000, v24;
	v8 =	vadd.s32 $0x4000, v18;
	s30 =	sadd.s32 $0x400, s30;
	[tilespmem:s31+$0x180] =	vst v7;
	v2 =	vld.idx.msk [tilespmem:v2+s3+$0x0], $0xffff  }
0x1bc: {  	v15 =	vadd.s32 $0x4080, v21;
	v16 =	vadd.s32 $0x4000, v25;
	v7 =	vadd.s32 $0x4080, v20;
	[tilespmem:s30+$0xFFFFFE70] =	vst v22;
	v1 =	vld.idx.msk [tilespmem:v1+s3+$0x0], $0xffff  }
0x1bd: {  	v27 =	vadd.s32 $0x4080, v23;
	v26 =	vadd.s32 $0x4080, v18;
	v22 =	vadd.s32 $0x4080, v19;
	v11 =	vld.idx.msk [tilespmem:v11+s3+$0x0], $0xffff;
	[tilespmem:s31+$0x190] =	vst v6  }
0x1be: {  	v29 =	vadd.s32 $0x4080, v24;
	v30 =	vadd.s32 $0x4080, v25;
	v28 =	vadd.s32 $0x4100, v20;
	[tilespmem:s31+$0x1A0] =	vst v5;
	v0 =	vld.idx.msk [tilespmem:v0+s3+$0x0], $0xffff  }
0x1bf: {  	v31 =	vadd.s32 $0x4100, v21;
	v32 =	vadd.s32 $0x4100, v19;
	v6 =	vadd.s32 $0x4100, v4;
	v5 =	vld.idx.msk [tilespmem:v9+s3+$0x0], $0xffff  }
0x1c0: {  	v33 =	vadd.s32 $0x4100, v18;
	v34 =	vadd.s32 $0x4100, v23;
	v35 =	vadd.s32 $0x4100, v24;
	v9 =	vld.idx.msk [tilespmem:v10+s3+$0x0], $0xffff;
	[tilespmem:s31+$0x1B0] =	vst v3  }
0x1c1: {  	v37 =	vadd.s32 $0x4180, v21;
	v38 =	vadd.s32 $0x4100, v25;
	v36 =	vadd.s32 $0x4180, v20;
	v3 =	vld.idx.msk [tilespmem:v12+s3+$0x0], $0xffff;
	[tilespmem:s31+$0x1C0] =	vst v2  }
0x1c2: {  	v40 =	vadd.s32 $0x4180, v18;
	v39 =	vadd.s32 $0x4180, v19;
	v41 =	vadd.s32 $0x4180, v23;
	v2 =	vld.idx.msk [tilespmem:v8+s3+$0x0], $0xffff;
	[tilespmem:s31+$0x1D0] =	vst v1  }
0x1c3: {  	v43 =	vadd.s32 $0x4180, v24;
	v44 =	vadd.s32 $0x4180, v25;
	v42 =	vadd.s32 $0x4200, v20;
	v1 =	vld.idx.msk [tilespmem:v13+s3+$0x0], $0xffff;
	[tilespmem:s30+$0xFFFFFEF0] =	vst v11  }
0x1c4: {  	v45 =	vadd.s32 $0x4200, v21;
	v47 =	vadd.s32 $0x4200, v18;
	v46 =	vadd.s32 $0x4200, v19;
	v6 =	vld.idx.msk [tilespmem:v6+s3+$0x0], $0xffff;
	[tilespmem:s31+$0x1E0] =	vst v0;
	s31 =	smov.u32 s30  }
0x1c5: {  	v48 =	vadd.s32 $0x4200, v23;
	v49 =	vadd.s32 $0x4200, v24;
	v50 =	vadd.s32 $0x4200, v25;
	[tilespmem:s30+$0xFFFFFE00] =	vst v5;
	v0 =	vld.idx.msk [tilespmem:v14+s3+$0x0], $0xffff  }
0x1c6: {  	v53 =	vadd.s32 $0x4180, v4;
	v17 =	vadd.s32 $0x4280, v21;
	v51 =	vadd.s32 $0x4280, v20;
	[tilespmem:s30+$0xFFFFFE10] =	vst v9;
	v52 =	vld.idx.msk [tilespmem:v16+s3+$0x0], $0xffff  }
0x1c7: {  	v56 =	vadd.s32 $0x4280, v18;
	v55 =	vadd.s32 $0x4280, v19;
	v16 =	vadd.s32 $0x4280, v23;
	v54 =	vld.idx.msk [tilespmem:v7+s3+$0x0], $0xffff;
	[tilespmem:s30+$0xFFFFFE20] =	vst v3  }
0x1c8: {  	v58 =	vadd.s32 $0x4280, v24;
	v12 =	vadd.s32 $0x4300, v20;
	v57 =	vld.idx.msk [tilespmem:v15+s3+$0x0], $0xffff;
	[tilespmem:s30+$0xFFFFFE30] =	vst v2;
	v15 =	vadd.s32 $0x4280, v25  }
0x1c9: {  	v13 =	vadd.s32 $0x4300, v19;
	v11 =	vadd.s32 $0x4300, v18;
	v14 =	vadd.s32 $0x4300, v21;
	v22 =	vld.idx.msk [tilespmem:v22+s3+$0x0], $0xffff;
	[tilespmem:s30+$0xFFFFFE40] =	vst v1  }
0x1ca: {  	v10 =	vadd.s32 $0x4300, v23;
	v8 =	vadd.s32 $0x4300, v25;
	v9 =	vadd.s32 $0x4300, v24;
	v26 =	vld.idx.msk [tilespmem:v26+s3+$0x0], $0xffff;
	[tilespmem:s30+$0xFFFFFF70] =	vst v6  }
0x1cb: {  	v5 =	vadd.s32 $0x4380, v19;
	v7 =	vadd.s32 $0x4380, v20;
	v6 =	vadd.s32 $0x4380, v21;
	[tilespmem:s30+$0xFFFFFE50] =	vst v0;
	v19 =	vld.idx.msk [tilespmem:v53+s3+$0x0], $0xffff  }
0x1cc: {  	v3 =	vadd.s32 $0x4380, v18;
	v2 =	vadd.s32 $0x4380, v23;
	v1 =	vadd.s32 $0x4380, v24;
	v18 =	vld.idx.msk [tilespmem:v27+s3+$0x0], $0xffff;
	[tilespmem:s30+$0xFFFFFE60] =	vst v52  }
0x1cd: {  	v21 =	vadd.s32 $0x4200, v4;
	v0 =	vadd.s32 $0x4380, v25;
	[tilespmem:s30+$0xFFFFFE80] =	vst v54;
	v20 =	vld.idx.msk [tilespmem:v29+s3+$0x0], $0xffff  }
0x1ce: {  	[tilespmem:s30+$0xFFFFFE90] =	vst v57;
	v23 =	vld.idx.msk [tilespmem:v30+s3+$0x0], $0xffff  }
0x1cf: {  	v24 =	vld.idx.msk [tilespmem:v28+s3+$0x0], $0xffff;
	[tilespmem:s30+$0xFFFFFEA0] =	vst v22  }
0x1d0: {  	v22 =	vld.idx.msk [tilespmem:v31+s3+$0x0], $0xffff;
	[tilespmem:s30+$0xFFFFFEB0] =	vst v26  }
0x1d1: {  	v25 =	vld.idx.msk [tilespmem:v32+s3+$0x0], $0xffff;
	[tilespmem:s30+$0xFFFFFFF0] =	vst v19  }
0x1d2: {  	[tilespmem:s30+$0xFFFFFEC0] =	vst v18;
	v18 =	vld.idx.msk [tilespmem:v21+s3+$0x0], $0xffff  }
0x1d3: {  	v19 =	vld.idx.msk [tilespmem:v33+s3+$0x0], $0xffff;
	[tilespmem:s30+$0xFFFFFED0] =	vst v20  }
0x1d4: {  	v21 =	vadd.s32 $0x4280, v4;
	v20 =	vld.idx.msk [tilespmem:v34+s3+$0x0], $0xffff;
	[tilespmem:s30+$0xFFFFFEE0] =	vst v23  }
0x1d5: {  	[tilespmem:s30+$0xFFFFFF00] =	vst v24;
	v23 =	vld.idx.msk [tilespmem:v35+s3+$0x0], $0xffff  }
0x1d6: {  	[tilespmem:s30+$0xFFFFFF10] =	vst v22;
	v22 =	vld.idx.msk [tilespmem:v38+s3+$0x0], $0xffff  }
0x1d7: {  	v24 =	vld.idx.msk [tilespmem:v36+s3+$0x0], $0xffff;
	[tilespmem:s30+$0xFFFFFF20] =	vst v25  }
0x1d8: {  	v25 =	vld.idx.msk [tilespmem:v37+s3+$0x0], $0xffff;
	[tilespmem:s30+$0x70] =	vst v18  }
0x1d9: {  	[tilespmem:s30+$0xFFFFFF30] =	vst v19;
	v18 =	vld.idx.msk [tilespmem:v21+s3+$0x0], $0xffff  }
0x1da: {  	v19 =	vld.idx.msk [tilespmem:v39+s3+$0x0], $0xffff;
	[tilespmem:s30+$0xFFFFFF40] =	vst v20  }
0x1db: {  	v21 =	vadd.s32 $0x4300, v4;
	v20 =	vld.idx.msk [tilespmem:v40+s3+$0x0], $0xffff;
	[tilespmem:s30+$0xFFFFFF50] =	vst v23  }
0x1dc: {  	v23 =	vld.idx.msk [tilespmem:v41+s3+$0x0], $0xffff;
	[tilespmem:s30+$0xFFFFFF60] =	vst v22  }
0x1dd: {  	[tilespmem:s30+$0xFFFFFF80] =	vst v24;
	v22 =	vld.idx.msk [tilespmem:v43+s3+$0x0], $0xffff  }
0x1de: {  	[tilespmem:s30+$0xFFFFFF90] =	vst v25;
	v24 =	vld.idx.msk [tilespmem:v44+s3+$0x0], $0xffff  }
0x1df: {  	v25 =	vld.idx.msk [tilespmem:v42+s3+$0x0], $0xffff;
	[tilespmem:s30+$0xF0] =	vst v18  }
0x1e0: {  	[tilespmem:s30+$0xFFFFFFA0] =	vst v19;
	v18 =	vld.idx.msk [tilespmem:v21+s3+$0x0], $0xffff  }
0x1e1: {  	v19 =	vld.idx.msk [tilespmem:v45+s3+$0x0], $0xffff;
	[tilespmem:s30+$0xFFFFFFB0] =	vst v20  }
0x1e2: {  	v4 =	vadd.s32 $0x4380, v4;
	v20 =	vld.idx.msk [tilespmem:v46+s3+$0x0], $0xffff;
	[tilespmem:s30+$0xFFFFFFC0] =	vst v23  }
0x1e3: {  	v21 =	vld.idx.msk [tilespmem:v47+s3+$0x0], $0xffff;
	[tilespmem:s30+$0xFFFFFFD0] =	vst v22  }
0x1e4: {  	v22 =	vld.idx.msk [tilespmem:v48+s3+$0x0], $0xffff;
	[tilespmem:s30+$0xFFFFFFE0] =	vst v24  }
0x1e5: {  	[tilespmem:s30+$0x0] =	vst v25;
	v23 =	vld.idx.msk [tilespmem:v49+s3+$0x0], $0xffff  }
0x1e6: {  	v24 =	vld.idx.msk [tilespmem:v50+s3+$0x0], $0xffff;
	[tilespmem:s30+$0x170] =	vst v18  }
0x1e7: {  	[tilespmem:s30+$0x10] =	vst v19;
	v4 =	vld.idx.msk [tilespmem:v4+s3+$0x0], $0xffff  }
0x1e8: {  	v18 =	vld.idx.msk [tilespmem:v51+s3+$0x0], $0xffff;
	[tilespmem:s30+$0x20] =	vst v20  }
0x1e9: {  	v19 =	vld.idx.msk [tilespmem:v17+s3+$0x0], $0xffff;
	[tilespmem:s30+$0x30] =	vst v21  }
0x1ea: {  	v20 =	vld.idx.msk [tilespmem:v55+s3+$0x0], $0xffff;
	[tilespmem:s30+$0x40] =	vst v22  }
0x1eb: {  	v21 =	vld.idx.msk [tilespmem:v56+s3+$0x0], $0xffff;
	[tilespmem:s30+$0x50] =	vst v23  }
0x1ec: {  	v16 =	vld.idx.msk [tilespmem:v16+s3+$0x0], $0xffff;
	[tilespmem:s30+$0x60] =	vst v24  }
.Ltmp2:
0x1ed: {  	v17 =	vld.idx.msk [tilespmem:v58+s3+$0x0], $0xffff;
	[tilespmem:s30+$0x1F0] =	vst v4;
	(pc) =	sbr.rel @p0 .LBB2_7-.Ltmp2, $4  }
0x1ee: {  	[tilespmem:s30+$0x80] =	vst v18;
	v15 =	vld.idx.msk [tilespmem:v15+s3+$0x0], $0xffff  }
0x1ef: {  	v18 =	vld.idx.msk [tilespmem:v12+s3+$0x0], $0xffff;
	[tilespmem:s30+$0x90] =	vst v19  }
0x1f0: {  	v14 =	vld.idx.msk [tilespmem:v14+s3+$0x0], $0xffff;
	[tilespmem:s30+$0xA0] =	vst v20  }
0x1f1: {  	s1 =	sadd.s32 $0x400, s1;
	v4 =	vld.idx.msk [tilespmem:v13+s3+$0x0], $0xffff;
	[tilespmem:s30+$0xB0] =	vst v21  }
0x1f2: {  	_ =	sdelay $0x2  }
0x1f3: {  	[tilespmem:s30+$0xC0] =	vst v16  }
0x1f4: {  	[tilespmem:s30+$0xD0] =	vst v17;
	v11 =	vld.idx.msk [tilespmem:v11+s3+$0x0], $0xffff  }
0x1f5: {  	[tilespmem:s30+$0xE0] =	vst v15;
	v10 =	vld.idx.msk [tilespmem:v10+s3+$0x0], $0xffff  }
0x1f6: {  	v9 =	vld.idx.msk [tilespmem:v9+s3+$0x0], $0xffff;
	[tilespmem:s30+$0x100] =	vst v18  }
0x1f7: {  	v8 =	vld.idx.msk [tilespmem:v8+s3+$0x0], $0xffff;
	[tilespmem:s30+$0x110] =	vst v14  }
0x1f8: {  	[tilespmem:s30+$0x120] =	vst v4;
	v4 =	vld.idx.msk [tilespmem:v7+s3+$0x0], $0xffff  }
0x1f9: {  	v6 =	vld.idx.msk [tilespmem:v6+s3+$0x0], $0xffff;
	[tilespmem:s30+$0x130] =	vst v11  }
0x1fa: {  	v5 =	vld.idx.msk [tilespmem:v5+s3+$0x0], $0xffff;
	[tilespmem:s30+$0x140] =	vst v10  }
0x1fb: {  	[tilespmem:s30+$0x150] =	vst v9;
	v3 =	vld.idx.msk [tilespmem:v3+s3+$0x0], $0xffff  }
0x1fc: {  	[tilespmem:s30+$0x160] =	vst v8;
	v2 =	vld.idx.msk [tilespmem:v2+s3+$0x0], $0xffff  }
0x1fd: {  	v1 =	vld.idx.msk [tilespmem:v1+s3+$0x0], $0xffff;
	[tilespmem:s31+$0x180] =	vst v4  }
0x1fe: {  	v0 =	vld.idx.msk [tilespmem:v0+s3+$0x0], $0xffff;
	[tilespmem:s31+$0x190] =	vst v6  }
0x1ff: {  	[tilespmem:s31+$0x1A0] =	vst v5  }
0x200: {  	[tilespmem:s31+$0x1B0] =	vst v3  }
0x201: {  	s0 =	sadd.s32 s29, s8;
	[tilespmem:s31+$0x1C0] =	vst v2  }
0x202: {  	s0 =	sshrl.u32 s0, $0x3;
	[tilespmem:s31+$0x1D0] =	vst v1  }
0x203: {  	s0 =	sadd.s32 s2, s0;
	[tilespmem:s31+$0x1E0] =	vst v0  }
0x204: {  	[hbm4b:s0+s3] =	stream.linear.scatter [tilespmem:s19], [sflag:$0x1], $0x1000, $0x38;
	[tilespmem:$0x19000] =	vst v63  }
0x205: {  	_ =	swait.ge [sflag:s22], $0x1000  }
0x206: {  	[sflag:s22] =	ssyncset.done $0x0  }
0x207: {  	[sflag:s22] =	ssyncadd.s32 $0xFFFFF000  }
0x208: {  	v0 =	vld [tilespmem:s28+$0x30];
	_ =	sdelay $0x1  }
0x209: {  	v2 =	vld [tilespmem:s28+$0xFFFFFFE0]  }
0x20a: {  	v3 =	vld [tilespmem:s28+$0xFFFFFFF0]  }
0x20b: {  	v6 =	vld [tilespmem:s28+$0x0]  }
0x20c: {  	v7 =	vld [tilespmem:s28+$0xFFFFFFC0];
	v4 =	vshll.u32 v0, $0x3  }
0x20d: {  	v8 =	vld [tilespmem:s28+$0x10];
	v0 =	vand.u32 $0x7F, v0;
	v4 =	vand.u32 $0xFFFFFC00, v4  }
0x20e: {  	v5 =	vor.u32 v0, v4  }
0x20f: {  	v1 =	vld [tilespmem:s28+$0xFFFFFFD0];
	v0 =	vadd.s32 $0x6000, v5  }
0x210: {  	v9 =	vshll.u32 v2, $0x3;
	v10 =	vshll.u32 v3, $0x3;
	v12 =	vshll.u32 v6, $0x3  }
0x211: {  	v2 =	vand.u32 $0x7F, v2;
	v13 =	vshll.u32 v7, $0x3;
	v7 =	vand.u32 $0x7F, v7  }
0x212: {  	v15 =	vshll.u32 v8, $0x3;
	v3 =	vand.u32 $0x7F, v3;
	v8 =	vand.u32 $0x7F, v8  }
0x213: {  	v11 =	vld [tilespmem:s28+$0x20];
	v9 =	vand.u32 $0xFFFFFC00, v9;
	v10 =	vand.u32 $0xFFFFFC00, v10;
	v12 =	vand.u32 $0xFFFFFC00, v12  }
0x214: {  	v13 =	vand.u32 $0xFFFFFC00, v13;
	v15 =	vand.u32 $0xFFFFFC00, v15;
	v4 =	vshll.u32 v1, $0x3;
	v14 =	vld.idx.msk [tilespmem:v0+s3+$0x0], $0xffff  }
0x215: {  	v1 =	vand.u32 $0x7F, v1;
	v0 =	vor.u32 v7, v13;
	v7 =	vadd.s32 $0x6080, v5  }
0x216: {  	v3 =	vor.u32 v3, v10;
	v4 =	vand.u32 $0xFFFFFC00, v4;
	v13 =	vadd.s32 $0x6000, v0  }
0x217: {  	v2 =	vor.u32 v2, v9;
	v16 =	vadd.s32 $0x6000, v3;
	v1 =	vor.u32 v1, v4  }
0x218: {  	s30 =	simm.s32 $0x18200;
	v10 =	vshll.u32 v11, $0x3;
	v4 =	vand.u32 $0x7F, v6;
	v9 =	vadd.s32 $0x6000, v1  }
0x219: {  	v11 =	vand.u32 $0x7F, v11;
	v6 =	vadd.s32 $0x6000, v2;
	v4 =	vor.u32 v4, v12;
	[tilespmem:s30+$0xFFFFFE70] =	vst v14  }
0x21a: {  	v10 =	vand.u32 $0xFFFFFC00, v10;
	v12 =	vor.u32 v8, v15;
	v14 =	vadd.s32 $0x6000, v4;
	v7 =	vld.idx.msk [tilespmem:v7+s3+$0x0], $0xffff  }
0x21b: {  	v8 =	vld.idx.msk [tilespmem:v13+s3+$0x0], $0xffff;
	v13 =	vor.u32 v11, v10;
	v10 =	vadd.s32 $0x6000, v12  }
0x21c: {  	v15 =	vadd.s32 $0x6100, v5;
	v16 =	vld.idx.msk [tilespmem:v16+s3+$0x0], $0xffff  }
0x21d: {  	v9 =	vld.idx.msk [tilespmem:v9+s3+$0x0], $0xffff;
	v11 =	vadd.s32 $0x6000, v13  }
0x21e: {  	v6 =	vld.idx.msk [tilespmem:v6+s3+$0x0], $0xffff;
	v17 =	vadd.s32 $0x6080, v0  }
0x21f: {  	v19 =	vadd.s32 $0x6080, v3;
	v14 =	vld.idx.msk [tilespmem:v14+s3+$0x0], $0xffff;
	[tilespmem:s30+$0xFFFFFEF0] =	vst v7  }
0x220: {  	v18 =	vadd.s32 $0x6080, v1;
	[tilespmem:s30+$0xFFFFFE00] =	vst v8;
	v8 =	vld.idx.msk [tilespmem:v10+s3+$0x0], $0xffff  }
0x221: {  	[tilespmem:s30+$0xFFFFFE30] =	vst v16;
	v7 =	vadd.s32 $0x6080, v2;
	v15 =	vld.idx.msk [tilespmem:v15+s3+$0x0], $0xffff  }
0x222: {  	[tilespmem:s30+$0xFFFFFE10] =	vst v9;
	v9 =	vld.idx.msk [tilespmem:v11+s3+$0x0], $0xffff;
	v11 =	vadd.s32 $0x6080, v4  }
0x223: {  	[tilespmem:s30+$0xFFFFFE20] =	vst v6;
	v6 =	vadd.s32 $0x6080, v12;
	v17 =	vld.idx.msk [tilespmem:v17+s3+$0x0], $0xffff  }
0x224: {  	v19 =	vld.idx.msk [tilespmem:v19+s3+$0x0], $0xffff;
	v10 =	vadd.s32 $0x6180, v5  }
0x225: {  	v16 =	vadd.s32 $0x6080, v13;
	v18 =	vld.idx.msk [tilespmem:v18+s3+$0x0], $0xffff;
	[tilespmem:s30+$0xFFFFFE40] =	vst v14  }
0x226: {  	v14 =	vadd.s32 $0x6100, v0;
	v7 =	vld.idx.msk [tilespmem:v7+s3+$0x0], $0xffff;
	[tilespmem:s30+$0xFFFFFE50] =	vst v8  }
0x227: {  	[tilespmem:s30+$0xFFFFFF70] =	vst v15;
	v15 =	vadd.s32 $0x6100, v1;
	v11 =	vld.idx.msk [tilespmem:v11+s3+$0x0], $0xffff  }
0x228: {  	[tilespmem:s30+$0xFFFFFE80] =	vst v17;
	v6 =	vld.idx.msk [tilespmem:v6+s3+$0x0], $0xffff;
	v17 =	vadd.s32 $0x6100, v3  }
0x229: {  	[tilespmem:s30+$0xFFFFFE60] =	vst v9;
	v8 =	vld.idx.msk [tilespmem:v10+s3+$0x0], $0xffff;
	v10 =	vadd.s32 $0x6100, v2  }
0x22a: {  	[tilespmem:s30+$0xFFFFFE90] =	vst v18;
	v18 =	vadd.s32 $0x6100, v4;
	v16 =	vld.idx.msk [tilespmem:v16+s3+$0x0], $0xffff  }
0x22b: {  	[tilespmem:s30+$0xFFFFFEB0] =	vst v19;
	v9 =	vadd.s32 $0x6200, v5;
	v14 =	vld.idx.msk [tilespmem:v14+s3+$0x0], $0xffff  }
0x22c: {  	[tilespmem:s30+$0xFFFFFEA0] =	vst v7;
	v7 =	vadd.s32 $0x6100, v12;
	v15 =	vld.idx.msk [tilespmem:v15+s3+$0x0], $0xffff  }
0x22d: {  	v19 =	vadd.s32 $0x6100, v13;
	[tilespmem:s30+$0xFFFFFEC0] =	vst v11;
	v17 =	vld.idx.msk [tilespmem:v17+s3+$0x0], $0xffff  }
0x22e: {  	v10 =	vld.idx.msk [tilespmem:v10+s3+$0x0], $0xffff;
	[tilespmem:s30+$0xFFFFFFF0] =	vst v8;
	v8 =	vadd.s32 $0x6180, v0  }
0x22f: {  	v11 =	vadd.s32 $0x6180, v1;
	[tilespmem:s30+$0xFFFFFED0] =	vst v6;
	v6 =	vld.idx.msk [tilespmem:v18+s3+$0x0], $0xffff  }
0x230: {  	[tilespmem:s30+$0xFFFFFEE0] =	vst v16;
	v18 =	vadd.s32 $0x6180, v2;
	v9 =	vld.idx.msk [tilespmem:v9+s3+$0x0], $0xffff  }
0x231: {  	v16 =	vadd.s32 $0x6280, v5;
	[tilespmem:s30+$0xFFFFFF00] =	vst v14;
	v7 =	vld.idx.msk [tilespmem:v7+s3+$0x0], $0xffff  }
0x232: {  	v14 =	vadd.s32 $0x6180, v3;
	[tilespmem:s30+$0xFFFFFF10] =	vst v15;
	v15 =	vld.idx.msk [tilespmem:v19+s3+$0x0], $0xffff  }
0x233: {  	v19 =	vadd.s32 $0x6180, v4;
	[tilespmem:s30+$0xFFFFFF30] =	vst v17;
	v8 =	vld.idx.msk [tilespmem:v8+s3+$0x0], $0xffff  }
0x234: {  	[tilespmem:s30+$0xFFFFFF20] =	vst v10;
	v10 =	vadd.s32 $0x6180, v12;
	v11 =	vld.idx.msk [tilespmem:v11+s3+$0x0], $0xffff  }
0x235: {  	[tilespmem:s30+$0x70] =	vst v9;
	v9 =	vadd.s32 $0x6180, v13;
	v18 =	vld.idx.msk [tilespmem:v18+s3+$0x0], $0xffff  }
0x236: {  	v17 =	vadd.s32 $0x6200, v0;
	[tilespmem:s30+$0xFFFFFF40] =	vst v6;
	v16 =	vld.idx.msk [tilespmem:v16+s3+$0x0], $0xffff  }
0x237: {  	v6 =	vld.idx.msk [tilespmem:v14+s3+$0x0], $0xffff;
	v14 =	vadd.s32 $0x6200, v1;
	[tilespmem:s30+$0xFFFFFF50] =	vst v7  }
0x238: {  	v7 =	vadd.s32 $0x6300, v5;
	v19 =	vld.idx.msk [tilespmem:v19+s3+$0x0], $0xffff;
	[tilespmem:s30+$0xFFFFFF60] =	vst v15  }
0x239: {  	v15 =	vadd.s32 $0x6200, v2;
	[tilespmem:s30+$0xFFFFFF80] =	vst v8;
	v8 =	vld.idx.msk [tilespmem:v10+s3+$0x0], $0xffff  }
0x23a: {  	v10 =	vadd.s32 $0x6200, v3;
	[tilespmem:s30+$0xFFFFFF90] =	vst v11;
	v9 =	vld.idx.msk [tilespmem:v9+s3+$0x0], $0xffff  }
0x23b: {  	v11 =	vadd.s32 $0x6200, v4;
	v17 =	vld.idx.msk [tilespmem:v17+s3+$0x0], $0xffff;
	[tilespmem:s30+$0xFFFFFFA0] =	vst v18  }
0x23c: {  	[tilespmem:s30+$0xF0] =	vst v16;
	v16 =	vadd.s32 $0x6200, v12;
	v14 =	vld.idx.msk [tilespmem:v14+s3+$0x0], $0xffff  }
0x23d: {  	v18 =	vadd.s32 $0x6200, v13;
	[tilespmem:s30+$0xFFFFFFB0] =	vst v6;
	v7 =	vld.idx.msk [tilespmem:v7+s3+$0x0], $0xffff  }
0x23e: {  	v5 =	vadd.s32 $0x6380, v5;
	v6 =	vld.idx.msk [tilespmem:v15+s3+$0x0], $0xffff;
	[tilespmem:s30+$0xFFFFFFC0] =	vst v19  }
0x23f: {  	v15 =	vadd.s32 $0x6280, v0;
	v10 =	vld.idx.msk [tilespmem:v10+s3+$0x0], $0xffff;
	[tilespmem:s30+$0xFFFFFFD0] =	vst v8  }
0x240: {  	v8 =	vadd.s32 $0x6280, v1;
	v11 =	vld.idx.msk [tilespmem:v11+s3+$0x0], $0xffff;
	[tilespmem:s30+$0xFFFFFFE0] =	vst v9  }
0x241: {  	v9 =	vadd.s32 $0x6280, v2;
	[tilespmem:s30+$0x0] =	vst v17;
	v16 =	vld.idx.msk [tilespmem:v16+s3+$0x0], $0xffff  }
0x242: {  	v17 =	vadd.s32 $0x6280, v3;
	v18 =	vld.idx.msk [tilespmem:v18+s3+$0x0], $0xffff;
	[tilespmem:s30+$0x170] =	vst v7  }
0x243: {  	[tilespmem:s30+$0x10] =	vst v14;
	v7 =	vadd.s32 $0x6280, v4;
	v5 =	vld.idx.msk [tilespmem:v5+s3+$0x0], $0xffff  }
0x244: {  	v14 =	vadd.s32 $0x6280, v12;
	v15 =	vld.idx.msk [tilespmem:v15+s3+$0x0], $0xffff;
	[tilespmem:s30+$0x20] =	vst v6  }
0x245: {  	v6 =	vadd.s32 $0x6280, v13;
	v19 =	vld.idx.msk [tilespmem:v8+s3+$0x0], $0xffff;
	[tilespmem:s30+$0x30] =	vst v10  }
0x246: {  	v20 =	vadd.s32 $0x6300, v0;
	[tilespmem:s30+$0x40] =	vst v11;
	v21 =	vld.idx.msk [tilespmem:v9+s3+$0x0], $0xffff  }
0x247: {  	v22 =	vadd.s32 $0x6300, v1;
	v23 =	vld.idx.msk [tilespmem:v17+s3+$0x0], $0xffff;
	[tilespmem:s30+$0x50] =	vst v16  }
0x248: {  	v24 =	vadd.s32 $0x6300, v2;
	[tilespmem:s30+$0x60] =	vst v18;
	v16 =	vld.idx.msk [tilespmem:v7+s3+$0x0], $0xffff  }
0x249: {  	v17 =	vld.idx.msk [tilespmem:v14+s3+$0x0], $0xffff;
	[tilespmem:s30+$0x1F0] =	vst v5  }
0x24a: {  	v11 =	vadd.s32 $0x6300, v3;
	v10 =	vadd.s32 $0x6300, v4;
	[tilespmem:s30+$0x80] =	vst v15;
	v15 =	vld.idx.msk [tilespmem:v6+s3+$0x0], $0xffff  }
0x24b: {  	v8 =	vadd.s32 $0x6300, v13;
	v3 =	vadd.s32 $0x6380, v3;
	v9 =	vadd.s32 $0x6300, v12;
	v18 =	vld.idx.msk [tilespmem:v20+s3+$0x0], $0xffff;
	[tilespmem:s30+$0x90] =	vst v19  }
0x24c: {  	v7 =	vadd.s32 $0x6380, v0;
	v0 =	vadd.s32 $0x6380, v13;
	v6 =	vadd.s32 $0x6380, v1;
	v14 =	vld.idx.msk [tilespmem:v22+s3+$0x0], $0xffff;
	[tilespmem:s30+$0xA0] =	vst v21  }
0x24d: {  	s1 =	sadd.s32 $0x400, s28;
	s31 =	simm.s32 $0x18200;
	s0 =	simm.s32 $0x0;
	v5 =	vadd.s32 $0x6380, v2;
	v2 =	vadd.s32 $0x6380, v4;
	v1 =	vadd.s32 $0x6380, v12;
	[tilespmem:s30+$0xB0] =	vst v23;
	v4 =	vld.idx.msk [tilespmem:v24+s3+$0x0], $0xffff  }
.LBB2_9:
0x24e: {  	v12 =	vld [tilespmem:s1+$0x30];
	s0 =	sadd.s32 $0x8, s0;
	[tilespmem:s30+$0xC0] =	vst v16  }
0x24f: {  	v13 =	vld [tilespmem:s1+$0xFFFFFFD0];
	p0 =	slt.u32 s0, $0x18;
	[tilespmem:s30+$0xD0] =	vst v17  }
0x250: {  	v16 =	vld [tilespmem:s1+$0xFFFFFFE0];
	[tilespmem:s30+$0xE0] =	vst v15  }
0x251: {  	v15 =	vld [tilespmem:s1+$0xFFFFFFF0];
	[tilespmem:s30+$0x100] =	vst v18  }
0x252: {  	v17 =	vld [tilespmem:s1+$0x0];
	[tilespmem:s30+$0x110] =	vst v14  }
0x253: {  	v14 =	vld [tilespmem:s1+$0x10];
	v18 =	vshll.u32 v12, $0x3;
	[tilespmem:s30+$0x120] =	vst v4  }
0x254: {  	v12 =	vand.u32 $0x7F, v12;
	v4 =	vshll.u32 v13, $0x3;
	v19 =	vld [tilespmem:s1+$0x20];
	v18 =	vand.u32 $0xFFFFFC00, v18  }
0x255: {  	v20 =	vld [tilespmem:s1+$0xFFFFFFC0];
	v21 =	vand.u32 $0xFFFFFC00, v4;
	v22 =	vshll.u32 v16, $0x3;
	v4 =	vor.u32 v12, v18  }
0x256: {  	v12 =	vand.u32 $0xFFFFFC00, v22;
	v18 =	vshll.u32 v15, $0x3;
	v22 =	vadd.s32 $0x6000, v4;
	v11 =	vld.idx.msk [tilespmem:v11+s3+$0x0], $0xffff  }
0x257: {  	v13 =	vand.u32 $0x7F, v13;
	v18 =	vand.u32 $0xFFFFFC00, v18;
	v23 =	vshll.u32 v17, $0x3;
	v10 =	vld.idx.msk [tilespmem:v10+s3+$0x0], $0xffff  }
0x258: {  	v16 =	vand.u32 $0x7F, v16;
	v23 =	vand.u32 $0xFFFFFC00, v23;
	v24 =	vshll.u32 v14, $0x3;
	v9 =	vld.idx.msk [tilespmem:v9+s3+$0x0], $0xffff  }
0x259: {  	v15 =	vand.u32 $0x7F, v15;
	v24 =	vand.u32 $0xFFFFFC00, v24;
	v25 =	vshll.u32 v19, $0x3;
	v8 =	vld.idx.msk [tilespmem:v8+s3+$0x0], $0xffff  }
0x25a: {  	v26 =	vand.u32 $0x7F, v20;
	v20 =	vshll.u32 v20, $0x3;
	v25 =	vand.u32 $0xFFFFFC00, v25;
	v7 =	vld.idx.msk [tilespmem:v7+s3+$0x0], $0xffff  }
0x25b: {  	v17 =	vand.u32 $0x7F, v17;
	v14 =	vand.u32 $0x7F, v14;
	v20 =	vand.u32 $0xFFFFFC00, v20;
	v22 =	vld.idx.msk [tilespmem:v22+s3+$0x0], $0xffff  }
0x25c: {  	v21 =	vor.u32 v13, v21;
	v13 =	vand.u32 $0x7F, v19;
	v20 =	vor.u32 v26, v20;
	v6 =	vld.idx.msk [tilespmem:v6+s3+$0x0], $0xffff;
	[tilespmem:s30+$0x130] =	vst v11  }
0x25d: {  	v18 =	vor.u32 v15, v18;
	v19 =	vor.u32 v16, v12;
	v11 =	vadd.s32 $0x6080, v4;
	v5 =	vld.idx.msk [tilespmem:v5+s3+$0x0], $0xffff;
	[tilespmem:s30+$0x140] =	vst v10  }
0x25e: {  	v23 =	vor.u32 v17, v23;
	v24 =	vor.u32 v14, v24;
	v25 =	vor.u32 v13, v25;
	[tilespmem:s30+$0x150] =	vst v9  }
0x25f: {  	v12 =	vadd.s32 $0x6000, v19;
	v10 =	vadd.s32 $0x6000, v21;
	v9 =	vadd.s32 $0x6000, v20;
	v3 =	vld.idx.msk [tilespmem:v3+s3+$0x0], $0xffff;
	[tilespmem:s30+$0x160] =	vst v8  }
0x260: {  	v13 =	vadd.s32 $0x6000, v23;
	v14 =	vadd.s32 $0x6000, v24;
	v8 =	vadd.s32 $0x6000, v18;
	s30 =	sadd.s32 $0x400, s30;
	[tilespmem:s31+$0x180] =	vst v7;
	v2 =	vld.idx.msk [tilespmem:v2+s3+$0x0], $0xffff  }
0x261: {  	v15 =	vadd.s32 $0x6080, v21;
	v16 =	vadd.s32 $0x6000, v25;
	v7 =	vadd.s32 $0x6080, v20;
	[tilespmem:s30+$0xFFFFFE70] =	vst v22;
	v1 =	vld.idx.msk [tilespmem:v1+s3+$0x0], $0xffff  }
0x262: {  	v27 =	vadd.s32 $0x6080, v23;
	v26 =	vadd.s32 $0x6080, v18;
	v22 =	vadd.s32 $0x6080, v19;
	v11 =	vld.idx.msk [tilespmem:v11+s3+$0x0], $0xffff;
	[tilespmem:s31+$0x190] =	vst v6  }
0x263: {  	v29 =	vadd.s32 $0x6080, v24;
	v30 =	vadd.s32 $0x6080, v25;
	v28 =	vadd.s32 $0x6100, v20;
	[tilespmem:s31+$0x1A0] =	vst v5;
	v0 =	vld.idx.msk [tilespmem:v0+s3+$0x0], $0xffff  }
0x264: {  	v31 =	vadd.s32 $0x6100, v21;
	v32 =	vadd.s32 $0x6100, v19;
	v6 =	vadd.s32 $0x6100, v4;
	v5 =	vld.idx.msk [tilespmem:v9+s3+$0x0], $0xffff  }
0x265: {  	v33 =	vadd.s32 $0x6100, v18;
	v34 =	vadd.s32 $0x6100, v23;
	v35 =	vadd.s32 $0x6100, v24;
	v9 =	vld.idx.msk [tilespmem:v10+s3+$0x0], $0xffff;
	[tilespmem:s31+$0x1B0] =	vst v3  }
0x266: {  	v37 =	vadd.s32 $0x6180, v21;
	v38 =	vadd.s32 $0x6100, v25;
	v36 =	vadd.s32 $0x6180, v20;
	v3 =	vld.idx.msk [tilespmem:v12+s3+$0x0], $0xffff;
	[tilespmem:s31+$0x1C0] =	vst v2  }
0x267: {  	v40 =	vadd.s32 $0x6180, v18;
	v39 =	vadd.s32 $0x6180, v19;
	v41 =	vadd.s32 $0x6180, v23;
	v2 =	vld.idx.msk [tilespmem:v8+s3+$0x0], $0xffff;
	[tilespmem:s31+$0x1D0] =	vst v1  }
0x268: {  	v43 =	vadd.s32 $0x6180, v24;
	v44 =	vadd.s32 $0x6180, v25;
	v42 =	vadd.s32 $0x6200, v20;
	v1 =	vld.idx.msk [tilespmem:v13+s3+$0x0], $0xffff;
	[tilespmem:s30+$0xFFFFFEF0] =	vst v11  }
0x269: {  	v45 =	vadd.s32 $0x6200, v21;
	v47 =	vadd.s32 $0x6200, v18;
	v46 =	vadd.s32 $0x6200, v19;
	v6 =	vld.idx.msk [tilespmem:v6+s3+$0x0], $0xffff;
	[tilespmem:s31+$0x1E0] =	vst v0;
	s31 =	smov.u32 s30  }
0x26a: {  	v48 =	vadd.s32 $0x6200, v23;
	v49 =	vadd.s32 $0x6200, v24;
	v50 =	vadd.s32 $0x6200, v25;
	[tilespmem:s30+$0xFFFFFE00] =	vst v5;
	v0 =	vld.idx.msk [tilespmem:v14+s3+$0x0], $0xffff  }
0x26b: {  	v53 =	vadd.s32 $0x6180, v4;
	v17 =	vadd.s32 $0x6280, v21;
	v51 =	vadd.s32 $0x6280, v20;
	[tilespmem:s30+$0xFFFFFE10] =	vst v9;
	v52 =	vld.idx.msk [tilespmem:v16+s3+$0x0], $0xffff  }
0x26c: {  	v56 =	vadd.s32 $0x6280, v18;
	v55 =	vadd.s32 $0x6280, v19;
	v16 =	vadd.s32 $0x6280, v23;
	v54 =	vld.idx.msk [tilespmem:v7+s3+$0x0], $0xffff;
	[tilespmem:s30+$0xFFFFFE20] =	vst v3  }
0x26d: {  	v58 =	vadd.s32 $0x6280, v24;
	v12 =	vadd.s32 $0x6300, v20;
	v57 =	vld.idx.msk [tilespmem:v15+s3+$0x0], $0xffff;
	[tilespmem:s30+$0xFFFFFE30] =	vst v2;
	v15 =	vadd.s32 $0x6280, v25  }
0x26e: {  	v13 =	vadd.s32 $0x6300, v19;
	v11 =	vadd.s32 $0x6300, v18;
	v14 =	vadd.s32 $0x6300, v21;
	v22 =	vld.idx.msk [tilespmem:v22+s3+$0x0], $0xffff;
	[tilespmem:s30+$0xFFFFFE40] =	vst v1  }
0x26f: {  	v10 =	vadd.s32 $0x6300, v23;
	v8 =	vadd.s32 $0x6300, v25;
	v9 =	vadd.s32 $0x6300, v24;
	v26 =	vld.idx.msk [tilespmem:v26+s3+$0x0], $0xffff;
	[tilespmem:s30+$0xFFFFFF70] =	vst v6  }
0x270: {  	v5 =	vadd.s32 $0x6380, v19;
	v7 =	vadd.s32 $0x6380, v20;
	v6 =	vadd.s32 $0x6380, v21;
	[tilespmem:s30+$0xFFFFFE50] =	vst v0;
	v19 =	vld.idx.msk [tilespmem:v53+s3+$0x0], $0xffff  }
0x271: {  	v3 =	vadd.s32 $0x6380, v18;
	v2 =	vadd.s32 $0x6380, v23;
	v1 =	vadd.s32 $0x6380, v24;
	v18 =	vld.idx.msk [tilespmem:v27+s3+$0x0], $0xffff;
	[tilespmem:s30+$0xFFFFFE60] =	vst v52  }
0x272: {  	v21 =	vadd.s32 $0x6200, v4;
	v0 =	vadd.s32 $0x6380, v25;
	[tilespmem:s30+$0xFFFFFE80] =	vst v54;
	v20 =	vld.idx.msk [tilespmem:v29+s3+$0x0], $0xffff  }
0x273: {  	[tilespmem:s30+$0xFFFFFE90] =	vst v57;
	v23 =	vld.idx.msk [tilespmem:v30+s3+$0x0], $0xffff  }
0x274: {  	v24 =	vld.idx.msk [tilespmem:v28+s3+$0x0], $0xffff;
	[tilespmem:s30+$0xFFFFFEA0] =	vst v22  }
0x275: {  	v22 =	vld.idx.msk [tilespmem:v31+s3+$0x0], $0xffff;
	[tilespmem:s30+$0xFFFFFEB0] =	vst v26  }
0x276: {  	v25 =	vld.idx.msk [tilespmem:v32+s3+$0x0], $0xffff;
	[tilespmem:s30+$0xFFFFFFF0] =	vst v19  }
0x277: {  	[tilespmem:s30+$0xFFFFFEC0] =	vst v18;
	v18 =	vld.idx.msk [tilespmem:v21+s3+$0x0], $0xffff  }
0x278: {  	v19 =	vld.idx.msk [tilespmem:v33+s3+$0x0], $0xffff;
	[tilespmem:s30+$0xFFFFFED0] =	vst v20  }
0x279: {  	v21 =	vadd.s32 $0x6280, v4;
	v20 =	vld.idx.msk [tilespmem:v34+s3+$0x0], $0xffff;
	[tilespmem:s30+$0xFFFFFEE0] =	vst v23  }
0x27a: {  	[tilespmem:s30+$0xFFFFFF00] =	vst v24;
	v23 =	vld.idx.msk [tilespmem:v35+s3+$0x0], $0xffff  }
0x27b: {  	[tilespmem:s30+$0xFFFFFF10] =	vst v22;
	v22 =	vld.idx.msk [tilespmem:v38+s3+$0x0], $0xffff  }
0x27c: {  	v24 =	vld.idx.msk [tilespmem:v36+s3+$0x0], $0xffff;
	[tilespmem:s30+$0xFFFFFF20] =	vst v25  }
0x27d: {  	v25 =	vld.idx.msk [tilespmem:v37+s3+$0x0], $0xffff;
	[tilespmem:s30+$0x70] =	vst v18  }
0x27e: {  	[tilespmem:s30+$0xFFFFFF30] =	vst v19;
	v18 =	vld.idx.msk [tilespmem:v21+s3+$0x0], $0xffff  }
0x27f: {  	v19 =	vld.idx.msk [tilespmem:v39+s3+$0x0], $0xffff;
	[tilespmem:s30+$0xFFFFFF40] =	vst v20  }
0x280: {  	v21 =	vadd.s32 $0x6300, v4;
	v20 =	vld.idx.msk [tilespmem:v40+s3+$0x0], $0xffff;
	[tilespmem:s30+$0xFFFFFF50] =	vst v23  }
0x281: {  	v23 =	vld.idx.msk [tilespmem:v41+s3+$0x0], $0xffff;
	[tilespmem:s30+$0xFFFFFF60] =	vst v22  }
0x282: {  	[tilespmem:s30+$0xFFFFFF80] =	vst v24;
	v22 =	vld.idx.msk [tilespmem:v43+s3+$0x0], $0xffff  }
0x283: {  	[tilespmem:s30+$0xFFFFFF90] =	vst v25;
	v24 =	vld.idx.msk [tilespmem:v44+s3+$0x0], $0xffff  }
0x284: {  	v25 =	vld.idx.msk [tilespmem:v42+s3+$0x0], $0xffff;
	[tilespmem:s30+$0xF0] =	vst v18  }
0x285: {  	[tilespmem:s30+$0xFFFFFFA0] =	vst v19;
	v18 =	vld.idx.msk [tilespmem:v21+s3+$0x0], $0xffff  }
0x286: {  	v19 =	vld.idx.msk [tilespmem:v45+s3+$0x0], $0xffff;
	[tilespmem:s30+$0xFFFFFFB0] =	vst v20  }
0x287: {  	v4 =	vadd.s32 $0x6380, v4;
	v20 =	vld.idx.msk [tilespmem:v46+s3+$0x0], $0xffff;
	[tilespmem:s30+$0xFFFFFFC0] =	vst v23  }
0x288: {  	v21 =	vld.idx.msk [tilespmem:v47+s3+$0x0], $0xffff;
	[tilespmem:s30+$0xFFFFFFD0] =	vst v22  }
0x289: {  	v22 =	vld.idx.msk [tilespmem:v48+s3+$0x0], $0xffff;
	[tilespmem:s30+$0xFFFFFFE0] =	vst v24  }
0x28a: {  	[tilespmem:s30+$0x0] =	vst v25;
	v23 =	vld.idx.msk [tilespmem:v49+s3+$0x0], $0xffff  }
0x28b: {  	v24 =	vld.idx.msk [tilespmem:v50+s3+$0x0], $0xffff;
	[tilespmem:s30+$0x170] =	vst v18  }
0x28c: {  	[tilespmem:s30+$0x10] =	vst v19;
	v4 =	vld.idx.msk [tilespmem:v4+s3+$0x0], $0xffff  }
0x28d: {  	v18 =	vld.idx.msk [tilespmem:v51+s3+$0x0], $0xffff;
	[tilespmem:s30+$0x20] =	vst v20  }
0x28e: {  	v19 =	vld.idx.msk [tilespmem:v17+s3+$0x0], $0xffff;
	[tilespmem:s30+$0x30] =	vst v21  }
0x28f: {  	v20 =	vld.idx.msk [tilespmem:v55+s3+$0x0], $0xffff;
	[tilespmem:s30+$0x40] =	vst v22  }
0x290: {  	v21 =	vld.idx.msk [tilespmem:v56+s3+$0x0], $0xffff;
	[tilespmem:s30+$0x50] =	vst v23  }
0x291: {  	v16 =	vld.idx.msk [tilespmem:v16+s3+$0x0], $0xffff;
	[tilespmem:s30+$0x60] =	vst v24  }
.Ltmp3:
0x292: {  	v17 =	vld.idx.msk [tilespmem:v58+s3+$0x0], $0xffff;
	[tilespmem:s30+$0x1F0] =	vst v4;
	(pc) =	sbr.rel @p0 .LBB2_9-.Ltmp3, $4  }
0x293: {  	[tilespmem:s30+$0x80] =	vst v18;
	v15 =	vld.idx.msk [tilespmem:v15+s3+$0x0], $0xffff  }
0x294: {  	v18 =	vld.idx.msk [tilespmem:v12+s3+$0x0], $0xffff;
	[tilespmem:s30+$0x90] =	vst v19  }
0x295: {  	v14 =	vld.idx.msk [tilespmem:v14+s3+$0x0], $0xffff;
	[tilespmem:s30+$0xA0] =	vst v20  }
0x296: {  	s1 =	sadd.s32 $0x400, s1;
	v4 =	vld.idx.msk [tilespmem:v13+s3+$0x0], $0xffff;
	[tilespmem:s30+$0xB0] =	vst v21  }
0x297: {  	_ =	sdelay $0x2  }
0x298: {  	[tilespmem:s30+$0xC0] =	vst v16  }
0x299: {  	[tilespmem:s30+$0xD0] =	vst v17;
	v11 =	vld.idx.msk [tilespmem:v11+s3+$0x0], $0xffff  }
0x29a: {  	[tilespmem:s30+$0xE0] =	vst v15;
	v10 =	vld.idx.msk [tilespmem:v10+s3+$0x0], $0xffff  }
0x29b: {  	v9 =	vld.idx.msk [tilespmem:v9+s3+$0x0], $0xffff;
	[tilespmem:s30+$0x100] =	vst v18  }
0x29c: {  	v8 =	vld.idx.msk [tilespmem:v8+s3+$0x0], $0xffff;
	[tilespmem:s30+$0x110] =	vst v14  }
0x29d: {  	[tilespmem:s30+$0x120] =	vst v4;
	v4 =	vld.idx.msk [tilespmem:v7+s3+$0x0], $0xffff  }
0x29e: {  	v6 =	vld.idx.msk [tilespmem:v6+s3+$0x0], $0xffff;
	[tilespmem:s30+$0x130] =	vst v11  }
0x29f: {  	v5 =	vld.idx.msk [tilespmem:v5+s3+$0x0], $0xffff;
	[tilespmem:s30+$0x140] =	vst v10  }
0x2a0: {  	[tilespmem:s30+$0x150] =	vst v9;
	v3 =	vld.idx.msk [tilespmem:v3+s3+$0x0], $0xffff  }
0x2a1: {  	[tilespmem:s30+$0x160] =	vst v8;
	v2 =	vld.idx.msk [tilespmem:v2+s3+$0x0], $0xffff  }
0x2a2: {  	v1 =	vld.idx.msk [tilespmem:v1+s3+$0x0], $0xffff;
	[tilespmem:s31+$0x180] =	vst v4  }
0x2a3: {  	v0 =	vld.idx.msk [tilespmem:v0+s3+$0x0], $0xffff;
	[tilespmem:s31+$0x190] =	vst v6  }
0x2a4: {  	[tilespmem:s31+$0x1A0] =	vst v5  }
0x2a5: {  	[tilespmem:s31+$0x1B0] =	vst v3  }
0x2a6: {  	s0 =	sadd.s32 s29, s9;
	[tilespmem:s31+$0x1C0] =	vst v2  }
0x2a7: {  	s0 =	sshrl.u32 s0, $0x3;
	[tilespmem:s31+$0x1D0] =	vst v1  }
0x2a8: {  	s0 =	sadd.s32 s2, s0;
	[tilespmem:s31+$0x1E0] =	vst v0  }
0x2a9: {  	[hbm4b:s0+s3] =	stream.linear.scatter [tilespmem:s20], [sflag:$0x2], $0x1000, $0x38;
	[tilespmem:$0x19000] =	vst v63  }
0x2aa: {  	_ =	swait.ge [sflag:s21], $0x1000  }
0x2ab: {  	[sflag:s21] =	ssyncset.done $0x0  }
0x2ac: {  	[sflag:s21] =	ssyncadd.s32 $0xFFFFF000  }
0x2ad: {  	v0 =	vld [tilespmem:s28+$0x30];
	_ =	sdelay $0x1  }
0x2ae: {  	v2 =	vld [tilespmem:s28+$0xFFFFFFE0]  }
0x2af: {  	v3 =	vld [tilespmem:s28+$0xFFFFFFF0]  }
0x2b0: {  	v6 =	vld [tilespmem:s28+$0x0]  }
0x2b1: {  	v7 =	vld [tilespmem:s28+$0xFFFFFFC0];
	v4 =	vshll.u32 v0, $0x3  }
0x2b2: {  	v8 =	vld [tilespmem:s28+$0x10];
	v0 =	vand.u32 $0x7F, v0;
	v4 =	vand.u32 $0xFFFFFC00, v4  }
0x2b3: {  	v5 =	vor.u32 v0, v4  }
0x2b4: {  	v1 =	vld [tilespmem:s28+$0xFFFFFFD0];
	v0 =	vadd.s32 $0x8000, v5  }
0x2b5: {  	v9 =	vshll.u32 v2, $0x3;
	v10 =	vshll.u32 v3, $0x3;
	v12 =	vshll.u32 v6, $0x3  }
0x2b6: {  	v2 =	vand.u32 $0x7F, v2;
	v13 =	vshll.u32 v7, $0x3;
	v7 =	vand.u32 $0x7F, v7  }
0x2b7: {  	v15 =	vshll.u32 v8, $0x3;
	v3 =	vand.u32 $0x7F, v3;
	v8 =	vand.u32 $0x7F, v8  }
0x2b8: {  	v11 =	vld [tilespmem:s28+$0x20];
	v9 =	vand.u32 $0xFFFFFC00, v9;
	v10 =	vand.u32 $0xFFFFFC00, v10;
	v12 =	vand.u32 $0xFFFFFC00, v12  }
0x2b9: {  	v13 =	vand.u32 $0xFFFFFC00, v13;
	v15 =	vand.u32 $0xFFFFFC00, v15;
	v4 =	vshll.u32 v1, $0x3;
	v14 =	vld.idx.msk [tilespmem:v0+s3+$0x0], $0xffff  }
0x2ba: {  	v1 =	vand.u32 $0x7F, v1;
	v0 =	vor.u32 v7, v13;
	v7 =	vadd.s32 $0x8080, v5  }
0x2bb: {  	v3 =	vor.u32 v3, v10;
	v4 =	vand.u32 $0xFFFFFC00, v4;
	v13 =	vadd.s32 $0x8000, v0  }
0x2bc: {  	v2 =	vor.u32 v2, v9;
	v16 =	vadd.s32 $0x8000, v3;
	v1 =	vor.u32 v1, v4  }
0x2bd: {  	s30 =	simm.s32 $0x17200;
	v10 =	vshll.u32 v11, $0x3;
	v4 =	vand.u32 $0x7F, v6;
	v9 =	vadd.s32 $0x8000, v1  }
0x2be: {  	v11 =	vand.u32 $0x7F, v11;
	v6 =	vadd.s32 $0x8000, v2;
	v4 =	vor.u32 v4, v12;
	[tilespmem:s30+$0xFFFFFE70] =	vst v14  }
0x2bf: {  	v10 =	vand.u32 $0xFFFFFC00, v10;
	v12 =	vor.u32 v8, v15;
	v14 =	vadd.s32 $0x8000, v4;
	v7 =	vld.idx.msk [tilespmem:v7+s3+$0x0], $0xffff  }
0x2c0: {  	v8 =	vld.idx.msk [tilespmem:v13+s3+$0x0], $0xffff;
	v13 =	vor.u32 v11, v10;
	v10 =	vadd.s32 $0x8000, v12  }
0x2c1: {  	v15 =	vadd.s32 $0x8100, v5;
	v16 =	vld.idx.msk [tilespmem:v16+s3+$0x0], $0xffff  }
0x2c2: {  	v9 =	vld.idx.msk [tilespmem:v9+s3+$0x0], $0xffff;
	v11 =	vadd.s32 $0x8000, v13  }
0x2c3: {  	v6 =	vld.idx.msk [tilespmem:v6+s3+$0x0], $0xffff;
	v17 =	vadd.s32 $0x8080, v0  }
0x2c4: {  	v19 =	vadd.s32 $0x8080, v3;
	v14 =	vld.idx.msk [tilespmem:v14+s3+$0x0], $0xffff;
	[tilespmem:s30+$0xFFFFFEF0] =	vst v7  }
0x2c5: {  	v18 =	vadd.s32 $0x8080, v1;
	[tilespmem:s30+$0xFFFFFE00] =	vst v8;
	v8 =	vld.idx.msk [tilespmem:v10+s3+$0x0], $0xffff  }
0x2c6: {  	[tilespmem:s30+$0xFFFFFE30] =	vst v16;
	v7 =	vadd.s32 $0x8080, v2;
	v15 =	vld.idx.msk [tilespmem:v15+s3+$0x0], $0xffff  }
0x2c7: {  	[tilespmem:s30+$0xFFFFFE10] =	vst v9;
	v9 =	vld.idx.msk [tilespmem:v11+s3+$0x0], $0xffff;
	v11 =	vadd.s32 $0x8080, v4  }
0x2c8: {  	[tilespmem:s30+$0xFFFFFE20] =	vst v6;
	v6 =	vadd.s32 $0x8080, v12;
	v17 =	vld.idx.msk [tilespmem:v17+s3+$0x0], $0xffff  }
0x2c9: {  	v19 =	vld.idx.msk [tilespmem:v19+s3+$0x0], $0xffff;
	v10 =	vadd.s32 $0x8180, v5  }
0x2ca: {  	v16 =	vadd.s32 $0x8080, v13;
	v18 =	vld.idx.msk [tilespmem:v18+s3+$0x0], $0xffff;
	[tilespmem:s30+$0xFFFFFE40] =	vst v14  }
0x2cb: {  	v14 =	vadd.s32 $0x8100, v0;
	v7 =	vld.idx.msk [tilespmem:v7+s3+$0x0], $0xffff;
	[tilespmem:s30+$0xFFFFFE50] =	vst v8  }
0x2cc: {  	[tilespmem:s30+$0xFFFFFF70] =	vst v15;
	v15 =	vadd.s32 $0x8100, v1;
	v11 =	vld.idx.msk [tilespmem:v11+s3+$0x0], $0xffff  }
0x2cd: {  	[tilespmem:s30+$0xFFFFFE80] =	vst v17;
	v6 =	vld.idx.msk [tilespmem:v6+s3+$0x0], $0xffff;
	v17 =	vadd.s32 $0x8100, v3  }
0x2ce: {  	[tilespmem:s30+$0xFFFFFE60] =	vst v9;
	v8 =	vld.idx.msk [tilespmem:v10+s3+$0x0], $0xffff;
	v10 =	vadd.s32 $0x8100, v2  }
0x2cf: {  	[tilespmem:s30+$0xFFFFFE90] =	vst v18;
	v18 =	vadd.s32 $0x8100, v4;
	v16 =	vld.idx.msk [tilespmem:v16+s3+$0x0], $0xffff  }
0x2d0: {  	[tilespmem:s30+$0xFFFFFEB0] =	vst v19;
	v9 =	vadd.s32 $0x8200, v5;
	v14 =	vld.idx.msk [tilespmem:v14+s3+$0x0], $0xffff  }
0x2d1: {  	[tilespmem:s30+$0xFFFFFEA0] =	vst v7;
	v7 =	vadd.s32 $0x8100, v12;
	v15 =	vld.idx.msk [tilespmem:v15+s3+$0x0], $0xffff  }
0x2d2: {  	v19 =	vadd.s32 $0x8100, v13;
	[tilespmem:s30+$0xFFFFFEC0] =	vst v11;
	v17 =	vld.idx.msk [tilespmem:v17+s3+$0x0], $0xffff  }
0x2d3: {  	v10 =	vld.idx.msk [tilespmem:v10+s3+$0x0], $0xffff;
	[tilespmem:s30+$0xFFFFFFF0] =	vst v8;
	v8 =	vadd.s32 $0x8180, v0  }
0x2d4: {  	v11 =	vadd.s32 $0x8180, v1;
	[tilespmem:s30+$0xFFFFFED0] =	vst v6;
	v6 =	vld.idx.msk [tilespmem:v18+s3+$0x0], $0xffff  }
0x2d5: {  	[tilespmem:s30+$0xFFFFFEE0] =	vst v16;
	v18 =	vadd.s32 $0x8180, v2;
	v9 =	vld.idx.msk [tilespmem:v9+s3+$0x0], $0xffff  }
0x2d6: {  	v16 =	vadd.s32 $0x8280, v5;
	[tilespmem:s30+$0xFFFFFF00] =	vst v14;
	v7 =	vld.idx.msk [tilespmem:v7+s3+$0x0], $0xffff  }
0x2d7: {  	v14 =	vadd.s32 $0x8180, v3;
	[tilespmem:s30+$0xFFFFFF10] =	vst v15;
	v15 =	vld.idx.msk [tilespmem:v19+s3+$0x0], $0xffff  }
0x2d8: {  	v19 =	vadd.s32 $0x8180, v4;
	[tilespmem:s30+$0xFFFFFF30] =	vst v17;
	v8 =	vld.idx.msk [tilespmem:v8+s3+$0x0], $0xffff  }
0x2d9: {  	[tilespmem:s30+$0xFFFFFF20] =	vst v10;
	v10 =	vadd.s32 $0x8180, v12;
	v11 =	vld.idx.msk [tilespmem:v11+s3+$0x0], $0xffff  }
0x2da: {  	[tilespmem:s30+$0x70] =	vst v9;
	v9 =	vadd.s32 $0x8180, v13;
	v18 =	vld.idx.msk [tilespmem:v18+s3+$0x0], $0xffff  }
0x2db: {  	v17 =	vadd.s32 $0x8200, v0;
	[tilespmem:s30+$0xFFFFFF40] =	vst v6;
	v16 =	vld.idx.msk [tilespmem:v16+s3+$0x0], $0xffff  }
0x2dc: {  	v6 =	vld.idx.msk [tilespmem:v14+s3+$0x0], $0xffff;
	v14 =	vadd.s32 $0x8200, v1;
	[tilespmem:s30+$0xFFFFFF50] =	vst v7  }
0x2dd: {  	v7 =	vadd.s32 $0x8300, v5;
	v19 =	vld.idx.msk [tilespmem:v19+s3+$0x0], $0xffff;
	[tilespmem:s30+$0xFFFFFF60] =	vst v15  }
0x2de: {  	v15 =	vadd.s32 $0x8200, v2;
	[tilespmem:s30+$0xFFFFFF80] =	vst v8;
	v8 =	vld.idx.msk [tilespmem:v10+s3+$0x0], $0xffff  }
0x2df: {  	v10 =	vadd.s32 $0x8200, v3;
	[tilespmem:s30+$0xFFFFFF90] =	vst v11;
	v9 =	vld.idx.msk [tilespmem:v9+s3+$0x0], $0xffff  }
0x2e0: {  	v11 =	vadd.s32 $0x8200, v4;
	v17 =	vld.idx.msk [tilespmem:v17+s3+$0x0], $0xffff;
	[tilespmem:s30+$0xFFFFFFA0] =	vst v18  }
0x2e1: {  	[tilespmem:s30+$0xF0] =	vst v16;
	v16 =	vadd.s32 $0x8200, v12;
	v14 =	vld.idx.msk [tilespmem:v14+s3+$0x0], $0xffff  }
0x2e2: {  	v18 =	vadd.s32 $0x8200, v13;
	[tilespmem:s30+$0xFFFFFFB0] =	vst v6;
	v7 =	vld.idx.msk [tilespmem:v7+s3+$0x0], $0xffff  }
0x2e3: {  	v5 =	vadd.s32 $0x8380, v5;
	v6 =	vld.idx.msk [tilespmem:v15+s3+$0x0], $0xffff;
	[tilespmem:s30+$0xFFFFFFC0] =	vst v19  }
0x2e4: {  	v15 =	vadd.s32 $0x8280, v0;
	v10 =	vld.idx.msk [tilespmem:v10+s3+$0x0], $0xffff;
	[tilespmem:s30+$0xFFFFFFD0] =	vst v8  }
0x2e5: {  	v8 =	vadd.s32 $0x8280, v1;
	v11 =	vld.idx.msk [tilespmem:v11+s3+$0x0], $0xffff;
	[tilespmem:s30+$0xFFFFFFE0] =	vst v9  }
0x2e6: {  	v9 =	vadd.s32 $0x8280, v2;
	[tilespmem:s30+$0x0] =	vst v17;
	v16 =	vld.idx.msk [tilespmem:v16+s3+$0x0], $0xffff  }
0x2e7: {  	v17 =	vadd.s32 $0x8280, v3;
	v18 =	vld.idx.msk [tilespmem:v18+s3+$0x0], $0xffff;
	[tilespmem:s30+$0x170] =	vst v7  }
0x2e8: {  	[tilespmem:s30+$0x10] =	vst v14;
	v7 =	vadd.s32 $0x8280, v4;
	v5 =	vld.idx.msk [tilespmem:v5+s3+$0x0], $0xffff  }
0x2e9: {  	v14 =	vadd.s32 $0x8280, v12;
	v15 =	vld.idx.msk [tilespmem:v15+s3+$0x0], $0xffff;
	[tilespmem:s30+$0x20] =	vst v6  }
0x2ea: {  	v6 =	vadd.s32 $0x8280, v13;
	v19 =	vld.idx.msk [tilespmem:v8+s3+$0x0], $0xffff;
	[tilespmem:s30+$0x30] =	vst v10  }
0x2eb: {  	v20 =	vadd.s32 $0x8300, v0;
	[tilespmem:s30+$0x40] =	vst v11;
	v21 =	vld.idx.msk [tilespmem:v9+s3+$0x0], $0xffff  }
0x2ec: {  	v22 =	vadd.s32 $0x8300, v1;
	v23 =	vld.idx.msk [tilespmem:v17+s3+$0x0], $0xffff;
	[tilespmem:s30+$0x50] =	vst v16  }
0x2ed: {  	v24 =	vadd.s32 $0x8300, v2;
	[tilespmem:s30+$0x60] =	vst v18;
	v16 =	vld.idx.msk [tilespmem:v7+s3+$0x0], $0xffff  }
0x2ee: {  	v17 =	vld.idx.msk [tilespmem:v14+s3+$0x0], $0xffff;
	[tilespmem:s30+$0x1F0] =	vst v5  }
0x2ef: {  	v11 =	vadd.s32 $0x8300, v3;
	v10 =	vadd.s32 $0x8300, v4;
	[tilespmem:s30+$0x80] =	vst v15;
	v15 =	vld.idx.msk [tilespmem:v6+s3+$0x0], $0xffff  }
0x2f0: {  	v8 =	vadd.s32 $0x8300, v13;
	v3 =	vadd.s32 $0x8380, v3;
	v9 =	vadd.s32 $0x8300, v12;
	v18 =	vld.idx.msk [tilespmem:v20+s3+$0x0], $0xffff;
	[tilespmem:s30+$0x90] =	vst v19  }
0x2f1: {  	v7 =	vadd.s32 $0x8380, v0;
	v0 =	vadd.s32 $0x8380, v13;
	v6 =	vadd.s32 $0x8380, v1;
	v14 =	vld.idx.msk [tilespmem:v22+s3+$0x0], $0xffff;
	[tilespmem:s30+$0xA0] =	vst v21  }
0x2f2: {  	s1 =	sadd.s32 $0x400, s28;
	s31 =	simm.s32 $0x17200;
	s0 =	simm.s32 $0x0;
	v5 =	vadd.s32 $0x8380, v2;
	v2 =	vadd.s32 $0x8380, v4;
	v1 =	vadd.s32 $0x8380, v12;
	[tilespmem:s30+$0xB0] =	vst v23;
	v4 =	vld.idx.msk [tilespmem:v24+s3+$0x0], $0xffff  }
.LBB2_11:
0x2f3: {  	v12 =	vld [tilespmem:s1+$0x30];
	s0 =	sadd.s32 $0x8, s0;
	[tilespmem:s30+$0xC0] =	vst v16  }
0x2f4: {  	v13 =	vld [tilespmem:s1+$0xFFFFFFD0];
	p0 =	slt.u32 s0, $0x18;
	[tilespmem:s30+$0xD0] =	vst v17  }
0x2f5: {  	v16 =	vld [tilespmem:s1+$0xFFFFFFE0];
	[tilespmem:s30+$0xE0] =	vst v15  }
0x2f6: {  	v15 =	vld [tilespmem:s1+$0xFFFFFFF0];
	[tilespmem:s30+$0x100] =	vst v18  }
0x2f7: {  	v17 =	vld [tilespmem:s1+$0x0];
	[tilespmem:s30+$0x110] =	vst v14  }
0x2f8: {  	v14 =	vld [tilespmem:s1+$0x10];
	v18 =	vshll.u32 v12, $0x3;
	[tilespmem:s30+$0x120] =	vst v4  }
0x2f9: {  	v12 =	vand.u32 $0x7F, v12;
	v4 =	vshll.u32 v13, $0x3;
	v19 =	vld [tilespmem:s1+$0x20];
	v18 =	vand.u32 $0xFFFFFC00, v18  }
0x2fa: {  	v20 =	vld [tilespmem:s1+$0xFFFFFFC0];
	v21 =	vand.u32 $0xFFFFFC00, v4;
	v22 =	vshll.u32 v16, $0x3;
	v4 =	vor.u32 v12, v18  }
0x2fb: {  	v12 =	vand.u32 $0xFFFFFC00, v22;
	v18 =	vshll.u32 v15, $0x3;
	v22 =	vadd.s32 $0x8000, v4;
	v11 =	vld.idx.msk [tilespmem:v11+s3+$0x0], $0xffff  }
0x2fc: {  	v13 =	vand.u32 $0x7F, v13;
	v18 =	vand.u32 $0xFFFFFC00, v18;
	v23 =	vshll.u32 v17, $0x3;
	v10 =	vld.idx.msk [tilespmem:v10+s3+$0x0], $0xffff  }
0x2fd: {  	v16 =	vand.u32 $0x7F, v16;
	v23 =	vand.u32 $0xFFFFFC00, v23;
	v24 =	vshll.u32 v14, $0x3;
	v9 =	vld.idx.msk [tilespmem:v9+s3+$0x0], $0xffff  }
0x2fe: {  	v15 =	vand.u32 $0x7F, v15;
	v24 =	vand.u32 $0xFFFFFC00, v24;
	v25 =	vshll.u32 v19, $0x3;
	v8 =	vld.idx.msk [tilespmem:v8+s3+$0x0], $0xffff  }
0x2ff: {  	v26 =	vand.u32 $0x7F, v20;
	v20 =	vshll.u32 v20, $0x3;
	v25 =	vand.u32 $0xFFFFFC00, v25;
	v7 =	vld.idx.msk [tilespmem:v7+s3+$0x0], $0xffff  }
0x300: {  	v17 =	vand.u32 $0x7F, v17;
	v14 =	vand.u32 $0x7F, v14;
	v20 =	vand.u32 $0xFFFFFC00, v20;
	v22 =	vld.idx.msk [tilespmem:v22+s3+$0x0], $0xffff  }
0x301: {  	v21 =	vor.u32 v13, v21;
	v13 =	vand.u32 $0x7F, v19;
	v20 =	vor.u32 v26, v20;
	v6 =	vld.idx.msk [tilespmem:v6+s3+$0x0], $0xffff;
	[tilespmem:s30+$0x130] =	vst v11  }
0x302: {  	v18 =	vor.u32 v15, v18;
	v19 =	vor.u32 v16, v12;
	v11 =	vadd.s32 $0x8080, v4;
	v5 =	vld.idx.msk [tilespmem:v5+s3+$0x0], $0xffff;
	[tilespmem:s30+$0x140] =	vst v10  }
0x303: {  	v23 =	vor.u32 v17, v23;
	v24 =	vor.u32 v14, v24;
	v25 =	vor.u32 v13, v25;
	[tilespmem:s30+$0x150] =	vst v9  }
0x304: {  	v12 =	vadd.s32 $0x8000, v19;
	v10 =	vadd.s32 $0x8000, v21;
	v9 =	vadd.s32 $0x8000, v20;
	v3 =	vld.idx.msk [tilespmem:v3+s3+$0x0], $0xffff;
	[tilespmem:s30+$0x160] =	vst v8  }
0x305: {  	v13 =	vadd.s32 $0x8000, v23;
	v14 =	vadd.s32 $0x8000, v24;
	v8 =	vadd.s32 $0x8000, v18;
	s30 =	sadd.s32 $0x400, s30;
	[tilespmem:s31+$0x180] =	vst v7;
	v2 =	vld.idx.msk [tilespmem:v2+s3+$0x0], $0xffff  }
0x306: {  	v15 =	vadd.s32 $0x8080, v21;
	v16 =	vadd.s32 $0x8000, v25;
	v7 =	vadd.s32 $0x8080, v20;
	[tilespmem:s30+$0xFFFFFE70] =	vst v22;
	v1 =	vld.idx.msk [tilespmem:v1+s3+$0x0], $0xffff  }
0x307: {  	v27 =	vadd.s32 $0x8080, v23;
	v26 =	vadd.s32 $0x8080, v18;
	v22 =	vadd.s32 $0x8080, v19;
	v11 =	vld.idx.msk [tilespmem:v11+s3+$0x0], $0xffff;
	[tilespmem:s31+$0x190] =	vst v6  }
0x308: {  	v29 =	vadd.s32 $0x8080, v24;
	v30 =	vadd.s32 $0x8080, v25;
	v28 =	vadd.s32 $0x8100, v20;
	[tilespmem:s31+$0x1A0] =	vst v5;
	v0 =	vld.idx.msk [tilespmem:v0+s3+$0x0], $0xffff  }
0x309: {  	v31 =	vadd.s32 $0x8100, v21;
	v32 =	vadd.s32 $0x8100, v19;
	v6 =	vadd.s32 $0x8100, v4;
	v5 =	vld.idx.msk [tilespmem:v9+s3+$0x0], $0xffff  }
0x30a: {  	v33 =	vadd.s32 $0x8100, v18;
	v34 =	vadd.s32 $0x8100, v23;
	v35 =	vadd.s32 $0x8100, v24;
	v9 =	vld.idx.msk [tilespmem:v10+s3+$0x0], $0xffff;
	[tilespmem:s31+$0x1B0] =	vst v3  }
0x30b: {  	v37 =	vadd.s32 $0x8180, v21;
	v38 =	vadd.s32 $0x8100, v25;
	v36 =	vadd.s32 $0x8180, v20;
	v3 =	vld.idx.msk [tilespmem:v12+s3+$0x0], $0xffff;
	[tilespmem:s31+$0x1C0] =	vst v2  }
0x30c: {  	v40 =	vadd.s32 $0x8180, v18;
	v39 =	vadd.s32 $0x8180, v19;
	v41 =	vadd.s32 $0x8180, v23;
	v2 =	vld.idx.msk [tilespmem:v8+s3+$0x0], $0xffff;
	[tilespmem:s31+$0x1D0] =	vst v1  }
0x30d: {  	v43 =	vadd.s32 $0x8180, v24;
	v44 =	vadd.s32 $0x8180, v25;
	v42 =	vadd.s32 $0x8200, v20;
	v1 =	vld.idx.msk [tilespmem:v13+s3+$0x0], $0xffff;
	[tilespmem:s30+$0xFFFFFEF0] =	vst v11  }
0x30e: {  	v45 =	vadd.s32 $0x8200, v21;
	v47 =	vadd.s32 $0x8200, v18;
	v46 =	vadd.s32 $0x8200, v19;
	v6 =	vld.idx.msk [tilespmem:v6+s3+$0x0], $0xffff;
	[tilespmem:s31+$0x1E0] =	vst v0;
	s31 =	smov.u32 s30  }
0x30f: {  	v48 =	vadd.s32 $0x8200, v23;
	v49 =	vadd.s32 $0x8200, v24;
	v50 =	vadd.s32 $0x8200, v25;
	[tilespmem:s30+$0xFFFFFE00] =	vst v5;
	v0 =	vld.idx.msk [tilespmem:v14+s3+$0x0], $0xffff  }
0x310: {  	v53 =	vadd.s32 $0x8180, v4;
	v17 =	vadd.s32 $0x8280, v21;
	v51 =	vadd.s32 $0x8280, v20;
	[tilespmem:s30+$0xFFFFFE10] =	vst v9;
	v52 =	vld.idx.msk [tilespmem:v16+s3+$0x0], $0xffff  }
0x311: {  	v56 =	vadd.s32 $0x8280, v18;
	v55 =	vadd.s32 $0x8280, v19;
	v16 =	vadd.s32 $0x8280, v23;
	v54 =	vld.idx.msk [tilespmem:v7+s3+$0x0], $0xffff;
	[tilespmem:s30+$0xFFFFFE20] =	vst v3  }
0x312: {  	v58 =	vadd.s32 $0x8280, v24;
	v12 =	vadd.s32 $0x8300, v20;
	v57 =	vld.idx.msk [tilespmem:v15+s3+$0x0], $0xffff;
	[tilespmem:s30+$0xFFFFFE30] =	vst v2;
	v15 =	vadd.s32 $0x8280, v25  }
0x313: {  	v13 =	vadd.s32 $0x8300, v19;
	v11 =	vadd.s32 $0x8300, v18;
	v14 =	vadd.s32 $0x8300, v21;
	v22 =	vld.idx.msk [tilespmem:v22+s3+$0x0], $0xffff;
	[tilespmem:s30+$0xFFFFFE40] =	vst v1  }
0x314: {  	v10 =	vadd.s32 $0x8300, v23;
	v8 =	vadd.s32 $0x8300, v25;
	v9 =	vadd.s32 $0x8300, v24;
	v26 =	vld.idx.msk [tilespmem:v26+s3+$0x0], $0xffff;
	[tilespmem:s30+$0xFFFFFF70] =	vst v6  }
0x315: {  	v5 =	vadd.s32 $0x8380, v19;
	v7 =	vadd.s32 $0x8380, v20;
	v6 =	vadd.s32 $0x8380, v21;
	[tilespmem:s30+$0xFFFFFE50] =	vst v0;
	v19 =	vld.idx.msk [tilespmem:v53+s3+$0x0], $0xffff  }
0x316: {  	v3 =	vadd.s32 $0x8380, v18;
	v2 =	vadd.s32 $0x8380, v23;
	v1 =	vadd.s32 $0x8380, v24;
	v18 =	vld.idx.msk [tilespmem:v27+s3+$0x0], $0xffff;
	[tilespmem:s30+$0xFFFFFE60] =	vst v52  }
0x317: {  	v21 =	vadd.s32 $0x8200, v4;
	v0 =	vadd.s32 $0x8380, v25;
	[tilespmem:s30+$0xFFFFFE80] =	vst v54;
	v20 =	vld.idx.msk [tilespmem:v29+s3+$0x0], $0xffff  }
0x318: {  	[tilespmem:s30+$0xFFFFFE90] =	vst v57;
	v23 =	vld.idx.msk [tilespmem:v30+s3+$0x0], $0xffff  }
0x319: {  	v24 =	vld.idx.msk [tilespmem:v28+s3+$0x0], $0xffff;
	[tilespmem:s30+$0xFFFFFEA0] =	vst v22  }
0x31a: {  	v22 =	vld.idx.msk [tilespmem:v31+s3+$0x0], $0xffff;
	[tilespmem:s30+$0xFFFFFEB0] =	vst v26  }
0x31b: {  	v25 =	vld.idx.msk [tilespmem:v32+s3+$0x0], $0xffff;
	[tilespmem:s30+$0xFFFFFFF0] =	vst v19  }
0x31c: {  	[tilespmem:s30+$0xFFFFFEC0] =	vst v18;
	v18 =	vld.idx.msk [tilespmem:v21+s3+$0x0], $0xffff  }
0x31d: {  	v19 =	vld.idx.msk [tilespmem:v33+s3+$0x0], $0xffff;
	[tilespmem:s30+$0xFFFFFED0] =	vst v20  }
0x31e: {  	v21 =	vadd.s32 $0x8280, v4;
	v20 =	vld.idx.msk [tilespmem:v34+s3+$0x0], $0xffff;
	[tilespmem:s30+$0xFFFFFEE0] =	vst v23  }
0x31f: {  	[tilespmem:s30+$0xFFFFFF00] =	vst v24;
	v23 =	vld.idx.msk [tilespmem:v35+s3+$0x0], $0xffff  }
0x320: {  	[tilespmem:s30+$0xFFFFFF10] =	vst v22;
	v22 =	vld.idx.msk [tilespmem:v38+s3+$0x0], $0xffff  }
0x321: {  	v24 =	vld.idx.msk [tilespmem:v36+s3+$0x0], $0xffff;
	[tilespmem:s30+$0xFFFFFF20] =	vst v25  }
0x322: {  	v25 =	vld.idx.msk [tilespmem:v37+s3+$0x0], $0xffff;
	[tilespmem:s30+$0x70] =	vst v18  }
0x323: {  	[tilespmem:s30+$0xFFFFFF30] =	vst v19;
	v18 =	vld.idx.msk [tilespmem:v21+s3+$0x0], $0xffff  }
0x324: {  	v19 =	vld.idx.msk [tilespmem:v39+s3+$0x0], $0xffff;
	[tilespmem:s30+$0xFFFFFF40] =	vst v20  }
0x325: {  	v21 =	vadd.s32 $0x8300, v4;
	v20 =	vld.idx.msk [tilespmem:v40+s3+$0x0], $0xffff;
	[tilespmem:s30+$0xFFFFFF50] =	vst v23  }
0x326: {  	v23 =	vld.idx.msk [tilespmem:v41+s3+$0x0], $0xffff;
	[tilespmem:s30+$0xFFFFFF60] =	vst v22  }
0x327: {  	[tilespmem:s30+$0xFFFFFF80] =	vst v24;
	v22 =	vld.idx.msk [tilespmem:v43+s3+$0x0], $0xffff  }
0x328: {  	[tilespmem:s30+$0xFFFFFF90] =	vst v25;
	v24 =	vld.idx.msk [tilespmem:v44+s3+$0x0], $0xffff  }
0x329: {  	v25 =	vld.idx.msk [tilespmem:v42+s3+$0x0], $0xffff;
	[tilespmem:s30+$0xF0] =	vst v18  }
0x32a: {  	[tilespmem:s30+$0xFFFFFFA0] =	vst v19;
	v18 =	vld.idx.msk [tilespmem:v21+s3+$0x0], $0xffff  }
0x32b: {  	v19 =	vld.idx.msk [tilespmem:v45+s3+$0x0], $0xffff;
	[tilespmem:s30+$0xFFFFFFB0] =	vst v20  }
0x32c: {  	v4 =	vadd.s32 $0x8380, v4;
	v20 =	vld.idx.msk [tilespmem:v46+s3+$0x0], $0xffff;
	[tilespmem:s30+$0xFFFFFFC0] =	vst v23  }
0x32d: {  	v21 =	vld.idx.msk [tilespmem:v47+s3+$0x0], $0xffff;
	[tilespmem:s30+$0xFFFFFFD0] =	vst v22  }
0x32e: {  	v22 =	vld.idx.msk [tilespmem:v48+s3+$0x0], $0xffff;
	[tilespmem:s30+$0xFFFFFFE0] =	vst v24  }
0x32f: {  	[tilespmem:s30+$0x0] =	vst v25;
	v23 =	vld.idx.msk [tilespmem:v49+s3+$0x0], $0xffff  }
0x330: {  	v24 =	vld.idx.msk [tilespmem:v50+s3+$0x0], $0xffff;
	[tilespmem:s30+$0x170] =	vst v18  }
0x331: {  	[tilespmem:s30+$0x10] =	vst v19;
	v4 =	vld.idx.msk [tilespmem:v4+s3+$0x0], $0xffff  }
0x332: {  	v18 =	vld.idx.msk [tilespmem:v51+s3+$0x0], $0xffff;
	[tilespmem:s30+$0x20] =	vst v20  }
0x333: {  	v19 =	vld.idx.msk [tilespmem:v17+s3+$0x0], $0xffff;
	[tilespmem:s30+$0x30] =	vst v21  }
0x334: {  	v20 =	vld.idx.msk [tilespmem:v55+s3+$0x0], $0xffff;
	[tilespmem:s30+$0x40] =	vst v22  }
0x335: {  	v21 =	vld.idx.msk [tilespmem:v56+s3+$0x0], $0xffff;
	[tilespmem:s30+$0x50] =	vst v23  }
0x336: {  	v16 =	vld.idx.msk [tilespmem:v16+s3+$0x0], $0xffff;
	[tilespmem:s30+$0x60] =	vst v24  }
.Ltmp4:
0x337: {  	v17 =	vld.idx.msk [tilespmem:v58+s3+$0x0], $0xffff;
	[tilespmem:s30+$0x1F0] =	vst v4;
	(pc) =	sbr.rel @p0 .LBB2_11-.Ltmp4, $4  }
0x338: {  	[tilespmem:s30+$0x80] =	vst v18;
	v15 =	vld.idx.msk [tilespmem:v15+s3+$0x0], $0xffff  }
0x339: {  	v18 =	vld.idx.msk [tilespmem:v12+s3+$0x0], $0xffff;
	[tilespmem:s30+$0x90] =	vst v19  }
0x33a: {  	v14 =	vld.idx.msk [tilespmem:v14+s3+$0x0], $0xffff;
	[tilespmem:s30+$0xA0] =	vst v20  }
0x33b: {  	s1 =	sadd.s32 $0x400, s1;
	v4 =	vld.idx.msk [tilespmem:v13+s3+$0x0], $0xffff;
	[tilespmem:s30+$0xB0] =	vst v21  }
0x33c: {  	_ =	sdelay $0x2  }
0x33d: {  	[tilespmem:s30+$0xC0] =	vst v16  }
0x33e: {  	[tilespmem:s30+$0xD0] =	vst v17;
	v11 =	vld.idx.msk [tilespmem:v11+s3+$0x0], $0xffff  }
0x33f: {  	[tilespmem:s30+$0xE0] =	vst v15;
	v10 =	vld.idx.msk [tilespmem:v10+s3+$0x0], $0xffff  }
0x340: {  	v9 =	vld.idx.msk [tilespmem:v9+s3+$0x0], $0xffff;
	[tilespmem:s30+$0x100] =	vst v18  }
0x341: {  	v8 =	vld.idx.msk [tilespmem:v8+s3+$0x0], $0xffff;
	[tilespmem:s30+$0x110] =	vst v14  }
0x342: {  	[tilespmem:s30+$0x120] =	vst v4;
	v4 =	vld.idx.msk [tilespmem:v7+s3+$0x0], $0xffff  }
0x343: {  	v6 =	vld.idx.msk [tilespmem:v6+s3+$0x0], $0xffff;
	[tilespmem:s30+$0x130] =	vst v11  }
0x344: {  	v5 =	vld.idx.msk [tilespmem:v5+s3+$0x0], $0xffff;
	[tilespmem:s30+$0x140] =	vst v10  }
0x345: {  	[tilespmem:s30+$0x150] =	vst v9;
	v3 =	vld.idx.msk [tilespmem:v3+s3+$0x0], $0xffff  }
0x346: {  	[tilespmem:s30+$0x160] =	vst v8;
	v2 =	vld.idx.msk [tilespmem:v2+s3+$0x0], $0xffff  }
0x347: {  	v1 =	vld.idx.msk [tilespmem:v1+s3+$0x0], $0xffff;
	[tilespmem:s31+$0x180] =	vst v4  }
0x348: {  	v0 =	vld.idx.msk [tilespmem:v0+s3+$0x0], $0xffff;
	[tilespmem:s31+$0x190] =	vst v6  }
0x349: {  	[tilespmem:s31+$0x1A0] =	vst v5  }
0x34a: {  	[tilespmem:s31+$0x1B0] =	vst v3  }
0x34b: {  	s0 =	sadd.s32 s29, s10;
	[tilespmem:s31+$0x1C0] =	vst v2  }
0x34c: {  	s0 =	sshrl.u32 s0, $0x3;
	[tilespmem:s31+$0x1D0] =	vst v1  }
0x34d: {  	s0 =	sadd.s32 s2, s0;
	[tilespmem:s31+$0x1E0] =	vst v0  }
0x34e: {  	[hbm4b:s0+s3] =	stream.linear.scatter [tilespmem:s19], [sflag:$0x1], $0x1000, $0x38;
	[tilespmem:$0x19000] =	vst v63  }
0x34f: {  	_ =	swait.ge [sflag:s22], $0x1000  }
0x350: {  	[sflag:s22] =	ssyncset.done $0x0  }
0x351: {  	[sflag:s22] =	ssyncadd.s32 $0xFFFFF000  }
0x352: {  	v0 =	vld [tilespmem:s28+$0x30];
	_ =	sdelay $0x1  }
0x353: {  	v2 =	vld [tilespmem:s28+$0xFFFFFFE0]  }
0x354: {  	v3 =	vld [tilespmem:s28+$0xFFFFFFF0]  }
0x355: {  	v6 =	vld [tilespmem:s28+$0x0]  }
0x356: {  	v7 =	vld [tilespmem:s28+$0xFFFFFFC0];
	v4 =	vshll.u32 v0, $0x3  }
0x357: {  	v8 =	vld [tilespmem:s28+$0x10];
	v0 =	vand.u32 $0x7F, v0;
	v4 =	vand.u32 $0xFFFFFC00, v4  }
0x358: {  	v5 =	vor.u32 v0, v4  }
0x359: {  	v1 =	vld [tilespmem:s28+$0xFFFFFFD0];
	v0 =	vadd.s32 $0xA000, v5  }
0x35a: {  	v9 =	vshll.u32 v2, $0x3;
	v10 =	vshll.u32 v3, $0x3;
	v12 =	vshll.u32 v6, $0x3  }
0x35b: {  	v2 =	vand.u32 $0x7F, v2;
	v13 =	vshll.u32 v7, $0x3;
	v7 =	vand.u32 $0x7F, v7  }
0x35c: {  	v15 =	vshll.u32 v8, $0x3;
	v3 =	vand.u32 $0x7F, v3;
	v8 =	vand.u32 $0x7F, v8  }
0x35d: {  	v11 =	vld [tilespmem:s28+$0x20];
	v9 =	vand.u32 $0xFFFFFC00, v9;
	v10 =	vand.u32 $0xFFFFFC00, v10;
	v12 =	vand.u32 $0xFFFFFC00, v12  }
0x35e: {  	v13 =	vand.u32 $0xFFFFFC00, v13;
	v15 =	vand.u32 $0xFFFFFC00, v15;
	v4 =	vshll.u32 v1, $0x3;
	v14 =	vld.idx.msk [tilespmem:v0+s3+$0x0], $0xffff  }
0x35f: {  	v1 =	vand.u32 $0x7F, v1;
	v0 =	vor.u32 v7, v13;
	v7 =	vadd.s32 $0xA080, v5  }
0x360: {  	v3 =	vor.u32 v3, v10;
	v4 =	vand.u32 $0xFFFFFC00, v4;
	v13 =	vadd.s32 $0xA000, v0  }
0x361: {  	v2 =	vor.u32 v2, v9;
	v16 =	vadd.s32 $0xA000, v3;
	v1 =	vor.u32 v1, v4  }
0x362: {  	s30 =	simm.s32 $0x18200;
	v10 =	vshll.u32 v11, $0x3;
	v4 =	vand.u32 $0x7F, v6;
	v9 =	vadd.s32 $0xA000, v1  }
0x363: {  	v11 =	vand.u32 $0x7F, v11;
	v6 =	vadd.s32 $0xA000, v2;
	v4 =	vor.u32 v4, v12;
	[tilespmem:s30+$0xFFFFFE70] =	vst v14  }
0x364: {  	v10 =	vand.u32 $0xFFFFFC00, v10;
	v12 =	vor.u32 v8, v15;
	v14 =	vadd.s32 $0xA000, v4;
	v7 =	vld.idx.msk [tilespmem:v7+s3+$0x0], $0xffff  }
0x365: {  	v8 =	vld.idx.msk [tilespmem:v13+s3+$0x0], $0xffff;
	v13 =	vor.u32 v11, v10;
	v10 =	vadd.s32 $0xA000, v12  }
0x366: {  	v15 =	vadd.s32 $0xA100, v5;
	v16 =	vld.idx.msk [tilespmem:v16+s3+$0x0], $0xffff  }
0x367: {  	v9 =	vld.idx.msk [tilespmem:v9+s3+$0x0], $0xffff;
	v11 =	vadd.s32 $0xA000, v13  }
0x368: {  	v6 =	vld.idx.msk [tilespmem:v6+s3+$0x0], $0xffff;
	v17 =	vadd.s32 $0xA080, v0  }
0x369: {  	v19 =	vadd.s32 $0xA080, v3;
	v14 =	vld.idx.msk [tilespmem:v14+s3+$0x0], $0xffff;
	[tilespmem:s30+$0xFFFFFEF0] =	vst v7  }
0x36a: {  	v18 =	vadd.s32 $0xA080, v1;
	[tilespmem:s30+$0xFFFFFE00] =	vst v8;
	v8 =	vld.idx.msk [tilespmem:v10+s3+$0x0], $0xffff  }
0x36b: {  	[tilespmem:s30+$0xFFFFFE30] =	vst v16;
	v7 =	vadd.s32 $0xA080, v2;
	v15 =	vld.idx.msk [tilespmem:v15+s3+$0x0], $0xffff  }
0x36c: {  	[tilespmem:s30+$0xFFFFFE10] =	vst v9;
	v9 =	vld.idx.msk [tilespmem:v11+s3+$0x0], $0xffff;
	v11 =	vadd.s32 $0xA080, v4  }
0x36d: {  	[tilespmem:s30+$0xFFFFFE20] =	vst v6;
	v6 =	vadd.s32 $0xA080, v12;
	v17 =	vld.idx.msk [tilespmem:v17+s3+$0x0], $0xffff  }
0x36e: {  	v19 =	vld.idx.msk [tilespmem:v19+s3+$0x0], $0xffff;
	v10 =	vadd.s32 $0xA180, v5  }
0x36f: {  	v16 =	vadd.s32 $0xA080, v13;
	v18 =	vld.idx.msk [tilespmem:v18+s3+$0x0], $0xffff;
	[tilespmem:s30+$0xFFFFFE40] =	vst v14  }
0x370: {  	v14 =	vadd.s32 $0xA100, v0;
	v7 =	vld.idx.msk [tilespmem:v7+s3+$0x0], $0xffff;
	[tilespmem:s30+$0xFFFFFE50] =	vst v8  }
0x371: {  	[tilespmem:s30+$0xFFFFFF70] =	vst v15;
	v15 =	vadd.s32 $0xA100, v1;
	v11 =	vld.idx.msk [tilespmem:v11+s3+$0x0], $0xffff  }
0x372: {  	[tilespmem:s30+$0xFFFFFE80] =	vst v17;
	v6 =	vld.idx.msk [tilespmem:v6+s3+$0x0], $0xffff;
	v17 =	vadd.s32 $0xA100, v3  }
0x373: {  	[tilespmem:s30+$0xFFFFFE60] =	vst v9;
	v8 =	vld.idx.msk [tilespmem:v10+s3+$0x0], $0xffff;
	v10 =	vadd.s32 $0xA100, v2  }
0x374: {  	[tilespmem:s30+$0xFFFFFE90] =	vst v18;
	v18 =	vadd.s32 $0xA100, v4;
	v16 =	vld.idx.msk [tilespmem:v16+s3+$0x0], $0xffff  }
0x375: {  	[tilespmem:s30+$0xFFFFFEB0] =	vst v19;
	v9 =	vadd.s32 $0xA200, v5;
	v14 =	vld.idx.msk [tilespmem:v14+s3+$0x0], $0xffff  }
0x376: {  	[tilespmem:s30+$0xFFFFFEA0] =	vst v7;
	v7 =	vadd.s32 $0xA100, v12;
	v15 =	vld.idx.msk [tilespmem:v15+s3+$0x0], $0xffff  }
0x377: {  	v19 =	vadd.s32 $0xA100, v13;
	[tilespmem:s30+$0xFFFFFEC0] =	vst v11;
	v17 =	vld.idx.msk [tilespmem:v17+s3+$0x0], $0xffff  }
0x378: {  	v10 =	vld.idx.msk [tilespmem:v10+s3+$0x0], $0xffff;
	[tilespmem:s30+$0xFFFFFFF0] =	vst v8;
	v8 =	vadd.s32 $0xA180, v0  }
0x379: {  	v11 =	vadd.s32 $0xA180, v1;
	[tilespmem:s30+$0xFFFFFED0] =	vst v6;
	v6 =	vld.idx.msk [tilespmem:v18+s3+$0x0], $0xffff  }
0x37a: {  	[tilespmem:s30+$0xFFFFFEE0] =	vst v16;
	v18 =	vadd.s32 $0xA180, v2;
	v9 =	vld.idx.msk [tilespmem:v9+s3+$0x0], $0xffff  }
0x37b: {  	v16 =	vadd.s32 $0xA280, v5;
	[tilespmem:s30+$0xFFFFFF00] =	vst v14;
	v7 =	vld.idx.msk [tilespmem:v7+s3+$0x0], $0xffff  }
0x37c: {  	v14 =	vadd.s32 $0xA180, v3;
	[tilespmem:s30+$0xFFFFFF10] =	vst v15;
	v15 =	vld.idx.msk [tilespmem:v19+s3+$0x0], $0xffff  }
0x37d: {  	v19 =	vadd.s32 $0xA180, v4;
	[tilespmem:s30+$0xFFFFFF30] =	vst v17;
	v8 =	vld.idx.msk [tilespmem:v8+s3+$0x0], $0xffff  }
0x37e: {  	[tilespmem:s30+$0xFFFFFF20] =	vst v10;
	v10 =	vadd.s32 $0xA180, v12;
	v11 =	vld.idx.msk [tilespmem:v11+s3+$0x0], $0xffff  }
0x37f: {  	[tilespmem:s30+$0x70] =	vst v9;
	v9 =	vadd.s32 $0xA180, v13;
	v18 =	vld.idx.msk [tilespmem:v18+s3+$0x0], $0xffff  }
0x380: {  	v17 =	vadd.s32 $0xA200, v0;
	[tilespmem:s30+$0xFFFFFF40] =	vst v6;
	v16 =	vld.idx.msk [tilespmem:v16+s3+$0x0], $0xffff  }
0x381: {  	v6 =	vld.idx.msk [tilespmem:v14+s3+$0x0], $0xffff;
	v14 =	vadd.s32 $0xA200, v1;
	[tilespmem:s30+$0xFFFFFF50] =	vst v7  }
0x382: {  	v7 =	vadd.s32 $0xA300, v5;
	v19 =	vld.idx.msk [tilespmem:v19+s3+$0x0], $0xffff;
	[tilespmem:s30+$0xFFFFFF60] =	vst v15  }
0x383: {  	v15 =	vadd.s32 $0xA200, v2;
	[tilespmem:s30+$0xFFFFFF80] =	vst v8;
	v8 =	vld.idx.msk [tilespmem:v10+s3+$0x0], $0xffff  }
0x384: {  	v10 =	vadd.s32 $0xA200, v3;
	[tilespmem:s30+$0xFFFFFF90] =	vst v11;
	v9 =	vld.idx.msk [tilespmem:v9+s3+$0x0], $0xffff  }
0x385: {  	v11 =	vadd.s32 $0xA200, v4;
	v17 =	vld.idx.msk [tilespmem:v17+s3+$0x0], $0xffff;
	[tilespmem:s30+$0xFFFFFFA0] =	vst v18  }
0x386: {  	[tilespmem:s30+$0xF0] =	vst v16;
	v16 =	vadd.s32 $0xA200, v12;
	v14 =	vld.idx.msk [tilespmem:v14+s3+$0x0], $0xffff  }
0x387: {  	v18 =	vadd.s32 $0xA200, v13;
	[tilespmem:s30+$0xFFFFFFB0] =	vst v6;
	v7 =	vld.idx.msk [tilespmem:v7+s3+$0x0], $0xffff  }
0x388: {  	v5 =	vadd.s32 $0xA380, v5;
	v6 =	vld.idx.msk [tilespmem:v15+s3+$0x0], $0xffff;
	[tilespmem:s30+$0xFFFFFFC0] =	vst v19  }
0x389: {  	v15 =	vadd.s32 $0xA280, v0;
	v10 =	vld.idx.msk [tilespmem:v10+s3+$0x0], $0xffff;
	[tilespmem:s30+$0xFFFFFFD0] =	vst v8  }
0x38a: {  	v8 =	vadd.s32 $0xA280, v1;
	v11 =	vld.idx.msk [tilespmem:v11+s3+$0x0], $0xffff;
	[tilespmem:s30+$0xFFFFFFE0] =	vst v9  }
0x38b: {  	v9 =	vadd.s32 $0xA280, v2;
	[tilespmem:s30+$0x0] =	vst v17;
	v16 =	vld.idx.msk [tilespmem:v16+s3+$0x0], $0xffff  }
0x38c: {  	v17 =	vadd.s32 $0xA280, v3;
	v18 =	vld.idx.msk [tilespmem:v18+s3+$0x0], $0xffff;
	[tilespmem:s30+$0x170] =	vst v7  }
0x38d: {  	[tilespmem:s30+$0x10] =	vst v14;
	v7 =	vadd.s32 $0xA280, v4;
	v5 =	vld.idx.msk [tilespmem:v5+s3+$0x0], $0xffff  }
0x38e: {  	v14 =	vadd.s32 $0xA280, v12;
	v15 =	vld.idx.msk [tilespmem:v15+s3+$0x0], $0xffff;
	[tilespmem:s30+$0x20] =	vst v6  }
0x38f: {  	v6 =	vadd.s32 $0xA280, v13;
	v19 =	vld.idx.msk [tilespmem:v8+s3+$0x0], $0xffff;
	[tilespmem:s30+$0x30] =	vst v10  }
0x390: {  	v20 =	vadd.s32 $0xA300, v0;
	[tilespmem:s30+$0x40] =	vst v11;
	v21 =	vld.idx.msk [tilespmem:v9+s3+$0x0], $0xffff  }
0x391: {  	v22 =	vadd.s32 $0xA300, v1;
	v23 =	vld.idx.msk [tilespmem:v17+s3+$0x0], $0xffff;
	[tilespmem:s30+$0x50] =	vst v16  }
0x392: {  	v24 =	vadd.s32 $0xA300, v2;
	[tilespmem:s30+$0x60] =	vst v18;
	v16 =	vld.idx.msk [tilespmem:v7+s3+$0x0], $0xffff  }
0x393: {  	v17 =	vld.idx.msk [tilespmem:v14+s3+$0x0], $0xffff;
	[tilespmem:s30+$0x1F0] =	vst v5  }
0x394: {  	v11 =	vadd.s32 $0xA300, v3;
	v10 =	vadd.s32 $0xA300, v4;
	[tilespmem:s30+$0x80] =	vst v15;
	v15 =	vld.idx.msk [tilespmem:v6+s3+$0x0], $0xffff  }
0x395: {  	v8 =	vadd.s32 $0xA300, v13;
	v3 =	vadd.s32 $0xA380, v3;
	v9 =	vadd.s32 $0xA300, v12;
	v18 =	vld.idx.msk [tilespmem:v20+s3+$0x0], $0xffff;
	[tilespmem:s30+$0x90] =	vst v19  }
0x396: {  	v7 =	vadd.s32 $0xA380, v0;
	v0 =	vadd.s32 $0xA380, v13;
	v6 =	vadd.s32 $0xA380, v1;
	v14 =	vld.idx.msk [tilespmem:v22+s3+$0x0], $0xffff;
	[tilespmem:s30+$0xA0] =	vst v21  }
0x397: {  	s1 =	sadd.s32 $0x400, s28;
	s31 =	simm.s32 $0x18200;
	s0 =	simm.s32 $0x0;
	v5 =	vadd.s32 $0xA380, v2;
	v2 =	vadd.s32 $0xA380, v4;
	v1 =	vadd.s32 $0xA380, v12;
	[tilespmem:s30+$0xB0] =	vst v23;
	v4 =	vld.idx.msk [tilespmem:v24+s3+$0x0], $0xffff  }
.LBB2_13:
0x398: {  	v12 =	vld [tilespmem:s1+$0x30];
	s0 =	sadd.s32 $0x8, s0;
	[tilespmem:s30+$0xC0] =	vst v16  }
0x399: {  	v13 =	vld [tilespmem:s1+$0xFFFFFFD0];
	p0 =	slt.u32 s0, $0x18;
	[tilespmem:s30+$0xD0] =	vst v17  }
0x39a: {  	v16 =	vld [tilespmem:s1+$0xFFFFFFE0];
	[tilespmem:s30+$0xE0] =	vst v15  }
0x39b: {  	v15 =	vld [tilespmem:s1+$0xFFFFFFF0];
	[tilespmem:s30+$0x100] =	vst v18  }
0x39c: {  	v17 =	vld [tilespmem:s1+$0x0];
	[tilespmem:s30+$0x110] =	vst v14  }
0x39d: {  	v14 =	vld [tilespmem:s1+$0x10];
	v18 =	vshll.u32 v12, $0x3;
	[tilespmem:s30+$0x120] =	vst v4  }
0x39e: {  	v12 =	vand.u32 $0x7F, v12;
	v4 =	vshll.u32 v13, $0x3;
	v19 =	vld [tilespmem:s1+$0x20];
	v18 =	vand.u32 $0xFFFFFC00, v18  }
0x39f: {  	v20 =	vld [tilespmem:s1+$0xFFFFFFC0];
	v21 =	vand.u32 $0xFFFFFC00, v4;
	v22 =	vshll.u32 v16, $0x3;
	v4 =	vor.u32 v12, v18  }
0x3a0: {  	v12 =	vand.u32 $0xFFFFFC00, v22;
	v18 =	vshll.u32 v15, $0x3;
	v22 =	vadd.s32 $0xA000, v4;
	v11 =	vld.idx.msk [tilespmem:v11+s3+$0x0], $0xffff  }
0x3a1: {  	v13 =	vand.u32 $0x7F, v13;
	v18 =	vand.u32 $0xFFFFFC00, v18;
	v23 =	vshll.u32 v17, $0x3;
	v10 =	vld.idx.msk [tilespmem:v10+s3+$0x0], $0xffff  }
0x3a2: {  	v16 =	vand.u32 $0x7F, v16;
	v23 =	vand.u32 $0xFFFFFC00, v23;
	v24 =	vshll.u32 v14, $0x3;
	v9 =	vld.idx.msk [tilespmem:v9+s3+$0x0], $0xffff  }
0x3a3: {  	v15 =	vand.u32 $0x7F, v15;
	v24 =	vand.u32 $0xFFFFFC00, v24;
	v25 =	vshll.u32 v19, $0x3;
	v8 =	vld.idx.msk [tilespmem:v8+s3+$0x0], $0xffff  }
0x3a4: {  	v26 =	vand.u32 $0x7F, v20;
	v20 =	vshll.u32 v20, $0x3;
	v25 =	vand.u32 $0xFFFFFC00, v25;
	v7 =	vld.idx.msk [tilespmem:v7+s3+$0x0], $0xffff  }
0x3a5: {  	v17 =	vand.u32 $0x7F, v17;
	v14 =	vand.u32 $0x7F, v14;
	v20 =	vand.u32 $0xFFFFFC00, v20;
	v22 =	vld.idx.msk [tilespmem:v22+s3+$0x0], $0xffff  }
0x3a6: {  	v21 =	vor.u32 v13, v21;
	v13 =	vand.u32 $0x7F, v19;
	v20 =	vor.u32 v26, v20;
	v6 =	vld.idx.msk [tilespmem:v6+s3+$0x0], $0xffff;
	[tilespmem:s30+$0x130] =	vst v11  }
0x3a7: {  	v18 =	vor.u32 v15, v18;
	v19 =	vor.u32 v16, v12;
	v11 =	vadd.s32 $0xA080, v4;
	v5 =	vld.idx.msk [tilespmem:v5+s3+$0x0], $0xffff;
	[tilespmem:s30+$0x140] =	vst v10  }
0x3a8: {  	v23 =	vor.u32 v17, v23;
	v24 =	vor.u32 v14, v24;
	v25 =	vor.u32 v13, v25;
	[tilespmem:s30+$0x150] =	vst v9  }
0x3a9: {  	v12 =	vadd.s32 $0xA000, v19;
	v10 =	vadd.s32 $0xA000, v21;
	v9 =	vadd.s32 $0xA000, v20;
	v3 =	vld.idx.msk [tilespmem:v3+s3+$0x0], $0xffff;
	[tilespmem:s30+$0x160] =	vst v8  }
0x3aa: {  	v13 =	vadd.s32 $0xA000, v23;
	v14 =	vadd.s32 $0xA000, v24;
	v8 =	vadd.s32 $0xA000, v18;
	s30 =	sadd.s32 $0x400, s30;
	[tilespmem:s31+$0x180] =	vst v7;
	v2 =	vld.idx.msk [tilespmem:v2+s3+$0x0], $0xffff  }
0x3ab: {  	v15 =	vadd.s32 $0xA080, v21;
	v16 =	vadd.s32 $0xA000, v25;
	v7 =	vadd.s32 $0xA080, v20;
	[tilespmem:s30+$0xFFFFFE70] =	vst v22;
	v1 =	vld.idx.msk [tilespmem:v1+s3+$0x0], $0xffff  }
0x3ac: {  	v27 =	vadd.s32 $0xA080, v23;
	v26 =	vadd.s32 $0xA080, v18;
	v22 =	vadd.s32 $0xA080, v19;
	v11 =	vld.idx.msk [tilespmem:v11+s3+$0x0], $0xffff;
	[tilespmem:s31+$0x190] =	vst v6  }
0x3ad: {  	v29 =	vadd.s32 $0xA080, v24;
	v30 =	vadd.s32 $0xA080, v25;
	v28 =	vadd.s32 $0xA100, v20;
	[tilespmem:s31+$0x1A0] =	vst v5;
	v0 =	vld.idx.msk [tilespmem:v0+s3+$0x0], $0xffff  }
0x3ae: {  	v31 =	vadd.s32 $0xA100, v21;
	v32 =	vadd.s32 $0xA100, v19;
	v6 =	vadd.s32 $0xA100, v4;
	v5 =	vld.idx.msk [tilespmem:v9+s3+$0x0], $0xffff  }
0x3af: {  	v33 =	vadd.s32 $0xA100, v18;
	v34 =	vadd.s32 $0xA100, v23;
	v35 =	vadd.s32 $0xA100, v24;
	v9 =	vld.idx.msk [tilespmem:v10+s3+$0x0], $0xffff;
	[tilespmem:s31+$0x1B0] =	vst v3  }
0x3b0: {  	v37 =	vadd.s32 $0xA180, v21;
	v38 =	vadd.s32 $0xA100, v25;
	v36 =	vadd.s32 $0xA180, v20;
	v3 =	vld.idx.msk [tilespmem:v12+s3+$0x0], $0xffff;
	[tilespmem:s31+$0x1C0] =	vst v2  }
0x3b1: {  	v40 =	vadd.s32 $0xA180, v18;
	v39 =	vadd.s32 $0xA180, v19;
	v41 =	vadd.s32 $0xA180, v23;
	v2 =	vld.idx.msk [tilespmem:v8+s3+$0x0], $0xffff;
	[tilespmem:s31+$0x1D0] =	vst v1  }
0x3b2: {  	v43 =	vadd.s32 $0xA180, v24;
	v44 =	vadd.s32 $0xA180, v25;
	v42 =	vadd.s32 $0xA200, v20;
	v1 =	vld.idx.msk [tilespmem:v13+s3+$0x0], $0xffff;
	[tilespmem:s30+$0xFFFFFEF0] =	vst v11  }
0x3b3: {  	v45 =	vadd.s32 $0xA200, v21;
	v47 =	vadd.s32 $0xA200, v18;
	v46 =	vadd.s32 $0xA200, v19;
	v6 =	vld.idx.msk [tilespmem:v6+s3+$0x0], $0xffff;
	[tilespmem:s31+$0x1E0] =	vst v0;
	s31 =	smov.u32 s30  }
0x3b4: {  	v48 =	vadd.s32 $0xA200, v23;
	v49 =	vadd.s32 $0xA200, v24;
	v50 =	vadd.s32 $0xA200, v25;
	[tilespmem:s30+$0xFFFFFE00] =	vst v5;
	v0 =	vld.idx.msk [tilespmem:v14+s3+$0x0], $0xffff  }
0x3b5: {  	v53 =	vadd.s32 $0xA180, v4;
	v17 =	vadd.s32 $0xA280, v21;
	v51 =	vadd.s32 $0xA280, v20;
	[tilespmem:s30+$0xFFFFFE10] =	vst v9;
	v52 =	vld.idx.msk [tilespmem:v16+s3+$0x0], $0xffff  }
0x3b6: {  	v56 =	vadd.s32 $0xA280, v18;
	v55 =	vadd.s32 $0xA280, v19;
	v16 =	vadd.s32 $0xA280, v23;
	v54 =	vld.idx.msk [tilespmem:v7+s3+$0x0], $0xffff;
	[tilespmem:s30+$0xFFFFFE20] =	vst v3  }
0x3b7: {  	v58 =	vadd.s32 $0xA280, v24;
	v12 =	vadd.s32 $0xA300, v20;
	v57 =	vld.idx.msk [tilespmem:v15+s3+$0x0], $0xffff;
	[tilespmem:s30+$0xFFFFFE30] =	vst v2;
	v15 =	vadd.s32 $0xA280, v25  }
0x3b8: {  	v13 =	vadd.s32 $0xA300, v19;
	v11 =	vadd.s32 $0xA300, v18;
	v14 =	vadd.s32 $0xA300, v21;
	v22 =	vld.idx.msk [tilespmem:v22+s3+$0x0], $0xffff;
	[tilespmem:s30+$0xFFFFFE40] =	vst v1  }
0x3b9: {  	v10 =	vadd.s32 $0xA300, v23;
	v8 =	vadd.s32 $0xA300, v25;
	v9 =	vadd.s32 $0xA300, v24;
	v26 =	vld.idx.msk [tilespmem:v26+s3+$0x0], $0xffff;
	[tilespmem:s30+$0xFFFFFF70] =	vst v6  }
0x3ba: {  	v5 =	vadd.s32 $0xA380, v19;
	v7 =	vadd.s32 $0xA380, v20;
	v6 =	vadd.s32 $0xA380, v21;
	[tilespmem:s30+$0xFFFFFE50] =	vst v0;
	v19 =	vld.idx.msk [tilespmem:v53+s3+$0x0], $0xffff  }
0x3bb: {  	v3 =	vadd.s32 $0xA380, v18;
	v2 =	vadd.s32 $0xA380, v23;
	v1 =	vadd.s32 $0xA380, v24;
	v18 =	vld.idx.msk [tilespmem:v27+s3+$0x0], $0xffff;
	[tilespmem:s30+$0xFFFFFE60] =	vst v52  }
0x3bc: {  	v21 =	vadd.s32 $0xA200, v4;
	v0 =	vadd.s32 $0xA380, v25;
	[tilespmem:s30+$0xFFFFFE80] =	vst v54;
	v20 =	vld.idx.msk [tilespmem:v29+s3+$0x0], $0xffff  }
0x3bd: {  	[tilespmem:s30+$0xFFFFFE90] =	vst v57;
	v23 =	vld.idx.msk [tilespmem:v30+s3+$0x0], $0xffff  }
0x3be: {  	v24 =	vld.idx.msk [tilespmem:v28+s3+$0x0], $0xffff;
	[tilespmem:s30+$0xFFFFFEA0] =	vst v22  }
0x3bf: {  	v22 =	vld.idx.msk [tilespmem:v31+s3+$0x0], $0xffff;
	[tilespmem:s30+$0xFFFFFEB0] =	vst v26  }
0x3c0: {  	v25 =	vld.idx.msk [tilespmem:v32+s3+$0x0], $0xffff;
	[tilespmem:s30+$0xFFFFFFF0] =	vst v19  }
0x3c1: {  	[tilespmem:s30+$0xFFFFFEC0] =	vst v18;
	v18 =	vld.idx.msk [tilespmem:v21+s3+$0x0], $0xffff  }
0x3c2: {  	v19 =	vld.idx.msk [tilespmem:v33+s3+$0x0], $0xffff;
	[tilespmem:s30+$0xFFFFFED0] =	vst v20  }
0x3c3: {  	v21 =	vadd.s32 $0xA280, v4;
	v20 =	vld.idx.msk [tilespmem:v34+s3+$0x0], $0xffff;
	[tilespmem:s30+$0xFFFFFEE0] =	vst v23  }
0x3c4: {  	[tilespmem:s30+$0xFFFFFF00] =	vst v24;
	v23 =	vld.idx.msk [tilespmem:v35+s3+$0x0], $0xffff  }
0x3c5: {  	[tilespmem:s30+$0xFFFFFF10] =	vst v22;
	v22 =	vld.idx.msk [tilespmem:v38+s3+$0x0], $0xffff  }
0x3c6: {  	v24 =	vld.idx.msk [tilespmem:v36+s3+$0x0], $0xffff;
	[tilespmem:s30+$0xFFFFFF20] =	vst v25  }
0x3c7: {  	v25 =	vld.idx.msk [tilespmem:v37+s3+$0x0], $0xffff;
	[tilespmem:s30+$0x70] =	vst v18  }
0x3c8: {  	[tilespmem:s30+$0xFFFFFF30] =	vst v19;
	v18 =	vld.idx.msk [tilespmem:v21+s3+$0x0], $0xffff  }
0x3c9: {  	v19 =	vld.idx.msk [tilespmem:v39+s3+$0x0], $0xffff;
	[tilespmem:s30+$0xFFFFFF40] =	vst v20  }
0x3ca: {  	v21 =	vadd.s32 $0xA300, v4;
	v20 =	vld.idx.msk [tilespmem:v40+s3+$0x0], $0xffff;
	[tilespmem:s30+$0xFFFFFF50] =	vst v23  }
0x3cb: {  	v23 =	vld.idx.msk [tilespmem:v41+s3+$0x0], $0xffff;
	[tilespmem:s30+$0xFFFFFF60] =	vst v22  }
0x3cc: {  	[tilespmem:s30+$0xFFFFFF80] =	vst v24;
	v22 =	vld.idx.msk [tilespmem:v43+s3+$0x0], $0xffff  }
0x3cd: {  	[tilespmem:s30+$0xFFFFFF90] =	vst v25;
	v24 =	vld.idx.msk [tilespmem:v44+s3+$0x0], $0xffff  }
0x3ce: {  	v25 =	vld.idx.msk [tilespmem:v42+s3+$0x0], $0xffff;
	[tilespmem:s30+$0xF0] =	vst v18  }
0x3cf: {  	[tilespmem:s30+$0xFFFFFFA0] =	vst v19;
	v18 =	vld.idx.msk [tilespmem:v21+s3+$0x0], $0xffff  }
0x3d0: {  	v19 =	vld.idx.msk [tilespmem:v45+s3+$0x0], $0xffff;
	[tilespmem:s30+$0xFFFFFFB0] =	vst v20  }
0x3d1: {  	v4 =	vadd.s32 $0xA380, v4;
	v20 =	vld.idx.msk [tilespmem:v46+s3+$0x0], $0xffff;
	[tilespmem:s30+$0xFFFFFFC0] =	vst v23  }
0x3d2: {  	v21 =	vld.idx.msk [tilespmem:v47+s3+$0x0], $0xffff;
	[tilespmem:s30+$0xFFFFFFD0] =	vst v22  }
0x3d3: {  	v22 =	vld.idx.msk [tilespmem:v48+s3+$0x0], $0xffff;
	[tilespmem:s30+$0xFFFFFFE0] =	vst v24  }
0x3d4: {  	[tilespmem:s30+$0x0] =	vst v25;
	v23 =	vld.idx.msk [tilespmem:v49+s3+$0x0], $0xffff  }
0x3d5: {  	v24 =	vld.idx.msk [tilespmem:v50+s3+$0x0], $0xffff;
	[tilespmem:s30+$0x170] =	vst v18  }
0x3d6: {  	[tilespmem:s30+$0x10] =	vst v19;
	v4 =	vld.idx.msk [tilespmem:v4+s3+$0x0], $0xffff  }
0x3d7: {  	v18 =	vld.idx.msk [tilespmem:v51+s3+$0x0], $0xffff;
	[tilespmem:s30+$0x20] =	vst v20  }
0x3d8: {  	v19 =	vld.idx.msk [tilespmem:v17+s3+$0x0], $0xffff;
	[tilespmem:s30+$0x30] =	vst v21  }
0x3d9: {  	v20 =	vld.idx.msk [tilespmem:v55+s3+$0x0], $0xffff;
	[tilespmem:s30+$0x40] =	vst v22  }
0x3da: {  	v21 =	vld.idx.msk [tilespmem:v56+s3+$0x0], $0xffff;
	[tilespmem:s30+$0x50] =	vst v23  }
0x3db: {  	v16 =	vld.idx.msk [tilespmem:v16+s3+$0x0], $0xffff;
	[tilespmem:s30+$0x60] =	vst v24  }
.Ltmp5:
0x3dc: {  	v17 =	vld.idx.msk [tilespmem:v58+s3+$0x0], $0xffff;
	[tilespmem:s30+$0x1F0] =	vst v4;
	(pc) =	sbr.rel @p0 .LBB2_13-.Ltmp5, $4  }
0x3dd: {  	[tilespmem:s30+$0x80] =	vst v18;
	v15 =	vld.idx.msk [tilespmem:v15+s3+$0x0], $0xffff  }
0x3de: {  	v18 =	vld.idx.msk [tilespmem:v12+s3+$0x0], $0xffff;
	[tilespmem:s30+$0x90] =	vst v19  }
0x3df: {  	v14 =	vld.idx.msk [tilespmem:v14+s3+$0x0], $0xffff;
	[tilespmem:s30+$0xA0] =	vst v20  }
0x3e0: {  	s1 =	sadd.s32 $0x400, s1;
	v4 =	vld.idx.msk [tilespmem:v13+s3+$0x0], $0xffff;
	[tilespmem:s30+$0xB0] =	vst v21  }
0x3e1: {  	_ =	sdelay $0x2  }
0x3e2: {  	[tilespmem:s30+$0xC0] =	vst v16  }
0x3e3: {  	[tilespmem:s30+$0xD0] =	vst v17;
	v11 =	vld.idx.msk [tilespmem:v11+s3+$0x0], $0xffff  }
0x3e4: {  	[tilespmem:s30+$0xE0] =	vst v15;
	v10 =	vld.idx.msk [tilespmem:v10+s3+$0x0], $0xffff  }
0x3e5: {  	v9 =	vld.idx.msk [tilespmem:v9+s3+$0x0], $0xffff;
	[tilespmem:s30+$0x100] =	vst v18  }
0x3e6: {  	v8 =	vld.idx.msk [tilespmem:v8+s3+$0x0], $0xffff;
	[tilespmem:s30+$0x110] =	vst v14  }
0x3e7: {  	[tilespmem:s30+$0x120] =	vst v4;
	v4 =	vld.idx.msk [tilespmem:v7+s3+$0x0], $0xffff  }
0x3e8: {  	v6 =	vld.idx.msk [tilespmem:v6+s3+$0x0], $0xffff;
	[tilespmem:s30+$0x130] =	vst v11  }
0x3e9: {  	v5 =	vld.idx.msk [tilespmem:v5+s3+$0x0], $0xffff;
	[tilespmem:s30+$0x140] =	vst v10  }
0x3ea: {  	[tilespmem:s30+$0x150] =	vst v9;
	v3 =	vld.idx.msk [tilespmem:v3+s3+$0x0], $0xffff  }
0x3eb: {  	[tilespmem:s30+$0x160] =	vst v8;
	v2 =	vld.idx.msk [tilespmem:v2+s3+$0x0], $0xffff  }
0x3ec: {  	v1 =	vld.idx.msk [tilespmem:v1+s3+$0x0], $0xffff;
	[tilespmem:s31+$0x180] =	vst v4  }
0x3ed: {  	v0 =	vld.idx.msk [tilespmem:v0+s3+$0x0], $0xffff;
	[tilespmem:s31+$0x190] =	vst v6  }
0x3ee: {  	[tilespmem:s31+$0x1A0] =	vst v5  }
0x3ef: {  	[tilespmem:s31+$0x1B0] =	vst v3  }
0x3f0: {  	s0 =	sadd.s32 s29, s11;
	[tilespmem:s31+$0x1C0] =	vst v2  }
0x3f1: {  	s0 =	sshrl.u32 s0, $0x3;
	[tilespmem:s31+$0x1D0] =	vst v1  }
0x3f2: {  	s0 =	sadd.s32 s2, s0;
	[tilespmem:s31+$0x1E0] =	vst v0  }
0x3f3: {  	[hbm4b:s0+s3] =	stream.linear.scatter [tilespmem:s20], [sflag:$0x2], $0x1000, $0x38;
	[tilespmem:$0x19000] =	vst v63  }
0x3f4: {  	_ =	swait.ge [sflag:s21], $0x1000  }
0x3f5: {  	[sflag:s21] =	ssyncset.done $0x0  }
0x3f6: {  	[sflag:s21] =	ssyncadd.s32 $0xFFFFF000  }
0x3f7: {  	v0 =	vld [tilespmem:s28+$0x30];
	_ =	sdelay $0x1  }
0x3f8: {  	v2 =	vld [tilespmem:s28+$0xFFFFFFE0]  }
0x3f9: {  	v3 =	vld [tilespmem:s28+$0xFFFFFFF0]  }
0x3fa: {  	v6 =	vld [tilespmem:s28+$0x0]  }
0x3fb: {  	v7 =	vld [tilespmem:s28+$0xFFFFFFC0];
	v4 =	vshll.u32 v0, $0x3  }
0x3fc: {  	v8 =	vld [tilespmem:s28+$0x10];
	v0 =	vand.u32 $0x7F, v0;
	v4 =	vand.u32 $0xFFFFFC00, v4  }
0x3fd: {  	v5 =	vor.u32 v0, v4  }
0x3fe: {  	v1 =	vld [tilespmem:s28+$0xFFFFFFD0];
	v0 =	vadd.s32 $0xC000, v5  }
0x3ff: {  	v9 =	vshll.u32 v2, $0x3;
	v10 =	vshll.u32 v3, $0x3;
	v12 =	vshll.u32 v6, $0x3  }
0x400: {  	v2 =	vand.u32 $0x7F, v2;
	v13 =	vshll.u32 v7, $0x3;
	v7 =	vand.u32 $0x7F, v7  }
0x401: {  	v15 =	vshll.u32 v8, $0x3;
	v3 =	vand.u32 $0x7F, v3;
	v8 =	vand.u32 $0x7F, v8  }
0x402: {  	v11 =	vld [tilespmem:s28+$0x20];
	v9 =	vand.u32 $0xFFFFFC00, v9;
	v10 =	vand.u32 $0xFFFFFC00, v10;
	v12 =	vand.u32 $0xFFFFFC00, v12  }
0x403: {  	v13 =	vand.u32 $0xFFFFFC00, v13;
	v15 =	vand.u32 $0xFFFFFC00, v15;
	v4 =	vshll.u32 v1, $0x3;
	v14 =	vld.idx.msk [tilespmem:v0+s3+$0x0], $0xffff  }
0x404: {  	v1 =	vand.u32 $0x7F, v1;
	v0 =	vor.u32 v7, v13;
	v7 =	vadd.s32 $0xC080, v5  }
0x405: {  	v3 =	vor.u32 v3, v10;
	v4 =	vand.u32 $0xFFFFFC00, v4;
	v13 =	vadd.s32 $0xC000, v0  }
0x406: {  	v2 =	vor.u32 v2, v9;
	v16 =	vadd.s32 $0xC000, v3;
	v1 =	vor.u32 v1, v4  }
0x407: {  	s30 =	simm.s32 $0x17200;
	v10 =	vshll.u32 v11, $0x3;
	v4 =	vand.u32 $0x7F, v6;
	v9 =	vadd.s32 $0xC000, v1  }
0x408: {  	v11 =	vand.u32 $0x7F, v11;
	v6 =	vadd.s32 $0xC000, v2;
	v4 =	vor.u32 v4, v12;
	[tilespmem:s30+$0xFFFFFE70] =	vst v14  }
0x409: {  	v10 =	vand.u32 $0xFFFFFC00, v10;
	v12 =	vor.u32 v8, v15;
	v14 =	vadd.s32 $0xC000, v4;
	v7 =	vld.idx.msk [tilespmem:v7+s3+$0x0], $0xffff  }
0x40a: {  	v8 =	vld.idx.msk [tilespmem:v13+s3+$0x0], $0xffff;
	v13 =	vor.u32 v11, v10;
	v10 =	vadd.s32 $0xC000, v12  }
0x40b: {  	v15 =	vadd.s32 $0xC100, v5;
	v16 =	vld.idx.msk [tilespmem:v16+s3+$0x0], $0xffff  }
0x40c: {  	v9 =	vld.idx.msk [tilespmem:v9+s3+$0x0], $0xffff;
	v11 =	vadd.s32 $0xC000, v13  }
0x40d: {  	v6 =	vld.idx.msk [tilespmem:v6+s3+$0x0], $0xffff;
	v17 =	vadd.s32 $0xC080, v0  }
0x40e: {  	v19 =	vadd.s32 $0xC080, v3;
	v14 =	vld.idx.msk [tilespmem:v14+s3+$0x0], $0xffff;
	[tilespmem:s30+$0xFFFFFEF0] =	vst v7  }
0x40f: {  	v18 =	vadd.s32 $0xC080, v1;
	[tilespmem:s30+$0xFFFFFE00] =	vst v8;
	v8 =	vld.idx.msk [tilespmem:v10+s3+$0x0], $0xffff  }
0x410: {  	[tilespmem:s30+$0xFFFFFE30] =	vst v16;
	v7 =	vadd.s32 $0xC080, v2;
	v15 =	vld.idx.msk [tilespmem:v15+s3+$0x0], $0xffff  }
0x411: {  	[tilespmem:s30+$0xFFFFFE10] =	vst v9;
	v9 =	vld.idx.msk [tilespmem:v11+s3+$0x0], $0xffff;
	v11 =	vadd.s32 $0xC080, v4  }
0x412: {  	[tilespmem:s30+$0xFFFFFE20] =	vst v6;
	v6 =	vadd.s32 $0xC080, v12;
	v17 =	vld.idx.msk [tilespmem:v17+s3+$0x0], $0xffff  }
0x413: {  	v19 =	vld.idx.msk [tilespmem:v19+s3+$0x0], $0xffff;
	v10 =	vadd.s32 $0xC180, v5  }
0x414: {  	v16 =	vadd.s32 $0xC080, v13;
	v18 =	vld.idx.msk [tilespmem:v18+s3+$0x0], $0xffff;
	[tilespmem:s30+$0xFFFFFE40] =	vst v14  }
0x415: {  	v14 =	vadd.s32 $0xC100, v0;
	v7 =	vld.idx.msk [tilespmem:v7+s3+$0x0], $0xffff;
	[tilespmem:s30+$0xFFFFFE50] =	vst v8  }
0x416: {  	[tilespmem:s30+$0xFFFFFF70] =	vst v15;
	v15 =	vadd.s32 $0xC100, v1;
	v11 =	vld.idx.msk [tilespmem:v11+s3+$0x0], $0xffff  }
0x417: {  	[tilespmem:s30+$0xFFFFFE80] =	vst v17;
	v6 =	vld.idx.msk [tilespmem:v6+s3+$0x0], $0xffff;
	v17 =	vadd.s32 $0xC100, v3  }
0x418: {  	[tilespmem:s30+$0xFFFFFE60] =	vst v9;
	v8 =	vld.idx.msk [tilespmem:v10+s3+$0x0], $0xffff;
	v10 =	vadd.s32 $0xC100, v2  }
0x419: {  	[tilespmem:s30+$0xFFFFFE90] =	vst v18;
	v18 =	vadd.s32 $0xC100, v4;
	v16 =	vld.idx.msk [tilespmem:v16+s3+$0x0], $0xffff  }
0x41a: {  	[tilespmem:s30+$0xFFFFFEB0] =	vst v19;
	v9 =	vadd.s32 $0xC200, v5;
	v14 =	vld.idx.msk [tilespmem:v14+s3+$0x0], $0xffff  }
0x41b: {  	[tilespmem:s30+$0xFFFFFEA0] =	vst v7;
	v7 =	vadd.s32 $0xC100, v12;
	v15 =	vld.idx.msk [tilespmem:v15+s3+$0x0], $0xffff  }
0x41c: {  	v19 =	vadd.s32 $0xC100, v13;
	[tilespmem:s30+$0xFFFFFEC0] =	vst v11;
	v17 =	vld.idx.msk [tilespmem:v17+s3+$0x0], $0xffff  }
0x41d: {  	v10 =	vld.idx.msk [tilespmem:v10+s3+$0x0], $0xffff;
	[tilespmem:s30+$0xFFFFFFF0] =	vst v8;
	v8 =	vadd.s32 $0xC180, v0  }
0x41e: {  	v11 =	vadd.s32 $0xC180, v1;
	[tilespmem:s30+$0xFFFFFED0] =	vst v6;
	v6 =	vld.idx.msk [tilespmem:v18+s3+$0x0], $0xffff  }
0x41f: {  	[tilespmem:s30+$0xFFFFFEE0] =	vst v16;
	v18 =	vadd.s32 $0xC180, v2;
	v9 =	vld.idx.msk [tilespmem:v9+s3+$0x0], $0xffff  }
0x420: {  	v16 =	vadd.s32 $0xC280, v5;
	[tilespmem:s30+$0xFFFFFF00] =	vst v14;
	v7 =	vld.idx.msk [tilespmem:v7+s3+$0x0], $0xffff  }
0x421: {  	v14 =	vadd.s32 $0xC180, v3;
	[tilespmem:s30+$0xFFFFFF10] =	vst v15;
	v15 =	vld.idx.msk [tilespmem:v19+s3+$0x0], $0xffff  }
0x422: {  	v19 =	vadd.s32 $0xC180, v4;
	[tilespmem:s30+$0xFFFFFF30] =	vst v17;
	v8 =	vld.idx.msk [tilespmem:v8+s3+$0x0], $0xffff  }
0x423: {  	[tilespmem:s30+$0xFFFFFF20] =	vst v10;
	v10 =	vadd.s32 $0xC180, v12;
	v11 =	vld.idx.msk [tilespmem:v11+s3+$0x0], $0xffff  }
0x424: {  	[tilespmem:s30+$0x70] =	vst v9;
	v9 =	vadd.s32 $0xC180, v13;
	v18 =	vld.idx.msk [tilespmem:v18+s3+$0x0], $0xffff  }
0x425: {  	v17 =	vadd.s32 $0xC200, v0;
	[tilespmem:s30+$0xFFFFFF40] =	vst v6;
	v16 =	vld.idx.msk [tilespmem:v16+s3+$0x0], $0xffff  }
0x426: {  	v6 =	vld.idx.msk [tilespmem:v14+s3+$0x0], $0xffff;
	v14 =	vadd.s32 $0xC200, v1;
	[tilespmem:s30+$0xFFFFFF50] =	vst v7  }
0x427: {  	v7 =	vadd.s32 $0xC300, v5;
	v19 =	vld.idx.msk [tilespmem:v19+s3+$0x0], $0xffff;
	[tilespmem:s30+$0xFFFFFF60] =	vst v15  }
0x428: {  	v15 =	vadd.s32 $0xC200, v2;
	[tilespmem:s30+$0xFFFFFF80] =	vst v8;
	v8 =	vld.idx.msk [tilespmem:v10+s3+$0x0], $0xffff  }
0x429: {  	v10 =	vadd.s32 $0xC200, v3;
	[tilespmem:s30+$0xFFFFFF90] =	vst v11;
	v9 =	vld.idx.msk [tilespmem:v9+s3+$0x0], $0xffff  }
0x42a: {  	v11 =	vadd.s32 $0xC200, v4;
	v17 =	vld.idx.msk [tilespmem:v17+s3+$0x0], $0xffff;
	[tilespmem:s30+$0xFFFFFFA0] =	vst v18  }
0x42b: {  	[tilespmem:s30+$0xF0] =	vst v16;
	v16 =	vadd.s32 $0xC200, v12;
	v14 =	vld.idx.msk [tilespmem:v14+s3+$0x0], $0xffff  }
0x42c: {  	v18 =	vadd.s32 $0xC200, v13;
	[tilespmem:s30+$0xFFFFFFB0] =	vst v6;
	v7 =	vld.idx.msk [tilespmem:v7+s3+$0x0], $0xffff  }
0x42d: {  	v5 =	vadd.s32 $0xC380, v5;
	v6 =	vld.idx.msk [tilespmem:v15+s3+$0x0], $0xffff;
	[tilespmem:s30+$0xFFFFFFC0] =	vst v19  }
0x42e: {  	v15 =	vadd.s32 $0xC280, v0;
	v10 =	vld.idx.msk [tilespmem:v10+s3+$0x0], $0xffff;
	[tilespmem:s30+$0xFFFFFFD0] =	vst v8  }
0x42f: {  	v8 =	vadd.s32 $0xC280, v1;
	v11 =	vld.idx.msk [tilespmem:v11+s3+$0x0], $0xffff;
	[tilespmem:s30+$0xFFFFFFE0] =	vst v9  }
0x430: {  	v9 =	vadd.s32 $0xC280, v2;
	[tilespmem:s30+$0x0] =	vst v17;
	v16 =	vld.idx.msk [tilespmem:v16+s3+$0x0], $0xffff  }
0x431: {  	v17 =	vadd.s32 $0xC280, v3;
	v18 =	vld.idx.msk [tilespmem:v18+s3+$0x0], $0xffff;
	[tilespmem:s30+$0x170] =	vst v7  }
0x432: {  	[tilespmem:s30+$0x10] =	vst v14;
	v7 =	vadd.s32 $0xC280, v4;
	v5 =	vld.idx.msk [tilespmem:v5+s3+$0x0], $0xffff  }
0x433: {  	v14 =	vadd.s32 $0xC280, v12;
	v15 =	vld.idx.msk [tilespmem:v15+s3+$0x0], $0xffff;
	[tilespmem:s30+$0x20] =	vst v6  }
0x434: {  	v6 =	vadd.s32 $0xC280, v13;
	v19 =	vld.idx.msk [tilespmem:v8+s3+$0x0], $0xffff;
	[tilespmem:s30+$0x30] =	vst v10  }
0x435: {  	v20 =	vadd.s32 $0xC300, v0;
	[tilespmem:s30+$0x40] =	vst v11;
	v21 =	vld.idx.msk [tilespmem:v9+s3+$0x0], $0xffff  }
0x436: {  	v22 =	vadd.s32 $0xC300, v1;
	v23 =	vld.idx.msk [tilespmem:v17+s3+$0x0], $0xffff;
	[tilespmem:s30+$0x50] =	vst v16  }
0x437: {  	v24 =	vadd.s32 $0xC300, v2;
	[tilespmem:s30+$0x60] =	vst v18;
	v16 =	vld.idx.msk [tilespmem:v7+s3+$0x0], $0xffff  }
0x438: {  	v17 =	vld.idx.msk [tilespmem:v14+s3+$0x0], $0xffff;
	[tilespmem:s30+$0x1F0] =	vst v5  }
0x439: {  	v11 =	vadd.s32 $0xC300, v3;
	v10 =	vadd.s32 $0xC300, v4;
	[tilespmem:s30+$0x80] =	vst v15;
	v15 =	vld.idx.msk [tilespmem:v6+s3+$0x0], $0xffff  }
0x43a: {  	v8 =	vadd.s32 $0xC300, v13;
	v3 =	vadd.s32 $0xC380, v3;
	v9 =	vadd.s32 $0xC300, v12;
	v18 =	vld.idx.msk [tilespmem:v20+s3+$0x0], $0xffff;
	[tilespmem:s30+$0x90] =	vst v19  }
0x43b: {  	v7 =	vadd.s32 $0xC380, v0;
	v0 =	vadd.s32 $0xC380, v13;
	v6 =	vadd.s32 $0xC380, v1;
	v14 =	vld.idx.msk [tilespmem:v22+s3+$0x0], $0xffff;
	[tilespmem:s30+$0xA0] =	vst v21  }
0x43c: {  	s1 =	sadd.s32 $0x400, s28;
	s31 =	simm.s32 $0x17200;
	s0 =	simm.s32 $0x0;
	v5 =	vadd.s32 $0xC380, v2;
	v2 =	vadd.s32 $0xC380, v4;
	v1 =	vadd.s32 $0xC380, v12;
	[tilespmem:s30+$0xB0] =	vst v23;
	v4 =	vld.idx.msk [tilespmem:v24+s3+$0x0], $0xffff  }
.LBB2_15:
0x43d: {  	v12 =	vld [tilespmem:s1+$0x30];
	s0 =	sadd.s32 $0x8, s0;
	[tilespmem:s30+$0xC0] =	vst v16  }
0x43e: {  	v13 =	vld [tilespmem:s1+$0xFFFFFFD0];
	p0 =	slt.u32 s0, $0x18;
	[tilespmem:s30+$0xD0] =	vst v17  }
0x43f: {  	v16 =	vld [tilespmem:s1+$0xFFFFFFE0];
	[tilespmem:s30+$0xE0] =	vst v15  }
0x440: {  	v15 =	vld [tilespmem:s1+$0xFFFFFFF0];
	[tilespmem:s30+$0x100] =	vst v18  }
0x441: {  	v17 =	vld [tilespmem:s1+$0x0];
	[tilespmem:s30+$0x110] =	vst v14  }
0x442: {  	v14 =	vld [tilespmem:s1+$0x10];
	v18 =	vshll.u32 v12, $0x3;
	[tilespmem:s30+$0x120] =	vst v4  }
0x443: {  	v12 =	vand.u32 $0x7F, v12;
	v4 =	vshll.u32 v13, $0x3;
	v19 =	vld [tilespmem:s1+$0x20];
	v18 =	vand.u32 $0xFFFFFC00, v18  }
0x444: {  	v20 =	vld [tilespmem:s1+$0xFFFFFFC0];
	v21 =	vand.u32 $0xFFFFFC00, v4;
	v22 =	vshll.u32 v16, $0x3;
	v4 =	vor.u32 v12, v18  }
0x445: {  	v12 =	vand.u32 $0xFFFFFC00, v22;
	v18 =	vshll.u32 v15, $0x3;
	v22 =	vadd.s32 $0xC000, v4;
	v11 =	vld.idx.msk [tilespmem:v11+s3+$0x0], $0xffff  }
0x446: {  	v13 =	vand.u32 $0x7F, v13;
	v18 =	vand.u32 $0xFFFFFC00, v18;
	v23 =	vshll.u32 v17, $0x3;
	v10 =	vld.idx.msk [tilespmem:v10+s3+$0x0], $0xffff  }
0x447: {  	v16 =	vand.u32 $0x7F, v16;
	v23 =	vand.u32 $0xFFFFFC00, v23;
	v24 =	vshll.u32 v14, $0x3;
	v9 =	vld.idx.msk [tilespmem:v9+s3+$0x0], $0xffff  }
0x448: {  	v15 =	vand.u32 $0x7F, v15;
	v24 =	vand.u32 $0xFFFFFC00, v24;
	v25 =	vshll.u32 v19, $0x3;
	v8 =	vld.idx.msk [tilespmem:v8+s3+$0x0], $0xffff  }
0x449: {  	v26 =	vand.u32 $0x7F, v20;
	v20 =	vshll.u32 v20, $0x3;
	v25 =	vand.u32 $0xFFFFFC00, v25;
	v7 =	vld.idx.msk [tilespmem:v7+s3+$0x0], $0xffff  }
0x44a: {  	v17 =	vand.u32 $0x7F, v17;
	v14 =	vand.u32 $0x7F, v14;
	v20 =	vand.u32 $0xFFFFFC00, v20;
	v22 =	vld.idx.msk [tilespmem:v22+s3+$0x0], $0xffff  }
0x44b: {  	v21 =	vor.u32 v13, v21;
	v13 =	vand.u32 $0x7F, v19;
	v20 =	vor.u32 v26, v20;
	v6 =	vld.idx.msk [tilespmem:v6+s3+$0x0], $0xffff;
	[tilespmem:s30+$0x130] =	vst v11  }
0x44c: {  	v18 =	vor.u32 v15, v18;
	v19 =	vor.u32 v16, v12;
	v11 =	vadd.s32 $0xC080, v4;
	v5 =	vld.idx.msk [tilespmem:v5+s3+$0x0], $0xffff;
	[tilespmem:s30+$0x140] =	vst v10  }
0x44d: {  	v23 =	vor.u32 v17, v23;
	v24 =	vor.u32 v14, v24;
	v25 =	vor.u32 v13, v25;
	[tilespmem:s30+$0x150] =	vst v9  }
0x44e: {  	v12 =	vadd.s32 $0xC000, v19;
	v10 =	vadd.s32 $0xC000, v21;
	v9 =	vadd.s32 $0xC000, v20;
	v3 =	vld.idx.msk [tilespmem:v3+s3+$0x0], $0xffff;
	[tilespmem:s30+$0x160] =	vst v8  }
0x44f: {  	v13 =	vadd.s32 $0xC000, v23;
	v14 =	vadd.s32 $0xC000, v24;
	v8 =	vadd.s32 $0xC000, v18;
	s30 =	sadd.s32 $0x400, s30;
	[tilespmem:s31+$0x180] =	vst v7;
	v2 =	vld.idx.msk [tilespmem:v2+s3+$0x0], $0xffff  }
0x450: {  	v15 =	vadd.s32 $0xC080, v21;
	v16 =	vadd.s32 $0xC000, v25;
	v7 =	vadd.s32 $0xC080, v20;
	[tilespmem:s30+$0xFFFFFE70] =	vst v22;
	v1 =	vld.idx.msk [tilespmem:v1+s3+$0x0], $0xffff  }
0x451: {  	v27 =	vadd.s32 $0xC080, v23;
	v26 =	vadd.s32 $0xC080, v18;
	v22 =	vadd.s32 $0xC080, v19;
	v11 =	vld.idx.msk [tilespmem:v11+s3+$0x0], $0xffff;
	[tilespmem:s31+$0x190] =	vst v6  }
0x452: {  	v29 =	vadd.s32 $0xC080, v24;
	v30 =	vadd.s32 $0xC080, v25;
	v28 =	vadd.s32 $0xC100, v20;
	[tilespmem:s31+$0x1A0] =	vst v5;
	v0 =	vld.idx.msk [tilespmem:v0+s3+$0x0], $0xffff  }
0x453: {  	v31 =	vadd.s32 $0xC100, v21;
	v32 =	vadd.s32 $0xC100, v19;
	v6 =	vadd.s32 $0xC100, v4;
	v5 =	vld.idx.msk [tilespmem:v9+s3+$0x0], $0xffff  }
0x454: {  	v33 =	vadd.s32 $0xC100, v18;
	v34 =	vadd.s32 $0xC100, v23;
	v35 =	vadd.s32 $0xC100, v24;
	v9 =	vld.idx.msk [tilespmem:v10+s3+$0x0], $0xffff;
	[tilespmem:s31+$0x1B0] =	vst v3  }
0x455: {  	v37 =	vadd.s32 $0xC180, v21;
	v38 =	vadd.s32 $0xC100, v25;
	v36 =	vadd.s32 $0xC180, v20;
	v3 =	vld.idx.msk [tilespmem:v12+s3+$0x0], $0xffff;
	[tilespmem:s31+$0x1C0] =	vst v2  }
0x456: {  	v40 =	vadd.s32 $0xC180, v18;
	v39 =	vadd.s32 $0xC180, v19;
	v41 =	vadd.s32 $0xC180, v23;
	v2 =	vld.idx.msk [tilespmem:v8+s3+$0x0], $0xffff;
	[tilespmem:s31+$0x1D0] =	vst v1  }
0x457: {  	v43 =	vadd.s32 $0xC180, v24;
	v44 =	vadd.s32 $0xC180, v25;
	v42 =	vadd.s32 $0xC200, v20;
	v1 =	vld.idx.msk [tilespmem:v13+s3+$0x0], $0xffff;
	[tilespmem:s30+$0xFFFFFEF0] =	vst v11  }
0x458: {  	v45 =	vadd.s32 $0xC200, v21;
	v47 =	vadd.s32 $0xC200, v18;
	v46 =	vadd.s32 $0xC200, v19;
	v6 =	vld.idx.msk [tilespmem:v6+s3+$0x0], $0xffff;
	[tilespmem:s31+$0x1E0] =	vst v0;
	s31 =	smov.u32 s30  }
0x459: {  	v48 =	vadd.s32 $0xC200, v23;
	v49 =	vadd.s32 $0xC200, v24;
	v50 =	vadd.s32 $0xC200, v25;
	[tilespmem:s30+$0xFFFFFE00] =	vst v5;
	v0 =	vld.idx.msk [tilespmem:v14+s3+$0x0], $0xffff  }
0x45a: {  	v53 =	vadd.s32 $0xC180, v4;
	v17 =	vadd.s32 $0xC280, v21;
	v51 =	vadd.s32 $0xC280, v20;
	[tilespmem:s30+$0xFFFFFE10] =	vst v9;
	v52 =	vld.idx.msk [tilespmem:v16+s3+$0x0], $0xffff  }
0x45b: {  	v56 =	vadd.s32 $0xC280, v18;
	v55 =	vadd.s32 $0xC280, v19;
	v16 =	vadd.s32 $0xC280, v23;
	v54 =	vld.idx.msk [tilespmem:v7+s3+$0x0], $0xffff;
	[tilespmem:s30+$0xFFFFFE20] =	vst v3  }
0x45c: {  	v58 =	vadd.s32 $0xC280, v24;
	v12 =	vadd.s32 $0xC300, v20;
	v57 =	vld.idx.msk [tilespmem:v15+s3+$0x0], $0xffff;
	[tilespmem:s30+$0xFFFFFE30] =	vst v2;
	v15 =	vadd.s32 $0xC280, v25  }
0x45d: {  	v13 =	vadd.s32 $0xC300, v19;
	v11 =	vadd.s32 $0xC300, v18;
	v14 =	vadd.s32 $0xC300, v21;
	v22 =	vld.idx.msk [tilespmem:v22+s3+$0x0], $0xffff;
	[tilespmem:s30+$0xFFFFFE40] =	vst v1  }
0x45e: {  	v10 =	vadd.s32 $0xC300, v23;
	v8 =	vadd.s32 $0xC300, v25;
	v9 =	vadd.s32 $0xC300, v24;
	v26 =	vld.idx.msk [tilespmem:v26+s3+$0x0], $0xffff;
	[tilespmem:s30+$0xFFFFFF70] =	vst v6  }
0x45f: {  	v5 =	vadd.s32 $0xC380, v19;
	v7 =	vadd.s32 $0xC380, v20;
	v6 =	vadd.s32 $0xC380, v21;
	[tilespmem:s30+$0xFFFFFE50] =	vst v0;
	v19 =	vld.idx.msk [tilespmem:v53+s3+$0x0], $0xffff  }
0x460: {  	v3 =	vadd.s32 $0xC380, v18;
	v2 =	vadd.s32 $0xC380, v23;
	v1 =	vadd.s32 $0xC380, v24;
	v18 =	vld.idx.msk [tilespmem:v27+s3+$0x0], $0xffff;
	[tilespmem:s30+$0xFFFFFE60] =	vst v52  }
0x461: {  	v21 =	vadd.s32 $0xC200, v4;
	v0 =	vadd.s32 $0xC380, v25;
	[tilespmem:s30+$0xFFFFFE80] =	vst v54;
	v20 =	vld.idx.msk [tilespmem:v29+s3+$0x0], $0xffff  }
0x462: {  	[tilespmem:s30+$0xFFFFFE90] =	vst v57;
	v23 =	vld.idx.msk [tilespmem:v30+s3+$0x0], $0xffff  }
0x463: {  	v24 =	vld.idx.msk [tilespmem:v28+s3+$0x0], $0xffff;
	[tilespmem:s30+$0xFFFFFEA0] =	vst v22  }
0x464: {  	v22 =	vld.idx.msk [tilespmem:v31+s3+$0x0], $0xffff;
	[tilespmem:s30+$0xFFFFFEB0] =	vst v26  }
0x465: {  	v25 =	vld.idx.msk [tilespmem:v32+s3+$0x0], $0xffff;
	[tilespmem:s30+$0xFFFFFFF0] =	vst v19  }
0x466: {  	[tilespmem:s30+$0xFFFFFEC0] =	vst v18;
	v18 =	vld.idx.msk [tilespmem:v21+s3+$0x0], $0xffff  }
0x467: {  	v19 =	vld.idx.msk [tilespmem:v33+s3+$0x0], $0xffff;
	[tilespmem:s30+$0xFFFFFED0] =	vst v20  }
0x468: {  	v21 =	vadd.s32 $0xC280, v4;
	v20 =	vld.idx.msk [tilespmem:v34+s3+$0x0], $0xffff;
	[tilespmem:s30+$0xFFFFFEE0] =	vst v23  }
0x469: {  	[tilespmem:s30+$0xFFFFFF00] =	vst v24;
	v23 =	vld.idx.msk [tilespmem:v35+s3+$0x0], $0xffff  }
0x46a: {  	[tilespmem:s30+$0xFFFFFF10] =	vst v22;
	v22 =	vld.idx.msk [tilespmem:v38+s3+$0x0], $0xffff  }
0x46b: {  	v24 =	vld.idx.msk [tilespmem:v36+s3+$0x0], $0xffff;
	[tilespmem:s30+$0xFFFFFF20] =	vst v25  }
0x46c: {  	v25 =	vld.idx.msk [tilespmem:v37+s3+$0x0], $0xffff;
	[tilespmem:s30+$0x70] =	vst v18  }
0x46d: {  	[tilespmem:s30+$0xFFFFFF30] =	vst v19;
	v18 =	vld.idx.msk [tilespmem:v21+s3+$0x0], $0xffff  }
0x46e: {  	v19 =	vld.idx.msk [tilespmem:v39+s3+$0x0], $0xffff;
	[tilespmem:s30+$0xFFFFFF40] =	vst v20  }
0x46f: {  	v21 =	vadd.s32 $0xC300, v4;
	v20 =	vld.idx.msk [tilespmem:v40+s3+$0x0], $0xffff;
	[tilespmem:s30+$0xFFFFFF50] =	vst v23  }
0x470: {  	v23 =	vld.idx.msk [tilespmem:v41+s3+$0x0], $0xffff;
	[tilespmem:s30+$0xFFFFFF60] =	vst v22  }
0x471: {  	[tilespmem:s30+$0xFFFFFF80] =	vst v24;
	v22 =	vld.idx.msk [tilespmem:v43+s3+$0x0], $0xffff  }
0x472: {  	[tilespmem:s30+$0xFFFFFF90] =	vst v25;
	v24 =	vld.idx.msk [tilespmem:v44+s3+$0x0], $0xffff  }
0x473: {  	v25 =	vld.idx.msk [tilespmem:v42+s3+$0x0], $0xffff;
	[tilespmem:s30+$0xF0] =	vst v18  }
0x474: {  	[tilespmem:s30+$0xFFFFFFA0] =	vst v19;
	v18 =	vld.idx.msk [tilespmem:v21+s3+$0x0], $0xffff  }
0x475: {  	v19 =	vld.idx.msk [tilespmem:v45+s3+$0x0], $0xffff;
	[tilespmem:s30+$0xFFFFFFB0] =	vst v20  }
0x476: {  	v4 =	vadd.s32 $0xC380, v4;
	v20 =	vld.idx.msk [tilespmem:v46+s3+$0x0], $0xffff;
	[tilespmem:s30+$0xFFFFFFC0] =	vst v23  }
0x477: {  	v21 =	vld.idx.msk [tilespmem:v47+s3+$0x0], $0xffff;
	[tilespmem:s30+$0xFFFFFFD0] =	vst v22  }
0x478: {  	v22 =	vld.idx.msk [tilespmem:v48+s3+$0x0], $0xffff;
	[tilespmem:s30+$0xFFFFFFE0] =	vst v24  }
0x479: {  	[tilespmem:s30+$0x0] =	vst v25;
	v23 =	vld.idx.msk [tilespmem:v49+s3+$0x0], $0xffff  }
0x47a: {  	v24 =	vld.idx.msk [tilespmem:v50+s3+$0x0], $0xffff;
	[tilespmem:s30+$0x170] =	vst v18  }
0x47b: {  	[tilespmem:s30+$0x10] =	vst v19;
	v4 =	vld.idx.msk [tilespmem:v4+s3+$0x0], $0xffff  }
0x47c: {  	v18 =	vld.idx.msk [tilespmem:v51+s3+$0x0], $0xffff;
	[tilespmem:s30+$0x20] =	vst v20  }
0x47d: {  	v19 =	vld.idx.msk [tilespmem:v17+s3+$0x0], $0xffff;
	[tilespmem:s30+$0x30] =	vst v21  }
0x47e: {  	v20 =	vld.idx.msk [tilespmem:v55+s3+$0x0], $0xffff;
	[tilespmem:s30+$0x40] =	vst v22  }
0x47f: {  	v21 =	vld.idx.msk [tilespmem:v56+s3+$0x0], $0xffff;
	[tilespmem:s30+$0x50] =	vst v23  }
0x480: {  	v16 =	vld.idx.msk [tilespmem:v16+s3+$0x0], $0xffff;
	[tilespmem:s30+$0x60] =	vst v24  }
.Ltmp6:
0x481: {  	v17 =	vld.idx.msk [tilespmem:v58+s3+$0x0], $0xffff;
	[tilespmem:s30+$0x1F0] =	vst v4;
	(pc) =	sbr.rel @p0 .LBB2_15-.Ltmp6, $4  }
0x482: {  	[tilespmem:s30+$0x80] =	vst v18;
	v15 =	vld.idx.msk [tilespmem:v15+s3+$0x0], $0xffff  }
0x483: {  	v18 =	vld.idx.msk [tilespmem:v12+s3+$0x0], $0xffff;
	[tilespmem:s30+$0x90] =	vst v19  }
0x484: {  	v14 =	vld.idx.msk [tilespmem:v14+s3+$0x0], $0xffff;
	[tilespmem:s30+$0xA0] =	vst v20  }
0x485: {  	s1 =	sadd.s32 $0x400, s1;
	v4 =	vld.idx.msk [tilespmem:v13+s3+$0x0], $0xffff;
	[tilespmem:s30+$0xB0] =	vst v21  }
0x486: {  	_ =	sdelay $0x2  }
0x487: {  	[tilespmem:s30+$0xC0] =	vst v16  }
0x488: {  	[tilespmem:s30+$0xD0] =	vst v17;
	v11 =	vld.idx.msk [tilespmem:v11+s3+$0x0], $0xffff  }
0x489: {  	[tilespmem:s30+$0xE0] =	vst v15;
	v10 =	vld.idx.msk [tilespmem:v10+s3+$0x0], $0xffff  }
0x48a: {  	v9 =	vld.idx.msk [tilespmem:v9+s3+$0x0], $0xffff;
	[tilespmem:s30+$0x100] =	vst v18  }
0x48b: {  	v8 =	vld.idx.msk [tilespmem:v8+s3+$0x0], $0xffff;
	[tilespmem:s30+$0x110] =	vst v14  }
0x48c: {  	[tilespmem:s30+$0x120] =	vst v4;
	v4 =	vld.idx.msk [tilespmem:v7+s3+$0x0], $0xffff  }
0x48d: {  	v6 =	vld.idx.msk [tilespmem:v6+s3+$0x0], $0xffff;
	[tilespmem:s30+$0x130] =	vst v11  }
0x48e: {  	v5 =	vld.idx.msk [tilespmem:v5+s3+$0x0], $0xffff;
	[tilespmem:s30+$0x140] =	vst v10  }
0x48f: {  	[tilespmem:s30+$0x150] =	vst v9;
	v3 =	vld.idx.msk [tilespmem:v3+s3+$0x0], $0xffff  }
0x490: {  	[tilespmem:s30+$0x160] =	vst v8;
	v2 =	vld.idx.msk [tilespmem:v2+s3+$0x0], $0xffff  }
0x491: {  	v1 =	vld.idx.msk [tilespmem:v1+s3+$0x0], $0xffff;
	[tilespmem:s31+$0x180] =	vst v4  }
0x492: {  	v0 =	vld.idx.msk [tilespmem:v0+s3+$0x0], $0xffff;
	[tilespmem:s31+$0x190] =	vst v6  }
0x493: {  	[tilespmem:s31+$0x1A0] =	vst v5  }
0x494: {  	[tilespmem:s31+$0x1B0] =	vst v3  }
0x495: {  	s0 =	sadd.s32 s29, s12;
	[tilespmem:s31+$0x1C0] =	vst v2  }
0x496: {  	s0 =	sshrl.u32 s0, $0x3;
	[tilespmem:s31+$0x1D0] =	vst v1  }
0x497: {  	s0 =	sadd.s32 s2, s0;
	[tilespmem:s31+$0x1E0] =	vst v0  }
0x498: {  	[hbm4b:s0+s3] =	stream.linear.scatter [tilespmem:s19], [sflag:$0x1], $0x1000, $0x38;
	[tilespmem:$0x19000] =	vst v63  }
0x499: {  	_ =	swait.ge [sflag:s22], $0x1000  }
0x49a: {  	[sflag:s22] =	ssyncset.done $0x0  }
0x49b: {  	[sflag:s22] =	ssyncadd.s32 $0xFFFFF000  }
0x49c: {  	v0 =	vld [tilespmem:s28+$0x30];
	_ =	sdelay $0x1  }
0x49d: {  	v2 =	vld [tilespmem:s28+$0xFFFFFFE0]  }
0x49e: {  	v3 =	vld [tilespmem:s28+$0xFFFFFFF0]  }
0x49f: {  	v6 =	vld [tilespmem:s28+$0x0]  }
0x4a0: {  	v7 =	vld [tilespmem:s28+$0xFFFFFFC0];
	v4 =	vshll.u32 v0, $0x3  }
0x4a1: {  	v8 =	vld [tilespmem:s28+$0x10];
	v0 =	vand.u32 $0x7F, v0;
	v4 =	vand.u32 $0xFFFFFC00, v4  }
0x4a2: {  	v5 =	vor.u32 v0, v4  }
0x4a3: {  	v1 =	vld [tilespmem:s28+$0xFFFFFFD0];
	v0 =	vadd.s32 $0xE000, v5  }
0x4a4: {  	v9 =	vshll.u32 v2, $0x3;
	v10 =	vshll.u32 v3, $0x3;
	v12 =	vshll.u32 v6, $0x3  }
0x4a5: {  	v2 =	vand.u32 $0x7F, v2;
	v13 =	vshll.u32 v7, $0x3;
	v7 =	vand.u32 $0x7F, v7  }
0x4a6: {  	v15 =	vshll.u32 v8, $0x3;
	v3 =	vand.u32 $0x7F, v3;
	v8 =	vand.u32 $0x7F, v8  }
0x4a7: {  	v11 =	vld [tilespmem:s28+$0x20];
	v9 =	vand.u32 $0xFFFFFC00, v9;
	v10 =	vand.u32 $0xFFFFFC00, v10;
	v12 =	vand.u32 $0xFFFFFC00, v12  }
0x4a8: {  	v13 =	vand.u32 $0xFFFFFC00, v13;
	v15 =	vand.u32 $0xFFFFFC00, v15;
	v4 =	vshll.u32 v1, $0x3;
	v14 =	vld.idx.msk [tilespmem:v0+s3+$0x0], $0xffff  }
0x4a9: {  	v1 =	vand.u32 $0x7F, v1;
	v0 =	vor.u32 v7, v13;
	v7 =	vadd.s32 $0xE080, v5  }
0x4aa: {  	v3 =	vor.u32 v3, v10;
	v4 =	vand.u32 $0xFFFFFC00, v4;
	v13 =	vadd.s32 $0xE000, v0  }
0x4ab: {  	v2 =	vor.u32 v2, v9;
	v16 =	vadd.s32 $0xE000, v3;
	v1 =	vor.u32 v1, v4  }
0x4ac: {  	s30 =	simm.s32 $0x18200;
	v10 =	vshll.u32 v11, $0x3;
	v4 =	vand.u32 $0x7F, v6;
	v9 =	vadd.s32 $0xE000, v1  }
0x4ad: {  	v11 =	vand.u32 $0x7F, v11;
	v6 =	vadd.s32 $0xE000, v2;
	v4 =	vor.u32 v4, v12;
	[tilespmem:s30+$0xFFFFFE70] =	vst v14  }
0x4ae: {  	v10 =	vand.u32 $0xFFFFFC00, v10;
	v12 =	vor.u32 v8, v15;
	v14 =	vadd.s32 $0xE000, v4;
	v7 =	vld.idx.msk [tilespmem:v7+s3+$0x0], $0xffff  }
0x4af: {  	v8 =	vld.idx.msk [tilespmem:v13+s3+$0x0], $0xffff;
	v13 =	vor.u32 v11, v10;
	v10 =	vadd.s32 $0xE000, v12  }
0x4b0: {  	v15 =	vadd.s32 $0xE100, v5;
	v16 =	vld.idx.msk [tilespmem:v16+s3+$0x0], $0xffff  }
0x4b1: {  	v9 =	vld.idx.msk [tilespmem:v9+s3+$0x0], $0xffff;
	v11 =	vadd.s32 $0xE000, v13  }
0x4b2: {  	v6 =	vld.idx.msk [tilespmem:v6+s3+$0x0], $0xffff;
	v17 =	vadd.s32 $0xE080, v0  }
0x4b3: {  	v19 =	vadd.s32 $0xE080, v3;
	v14 =	vld.idx.msk [tilespmem:v14+s3+$0x0], $0xffff;
	[tilespmem:s30+$0xFFFFFEF0] =	vst v7  }
0x4b4: {  	v18 =	vadd.s32 $0xE080, v1;
	[tilespmem:s30+$0xFFFFFE00] =	vst v8;
	v8 =	vld.idx.msk [tilespmem:v10+s3+$0x0], $0xffff  }
0x4b5: {  	[tilespmem:s30+$0xFFFFFE30] =	vst v16;
	v7 =	vadd.s32 $0xE080, v2;
	v15 =	vld.idx.msk [tilespmem:v15+s3+$0x0], $0xffff  }
0x4b6: {  	[tilespmem:s30+$0xFFFFFE10] =	vst v9;
	v9 =	vld.idx.msk [tilespmem:v11+s3+$0x0], $0xffff;
	v11 =	vadd.s32 $0xE080, v4  }
0x4b7: {  	[tilespmem:s30+$0xFFFFFE20] =	vst v6;
	v6 =	vadd.s32 $0xE080, v12;
	v17 =	vld.idx.msk [tilespmem:v17+s3+$0x0], $0xffff  }
0x4b8: {  	v19 =	vld.idx.msk [tilespmem:v19+s3+$0x0], $0xffff;
	v10 =	vadd.s32 $0xE180, v5  }
0x4b9: {  	v16 =	vadd.s32 $0xE080, v13;
	v18 =	vld.idx.msk [tilespmem:v18+s3+$0x0], $0xffff;
	[tilespmem:s30+$0xFFFFFE40] =	vst v14  }
0x4ba: {  	v14 =	vadd.s32 $0xE100, v0;
	v7 =	vld.idx.msk [tilespmem:v7+s3+$0x0], $0xffff;
	[tilespmem:s30+$0xFFFFFE50] =	vst v8  }
0x4bb: {  	[tilespmem:s30+$0xFFFFFF70] =	vst v15;
	v15 =	vadd.s32 $0xE100, v1;
	v11 =	vld.idx.msk [tilespmem:v11+s3+$0x0], $0xffff  }
0x4bc: {  	[tilespmem:s30+$0xFFFFFE80] =	vst v17;
	v6 =	vld.idx.msk [tilespmem:v6+s3+$0x0], $0xffff;
	v17 =	vadd.s32 $0xE100, v3  }
0x4bd: {  	[tilespmem:s30+$0xFFFFFE60] =	vst v9;
	v8 =	vld.idx.msk [tilespmem:v10+s3+$0x0], $0xffff;
	v10 =	vadd.s32 $0xE100, v2  }
0x4be: {  	[tilespmem:s30+$0xFFFFFE90] =	vst v18;
	v18 =	vadd.s32 $0xE100, v4;
	v16 =	vld.idx.msk [tilespmem:v16+s3+$0x0], $0xffff  }
0x4bf: {  	[tilespmem:s30+$0xFFFFFEB0] =	vst v19;
	v9 =	vadd.s32 $0xE200, v5;
	v14 =	vld.idx.msk [tilespmem:v14+s3+$0x0], $0xffff  }
0x4c0: {  	[tilespmem:s30+$0xFFFFFEA0] =	vst v7;
	v7 =	vadd.s32 $0xE100, v12;
	v15 =	vld.idx.msk [tilespmem:v15+s3+$0x0], $0xffff  }
0x4c1: {  	v19 =	vadd.s32 $0xE100, v13;
	[tilespmem:s30+$0xFFFFFEC0] =	vst v11;
	v17 =	vld.idx.msk [tilespmem:v17+s3+$0x0], $0xffff  }
0x4c2: {  	v10 =	vld.idx.msk [tilespmem:v10+s3+$0x0], $0xffff;
	[tilespmem:s30+$0xFFFFFFF0] =	vst v8;
	v8 =	vadd.s32 $0xE180, v0  }
0x4c3: {  	v11 =	vadd.s32 $0xE180, v1;
	[tilespmem:s30+$0xFFFFFED0] =	vst v6;
	v6 =	vld.idx.msk [tilespmem:v18+s3+$0x0], $0xffff  }
0x4c4: {  	[tilespmem:s30+$0xFFFFFEE0] =	vst v16;
	v18 =	vadd.s32 $0xE180, v2;
	v9 =	vld.idx.msk [tilespmem:v9+s3+$0x0], $0xffff  }
0x4c5: {  	v16 =	vadd.s32 $0xE280, v5;
	[tilespmem:s30+$0xFFFFFF00] =	vst v14;
	v7 =	vld.idx.msk [tilespmem:v7+s3+$0x0], $0xffff  }
0x4c6: {  	v14 =	vadd.s32 $0xE180, v3;
	[tilespmem:s30+$0xFFFFFF10] =	vst v15;
	v15 =	vld.idx.msk [tilespmem:v19+s3+$0x0], $0xffff  }
0x4c7: {  	v19 =	vadd.s32 $0xE180, v4;
	[tilespmem:s30+$0xFFFFFF30] =	vst v17;
	v8 =	vld.idx.msk [tilespmem:v8+s3+$0x0], $0xffff  }
0x4c8: {  	[tilespmem:s30+$0xFFFFFF20] =	vst v10;
	v10 =	vadd.s32 $0xE180, v12;
	v11 =	vld.idx.msk [tilespmem:v11+s3+$0x0], $0xffff  }
0x4c9: {  	[tilespmem:s30+$0x70] =	vst v9;
	v9 =	vadd.s32 $0xE180, v13;
	v18 =	vld.idx.msk [tilespmem:v18+s3+$0x0], $0xffff  }
0x4ca: {  	v17 =	vadd.s32 $0xE200, v0;
	[tilespmem:s30+$0xFFFFFF40] =	vst v6;
	v16 =	vld.idx.msk [tilespmem:v16+s3+$0x0], $0xffff  }
0x4cb: {  	v6 =	vld.idx.msk [tilespmem:v14+s3+$0x0], $0xffff;
	v14 =	vadd.s32 $0xE200, v1;
	[tilespmem:s30+$0xFFFFFF50] =	vst v7  }
0x4cc: {  	v7 =	vadd.s32 $0xE300, v5;
	v19 =	vld.idx.msk [tilespmem:v19+s3+$0x0], $0xffff;
	[tilespmem:s30+$0xFFFFFF60] =	vst v15  }
0x4cd: {  	v15 =	vadd.s32 $0xE200, v2;
	[tilespmem:s30+$0xFFFFFF80] =	vst v8;
	v8 =	vld.idx.msk [tilespmem:v10+s3+$0x0], $0xffff  }
0x4ce: {  	v10 =	vadd.s32 $0xE200, v3;
	[tilespmem:s30+$0xFFFFFF90] =	vst v11;
	v9 =	vld.idx.msk [tilespmem:v9+s3+$0x0], $0xffff  }
0x4cf: {  	v11 =	vadd.s32 $0xE200, v4;
	v17 =	vld.idx.msk [tilespmem:v17+s3+$0x0], $0xffff;
	[tilespmem:s30+$0xFFFFFFA0] =	vst v18  }
0x4d0: {  	[tilespmem:s30+$0xF0] =	vst v16;
	v16 =	vadd.s32 $0xE200, v12;
	v14 =	vld.idx.msk [tilespmem:v14+s3+$0x0], $0xffff  }
0x4d1: {  	v18 =	vadd.s32 $0xE200, v13;
	[tilespmem:s30+$0xFFFFFFB0] =	vst v6;
	v7 =	vld.idx.msk [tilespmem:v7+s3+$0x0], $0xffff  }
0x4d2: {  	v5 =	vadd.s32 $0xE380, v5;
	v6 =	vld.idx.msk [tilespmem:v15+s3+$0x0], $0xffff;
	[tilespmem:s30+$0xFFFFFFC0] =	vst v19  }
0x4d3: {  	v15 =	vadd.s32 $0xE280, v0;
	v10 =	vld.idx.msk [tilespmem:v10+s3+$0x0], $0xffff;
	[tilespmem:s30+$0xFFFFFFD0] =	vst v8  }
0x4d4: {  	v8 =	vadd.s32 $0xE280, v1;
	v11 =	vld.idx.msk [tilespmem:v11+s3+$0x0], $0xffff;
	[tilespmem:s30+$0xFFFFFFE0] =	vst v9  }
0x4d5: {  	v9 =	vadd.s32 $0xE280, v2;
	[tilespmem:s30+$0x0] =	vst v17;
	v16 =	vld.idx.msk [tilespmem:v16+s3+$0x0], $0xffff  }
0x4d6: {  	v17 =	vadd.s32 $0xE280, v3;
	v18 =	vld.idx.msk [tilespmem:v18+s3+$0x0], $0xffff;
	[tilespmem:s30+$0x170] =	vst v7  }
0x4d7: {  	[tilespmem:s30+$0x10] =	vst v14;
	v7 =	vadd.s32 $0xE280, v4;
	v5 =	vld.idx.msk [tilespmem:v5+s3+$0x0], $0xffff  }
0x4d8: {  	v14 =	vadd.s32 $0xE280, v12;
	v15 =	vld.idx.msk [tilespmem:v15+s3+$0x0], $0xffff;
	[tilespmem:s30+$0x20] =	vst v6  }
0x4d9: {  	v6 =	vadd.s32 $0xE280, v13;
	v19 =	vld.idx.msk [tilespmem:v8+s3+$0x0], $0xffff;
	[tilespmem:s30+$0x30] =	vst v10  }
0x4da: {  	v20 =	vadd.s32 $0xE300, v0;
	[tilespmem:s30+$0x40] =	vst v11;
	v21 =	vld.idx.msk [tilespmem:v9+s3+$0x0], $0xffff  }
0x4db: {  	v22 =	vadd.s32 $0xE300, v1;
	v23 =	vld.idx.msk [tilespmem:v17+s3+$0x0], $0xffff;
	[tilespmem:s30+$0x50] =	vst v16  }
0x4dc: {  	v24 =	vadd.s32 $0xE300, v2;
	[tilespmem:s30+$0x60] =	vst v18;
	v16 =	vld.idx.msk [tilespmem:v7+s3+$0x0], $0xffff  }
0x4dd: {  	v17 =	vld.idx.msk [tilespmem:v14+s3+$0x0], $0xffff;
	[tilespmem:s30+$0x1F0] =	vst v5  }
0x4de: {  	v11 =	vadd.s32 $0xE300, v3;
	v10 =	vadd.s32 $0xE300, v4;
	[tilespmem:s30+$0x80] =	vst v15;
	v15 =	vld.idx.msk [tilespmem:v6+s3+$0x0], $0xffff  }
0x4df: {  	v8 =	vadd.s32 $0xE300, v13;
	v3 =	vadd.s32 $0xE380, v3;
	v9 =	vadd.s32 $0xE300, v12;
	v18 =	vld.idx.msk [tilespmem:v20+s3+$0x0], $0xffff;
	[tilespmem:s30+$0x90] =	vst v19  }
0x4e0: {  	v7 =	vadd.s32 $0xE380, v0;
	v0 =	vadd.s32 $0xE380, v13;
	v6 =	vadd.s32 $0xE380, v1;
	v14 =	vld.idx.msk [tilespmem:v22+s3+$0x0], $0xffff;
	[tilespmem:s30+$0xA0] =	vst v21  }
0x4e1: {  	s1 =	sadd.s32 $0x400, s28;
	s0 =	simm.s32 $0x0;
	s28 =	simm.s32 $0x18200;
	v5 =	vadd.s32 $0xE380, v2;
	v2 =	vadd.s32 $0xE380, v4;
	v1 =	vadd.s32 $0xE380, v12;
	[tilespmem:s30+$0xB0] =	vst v23;
	v4 =	vld.idx.msk [tilespmem:v24+s3+$0x0], $0xffff  }
.LBB2_17:
0x4e2: {  	v12 =	vld [tilespmem:s1+$0x30];
	s0 =	sadd.s32 $0x8, s0;
	[tilespmem:s30+$0xC0] =	vst v16  }
0x4e3: {  	v13 =	vld [tilespmem:s1+$0xFFFFFFD0];
	p0 =	slt.u32 s0, $0x18;
	[tilespmem:s30+$0xD0] =	vst v17  }
0x4e4: {  	v16 =	vld [tilespmem:s1+$0xFFFFFFE0];
	[tilespmem:s30+$0xE0] =	vst v15  }
0x4e5: {  	v15 =	vld [tilespmem:s1+$0xFFFFFFF0];
	[tilespmem:s30+$0x100] =	vst v18  }
0x4e6: {  	v17 =	vld [tilespmem:s1+$0x0];
	[tilespmem:s30+$0x110] =	vst v14  }
0x4e7: {  	v14 =	vld [tilespmem:s1+$0x10];
	v18 =	vshll.u32 v12, $0x3;
	[tilespmem:s30+$0x120] =	vst v4  }
0x4e8: {  	v12 =	vand.u32 $0x7F, v12;
	v4 =	vshll.u32 v13, $0x3;
	v19 =	vld [tilespmem:s1+$0x20];
	v18 =	vand.u32 $0xFFFFFC00, v18  }
0x4e9: {  	v20 =	vld [tilespmem:s1+$0xFFFFFFC0];
	v21 =	vand.u32 $0xFFFFFC00, v4;
	v22 =	vshll.u32 v16, $0x3;
	v4 =	vor.u32 v12, v18  }
0x4ea: {  	v12 =	vand.u32 $0xFFFFFC00, v22;
	v18 =	vshll.u32 v15, $0x3;
	v22 =	vadd.s32 $0xE000, v4;
	v11 =	vld.idx.msk [tilespmem:v11+s3+$0x0], $0xffff  }
0x4eb: {  	v13 =	vand.u32 $0x7F, v13;
	v18 =	vand.u32 $0xFFFFFC00, v18;
	v23 =	vshll.u32 v17, $0x3;
	v10 =	vld.idx.msk [tilespmem:v10+s3+$0x0], $0xffff  }
0x4ec: {  	v16 =	vand.u32 $0x7F, v16;
	v23 =	vand.u32 $0xFFFFFC00, v23;
	v24 =	vshll.u32 v14, $0x3;
	v9 =	vld.idx.msk [tilespmem:v9+s3+$0x0], $0xffff  }
0x4ed: {  	v15 =	vand.u32 $0x7F, v15;
	v24 =	vand.u32 $0xFFFFFC00, v24;
	v25 =	vshll.u32 v19, $0x3;
	v8 =	vld.idx.msk [tilespmem:v8+s3+$0x0], $0xffff  }
0x4ee: {  	v26 =	vand.u32 $0x7F, v20;
	v20 =	vshll.u32 v20, $0x3;
	v25 =	vand.u32 $0xFFFFFC00, v25;
	v7 =	vld.idx.msk [tilespmem:v7+s3+$0x0], $0xffff  }
0x4ef: {  	v17 =	vand.u32 $0x7F, v17;
	v14 =	vand.u32 $0x7F, v14;
	v20 =	vand.u32 $0xFFFFFC00, v20;
	v22 =	vld.idx.msk [tilespmem:v22+s3+$0x0], $0xffff  }
0x4f0: {  	v21 =	vor.u32 v13, v21;
	v13 =	vand.u32 $0x7F, v19;
	v20 =	vor.u32 v26, v20;
	v6 =	vld.idx.msk [tilespmem:v6+s3+$0x0], $0xffff;
	[tilespmem:s30+$0x130] =	vst v11  }
0x4f1: {  	v18 =	vor.u32 v15, v18;
	v19 =	vor.u32 v16, v12;
	v11 =	vadd.s32 $0xE080, v4;
	v5 =	vld.idx.msk [tilespmem:v5+s3+$0x0], $0xffff;
	[tilespmem:s30+$0x140] =	vst v10  }
0x4f2: {  	v23 =	vor.u32 v17, v23;
	v24 =	vor.u32 v14, v24;
	v25 =	vor.u32 v13, v25;
	[tilespmem:s30+$0x150] =	vst v9  }
0x4f3: {  	v12 =	vadd.s32 $0xE000, v19;
	v10 =	vadd.s32 $0xE000, v21;
	v9 =	vadd.s32 $0xE000, v20;
	v3 =	vld.idx.msk [tilespmem:v3+s3+$0x0], $0xffff;
	[tilespmem:s30+$0x160] =	vst v8  }
0x4f4: {  	v13 =	vadd.s32 $0xE000, v23;
	v14 =	vadd.s32 $0xE000, v24;
	v8 =	vadd.s32 $0xE000, v18;
	s30 =	sadd.s32 $0x400, s30;
	[tilespmem:s28+$0x180] =	vst v7;
	v2 =	vld.idx.msk [tilespmem:v2+s3+$0x0], $0xffff  }
0x4f5: {  	v15 =	vadd.s32 $0xE080, v21;
	v16 =	vadd.s32 $0xE000, v25;
	v7 =	vadd.s32 $0xE080, v20;
	[tilespmem:s30+$0xFFFFFE70] =	vst v22;
	v1 =	vld.idx.msk [tilespmem:v1+s3+$0x0], $0xffff  }
0x4f6: {  	v27 =	vadd.s32 $0xE080, v23;
	v26 =	vadd.s32 $0xE080, v18;
	v22 =	vadd.s32 $0xE080, v19;
	v11 =	vld.idx.msk [tilespmem:v11+s3+$0x0], $0xffff;
	[tilespmem:s28+$0x190] =	vst v6  }
0x4f7: {  	v29 =	vadd.s32 $0xE080, v24;
	v30 =	vadd.s32 $0xE080, v25;
	v28 =	vadd.s32 $0xE100, v20;
	[tilespmem:s28+$0x1A0] =	vst v5;
	v0 =	vld.idx.msk [tilespmem:v0+s3+$0x0], $0xffff  }
0x4f8: {  	v31 =	vadd.s32 $0xE100, v21;
	v32 =	vadd.s32 $0xE100, v19;
	v6 =	vadd.s32 $0xE100, v4;
	v5 =	vld.idx.msk [tilespmem:v9+s3+$0x0], $0xffff  }
0x4f9: {  	v33 =	vadd.s32 $0xE100, v18;
	v34 =	vadd.s32 $0xE100, v23;
	v35 =	vadd.s32 $0xE100, v24;
	v9 =	vld.idx.msk [tilespmem:v10+s3+$0x0], $0xffff;
	[tilespmem:s28+$0x1B0] =	vst v3  }
0x4fa: {  	v37 =	vadd.s32 $0xE180, v21;
	v38 =	vadd.s32 $0xE100, v25;
	v36 =	vadd.s32 $0xE180, v20;
	v3 =	vld.idx.msk [tilespmem:v12+s3+$0x0], $0xffff;
	[tilespmem:s28+$0x1C0] =	vst v2  }
0x4fb: {  	v40 =	vadd.s32 $0xE180, v18;
	v39 =	vadd.s32 $0xE180, v19;
	v41 =	vadd.s32 $0xE180, v23;
	v2 =	vld.idx.msk [tilespmem:v8+s3+$0x0], $0xffff;
	[tilespmem:s28+$0x1D0] =	vst v1  }
0x4fc: {  	v43 =	vadd.s32 $0xE180, v24;
	v44 =	vadd.s32 $0xE180, v25;
	v42 =	vadd.s32 $0xE200, v20;
	v1 =	vld.idx.msk [tilespmem:v13+s3+$0x0], $0xffff;
	[tilespmem:s30+$0xFFFFFEF0] =	vst v11  }
0x4fd: {  	v45 =	vadd.s32 $0xE200, v21;
	v47 =	vadd.s32 $0xE200, v18;
	v46 =	vadd.s32 $0xE200, v19;
	v6 =	vld.idx.msk [tilespmem:v6+s3+$0x0], $0xffff;
	[tilespmem:s28+$0x1E0] =	vst v0;
	s28 =	smov.u32 s30  }
0x4fe: {  	v48 =	vadd.s32 $0xE200, v23;
	v49 =	vadd.s32 $0xE200, v24;
	v50 =	vadd.s32 $0xE200, v25;
	[tilespmem:s30+$0xFFFFFE00] =	vst v5;
	v0 =	vld.idx.msk [tilespmem:v14+s3+$0x0], $0xffff  }
0x4ff: {  	v53 =	vadd.s32 $0xE180, v4;
	v17 =	vadd.s32 $0xE280, v21;
	v51 =	vadd.s32 $0xE280, v20;
	[tilespmem:s30+$0xFFFFFE10] =	vst v9;
	v52 =	vld.idx.msk [tilespmem:v16+s3+$0x0], $0xffff  }
0x500: {  	v56 =	vadd.s32 $0xE280, v18;
	v55 =	vadd.s32 $0xE280, v19;
	v16 =	vadd.s32 $0xE280, v23;
	v54 =	vld.idx.msk [tilespmem:v7+s3+$0x0], $0xffff;
	[tilespmem:s30+$0xFFFFFE20] =	vst v3  }
0x501: {  	v58 =	vadd.s32 $0xE280, v24;
	v12 =	vadd.s32 $0xE300, v20;
	v57 =	vld.idx.msk [tilespmem:v15+s3+$0x0], $0xffff;
	[tilespmem:s30+$0xFFFFFE30] =	vst v2;
	v15 =	vadd.s32 $0xE280, v25  }
0x502: {  	v13 =	vadd.s32 $0xE300, v19;
	v11 =	vadd.s32 $0xE300, v18;
	v14 =	vadd.s32 $0xE300, v21;
	v22 =	vld.idx.msk [tilespmem:v22+s3+$0x0], $0xffff;
	[tilespmem:s30+$0xFFFFFE40] =	vst v1  }
0x503: {  	v10 =	vadd.s32 $0xE300, v23;
	v8 =	vadd.s32 $0xE300, v25;
	v9 =	vadd.s32 $0xE300, v24;
	v26 =	vld.idx.msk [tilespmem:v26+s3+$0x0], $0xffff;
	[tilespmem:s30+$0xFFFFFF70] =	vst v6  }
0x504: {  	v5 =	vadd.s32 $0xE380, v19;
	v7 =	vadd.s32 $0xE380, v20;
	v6 =	vadd.s32 $0xE380, v21;
	[tilespmem:s30+$0xFFFFFE50] =	vst v0;
	v19 =	vld.idx.msk [tilespmem:v53+s3+$0x0], $0xffff  }
0x505: {  	v3 =	vadd.s32 $0xE380, v18;
	v2 =	vadd.s32 $0xE380, v23;
	v1 =	vadd.s32 $0xE380, v24;
	v18 =	vld.idx.msk [tilespmem:v27+s3+$0x0], $0xffff;
	[tilespmem:s30+$0xFFFFFE60] =	vst v52  }
0x506: {  	v21 =	vadd.s32 $0xE200, v4;
	v0 =	vadd.s32 $0xE380, v25;
	[tilespmem:s30+$0xFFFFFE80] =	vst v54;
	v20 =	vld.idx.msk [tilespmem:v29+s3+$0x0], $0xffff  }
0x507: {  	[tilespmem:s30+$0xFFFFFE90] =	vst v57;
	v23 =	vld.idx.msk [tilespmem:v30+s3+$0x0], $0xffff  }
0x508: {  	v24 =	vld.idx.msk [tilespmem:v28+s3+$0x0], $0xffff;
	[tilespmem:s30+$0xFFFFFEA0] =	vst v22  }
0x509: {  	v22 =	vld.idx.msk [tilespmem:v31+s3+$0x0], $0xffff;
	[tilespmem:s30+$0xFFFFFEB0] =	vst v26  }
0x50a: {  	v25 =	vld.idx.msk [tilespmem:v32+s3+$0x0], $0xffff;
	[tilespmem:s30+$0xFFFFFFF0] =	vst v19  }
0x50b: {  	[tilespmem:s30+$0xFFFFFEC0] =	vst v18;
	v18 =	vld.idx.msk [tilespmem:v21+s3+$0x0], $0xffff  }
0x50c: {  	v19 =	vld.idx.msk [tilespmem:v33+s3+$0x0], $0xffff;
	[tilespmem:s30+$0xFFFFFED0] =	vst v20  }
0x50d: {  	v21 =	vadd.s32 $0xE280, v4;
	v20 =	vld.idx.msk [tilespmem:v34+s3+$0x0], $0xffff;
	[tilespmem:s30+$0xFFFFFEE0] =	vst v23  }
0x50e: {  	[tilespmem:s30+$0xFFFFFF00] =	vst v24;
	v23 =	vld.idx.msk [tilespmem:v35+s3+$0x0], $0xffff  }
0x50f: {  	[tilespmem:s30+$0xFFFFFF10] =	vst v22;
	v22 =	vld.idx.msk [tilespmem:v38+s3+$0x0], $0xffff  }
0x510: {  	v24 =	vld.idx.msk [tilespmem:v36+s3+$0x0], $0xffff;
	[tilespmem:s30+$0xFFFFFF20] =	vst v25  }
0x511: {  	v25 =	vld.idx.msk [tilespmem:v37+s3+$0x0], $0xffff;
	[tilespmem:s30+$0x70] =	vst v18  }
0x512: {  	[tilespmem:s30+$0xFFFFFF30] =	vst v19;
	v18 =	vld.idx.msk [tilespmem:v21+s3+$0x0], $0xffff  }
0x513: {  	v19 =	vld.idx.msk [tilespmem:v39+s3+$0x0], $0xffff;
	[tilespmem:s30+$0xFFFFFF40] =	vst v20  }
0x514: {  	v21 =	vadd.s32 $0xE300, v4;
	v20 =	vld.idx.msk [tilespmem:v40+s3+$0x0], $0xffff;
	[tilespmem:s30+$0xFFFFFF50] =	vst v23  }
0x515: {  	v23 =	vld.idx.msk [tilespmem:v41+s3+$0x0], $0xffff;
	[tilespmem:s30+$0xFFFFFF60] =	vst v22  }
0x516: {  	[tilespmem:s30+$0xFFFFFF80] =	vst v24;
	v22 =	vld.idx.msk [tilespmem:v43+s3+$0x0], $0xffff  }
0x517: {  	[tilespmem:s30+$0xFFFFFF90] =	vst v25;
	v24 =	vld.idx.msk [tilespmem:v44+s3+$0x0], $0xffff  }
0x518: {  	v25 =	vld.idx.msk [tilespmem:v42+s3+$0x0], $0xffff;
	[tilespmem:s30+$0xF0] =	vst v18  }
0x519: {  	[tilespmem:s30+$0xFFFFFFA0] =	vst v19;
	v18 =	vld.idx.msk [tilespmem:v21+s3+$0x0], $0xffff  }
0x51a: {  	v19 =	vld.idx.msk [tilespmem:v45+s3+$0x0], $0xffff;
	[tilespmem:s30+$0xFFFFFFB0] =	vst v20  }
0x51b: {  	v4 =	vadd.s32 $0xE380, v4;
	v20 =	vld.idx.msk [tilespmem:v46+s3+$0x0], $0xffff;
	[tilespmem:s30+$0xFFFFFFC0] =	vst v23  }
0x51c: {  	v21 =	vld.idx.msk [tilespmem:v47+s3+$0x0], $0xffff;
	[tilespmem:s30+$0xFFFFFFD0] =	vst v22  }
0x51d: {  	v22 =	vld.idx.msk [tilespmem:v48+s3+$0x0], $0xffff;
	[tilespmem:s30+$0xFFFFFFE0] =	vst v24  }
0x51e: {  	[tilespmem:s30+$0x0] =	vst v25;
	v23 =	vld.idx.msk [tilespmem:v49+s3+$0x0], $0xffff  }
0x51f: {  	v24 =	vld.idx.msk [tilespmem:v50+s3+$0x0], $0xffff;
	[tilespmem:s30+$0x170] =	vst v18  }
0x520: {  	[tilespmem:s30+$0x10] =	vst v19;
	v4 =	vld.idx.msk [tilespmem:v4+s3+$0x0], $0xffff  }
0x521: {  	v18 =	vld.idx.msk [tilespmem:v51+s3+$0x0], $0xffff;
	[tilespmem:s30+$0x20] =	vst v20  }
0x522: {  	v19 =	vld.idx.msk [tilespmem:v17+s3+$0x0], $0xffff;
	[tilespmem:s30+$0x30] =	vst v21  }
0x523: {  	v20 =	vld.idx.msk [tilespmem:v55+s3+$0x0], $0xffff;
	[tilespmem:s30+$0x40] =	vst v22  }
0x524: {  	v21 =	vld.idx.msk [tilespmem:v56+s3+$0x0], $0xffff;
	[tilespmem:s30+$0x50] =	vst v23  }
0x525: {  	v16 =	vld.idx.msk [tilespmem:v16+s3+$0x0], $0xffff;
	[tilespmem:s30+$0x60] =	vst v24  }
.Ltmp7:
0x526: {  	v17 =	vld.idx.msk [tilespmem:v58+s3+$0x0], $0xffff;
	[tilespmem:s30+$0x1F0] =	vst v4;
	(pc) =	sbr.rel @p0 .LBB2_17-.Ltmp7, $4  }
0x527: {  	[tilespmem:s30+$0x80] =	vst v18;
	v15 =	vld.idx.msk [tilespmem:v15+s3+$0x0], $0xffff  }
0x528: {  	v18 =	vld.idx.msk [tilespmem:v12+s3+$0x0], $0xffff;
	[tilespmem:s30+$0x90] =	vst v19  }
0x529: {  	v14 =	vld.idx.msk [tilespmem:v14+s3+$0x0], $0xffff;
	[tilespmem:s30+$0xA0] =	vst v20  }
0x52a: {  	s1 =	sadd.s32 $0x400, s1;
	v4 =	vld.idx.msk [tilespmem:v13+s3+$0x0], $0xffff;
	[tilespmem:s30+$0xB0] =	vst v21  }
0x52b: {  	_ =	sdelay $0x2  }
0x52c: {  	[tilespmem:s30+$0xC0] =	vst v16  }
0x52d: {  	[tilespmem:s30+$0xD0] =	vst v17;
	v11 =	vld.idx.msk [tilespmem:v11+s3+$0x0], $0xffff  }
0x52e: {  	[tilespmem:s30+$0xE0] =	vst v15;
	v10 =	vld.idx.msk [tilespmem:v10+s3+$0x0], $0xffff  }
0x52f: {  	v9 =	vld.idx.msk [tilespmem:v9+s3+$0x0], $0xffff;
	[tilespmem:s30+$0x100] =	vst v18  }
0x530: {  	v8 =	vld.idx.msk [tilespmem:v8+s3+$0x0], $0xffff;
	[tilespmem:s30+$0x110] =	vst v14  }
0x531: {  	v63 =	vld.idx.msk [tilespmem:v7+s3+$0x0], $0xffff;
	[tilespmem:s30+$0x120] =	vst v4  }
0x532: {  	v6 =	vld.idx.msk [tilespmem:v6+s3+$0x0], $0xffff;
	[tilespmem:s30+$0x130] =	vst v11  }
0x533: {  	v5 =	vld.idx.msk [tilespmem:v5+s3+$0x0], $0xffff;
	[tilespmem:s30+$0x140] =	vst v10  }
0x534: {  	[tilespmem:s30+$0x150] =	vst v9;
	v3 =	vld.idx.msk [tilespmem:v3+s3+$0x0], $0xffff  }
0x535: {  	[tilespmem:s30+$0x160] =	vst v8;
	v2 =	vld.idx.msk [tilespmem:v2+s3+$0x0], $0xffff  }
0x536: {  	v1 =	vld.idx.msk [tilespmem:v1+s3+$0x0], $0xffff;
	[tilespmem:s28+$0x180] =	vst v63  }
0x537: {  	s26 =	sadd.s32 $0x1, s26;
	v0 =	vld.idx.msk [tilespmem:v0+s3+$0x0], $0xffff;
	[tilespmem:s28+$0x190] =	vst v6  }
0x538: {  	p0 =	sne.s32 s26, $0x32;
	[tilespmem:s28+$0x1A0] =	vst v5  }
.Ltmp8:
0x539: {  	[tilespmem:s28+$0x1B0] =	vst v3;
	(pc) =	sbr.rel @p0 .LBB2_2-.Ltmp8, $4  }
0x53a: {  	s0 =	sadd.s32 s29, s13;
	[tilespmem:s28+$0x1C0] =	vst v2  }
0x53b: {  	s0 =	sshrl.u32 s0, $0x3;
	[tilespmem:s28+$0x1D0] =	vst v1  }
0x53c: {  	s25 =	sadd.s32 $0x200, s25;
	s24 =	sadd.s32 $0x1, s24;
	s0 =	sadd.s32 s2, s0;
	[tilespmem:s28+$0x1E0] =	vst v0  }
0x53d: {  	[hbm4b:s0+s3] =	stream.linear.scatter [tilespmem:s20], [sflag:$0x2], $0x1000, $0x38;
	[tilespmem:$0x19000] =	vst v63  }
0x53e: {  	s23 =	sadd.s32 $0x1, s23  }
0x53f: {  	_ =	swait.ge [sflag:s21], $0x1000;
	p0 =	sne.s32 s23, s14  }
.Ltmp9:
0x540: {  	[sflag:s21] =	ssyncset.done $0x0;
	(pc) =	sbr.rel @p0 .LBB2_1-.Ltmp9, $4  }
0x541: {  	[sflag:s21] =	ssyncadd.s32 $0xFFFFF000  }
0x542: {  	_ =	swait.ge [sflag:s22], $0x1000  }
0x543: {  	[sflag:s22] =	ssyncset.done $0x0  }
0x544: {  	[sflag:s22] =	ssyncadd.s32 $0xFFFFF000  }
0x545: {  	_ =	sfence.sel $0x180000  }
0x546: {  	[bflag:$0x0] =	sbarrier.arrive $0xFFFF  }
0x547: {  	_ =	strace $0x90000047  }
0x548: {  	s0 =	stileid.u32;
	[bflag:$0x2] =	sbarrier.arrive $0xFFFF  }
0x549: {  	p0 =	sne.s32 s0, $0x0;
	s0 =	rddreg [dreg:$0x3]  }
0x54a: {  	s0 =	sadd.s32 @!p0 $0x100000, s0  }
0x54b: {  	[sflag:s0] =	ssyncadd.tile.s32 @!p0 $0x1;
	_ =	shalt  }
.Lfunc_end2:
_tile_overlayer_lowered:
.L_overlay_start_2:
0x54c: {  	(tag) =	ssettag $0x2  }
0x54d: {  	s0 =	rddreg [dreg:$0x0];
	s2 =	stileid.u32  }
0x54e: {  	s1 =	rddreg [dreg:$0x1];
	p0 =	sne.s32 s2, $0x0  }
0x54f: {  	s3 =	rddreg [dreg:$0x2];
	[bflag:$0x3] =	sbarrier.arrive $0xFFFF;
	s2 =	simm.s32 @!p0 $0x1C03  }
0x550: {  	[timem:s3], [sflag:s2] =	dma.local @!p0 [hbm:s0], s1  }
0x551: {  	s0 =	simm.s32 @!p0 $0x3  }
0x552: {  	_ =	swait.ge @!p0 [sflag:s0], s1  }
0x553: {  	s1 =	ssub.s32 @!p0 $0x0, s1;
	[sflag:s0] =	ssyncset.done @!p0 $0x0  }
0x554: {  	[sflag:s0] =	ssyncadd.s32 @!p0 s1  }
0x555: {  	[bflag:$0x3] =	sbarrier.arrive $0xFFFF  }
0x556: {  	_ =	shalt  }

</sc_bundles>
